<compile_context>
chip_gen: v7x
topology: tpu7x:2x2x1
jax: 0.10.2.dev20260603
libtpu: 0.0.44.dev20260713+nightly
codegen_flags: <defaults>
</compile_context>

<pallas_src>
import functools

import jax
import jax.numpy as jnp
from jax import lax
from jax.experimental import pallas as pl
from jax.experimental.pallas import tpu as pltpu
from jax.experimental.pallas import tpu_sc as plsc

F_NUM = 100
Q_NUM = 64
EMBED_DIM = 32
BATCH = 16384

NC = 2
NS = 16
NW = NC * NS
ROWS_PER_W = BATCH // NW
CHUNK = 16
NCHUNK = ROWS_PER_W // CHUNK
F_PAD = 104
XW = CHUNK * F_NUM
OW = CHUNK * EMBED_DIM


@functools.partial(
    pl.kernel,
    out_type=jax.ShapeDtypeStruct((BATCH * EMBED_DIM,), jnp.float32),
    mesh=plsc.VectorSubcoreMesh(
        core_axis_name="c", subcore_axis_name="s",
        num_cores=NC, num_subcores=NS),
    scratch_types=[
        pltpu.VMEM((F_NUM * Q_NUM,), jnp.float32),
        pltpu.VMEM((2, XW), jnp.float32),
        pltpu.VMEM((2, CHUNK * F_PAD), jnp.int32),
        pltpu.VMEM((2, CHUNK * F_NUM, EMBED_DIM), jnp.bfloat16),
        pltpu.VMEM((2, OW), jnp.float32),
        pltpu.SemaphoreType.DMA((2,)),
        pltpu.SemaphoreType.DMA((2,)),
        pltpu.SemaphoreType.DMA((2,)),
    ],
    compiler_params=pltpu.CompilerParams(
        needs_layout_passes=False, use_tc_tiling_on_sc=False),
)
def _sc_embed(x_hbm, bnd_hbm, emb_hbm, out_hbm,
              bnd_v, xc_v, tok_v, ebuf_v, outv, xsem, gsem, osem):
    cid = lax.axis_index("c")
    sid = lax.axis_index("s")
    wid = sid * NC + cid
    base0 = wid * ROWS_PER_W

    pltpu.sync_copy(bnd_hbm, bnd_v)

    lanes = lax.iota(jnp.int32, 16)
    inv = jnp.float32(1.0 / F_NUM)

    def fire_x(c, b):
        pltpu.async_copy(
            x_hbm.at[pl.ds((base0 + c * CHUNK) * F_NUM, XW)],
            xc_v.at[b], xsem.at[b])

    def wait_x(b):
        pltpu.make_async_copy(
            x_hbm.at[pl.ds(0, XW)], xc_v.at[b], xsem.at[b]).wait()

    def stage(c, b):
        wait_x(b)
        xcb = xc_v.at[b]
        tkb = tok_v.at[b]

        def fstep(f, carry):
            xv = plsc.load_gather(xcb, [lanes * F_NUM + f])
            pos = jnp.zeros((16,), jnp.int32)
            fbase = jnp.full((16,), f * Q_NUM, jnp.int32)
            for s in (32, 16, 8, 4, 2, 1, 1):
                bv = plsc.load_gather(bnd_v, [fbase + (pos + (s - 1))])
                pos = pos + jnp.where(bv < xv, jnp.int32(s), jnp.int32(0))
            plsc.store_scatter(tkb, [lanes * F_PAD + f],
                               f * Q_NUM + pos + 1)
            return carry

        lax.fori_loop(0, F_NUM, fstep, 0, unroll=4)

        @pl.when(c + 2 < NCHUNK)
        def _():
            fire_x(c + 2, b)

        for l in range(CHUNK):
            pltpu.async_copy(
                emb_hbm.at[tkb.at[pl.ds(l * F_PAD, F_NUM)]],
                ebuf_v.at[b, pl.ds(l * F_NUM, F_NUM), :],
                gsem.at[b])

    def drain(c, b):
        pltpu.make_async_copy(
            emb_hbm.at[pl.ds(0, CHUNK * F_NUM), :],
            ebuf_v.at[b], gsem.at[b]).wait()

        ebb = ebuf_v.at[b]

        def astep(f, acc):
            nxt = []
            for l in range(CHUNK):
                row = ebb[l * F_NUM + f, :]
                ev, od = plsc.unpack(row, format=plsc.PackFormat.INTERLEAVED)
                nxt.append(acc[2 * l] + ev)
                nxt.append(acc[2 * l + 1] + od)
            return tuple(nxt)

        zero = jnp.zeros((16,), jnp.float32)
        acc = lax.fori_loop(0, F_NUM, astep, (zero,) * (2 * CHUNK), unroll=2)

        @pl.when(c >= 2)
        def _():
            pltpu.make_async_copy(
                out_hbm.at[pl.ds(0, OW)], outv.at[b], osem.at[b]).wait()

        ovb = outv.at[b]
        for l in range(CHUNK):
            plsc.store_scatter(ovb, [l * EMBED_DIM + 2 * lanes],
                               acc[2 * l] * inv)
            plsc.store_scatter(ovb, [l * EMBED_DIM + 2 * lanes + 1],
                               acc[2 * l + 1] * inv)
        pltpu.async_copy(
            outv.at[b],
            out_hbm.at[pl.ds((base0 + c * CHUNK) * EMBED_DIM, OW)],
            osem.at[b])

    fire_x(0, 0)
    fire_x(1, 1)
    stage(0, 0)

    def pair_step(p, carry):
        c0 = 2 * p
        stage(c0 + 1, 1)
        drain(c0, 0)

        @pl.when(c0 + 2 < NCHUNK)
        def _():
            stage(c0 + 2, 0)

        drain(c0 + 1, 1)
        return carry

    lax.fori_loop(0, NCHUNK // 2, pair_step, 0)

    pltpu.make_async_copy(
        out_hbm.at[pl.ds(0, OW)], outv.at[0], osem.at[0]).wait()
    pltpu.make_async_copy(
        out_hbm.at[pl.ds(0, OW)], outv.at[1], osem.at[1]).wait()


def kernel(x, boundaries, emb_weight):
    x_flat = x.reshape(-1)
    bnd_flat = boundaries.reshape(-1)
    emb_bf = emb_weight.astype(jnp.bfloat16)
    out_flat = _sc_embed(x_flat, bnd_flat, emb_bf)
    return out_flat.reshape(BATCH, EMBED_DIM)

# --- scband reference (transcript-rebuilt; emitter-appended) ---
"""Pipeline reference for scband-quantile-tokenization-5909875000107 (READ-ONLY COPY).

The authoritative reference and input builder live on the scoring server;
editing this copy changes nothing except your own understanding.
"""

import jax, jax.numpy as jnp
import numpy as np

F_NUM = 100
Q_NUM = 64
EMBED_DIM = 32
BATCH = 16384
NUM_EMB = Q_NUM * F_NUM + 2  # max_token_id + 1 = 6402


def setup_inputs(seed: int = 0) -> dict:
    key = jax.random.key(seed)
    k1, k2, k3 = jax.random.split(key, 3)
    x = jax.random.normal(k1, (BATCH, F_NUM), dtype=jnp.float32)
    # fitted quantile boundaries: sorted per-feature, shape [f_num, q_num]
    boundaries = jnp.sort(jax.random.normal(k2, (F_NUM, Q_NUM), dtype=jnp.float32), axis=1)
    emb_weight = jax.random.normal(k3, (NUM_EMB, EMBED_DIM), dtype=jnp.float32) * 0.02
    return {"x": x, "boundaries": boundaries, "emb_weight": emb_weight}


def reference(x, boundaries, emb_weight):
    # bucketize: f_num != 1, x.ndim == 2 -> transpose to [f_num, batch]
    xt = jnp.swapaxes(x, 0, 1)
    # torch.bucketize(v, q, right=False) == searchsorted(q, v, side='left')
    buckets = jax.vmap(lambda f, q: jnp.searchsorted(q, f, side='left'))(xt, boundaries)
    offsets = jnp.arange(F_NUM, dtype=buckets.dtype)[:, None] * Q_NUM
    tokens = jnp.swapaxes(buckets + offsets + 1, 0, 1)  # [batch, f_num]
    # embed: Embedding lookup (no masking/dropout/layernorm at eval, defaults off)
    embs = jnp.take(emb_weight, tokens, axis=0)  # [batch, f_num, embed_dim]
    # mode == 'mean': reduce over feature axis
    out = embs.mean(axis=-2)  # [batch, embed_dim]
    return out

if __name__ == "__main__":
    import jax
    _d = setup_inputs()
    print(jax.jit(kernel)(*tuple(_d.values())))

</pallas_src>

<mosaic_0001>
#map = affine_map<(d0, d1) -> (0)>
#map1 = affine_map<(d0, d1) -> (0, 0)>
module attributes {stable_mosaic.version = 14 : i64} {
  func.func @_sc_embed(%arg0: i32, %arg1: i32, %arg2: memref<1638400xf32, #tpu.memory_space<hbm>>, %arg3: memref<6400xf32, #tpu.memory_space<hbm>>, %arg4: memref<6402x32xbf16, #tpu.memory_space<hbm>>, %arg5: memref<524288xf32, #tpu.memory_space<hbm>>, %arg6: memref<6400xf32, #tpu.memory_space<vmem>>, %arg7: memref<2x1600xf32, #tpu.memory_space<vmem>>, %arg8: memref<2x1664xi32, #tpu.memory_space<vmem>>, %arg9: memref<2x1600x32xbf16, #tpu.memory_space<vmem>>, %arg10: memref<2x512xf32, #tpu.memory_space<vmem>>, %arg11: memref<2x!tpu.dma_semaphore, #tpu.memory_space<semaphore_mem>>, %arg12: memref<2x!tpu.dma_semaphore, #tpu.memory_space<semaphore_mem>>, %arg13: memref<2x!tpu.dma_semaphore, #tpu.memory_space<semaphore_mem>>) attributes {dimension_semantics = [#tpu.dimension_semantics<core_parallel>, #tpu.dimension_semantics<subcore_parallel>], iteration_bounds = array<i64: 2, 16>, scalar_prefetch = 0 : i64, scratch_operands = 8 : i64, tpu.core_type = #tpu.core_type<sc_vector_subcore>, window_params = [{transform_indices = #map}, {transform_indices = #map}, {transform_indices = #map1}, {transform_indices = #map}]} {
    %mul3A = arith.constant 2 : i32
    %mul3A_0 = arith.muli %arg1, %mul3A : i32
    %add3A = arith.addi %mul3A_0, %arg0 : i32
    %mul3A_1 = arith.constant 512 : i32
    %mul3A_2 = arith.muli %add3A, %mul3A_1 : i32
    "tpu.region"() ({
      %run_scoped3A = tpu.sem_alloc : memref<!tpu.dma_semaphore, #tpu.memory_space<semaphore_mem>>
      tpu.enqueue_dma source(%arg3 : memref<6400xf32, #tpu.memory_space<hbm>>) target(%arg6 : memref<6400xf32, #tpu.memory_space<vmem>>) target_semaphore(%run_scoped3A : memref<!tpu.dma_semaphore, #tpu.memory_space<semaphore_mem>>)
      tpu.wait_dma2 semaphore(%run_scoped3A : memref<!tpu.dma_semaphore, #tpu.memory_space<semaphore_mem>>) src(%arg3 : memref<6400xf32, #tpu.memory_space<hbm>>) dst(%arg6 : memref<6400xf32, #tpu.memory_space<vmem>>)
      tpu.yield
    }) : () -> ()
    %iota3A = tpu.iota {dimensions = array<i32: 0>} : vector<16xi32>
    %add3A_3 = arith.constant 0 : i32
    %add3A_4 = arith.addi %mul3A_2, %add3A_3 : i32
    %mul3A_5 = arith.constant 100 : i32
    %mul3A_6 = arith.muli %add3A_4, %mul3A_5 : i32
    %dma_start3A = arith.constant 0 : i32
    %dma_start3A_7 = arith.constant 0 : i32
    %dma_start3A_8 = arith.constant 0 : i32
    %dma_start3A_9 = tpu.memref_slice %arg7[%dma_start3A, %dma_start3A_8] : memref<2x1600xf32, #tpu.memory_space<vmem>> -> memref<1x1600xf32, #tpu.memory_space<vmem>>
    %dma_start3A_10 = tpu.memref_squeeze %dma_start3A_9 : memref<1x1600xf32, #tpu.memory_space<vmem>> -> memref<1600xf32, #tpu.memory_space<vmem>>
    %dma_start3A_11 = tpu.memref_slice %arg2[%mul3A_6] : memref<1638400xf32, #tpu.memory_space<hbm>> -> memref<1600xf32, #tpu.memory_space<hbm>>
    %dma_start3A_12 = tpu.memref_slice %arg11[%dma_start3A_7] : memref<2x!tpu.dma_semaphore, #tpu.memory_space<semaphore_mem>> -> memref<1x!tpu.dma_semaphore, #tpu.memory_space<semaphore_mem>>
    %dma_start3A_13 = tpu.memref_squeeze %dma_start3A_12 : memref<1x!tpu.dma_semaphore, #tpu.memory_space<semaphore_mem>> -> memref<!tpu.dma_semaphore, #tpu.memory_space<semaphore_mem>>
    %dma_start3A_14 = arith.constant 0 : i32
    %dma_start3A_15 = tpu.memref_slice %arg7[%dma_start3A, %dma_start3A_14] : memref<2x1600xf32, #tpu.memory_space<vmem>> -> memref<1x1600xf32, #tpu.memory_space<vmem>>
    %dma_start3A_16 = tpu.memref_squeeze %dma_start3A_15 : memref<1x1600xf32, #tpu.memory_space<vmem>> -> memref<1600xf32, #tpu.memory_space<vmem>>
    %dma_start3A_17 = tpu.memref_slice %arg2[%mul3A_6] : memref<1638400xf32, #tpu.memory_space<hbm>> -> memref<1600xf32, #tpu.memory_space<hbm>>
    tpu.enqueue_dma source(%dma_start3A_17 : memref<1600xf32, #tpu.memory_space<hbm>>) target(%dma_start3A_16 : memref<1600xf32, #tpu.memory_space<vmem>>) target_semaphore(%dma_start3A_13 : memref<!tpu.dma_semaphore, #tpu.memory_space<semaphore_mem>>)
    %add3A_18 = arith.constant 16 : i32
    %add3A_19 = arith.addi %mul3A_2, %add3A_18 : i32
    %mul3A_20 = arith.constant 100 : i32
    %mul3A_21 = arith.muli %add3A_19, %mul3A_20 : i32
    %dma_start3A_22 = arith.constant 1 : i32
    %dma_start3A_23 = arith.constant 1 : i32
    %dma_start3A_24 = arith.constant 0 : i32
    %dma_start3A_25 = tpu.memref_slice %arg7[%dma_start3A_22, %dma_start3A_24] : memref<2x1600xf32, #tpu.memory_space<vmem>> -> memref<1x1600xf32, #tpu.memory_space<vmem>>
    %dma_start3A_26 = tpu.memref_squeeze %dma_start3A_25 : memref<1x1600xf32, #tpu.memory_space<vmem>> -> memref<1600xf32, #tpu.memory_space<vmem>>
    %dma_start3A_27 = tpu.memref_slice %arg2[%mul3A_21] : memref<1638400xf32, #tpu.memory_space<hbm>> -> memref<1600xf32, #tpu.memory_space<hbm>>
    %dma_start3A_28 = tpu.memref_slice %arg11[%dma_start3A_23] : memref<2x!tpu.dma_semaphore, #tpu.memory_space<semaphore_mem>> -> memref<1x!tpu.dma_semaphore, #tpu.memory_space<semaphore_mem>>
    %dma_start3A_29 = tpu.memref_squeeze %dma_start3A_28 : memref<1x!tpu.dma_semaphore, #tpu.memory_space<semaphore_mem>> -> memref<!tpu.dma_semaphore, #tpu.memory_space<semaphore_mem>>
    %dma_start3A_30 = arith.constant 0 : i32
    %dma_start3A_31 = tpu.memref_slice %arg7[%dma_start3A_22, %dma_start3A_30] : memref<2x1600xf32, #tpu.memory_space<vmem>> -> memref<1x1600xf32, #tpu.memory_space<vmem>>
    %dma_start3A_32 = tpu.memref_squeeze %dma_start3A_31 : memref<1x1600xf32, #tpu.memory_space<vmem>> -> memref<1600xf32, #tpu.memory_space<vmem>>
    %dma_start3A_33 = tpu.memref_slice %arg2[%mul3A_21] : memref<1638400xf32, #tpu.memory_space<hbm>> -> memref<1600xf32, #tpu.memory_space<hbm>>
    tpu.enqueue_dma source(%dma_start3A_33 : memref<1600xf32, #tpu.memory_space<hbm>>) target(%dma_start3A_32 : memref<1600xf32, #tpu.memory_space<vmem>>) target_semaphore(%dma_start3A_29 : memref<!tpu.dma_semaphore, #tpu.memory_space<semaphore_mem>>)
    %dma_wait3A = arith.constant 0 : i32
    %dma_wait3A_34 = arith.constant 0 : i32
    %dma_wait3A_35 = arith.constant 0 : i32
    %dma_wait3A_36 = tpu.memref_slice %arg7[%dma_wait3A, %dma_wait3A_35] : memref<2x1600xf32, #tpu.memory_space<vmem>> -> memref<1x1600xf32, #tpu.memory_space<vmem>>
    %dma_wait3A_37 = tpu.memref_squeeze %dma_wait3A_36 : memref<1x1600xf32, #tpu.memory_space<vmem>> -> memref<1600xf32, #tpu.memory_space<vmem>>
    %dma_wait3A_38 = arith.constant 0 : i32
    %dma_wait3A_39 = tpu.memref_slice %arg2[%dma_wait3A_38] : memref<1638400xf32, #tpu.memory_space<hbm>> -> memref<1600xf32, #tpu.memory_space<hbm>>
    %dma_wait3A_40 = tpu.memref_slice %arg11[%dma_wait3A_34] : memref<2x!tpu.dma_semaphore, #tpu.memory_space<semaphore_mem>> -> memref<1x!tpu.dma_semaphore, #tpu.memory_space<semaphore_mem>>
    %dma_wait3A_41 = tpu.memref_squeeze %dma_wait3A_40 : memref<1x!tpu.dma_semaphore, #tpu.memory_space<semaphore_mem>> -> memref<!tpu.dma_semaphore, #tpu.memory_space<semaphore_mem>>
    %dma_wait3A_42 = arith.constant 0 : i32
    %dma_wait3A_43 = tpu.memref_slice %arg7[%dma_wait3A, %dma_wait3A_42] : memref<2x1600xf32, #tpu.memory_space<vmem>> -> memref<1x1600xf32, #tpu.memory_space<vmem>>
    %dma_wait3A_44 = tpu.memref_squeeze %dma_wait3A_43 : memref<1x1600xf32, #tpu.memory_space<vmem>> -> memref<1600xf32, #tpu.memory_space<vmem>>
    %dma_wait3A_45 = arith.constant 0 : i32
    %dma_wait3A_46 = tpu.memref_slice %arg2[%dma_wait3A_45] : memref<1638400xf32, #tpu.memory_space<hbm>> -> memref<1600xf32, #tpu.memory_space<hbm>>
    tpu.wait_dma2 semaphore(%dma_wait3A_41 : memref<!tpu.dma_semaphore, #tpu.memory_space<semaphore_mem>>) src(%dma_wait3A_46 : memref<1600xf32, #tpu.memory_space<hbm>>) dst(%dma_wait3A_44 : memref<1600xf32, #tpu.memory_space<vmem>>)
    %scan3A = arith.constant 0 : i32
    %scan3A_47 = arith.constant 0 : i32
    %scan3A_48 = arith.constant 0 : i32
    %scan3A_49 = arith.constant 0 : i32
    %scan3A_50 = arith.constant 100 : i32
    %scan3A_51 = arith.addi %scan3A_49, %scan3A_50 : i32
    %scan3A_52 = arith.constant 4 : i32
    scf.for %scan3A_377 = %scan3A_49 to %scan3A_51 step %scan3A_52  : i32 {
      %mul3A_378 = arith.constant 100 : i32
      %mul3A_379 = vector.broadcast %mul3A_378 : i32 to vector<16xi32>
      %mul3A_380 = arith.muli %iota3A, %mul3A_379 : vector<16xi32>
      %add3A_381 = vector.broadcast %scan3A_377 : i32 to vector<16xi32>
      %add3A_382 = arith.addi %mul3A_380, %add3A_381 : vector<16xi32>
      %gather3A = arith.constant 0 : i32
      %gather3A_383 = tpu.memref_slice %arg7[%scan3A_47, %gather3A] : memref<2x1600xf32, #tpu.memory_space<vmem>> -> memref<1x1600xf32, #tpu.memory_space<vmem>>
      %gather3A_384 = tpu.memref_squeeze %gather3A_383 : memref<1x1600xf32, #tpu.memory_space<vmem>> -> memref<1600xf32, #tpu.memory_space<vmem>>
      %gather3A_385 = tpu.vector_load_idx %gather3A_384[%add3A_382] : memref<1600xf32, #tpu.memory_space<vmem>>[vector<16xi32>], vector<16xf32>,
      %broadcast_in_dim3A = arith.constant 0 : i32
      %broadcast_in_dim3A_386 = vector.broadcast %broadcast_in_dim3A : i32 to vector<16xi32>
      %mul3A_387 = arith.constant 64 : i32
      %mul3A_388 = arith.muli %scan3A_377, %mul3A_387 : i32
      %broadcast_in_dim3A_389 = vector.broadcast %mul3A_388 : i32 to vector<16xi32>
      %add3A_390 = arith.constant 31 : i32
      %add3A_391 = vector.broadcast %add3A_390 : i32 to vector<16xi32>
      %add3A_392 = arith.addi %broadcast_in_dim3A_386, %add3A_391 : vector<16xi32>
      %add3A_393 = arith.addi %broadcast_in_dim3A_389, %add3A_392 : vector<16xi32>
      %gather3A_394 = tpu.vector_load_idx %arg6[%add3A_393] : memref<6400xf32, #tpu.memory_space<vmem>>[vector<16xi32>], vector<16xf32>,
      %lt3A = arith.cmpf olt, %gather3A_394, %gather3A_385 : vector<16xf32>
      %jit3A = arith.constant 32 : i32
      %jit3A_395 = arith.constant 0 : i32
      %broadcast_in_dim3A_396 = vector.broadcast %jit3A : i32 to vector<16xi32>
      %broadcast_in_dim3A_397 = vector.broadcast %jit3A_395 : i32 to vector<16xi32>
      %select_n3A = arith.select %lt3A, %broadcast_in_dim3A_396, %broadcast_in_dim3A_397 : vector<16xi1>, vector<16xi32>
      %add3A_398 = arith.addi %broadcast_in_dim3A_386, %select_n3A : vector<16xi32>
      %add3A_399 = arith.constant 15 : i32
      %add3A_400 = vector.broadcast %add3A_399 : i32 to vector<16xi32>
      %add3A_401 = arith.addi %add3A_398, %add3A_400 : vector<16xi32>
      %add3A_402 = arith.addi %broadcast_in_dim3A_389, %add3A_401 : vector<16xi32>
      %gather3A_403 = tpu.vector_load_idx %arg6[%add3A_402] : memref<6400xf32, #tpu.memory_space<vmem>>[vector<16xi32>], vector<16xf32>,
      %lt3A_404 = arith.cmpf olt, %gather3A_403, %gather3A_385 : vector<16xf32>
      %jit3A_405 = arith.constant 16 : i32
      %jit3A_406 = arith.constant 0 : i32
      %broadcast_in_dim3A_407 = vector.broadcast %jit3A_405 : i32 to vector<16xi32>
      %broadcast_in_dim3A_408 = vector.broadcast %jit3A_406 : i32 to vector<16xi32>
      %select_n3A_409 = arith.select %lt3A_404, %broadcast_in_dim3A_407, %broadcast_in_dim3A_408 : vector<16xi1>, vector<16xi32>
      %add3A_410 = arith.addi %add3A_398, %select_n3A_409 : vector<16xi32>
      %add3A_411 = arith.constant 7 : i32
      %add3A_412 = vector.broadcast %add3A_411 : i32 to vector<16xi32>
      %add3A_413 = arith.addi %add3A_410, %add3A_412 : vector<16xi32>
      %add3A_414 = arith.addi %broadcast_in_dim3A_389, %add3A_413 : vector<16xi32>
      %gather3A_415 = tpu.vector_load_idx %arg6[%add3A_414] : memref<6400xf32, #tpu.memory_space<vmem>>[vector<16xi32>], vector<16xf32>,
      %lt3A_416 = arith.cmpf olt, %gather3A_415, %gather3A_385 : vector<16xf32>
      %jit3A_417 = arith.constant 8 : i32
      %jit3A_418 = arith.constant 0 : i32
      %broadcast_in_dim3A_419 = vector.broadcast %jit3A_417 : i32 to vector<16xi32>
      %broadcast_in_dim3A_420 = vector.broadcast %jit3A_418 : i32 to vector<16xi32>
      %select_n3A_421 = arith.select %lt3A_416, %broadcast_in_dim3A_419, %broadcast_in_dim3A_420 : vector<16xi1>, vector<16xi32>
      %add3A_422 = arith.addi %add3A_410, %select_n3A_421 : vector<16xi32>
      %add3A_423 = arith.constant 3 : i32
      %add3A_424 = vector.broadcast %add3A_423 : i32 to vector<16xi32>
      %add3A_425 = arith.addi %add3A_422, %add3A_424 : vector<16xi32>
      %add3A_426 = arith.addi %broadcast_in_dim3A_389, %add3A_425 : vector<16xi32>
      %gather3A_427 = tpu.vector_load_idx %arg6[%add3A_426] : memref<6400xf32, #tpu.memory_space<vmem>>[vector<16xi32>], vector<16xf32>,
      %lt3A_428 = arith.cmpf olt, %gather3A_427, %gather3A_385 : vector<16xf32>
      %jit3A_429 = arith.constant 4 : i32
      %jit3A_430 = arith.constant 0 : i32
      %broadcast_in_dim3A_431 = vector.broadcast %jit3A_429 : i32 to vector<16xi32>
      %broadcast_in_dim3A_432 = vector.broadcast %jit3A_430 : i32 to vector<16xi32>
      %select_n3A_433 = arith.select %lt3A_428, %broadcast_in_dim3A_431, %broadcast_in_dim3A_432 : vector<16xi1>, vector<16xi32>
      %add3A_434 = arith.addi %add3A_422, %select_n3A_433 : vector<16xi32>
      %add3A_435 = arith.constant 1 : i32
      %add3A_436 = vector.broadcast %add3A_435 : i32 to vector<16xi32>
      %add3A_437 = arith.addi %add3A_434, %add3A_436 : vector<16xi32>
      %add3A_438 = arith.addi %broadcast_in_dim3A_389, %add3A_437 : vector<16xi32>
      %gather3A_439 = tpu.vector_load_idx %arg6[%add3A_438] : memref<6400xf32, #tpu.memory_space<vmem>>[vector<16xi32>], vector<16xf32>,
      %lt3A_440 = arith.cmpf olt, %gather3A_439, %gather3A_385 : vector<16xf32>
      %jit3A_441 = arith.constant 2 : i32
      %jit3A_442 = arith.constant 0 : i32
      %broadcast_in_dim3A_443 = vector.broadcast %jit3A_441 : i32 to vector<16xi32>
      %broadcast_in_dim3A_444 = vector.broadcast %jit3A_442 : i32 to vector<16xi32>
      %select_n3A_445 = arith.select %lt3A_440, %broadcast_in_dim3A_443, %broadcast_in_dim3A_444 : vector<16xi1>, vector<16xi32>
      %add3A_446 = arith.addi %add3A_434, %select_n3A_445 : vector<16xi32>
      %add3A_447 = arith.constant 0 : i32
      %add3A_448 = vector.broadcast %add3A_447 : i32 to vector<16xi32>
      %add3A_449 = arith.addi %add3A_446, %add3A_448 : vector<16xi32>
      %add3A_450 = arith.addi %broadcast_in_dim3A_389, %add3A_449 : vector<16xi32>
      %gather3A_451 = tpu.vector_load_idx %arg6[%add3A_450] : memref<6400xf32, #tpu.memory_space<vmem>>[vector<16xi32>], vector<16xf32>,
      %lt3A_452 = arith.cmpf olt, %gather3A_451, %gather3A_385 : vector<16xf32>
      %jit3A_453 = arith.constant 1 : i32
      %jit3A_454 = arith.constant 0 : i32
      %broadcast_in_dim3A_455 = vector.broadcast %jit3A_453 : i32 to vector<16xi32>
      %broadcast_in_dim3A_456 = vector.broadcast %jit3A_454 : i32 to vector<16xi32>
      %select_n3A_457 = arith.select %lt3A_452, %broadcast_in_dim3A_455, %broadcast_in_dim3A_456 : vector<16xi1>, vector<16xi32>
      %add3A_458 = arith.addi %add3A_446, %select_n3A_457 : vector<16xi32>
      %add3A_459 = arith.constant 0 : i32
      %add3A_460 = vector.broadcast %add3A_459 : i32 to vector<16xi32>
      %add3A_461 = arith.addi %add3A_458, %add3A_460 : vector<16xi32>
      %add3A_462 = arith.addi %broadcast_in_dim3A_389, %add3A_461 : vector<16xi32>
      %gather3A_463 = tpu.vector_load_idx %arg6[%add3A_462] : memref<6400xf32, #tpu.memory_space<vmem>>[vector<16xi32>], vector<16xf32>,
      %lt3A_464 = arith.cmpf olt, %gather3A_463, %gather3A_385 : vector<16xf32>
      %jit3A_465 = arith.constant 1 : i32
      %jit3A_466 = arith.constant 0 : i32
      %broadcast_in_dim3A_467 = vector.broadcast %jit3A_465 : i32 to vector<16xi32>
      %broadcast_in_dim3A_468 = vector.broadcast %jit3A_466 : i32 to vector<16xi32>
      %select_n3A_469 = arith.select %lt3A_464, %broadcast_in_dim3A_467, %broadcast_in_dim3A_468 : vector<16xi1>, vector<16xi32>
      %add3A_470 = arith.addi %add3A_458, %select_n3A_469 : vector<16xi32>
      %mul3A_471 = arith.constant 104 : i32
      %mul3A_472 = vector.broadcast %mul3A_471 : i32 to vector<16xi32>
      %mul3A_473 = arith.muli %iota3A, %mul3A_472 : vector<16xi32>
      %add3A_474 = vector.broadcast %scan3A_377 : i32 to vector<16xi32>
      %add3A_475 = arith.addi %mul3A_473, %add3A_474 : vector<16xi32>
      %mul3A_476 = arith.constant 64 : i32
      %mul3A_477 = arith.muli %scan3A_377, %mul3A_476 : i32
      %add3A_478 = vector.broadcast %mul3A_477 : i32 to vector<16xi32>
      %add3A_479 = arith.addi %add3A_478, %add3A_470 : vector<16xi32>
      %add3A_480 = arith.constant 1 : i32
      %add3A_481 = vector.broadcast %add3A_480 : i32 to vector<16xi32>
      %add3A_482 = arith.addi %add3A_479, %add3A_481 : vector<16xi32>
      %scatter3A = arith.constant 0 : i32
      %scatter3A_483 = tpu.memref_slice %arg8[%scan3A_48, %scatter3A] : memref<2x1664xi32, #tpu.memory_space<vmem>> -> memref<1x1664xi32, #tpu.memory_space<vmem>>
      %scatter3A_484 = tpu.memref_squeeze %scatter3A_483 : memref<1x1664xi32, #tpu.memory_space<vmem>> -> memref<1664xi32, #tpu.memory_space<vmem>>
      tpu.vector_store_idx %scatter3A_484[%add3A_475], %add3A_482 : memref<1664xi32, #tpu.memory_space<vmem>>[vector<16xi32>], vector<16xi32>,
      %scan3A_485 = arith.constant 1 : i32
      %scan3A_486 = arith.addi %scan3A_377, %scan3A_485 : i32
      %mul3A_487 = arith.constant 100 : i32
      %mul3A_488 = vector.broadcast %mul3A_487 : i32 to vector<16xi32>
      %mul3A_489 = arith.muli %iota3A, %mul3A_488 : vector<16xi32>
      %add3A_490 = vector.broadcast %scan3A_486 : i32 to vector<16xi32>
      %add3A_491 = arith.addi %mul3A_489, %add3A_490 : vector<16xi32>
      %gather3A_492 = arith.constant 0 : i32
      %gather3A_493 = tpu.memref_slice %arg7[%scan3A_47, %gather3A_492] : memref<2x1600xf32, #tpu.memory_space<vmem>> -> memref<1x1600xf32, #tpu.memory_space<vmem>>
      %gather3A_494 = tpu.memref_squeeze %gather3A_493 : memref<1x1600xf32, #tpu.memory_space<vmem>> -> memref<1600xf32, #tpu.memory_space<vmem>>
      %gather3A_495 = tpu.vector_load_idx %gather3A_494[%add3A_491] : memref<1600xf32, #tpu.memory_space<vmem>>[vector<16xi32>], vector<16xf32>,
      %broadcast_in_dim3A_496 = arith.constant 0 : i32
      %broadcast_in_dim3A_497 = vector.broadcast %broadcast_in_dim3A_496 : i32 to vector<16xi32>
      %mul3A_498 = arith.constant 64 : i32
      %mul3A_499 = arith.muli %scan3A_486, %mul3A_498 : i32
      %broadcast_in_dim3A_500 = vector.broadcast %mul3A_499 : i32 to vector<16xi32>
      %add3A_501 = arith.constant 31 : i32
      %add3A_502 = vector.broadcast %add3A_501 : i32 to vector<16xi32>
      %add3A_503 = arith.addi %broadcast_in_dim3A_497, %add3A_502 : vector<16xi32>
      %add3A_504 = arith.addi %broadcast_in_dim3A_500, %add3A_503 : vector<16xi32>
      %gather3A_505 = tpu.vector_load_idx %arg6[%add3A_504] : memref<6400xf32, #tpu.memory_space<vmem>>[vector<16xi32>], vector<16xf32>,
      %lt3A_506 = arith.cmpf olt, %gather3A_505, %gather3A_495 : vector<16xf32>
      %jit3A_507 = arith.constant 32 : i32
      %jit3A_508 = arith.constant 0 : i32
      %broadcast_in_dim3A_509 = vector.broadcast %jit3A_507 : i32 to vector<16xi32>
      %broadcast_in_dim3A_510 = vector.broadcast %jit3A_508 : i32 to vector<16xi32>
      %select_n3A_511 = arith.select %lt3A_506, %broadcast_in_dim3A_509, %broadcast_in_dim3A_510 : vector<16xi1>, vector<16xi32>
      %add3A_512 = arith.addi %broadcast_in_dim3A_497, %select_n3A_511 : vector<16xi32>
      %add3A_513 = arith.constant 15 : i32
      %add3A_514 = vector.broadcast %add3A_513 : i32 to vector<16xi32>
      %add3A_515 = arith.addi %add3A_512, %add3A_514 : vector<16xi32>
      %add3A_516 = arith.addi %broadcast_in_dim3A_500, %add3A_515 : vector<16xi32>
      %gather3A_517 = tpu.vector_load_idx %arg6[%add3A_516] : memref<6400xf32, #tpu.memory_space<vmem>>[vector<16xi32>], vector<16xf32>,
      %lt3A_518 = arith.cmpf olt, %gather3A_517, %gather3A_495 : vector<16xf32>
      %jit3A_519 = arith.constant 16 : i32
      %jit3A_520 = arith.constant 0 : i32
      %broadcast_in_dim3A_521 = vector.broadcast %jit3A_519 : i32 to vector<16xi32>
      %broadcast_in_dim3A_522 = vector.broadcast %jit3A_520 : i32 to vector<16xi32>
      %select_n3A_523 = arith.select %lt3A_518, %broadcast_in_dim3A_521, %broadcast_in_dim3A_522 : vector<16xi1>, vector<16xi32>
      %add3A_524 = arith.addi %add3A_512, %select_n3A_523 : vector<16xi32>
      %add3A_525 = arith.constant 7 : i32
      %add3A_526 = vector.broadcast %add3A_525 : i32 to vector<16xi32>
      %add3A_527 = arith.addi %add3A_524, %add3A_526 : vector<16xi32>
      %add3A_528 = arith.addi %broadcast_in_dim3A_500, %add3A_527 : vector<16xi32>
      %gather3A_529 = tpu.vector_load_idx %arg6[%add3A_528] : memref<6400xf32, #tpu.memory_space<vmem>>[vector<16xi32>], vector<16xf32>,
      %lt3A_530 = arith.cmpf olt, %gather3A_529, %gather3A_495 : vector<16xf32>
      %jit3A_531 = arith.constant 8 : i32
      %jit3A_532 = arith.constant 0 : i32
      %broadcast_in_dim3A_533 = vector.broadcast %jit3A_531 : i32 to vector<16xi32>
      %broadcast_in_dim3A_534 = vector.broadcast %jit3A_532 : i32 to vector<16xi32>
      %select_n3A_535 = arith.select %lt3A_530, %broadcast_in_dim3A_533, %broadcast_in_dim3A_534 : vector<16xi1>, vector<16xi32>
      %add3A_536 = arith.addi %add3A_524, %select_n3A_535 : vector<16xi32>
      %add3A_537 = arith.constant 3 : i32
      %add3A_538 = vector.broadcast %add3A_537 : i32 to vector<16xi32>
      %add3A_539 = arith.addi %add3A_536, %add3A_538 : vector<16xi32>
      %add3A_540 = arith.addi %broadcast_in_dim3A_500, %add3A_539 : vector<16xi32>
      %gather3A_541 = tpu.vector_load_idx %arg6[%add3A_540] : memref<6400xf32, #tpu.memory_space<vmem>>[vector<16xi32>], vector<16xf32>,
      %lt3A_542 = arith.cmpf olt, %gather3A_541, %gather3A_495 : vector<16xf32>
      %jit3A_543 = arith.constant 4 : i32
      %jit3A_544 = arith.constant 0 : i32
      %broadcast_in_dim3A_545 = vector.broadcast %jit3A_543 : i32 to vector<16xi32>
      %broadcast_in_dim3A_546 = vector.broadcast %jit3A_544 : i32 to vector<16xi32>
      %select_n3A_547 = arith.select %lt3A_542, %broadcast_in_dim3A_545, %broadcast_in_dim3A_546 : vector<16xi1>, vector<16xi32>
      %add3A_548 = arith.addi %add3A_536, %select_n3A_547 : vector<16xi32>
      %add3A_549 = arith.constant 1 : i32
      %add3A_550 = vector.broadcast %add3A_549 : i32 to vector<16xi32>
      %add3A_551 = arith.addi %add3A_548, %add3A_550 : vector<16xi32>
      %add3A_552 = arith.addi %broadcast_in_dim3A_500, %add3A_551 : vector<16xi32>
      %gather3A_553 = tpu.vector_load_idx %arg6[%add3A_552] : memref<6400xf32, #tpu.memory_space<vmem>>[vector<16xi32>], vector<16xf32>,
      %lt3A_554 = arith.cmpf olt, %gather3A_553, %gather3A_495 : vector<16xf32>
      %jit3A_555 = arith.constant 2 : i32
      %jit3A_556 = arith.constant 0 : i32
      %broadcast_in_dim3A_557 = vector.broadcast %jit3A_555 : i32 to vector<16xi32>
      %broadcast_in_dim3A_558 = vector.broadcast %jit3A_556 : i32 to vector<16xi32>
      %select_n3A_559 = arith.select %lt3A_554, %broadcast_in_dim3A_557, %broadcast_in_dim3A_558 : vector<16xi1>, vector<16xi32>
      %add3A_560 = arith.addi %add3A_548, %select_n3A_559 : vector<16xi32>
      %add3A_561 = arith.constant 0 : i32
      %add3A_562 = vector.broadcast %add3A_561 : i32 to vector<16xi32>
      %add3A_563 = arith.addi %add3A_560, %add3A_562 : vector<16xi32>
      %add3A_564 = arith.addi %broadcast_in_dim3A_500, %add3A_563 : vector<16xi32>
      %gather3A_565 = tpu.vector_load_idx %arg6[%add3A_564] : memref<6400xf32, #tpu.memory_space<vmem>>[vector<16xi32>], vector<16xf32>,
      %lt3A_566 = arith.cmpf olt, %gather3A_565, %gather3A_495 : vector<16xf32>
      %jit3A_567 = arith.constant 1 : i32
      %jit3A_568 = arith.constant 0 : i32
      %broadcast_in_dim3A_569 = vector.broadcast %jit3A_567 : i32 to vector<16xi32>
      %broadcast_in_dim3A_570 = vector.broadcast %jit3A_568 : i32 to vector<16xi32>
      %select_n3A_571 = arith.select %lt3A_566, %broadcast_in_dim3A_569, %broadcast_in_dim3A_570 : vector<16xi1>, vector<16xi32>
      %add3A_572 = arith.addi %add3A_560, %select_n3A_571 : vector<16xi32>
      %add3A_573 = arith.constant 0 : i32
      %add3A_574 = vector.broadcast %add3A_573 : i32 to vector<16xi32>
      %add3A_575 = arith.addi %add3A_572, %add3A_574 : vector<16xi32>
      %add3A_576 = arith.addi %broadcast_in_dim3A_500, %add3A_575 : vector<16xi32>
      %gather3A_577 = tpu.vector_load_idx %arg6[%add3A_576] : memref<6400xf32, #tpu.memory_space<vmem>>[vector<16xi32>], vector<16xf32>,
      %lt3A_578 = arith.cmpf olt, %gather3A_577, %gather3A_495 : vector<16xf32>
      %jit3A_579 = arith.constant 1 : i32
      %jit3A_580 = arith.constant 0 : i32
      %broadcast_in_dim3A_581 = vector.broadcast %jit3A_579 : i32 to vector<16xi32>
      %broadcast_in_dim3A_582 = vector.broadcast %jit3A_580 : i32 to vector<16xi32>
      %select_n3A_583 = arith.select %lt3A_578, %broadcast_in_dim3A_581, %broadcast_in_dim3A_582 : vector<16xi1>, vector<16xi32>
      %add3A_584 = arith.addi %add3A_572, %select_n3A_583 : vector<16xi32>
      %mul3A_585 = arith.constant 104 : i32
      %mul3A_586 = vector.broadcast %mul3A_585 : i32 to vector<16xi32>
      %mul3A_587 = arith.muli %iota3A, %mul3A_586 : vector<16xi32>
      %add3A_588 = vector.broadcast %scan3A_486 : i32 to vector<16xi32>
      %add3A_589 = arith.addi %mul3A_587, %add3A_588 : vector<16xi32>
      %mul3A_590 = arith.constant 64 : i32
      %mul3A_591 = arith.muli %scan3A_486, %mul3A_590 : i32
      %add3A_592 = vector.broadcast %mul3A_591 : i32 to vector<16xi32>
      %add3A_593 = arith.addi %add3A_592, %add3A_584 : vector<16xi32>
      %add3A_594 = arith.constant 1 : i32
      %add3A_595 = vector.broadcast %add3A_594 : i32 to vector<16xi32>
      %add3A_596 = arith.addi %add3A_593, %add3A_595 : vector<16xi32>
      %scatter3A_597 = arith.constant 0 : i32
      %scatter3A_598 = tpu.memref_slice %arg8[%scan3A_48, %scatter3A_597] : memref<2x1664xi32, #tpu.memory_space<vmem>> -> memref<1x1664xi32, #tpu.memory_space<vmem>>
      %scatter3A_599 = tpu.memref_squeeze %scatter3A_598 : memref<1x1664xi32, #tpu.memory_space<vmem>> -> memref<1664xi32, #tpu.memory_space<vmem>>
      tpu.vector_store_idx %scatter3A_599[%add3A_589], %add3A_596 : memref<1664xi32, #tpu.memory_space<vmem>>[vector<16xi32>], vector<16xi32>,
      %scan3A_600 = arith.constant 2 : i32
      %scan3A_601 = arith.addi %scan3A_377, %scan3A_600 : i32
      %mul3A_602 = arith.constant 100 : i32
      %mul3A_603 = vector.broadcast %mul3A_602 : i32 to vector<16xi32>
      %mul3A_604 = arith.muli %iota3A, %mul3A_603 : vector<16xi32>
      %add3A_605 = vector.broadcast %scan3A_601 : i32 to vector<16xi32>
      %add3A_606 = arith.addi %mul3A_604, %add3A_605 : vector<16xi32>
      %gather3A_607 = arith.constant 0 : i32
      %gather3A_608 = tpu.memref_slice %arg7[%scan3A_47, %gather3A_607] : memref<2x1600xf32, #tpu.memory_space<vmem>> -> memref<1x1600xf32, #tpu.memory_space<vmem>>
      %gather3A_609 = tpu.memref_squeeze %gather3A_608 : memref<1x1600xf32, #tpu.memory_space<vmem>> -> memref<1600xf32, #tpu.memory_space<vmem>>
      %gather3A_610 = tpu.vector_load_idx %gather3A_609[%add3A_606] : memref<1600xf32, #tpu.memory_space<vmem>>[vector<16xi32>], vector<16xf32>,
      %broadcast_in_dim3A_611 = arith.constant 0 : i32
      %broadcast_in_dim3A_612 = vector.broadcast %broadcast_in_dim3A_611 : i32 to vector<16xi32>
      %mul3A_613 = arith.constant 64 : i32
      %mul3A_614 = arith.muli %scan3A_601, %mul3A_613 : i32
      %broadcast_in_dim3A_615 = vector.broadcast %mul3A_614 : i32 to vector<16xi32>
      %add3A_616 = arith.constant 31 : i32
      %add3A_617 = vector.broadcast %add3A_616 : i32 to vector<16xi32>
      %add3A_618 = arith.addi %broadcast_in_dim3A_612, %add3A_617 : vector<16xi32>
      %add3A_619 = arith.addi %broadcast_in_dim3A_615, %add3A_618 : vector<16xi32>
      %gather3A_620 = tpu.vector_load_idx %arg6[%add3A_619] : memref<6400xf32, #tpu.memory_space<vmem>>[vector<16xi32>], vector<16xf32>,
      %lt3A_621 = arith.cmpf olt, %gather3A_620, %gather3A_610 : vector<16xf32>
      %jit3A_622 = arith.constant 32 : i32
      %jit3A_623 = arith.constant 0 : i32
      %broadcast_in_dim3A_624 = vector.broadcast %jit3A_622 : i32 to vector<16xi32>
      %broadcast_in_dim3A_625 = vector.broadcast %jit3A_623 : i32 to vector<16xi32>
      %select_n3A_626 = arith.select %lt3A_621, %broadcast_in_dim3A_624, %broadcast_in_dim3A_625 : vector<16xi1>, vector<16xi32>
      %add3A_627 = arith.addi %broadcast_in_dim3A_612, %select_n3A_626 : vector<16xi32>
      %add3A_628 = arith.constant 15 : i32
      %add3A_629 = vector.broadcast %add3A_628 : i32 to vector<16xi32>
      %add3A_630 = arith.addi %add3A_627, %add3A_629 : vector<16xi32>
      %add3A_631 = arith.addi %broadcast_in_dim3A_615, %add3A_630 : vector<16xi32>
      %gather3A_632 = tpu.vector_load_idx %arg6[%add3A_631] : memref<6400xf32, #tpu.memory_space<vmem>>[vector<16xi32>], vector<16xf32>,
      %lt3A_633 = arith.cmpf olt, %gather3A_632, %gather3A_610 : vector<16xf32>
      %jit3A_634 = arith.constant 16 : i32
      %jit3A_635 = arith.constant 0 : i32
      %broadcast_in_dim3A_636 = vector.broadcast %jit3A_634 : i32 to vector<16xi32>
      %broadcast_in_dim3A_637 = vector.broadcast %jit3A_635 : i32 to vector<16xi32>
      %select_n3A_638 = arith.select %lt3A_633, %broadcast_in_dim3A_636, %broadcast_in_dim3A_637 : vector<16xi1>, vector<16xi32>
      %add3A_639 = arith.addi %add3A_627, %select_n3A_638 : vector<16xi32>
      %add3A_640 = arith.constant 7 : i32
      %add3A_641 = vector.broadcast %add3A_640 : i32 to vector<16xi32>
      %add3A_642 = arith.addi %add3A_639, %add3A_641 : vector<16xi32>
      %add3A_643 = arith.addi %broadcast_in_dim3A_615, %add3A_642 : vector<16xi32>
      %gather3A_644 = tpu.vector_load_idx %arg6[%add3A_643] : memref<6400xf32, #tpu.memory_space<vmem>>[vector<16xi32>], vector<16xf32>,
      %lt3A_645 = arith.cmpf olt, %gather3A_644, %gather3A_610 : vector<16xf32>
      %jit3A_646 = arith.constant 8 : i32
      %jit3A_647 = arith.constant 0 : i32
      %broadcast_in_dim3A_648 = vector.broadcast %jit3A_646 : i32 to vector<16xi32>
      %broadcast_in_dim3A_649 = vector.broadcast %jit3A_647 : i32 to vector<16xi32>
      %select_n3A_650 = arith.select %lt3A_645, %broadcast_in_dim3A_648, %broadcast_in_dim3A_649 : vector<16xi1>, vector<16xi32>
      %add3A_651 = arith.addi %add3A_639, %select_n3A_650 : vector<16xi32>
      %add3A_652 = arith.constant 3 : i32
      %add3A_653 = vector.broadcast %add3A_652 : i32 to vector<16xi32>
      %add3A_654 = arith.addi %add3A_651, %add3A_653 : vector<16xi32>
      %add3A_655 = arith.addi %broadcast_in_dim3A_615, %add3A_654 : vector<16xi32>
      %gather3A_656 = tpu.vector_load_idx %arg6[%add3A_655] : memref<6400xf32, #tpu.memory_space<vmem>>[vector<16xi32>], vector<16xf32>,
      %lt3A_657 = arith.cmpf olt, %gather3A_656, %gather3A_610 : vector<16xf32>
      %jit3A_658 = arith.constant 4 : i32
      %jit3A_659 = arith.constant 0 : i32
      %broadcast_in_dim3A_660 = vector.broadcast %jit3A_658 : i32 to vector<16xi32>
      %broadcast_in_dim3A_661 = vector.broadcast %jit3A_659 : i32 to vector<16xi32>
      %select_n3A_662 = arith.select %lt3A_657, %broadcast_in_dim3A_660, %broadcast_in_dim3A_661 : vector<16xi1>, vector<16xi32>
      %add3A_663 = arith.addi %add3A_651, %select_n3A_662 : vector<16xi32>
      %add3A_664 = arith.constant 1 : i32
      %add3A_665 = vector.broadcast %add3A_664 : i32 to vector<16xi32>
      %add3A_666 = arith.addi %add3A_663, %add3A_665 : vector<16xi32>
      %add3A_667 = arith.addi %broadcast_in_dim3A_615, %add3A_666 : vector<16xi32>
      %gather3A_668 = tpu.vector_load_idx %arg6[%add3A_667] : memref<6400xf32, #tpu.memory_space<vmem>>[vector<16xi32>], vector<16xf32>,
      %lt3A_669 = arith.cmpf olt, %gather3A_668, %gather3A_610 : vector<16xf32>
      %jit3A_670 = arith.constant 2 : i32
      %jit3A_671 = arith.constant 0 : i32
      %broadcast_in_dim3A_672 = vector.broadcast %jit3A_670 : i32 to vector<16xi32>
      %broadcast_in_dim3A_673 = vector.broadcast %jit3A_671 : i32 to vector<16xi32>
      %select_n3A_674 = arith.select %lt3A_669, %broadcast_in_dim3A_672, %broadcast_in_dim3A_673 : vector<16xi1>, vector<16xi32>
      %add3A_675 = arith.addi %add3A_663, %select_n3A_674 : vector<16xi32>
      %add3A_676 = arith.constant 0 : i32
      %add3A_677 = vector.broadcast %add3A_676 : i32 to vector<16xi32>
      %add3A_678 = arith.addi %add3A_675, %add3A_677 : vector<16xi32>
      %add3A_679 = arith.addi %broadcast_in_dim3A_615, %add3A_678 : vector<16xi32>
      %gather3A_680 = tpu.vector_load_idx %arg6[%add3A_679] : memref<6400xf32, #tpu.memory_space<vmem>>[vector<16xi32>], vector<16xf32>,
      %lt3A_681 = arith.cmpf olt, %gather3A_680, %gather3A_610 : vector<16xf32>
      %jit3A_682 = arith.constant 1 : i32
      %jit3A_683 = arith.constant 0 : i32
      %broadcast_in_dim3A_684 = vector.broadcast %jit3A_682 : i32 to vector<16xi32>
      %broadcast_in_dim3A_685 = vector.broadcast %jit3A_683 : i32 to vector<16xi32>
      %select_n3A_686 = arith.select %lt3A_681, %broadcast_in_dim3A_684, %broadcast_in_dim3A_685 : vector<16xi1>, vector<16xi32>
      %add3A_687 = arith.addi %add3A_675, %select_n3A_686 : vector<16xi32>
      %add3A_688 = arith.constant 0 : i32
      %add3A_689 = vector.broadcast %add3A_688 : i32 to vector<16xi32>
      %add3A_690 = arith.addi %add3A_687, %add3A_689 : vector<16xi32>
      %add3A_691 = arith.addi %broadcast_in_dim3A_615, %add3A_690 : vector<16xi32>
      %gather3A_692 = tpu.vector_load_idx %arg6[%add3A_691] : memref<6400xf32, #tpu.memory_space<vmem>>[vector<16xi32>], vector<16xf32>,
      %lt3A_693 = arith.cmpf olt, %gather3A_692, %gather3A_610 : vector<16xf32>
      %jit3A_694 = arith.constant 1 : i32
      %jit3A_695 = arith.constant 0 : i32
      %broadcast_in_dim3A_696 = vector.broadcast %jit3A_694 : i32 to vector<16xi32>
      %broadcast_in_dim3A_697 = vector.broadcast %jit3A_695 : i32 to vector<16xi32>
      %select_n3A_698 = arith.select %lt3A_693, %broadcast_in_dim3A_696, %broadcast_in_dim3A_697 : vector<16xi1>, vector<16xi32>
      %add3A_699 = arith.addi %add3A_687, %select_n3A_698 : vector<16xi32>
      %mul3A_700 = arith.constant 104 : i32
      %mul3A_701 = vector.broadcast %mul3A_700 : i32 to vector<16xi32>
      %mul3A_702 = arith.muli %iota3A, %mul3A_701 : vector<16xi32>
      %add3A_703 = vector.broadcast %scan3A_601 : i32 to vector<16xi32>
      %add3A_704 = arith.addi %mul3A_702, %add3A_703 : vector<16xi32>
      %mul3A_705 = arith.constant 64 : i32
      %mul3A_706 = arith.muli %scan3A_601, %mul3A_705 : i32
      %add3A_707 = vector.broadcast %mul3A_706 : i32 to vector<16xi32>
      %add3A_708 = arith.addi %add3A_707, %add3A_699 : vector<16xi32>
      %add3A_709 = arith.constant 1 : i32
      %add3A_710 = vector.broadcast %add3A_709 : i32 to vector<16xi32>
      %add3A_711 = arith.addi %add3A_708, %add3A_710 : vector<16xi32>
      %scatter3A_712 = arith.constant 0 : i32
      %scatter3A_713 = tpu.memref_slice %arg8[%scan3A_48, %scatter3A_712] : memref<2x1664xi32, #tpu.memory_space<vmem>> -> memref<1x1664xi32, #tpu.memory_space<vmem>>
      %scatter3A_714 = tpu.memref_squeeze %scatter3A_713 : memref<1x1664xi32, #tpu.memory_space<vmem>> -> memref<1664xi32, #tpu.memory_space<vmem>>
      tpu.vector_store_idx %scatter3A_714[%add3A_704], %add3A_711 : memref<1664xi32, #tpu.memory_space<vmem>>[vector<16xi32>], vector<16xi32>,
      %scan3A_715 = arith.constant 3 : i32
      %scan3A_716 = arith.addi %scan3A_377, %scan3A_715 : i32
      %mul3A_717 = arith.constant 100 : i32
      %mul3A_718 = vector.broadcast %mul3A_717 : i32 to vector<16xi32>
      %mul3A_719 = arith.muli %iota3A, %mul3A_718 : vector<16xi32>
      %add3A_720 = vector.broadcast %scan3A_716 : i32 to vector<16xi32>
      %add3A_721 = arith.addi %mul3A_719, %add3A_720 : vector<16xi32>
      %gather3A_722 = arith.constant 0 : i32
      %gather3A_723 = tpu.memref_slice %arg7[%scan3A_47, %gather3A_722] : memref<2x1600xf32, #tpu.memory_space<vmem>> -> memref<1x1600xf32, #tpu.memory_space<vmem>>
      %gather3A_724 = tpu.memref_squeeze %gather3A_723 : memref<1x1600xf32, #tpu.memory_space<vmem>> -> memref<1600xf32, #tpu.memory_space<vmem>>
      %gather3A_725 = tpu.vector_load_idx %gather3A_724[%add3A_721] : memref<1600xf32, #tpu.memory_space<vmem>>[vector<16xi32>], vector<16xf32>,
      %broadcast_in_dim3A_726 = arith.constant 0 : i32
      %broadcast_in_dim3A_727 = vector.broadcast %broadcast_in_dim3A_726 : i32 to vector<16xi32>
      %mul3A_728 = arith.constant 64 : i32
      %mul3A_729 = arith.muli %scan3A_716, %mul3A_728 : i32
      %broadcast_in_dim3A_730 = vector.broadcast %mul3A_729 : i32 to vector<16xi32>
      %add3A_731 = arith.constant 31 : i32
      %add3A_732 = vector.broadcast %add3A_731 : i32 to vector<16xi32>
      %add3A_733 = arith.addi %broadcast_in_dim3A_727, %add3A_732 : vector<16xi32>
      %add3A_734 = arith.addi %broadcast_in_dim3A_730, %add3A_733 : vector<16xi32>
      %gather3A_735 = tpu.vector_load_idx %arg6[%add3A_734] : memref<6400xf32, #tpu.memory_space<vmem>>[vector<16xi32>], vector<16xf32>,
      %lt3A_736 = arith.cmpf olt, %gather3A_735, %gather3A_725 : vector<16xf32>
      %jit3A_737 = arith.constant 32 : i32
      %jit3A_738 = arith.constant 0 : i32
      %broadcast_in_dim3A_739 = vector.broadcast %jit3A_737 : i32 to vector<16xi32>
      %broadcast_in_dim3A_740 = vector.broadcast %jit3A_738 : i32 to vector<16xi32>
      %select_n3A_741 = arith.select %lt3A_736, %broadcast_in_dim3A_739, %broadcast_in_dim3A_740 : vector<16xi1>, vector<16xi32>
      %add3A_742 = arith.addi %broadcast_in_dim3A_727, %select_n3A_741 : vector<16xi32>
      %add3A_743 = arith.constant 15 : i32
      %add3A_744 = vector.broadcast %add3A_743 : i32 to vector<16xi32>
      %add3A_745 = arith.addi %add3A_742, %add3A_744 : vector<16xi32>
      %add3A_746 = arith.addi %broadcast_in_dim3A_730, %add3A_745 : vector<16xi32>
      %gather3A_747 = tpu.vector_load_idx %arg6[%add3A_746] : memref<6400xf32, #tpu.memory_space<vmem>>[vector<16xi32>], vector<16xf32>,
      %lt3A_748 = arith.cmpf olt, %gather3A_747, %gather3A_725 : vector<16xf32>
      %jit3A_749 = arith.constant 16 : i32
      %jit3A_750 = arith.constant 0 : i32
      %broadcast_in_dim3A_751 = vector.broadcast %jit3A_749 : i32 to vector<16xi32>
      %broadcast_in_dim3A_752 = vector.broadcast %jit3A_750 : i32 to vector<16xi32>
      %select_n3A_753 = arith.select %lt3A_748, %broadcast_in_dim3A_751, %broadcast_in_dim3A_752 : vector<16xi1>, vector<16xi32>
      %add3A_754 = arith.addi %add3A_742, %select_n3A_753 : vector<16xi32>
      %add3A_755 = arith.constant 7 : i32
      %add3A_756 = vector.broadcast %add3A_755 : i32 to vector<16xi32>
      %add3A_757 = arith.addi %add3A_754, %add3A_756 : vector<16xi32>
      %add3A_758 = arith.addi %broadcast_in_dim3A_730, %add3A_757 : vector<16xi32>
      %gather3A_759 = tpu.vector_load_idx %arg6[%add3A_758] : memref<6400xf32, #tpu.memory_space<vmem>>[vector<16xi32>], vector<16xf32>,
      %lt3A_760 = arith.cmpf olt, %gather3A_759, %gather3A_725 : vector<16xf32>
      %jit3A_761 = arith.constant 8 : i32
      %jit3A_762 = arith.constant 0 : i32
      %broadcast_in_dim3A_763 = vector.broadcast %jit3A_761 : i32 to vector<16xi32>
      %broadcast_in_dim3A_764 = vector.broadcast %jit3A_762 : i32 to vector<16xi32>
      %select_n3A_765 = arith.select %lt3A_760, %broadcast_in_dim3A_763, %broadcast_in_dim3A_764 : vector<16xi1>, vector<16xi32>
      %add3A_766 = arith.addi %add3A_754, %select_n3A_765 : vector<16xi32>
      %add3A_767 = arith.constant 3 : i32
      %add3A_768 = vector.broadcast %add3A_767 : i32 to vector<16xi32>
      %add3A_769 = arith.addi %add3A_766, %add3A_768 : vector<16xi32>
      %add3A_770 = arith.addi %broadcast_in_dim3A_730, %add3A_769 : vector<16xi32>
      %gather3A_771 = tpu.vector_load_idx %arg6[%add3A_770] : memref<6400xf32, #tpu.memory_space<vmem>>[vector<16xi32>], vector<16xf32>,
      %lt3A_772 = arith.cmpf olt, %gather3A_771, %gather3A_725 : vector<16xf32>
      %jit3A_773 = arith.constant 4 : i32
      %jit3A_774 = arith.constant 0 : i32
      %broadcast_in_dim3A_775 = vector.broadcast %jit3A_773 : i32 to vector<16xi32>
      %broadcast_in_dim3A_776 = vector.broadcast %jit3A_774 : i32 to vector<16xi32>
      %select_n3A_777 = arith.select %lt3A_772, %broadcast_in_dim3A_775, %broadcast_in_dim3A_776 : vector<16xi1>, vector<16xi32>
      %add3A_778 = arith.addi %add3A_766, %select_n3A_777 : vector<16xi32>
      %add3A_779 = arith.constant 1 : i32
      %add3A_780 = vector.broadcast %add3A_779 : i32 to vector<16xi32>
      %add3A_781 = arith.addi %add3A_778, %add3A_780 : vector<16xi32>
      %add3A_782 = arith.addi %broadcast_in_dim3A_730, %add3A_781 : vector<16xi32>
      %gather3A_783 = tpu.vector_load_idx %arg6[%add3A_782] : memref<6400xf32, #tpu.memory_space<vmem>>[vector<16xi32>], vector<16xf32>,
      %lt3A_784 = arith.cmpf olt, %gather3A_783, %gather3A_725 : vector<16xf32>
      %jit3A_785 = arith.constant 2 : i32
      %jit3A_786 = arith.constant 0 : i32
      %broadcast_in_dim3A_787 = vector.broadcast %jit3A_785 : i32 to vector<16xi32>
      %broadcast_in_dim3A_788 = vector.broadcast %jit3A_786 : i32 to vector<16xi32>
      %select_n3A_789 = arith.select %lt3A_784, %broadcast_in_dim3A_787, %broadcast_in_dim3A_788 : vector<16xi1>, vector<16xi32>
      %add3A_790 = arith.addi %add3A_778, %select_n3A_789 : vector<16xi32>
      %add3A_791 = arith.constant 0 : i32
      %add3A_792 = vector.broadcast %add3A_791 : i32 to vector<16xi32>
      %add3A_793 = arith.addi %add3A_790, %add3A_792 : vector<16xi32>
      %add3A_794 = arith.addi %broadcast_in_dim3A_730, %add3A_793 : vector<16xi32>
      %gather3A_795 = tpu.vector_load_idx %arg6[%add3A_794] : memref<6400xf32, #tpu.memory_space<vmem>>[vector<16xi32>], vector<16xf32>,
      %lt3A_796 = arith.cmpf olt, %gather3A_795, %gather3A_725 : vector<16xf32>
      %jit3A_797 = arith.constant 1 : i32
      %jit3A_798 = arith.constant 0 : i32
      %broadcast_in_dim3A_799 = vector.broadcast %jit3A_797 : i32 to vector<16xi32>
      %broadcast_in_dim3A_800 = vector.broadcast %jit3A_798 : i32 to vector<16xi32>
      %select_n3A_801 = arith.select %lt3A_796, %broadcast_in_dim3A_799, %broadcast_in_dim3A_800 : vector<16xi1>, vector<16xi32>
      %add3A_802 = arith.addi %add3A_790, %select_n3A_801 : vector<16xi32>
      %add3A_803 = arith.constant 0 : i32
      %add3A_804 = vector.broadcast %add3A_803 : i32 to vector<16xi32>
      %add3A_805 = arith.addi %add3A_802, %add3A_804 : vector<16xi32>
      %add3A_806 = arith.addi %broadcast_in_dim3A_730, %add3A_805 : vector<16xi32>
      %gather3A_807 = tpu.vector_load_idx %arg6[%add3A_806] : memref<6400xf32, #tpu.memory_space<vmem>>[vector<16xi32>], vector<16xf32>,
      %lt3A_808 = arith.cmpf olt, %gather3A_807, %gather3A_725 : vector<16xf32>
      %jit3A_809 = arith.constant 1 : i32
      %jit3A_810 = arith.constant 0 : i32
      %broadcast_in_dim3A_811 = vector.broadcast %jit3A_809 : i32 to vector<16xi32>
      %broadcast_in_dim3A_812 = vector.broadcast %jit3A_810 : i32 to vector<16xi32>
      %select_n3A_813 = arith.select %lt3A_808, %broadcast_in_dim3A_811, %broadcast_in_dim3A_812 : vector<16xi1>, vector<16xi32>
      %add3A_814 = arith.addi %add3A_802, %select_n3A_813 : vector<16xi32>
      %mul3A_815 = arith.constant 104 : i32
      %mul3A_816 = vector.broadcast %mul3A_815 : i32 to vector<16xi32>
      %mul3A_817 = arith.muli %iota3A, %mul3A_816 : vector<16xi32>
      %add3A_818 = vector.broadcast %scan3A_716 : i32 to vector<16xi32>
      %add3A_819 = arith.addi %mul3A_817, %add3A_818 : vector<16xi32>
      %mul3A_820 = arith.constant 64 : i32
      %mul3A_821 = arith.muli %scan3A_716, %mul3A_820 : i32
      %add3A_822 = vector.broadcast %mul3A_821 : i32 to vector<16xi32>
      %add3A_823 = arith.addi %add3A_822, %add3A_814 : vector<16xi32>
      %add3A_824 = arith.constant 1 : i32
      %add3A_825 = vector.broadcast %add3A_824 : i32 to vector<16xi32>
      %add3A_826 = arith.addi %add3A_823, %add3A_825 : vector<16xi32>
      %scatter3A_827 = arith.constant 0 : i32
      %scatter3A_828 = tpu.memref_slice %arg8[%scan3A_48, %scatter3A_827] : memref<2x1664xi32, #tpu.memory_space<vmem>> -> memref<1x1664xi32, #tpu.memory_space<vmem>>
      %scatter3A_829 = tpu.memref_squeeze %scatter3A_828 : memref<1x1664xi32, #tpu.memory_space<vmem>> -> memref<1664xi32, #tpu.memory_space<vmem>>
      tpu.vector_store_idx %scatter3A_829[%add3A_819], %add3A_826 : memref<1664xi32, #tpu.memory_space<vmem>>[vector<16xi32>], vector<16xi32>,
    }
    %scan3A_53 = arith.constant 100 : i32
    %add3A_54 = arith.constant 32 : i32
    %add3A_55 = arith.addi %mul3A_2, %add3A_54 : i32
    %mul3A_56 = arith.constant 100 : i32
    %mul3A_57 = arith.muli %add3A_55, %mul3A_56 : i32
    %dma_start3A_58 = arith.constant 0 : i32
    %dma_start3A_59 = arith.constant 0 : i32
    %dma_start3A_60 = arith.constant 0 : i32
    %dma_start3A_61 = tpu.memref_slice %arg7[%dma_start3A_58, %dma_start3A_60] : memref<2x1600xf32, #tpu.memory_space<vmem>> -> memref<1x1600xf32, #tpu.memory_space<vmem>>
    %dma_start3A_62 = tpu.memref_squeeze %dma_start3A_61 : memref<1x1600xf32, #tpu.memory_space<vmem>> -> memref<1600xf32, #tpu.memory_space<vmem>>
    %dma_start3A_63 = tpu.memref_slice %arg2[%mul3A_57] : memref<1638400xf32, #tpu.memory_space<hbm>> -> memref<1600xf32, #tpu.memory_space<hbm>>
    %dma_start3A_64 = tpu.memref_slice %arg11[%dma_start3A_59] : memref<2x!tpu.dma_semaphore, #tpu.memory_space<semaphore_mem>> -> memref<1x!tpu.dma_semaphore, #tpu.memory_space<semaphore_mem>>
    %dma_start3A_65 = tpu.memref_squeeze %dma_start3A_64 : memref<1x!tpu.dma_semaphore, #tpu.memory_space<semaphore_mem>> -> memref<!tpu.dma_semaphore, #tpu.memory_space<semaphore_mem>>
    %dma_start3A_66 = arith.constant 0 : i32
    %dma_start3A_67 = tpu.memref_slice %arg7[%dma_start3A_58, %dma_start3A_66] : memref<2x1600xf32, #tpu.memory_space<vmem>> -> memref<1x1600xf32, #tpu.memory_space<vmem>>
    %dma_start3A_68 = tpu.memref_squeeze %dma_start3A_67 : memref<1x1600xf32, #tpu.memory_space<vmem>> -> memref<1600xf32, #tpu.memory_space<vmem>>
    %dma_start3A_69 = tpu.memref_slice %arg2[%mul3A_57] : memref<1638400xf32, #tpu.memory_space<hbm>> -> memref<1600xf32, #tpu.memory_space<hbm>>
    tpu.enqueue_dma source(%dma_start3A_69 : memref<1600xf32, #tpu.memory_space<hbm>>) target(%dma_start3A_68 : memref<1600xf32, #tpu.memory_space<vmem>>) target_semaphore(%dma_start3A_65 : memref<!tpu.dma_semaphore, #tpu.memory_space<semaphore_mem>>)
    %dma_start3A_70 = arith.constant 0 : i32
    %dma_start3A_71 = arith.constant 0 : i32
    %dma_start3A_72 = arith.constant 0 : i32
    %dma_start3A_73 = arith.constant 0 : i32
    %dma_start3A_74 = arith.constant 0 : i32
    %dma_start3A_75 = tpu.memref_slice %arg9[%dma_start3A_71, %dma_start3A_73, %dma_start3A_74] : memref<2x1600x32xbf16, #tpu.memory_space<vmem>> -> memref<1x100x32xbf16, #tpu.memory_space<vmem>>
    %dma_start3A_76 = tpu.memref_squeeze %dma_start3A_75 : memref<1x100x32xbf16, #tpu.memory_space<vmem>> -> memref<100x32xbf16, #tpu.memory_space<vmem>>
    %dma_start3A_77 = arith.constant 0 : i32
    %dma_start3A_78 = tpu.memref_slice %arg8[%dma_start3A_70, %dma_start3A_77] : memref<2x1664xi32, #tpu.memory_space<vmem>> -> memref<1x1664xi32, #tpu.memory_space<vmem>>
    %dma_start3A_79 = tpu.memref_squeeze %dma_start3A_78 : memref<1x1664xi32, #tpu.memory_space<vmem>> -> memref<1664xi32, #tpu.memory_space<vmem>>
    %dma_start3A_80 = arith.constant 0 : i32
    %dma_start3A_81 = tpu.memref_slice %dma_start3A_79[%dma_start3A_80] : memref<1664xi32, #tpu.memory_space<vmem>> -> memref<100xi32, #tpu.memory_space<vmem>>
    %dma_start3A_82 = arith.constant 0 : i32
    %dma_start3A_83 = arith.constant 0 : i32
    %dma_start3A_84 = tpu.memref_slice %arg4[%dma_start3A_82, %dma_start3A_83] : memref<6402x32xbf16, #tpu.memory_space<hbm>> -> memref<6402x32xbf16, #tpu.memory_space<hbm>>
    %dma_start3A_85 = tpu.memref_slice %arg12[%dma_start3A_72] : memref<2x!tpu.dma_semaphore, #tpu.memory_space<semaphore_mem>> -> memref<1x!tpu.dma_semaphore, #tpu.memory_space<semaphore_mem>>
    %dma_start3A_86 = tpu.memref_squeeze %dma_start3A_85 : memref<1x!tpu.dma_semaphore, #tpu.memory_space<semaphore_mem>> -> memref<!tpu.dma_semaphore, #tpu.memory_space<semaphore_mem>>
    tpu.enqueue_indirect_dma source(%dma_start3A_84 : memref<6402x32xbf16, #tpu.memory_space<hbm>>) target(%dma_start3A_76 : memref<100x32xbf16, #tpu.memory_space<vmem>>) offsets(%dma_start3A_81 : memref<100xi32, #tpu.memory_space<vmem>>) semaphore(%dma_start3A_86 : memref<!tpu.dma_semaphore, #tpu.memory_space<semaphore_mem>>)
    %dma_start3A_87 = arith.constant 0 : i32
    %dma_start3A_88 = arith.constant 0 : i32
    %dma_start3A_89 = arith.constant 0 : i32
    %dma_start3A_90 = arith.constant 100 : i32
    %dma_start3A_91 = arith.constant 0 : i32
    %dma_start3A_92 = tpu.memref_slice %arg9[%dma_start3A_88, %dma_start3A_90, %dma_start3A_91] : memref<2x1600x32xbf16, #tpu.memory_space<vmem>> -> memref<1x100x32xbf16, #tpu.memory_space<vmem>>
    %dma_start3A_93 = tpu.memref_squeeze %dma_start3A_92 : memref<1x100x32xbf16, #tpu.memory_space<vmem>> -> memref<100x32xbf16, #tpu.memory_space<vmem>>
    %dma_start3A_94 = arith.constant 0 : i32
    %dma_start3A_95 = tpu.memref_slice %arg8[%dma_start3A_87, %dma_start3A_94] : memref<2x1664xi32, #tpu.memory_space<vmem>> -> memref<1x1664xi32, #tpu.memory_space<vmem>>
    %dma_start3A_96 = tpu.memref_squeeze %dma_start3A_95 : memref<1x1664xi32, #tpu.memory_space<vmem>> -> memref<1664xi32, #tpu.memory_space<vmem>>
    %dma_start3A_97 = arith.constant 104 : i32
    %dma_start3A_98 = tpu.memref_slice %dma_start3A_96[%dma_start3A_97] : memref<1664xi32, #tpu.memory_space<vmem>> -> memref<100xi32, #tpu.memory_space<vmem>>
    %dma_start3A_99 = arith.constant 0 : i32
    %dma_start3A_100 = arith.constant 0 : i32
    %dma_start3A_101 = tpu.memref_slice %arg4[%dma_start3A_99, %dma_start3A_100] : memref<6402x32xbf16, #tpu.memory_space<hbm>> -> memref<6402x32xbf16, #tpu.memory_space<hbm>>
    %dma_start3A_102 = tpu.memref_slice %arg12[%dma_start3A_89] : memref<2x!tpu.dma_semaphore, #tpu.memory_space<semaphore_mem>> -> memref<1x!tpu.dma_semaphore, #tpu.memory_space<semaphore_mem>>
    %dma_start3A_103 = tpu.memref_squeeze %dma_start3A_102 : memref<1x!tpu.dma_semaphore, #tpu.memory_space<semaphore_mem>> -> memref<!tpu.dma_semaphore, #tpu.memory_space<semaphore_mem>>
    tpu.enqueue_indirect_dma source(%dma_start3A_101 : memref<6402x32xbf16, #tpu.memory_space<hbm>>) target(%dma_start3A_93 : memref<100x32xbf16, #tpu.memory_space<vmem>>) offsets(%dma_start3A_98 : memref<100xi32, #tpu.memory_space<vmem>>) semaphore(%dma_start3A_103 : memref<!tpu.dma_semaphore, #tpu.memory_space<semaphore_mem>>)
    %dma_start3A_104 = arith.constant 0 : i32
    %dma_start3A_105 = arith.constant 0 : i32
    %dma_start3A_106 = arith.constant 0 : i32
    %dma_start3A_107 = arith.constant 200 : i32
    %dma_start3A_108 = arith.constant 0 : i32
    %dma_start3A_109 = tpu.memref_slice %arg9[%dma_start3A_105, %dma_start3A_107, %dma_start3A_108] : memref<2x1600x32xbf16, #tpu.memory_space<vmem>> -> memref<1x100x32xbf16, #tpu.memory_space<vmem>>
    %dma_start3A_110 = tpu.memref_squeeze %dma_start3A_109 : memref<1x100x32xbf16, #tpu.memory_space<vmem>> -> memref<100x32xbf16, #tpu.memory_space<vmem>>
    %dma_start3A_111 = arith.constant 0 : i32
    %dma_start3A_112 = tpu.memref_slice %arg8[%dma_start3A_104, %dma_start3A_111] : memref<2x1664xi32, #tpu.memory_space<vmem>> -> memref<1x1664xi32, #tpu.memory_space<vmem>>
    %dma_start3A_113 = tpu.memref_squeeze %dma_start3A_112 : memref<1x1664xi32, #tpu.memory_space<vmem>> -> memref<1664xi32, #tpu.memory_space<vmem>>
    %dma_start3A_114 = arith.constant 208 : i32
    %dma_start3A_115 = tpu.memref_slice %dma_start3A_113[%dma_start3A_114] : memref<1664xi32, #tpu.memory_space<vmem>> -> memref<100xi32, #tpu.memory_space<vmem>>
    %dma_start3A_116 = arith.constant 0 : i32
    %dma_start3A_117 = arith.constant 0 : i32
    %dma_start3A_118 = tpu.memref_slice %arg4[%dma_start3A_116, %dma_start3A_117] : memref<6402x32xbf16, #tpu.memory_space<hbm>> -> memref<6402x32xbf16, #tpu.memory_space<hbm>>
    %dma_start3A_119 = tpu.memref_slice %arg12[%dma_start3A_106] : memref<2x!tpu.dma_semaphore, #tpu.memory_space<semaphore_mem>> -> memref<1x!tpu.dma_semaphore, #tpu.memory_space<semaphore_mem>>
    %dma_start3A_120 = tpu.memref_squeeze %dma_start3A_119 : memref<1x!tpu.dma_semaphore, #tpu.memory_space<semaphore_mem>> -> memref<!tpu.dma_semaphore, #tpu.memory_space<semaphore_mem>>
    tpu.enqueue_indirect_dma source(%dma_start3A_118 : memref<6402x32xbf16, #tpu.memory_space<hbm>>) target(%dma_start3A_110 : memref<100x32xbf16, #tpu.memory_space<vmem>>) offsets(%dma_start3A_115 : memref<100xi32, #tpu.memory_space<vmem>>) semaphore(%dma_start3A_120 : memref<!tpu.dma_semaphore, #tpu.memory_space<semaphore_mem>>)
    %dma_start3A_121 = arith.constant 0 : i32
    %dma_start3A_122 = arith.constant 0 : i32
    %dma_start3A_123 = arith.constant 0 : i32
    %dma_start3A_124 = arith.constant 300 : i32
    %dma_start3A_125 = arith.constant 0 : i32
    %dma_start3A_126 = tpu.memref_slice %arg9[%dma_start3A_122, %dma_start3A_124, %dma_start3A_125] : memref<2x1600x32xbf16, #tpu.memory_space<vmem>> -> memref<1x100x32xbf16, #tpu.memory_space<vmem>>
    %dma_start3A_127 = tpu.memref_squeeze %dma_start3A_126 : memref<1x100x32xbf16, #tpu.memory_space<vmem>> -> memref<100x32xbf16, #tpu.memory_space<vmem>>
    %dma_start3A_128 = arith.constant 0 : i32
    %dma_start3A_129 = tpu.memref_slice %arg8[%dma_start3A_121, %dma_start3A_128] : memref<2x1664xi32, #tpu.memory_space<vmem>> -> memref<1x1664xi32, #tpu.memory_space<vmem>>
    %dma_start3A_130 = tpu.memref_squeeze %dma_start3A_129 : memref<1x1664xi32, #tpu.memory_space<vmem>> -> memref<1664xi32, #tpu.memory_space<vmem>>
    %dma_start3A_131 = arith.constant 312 : i32
    %dma_start3A_132 = tpu.memref_slice %dma_start3A_130[%dma_start3A_131] : memref<1664xi32, #tpu.memory_space<vmem>> -> memref<100xi32, #tpu.memory_space<vmem>>
    %dma_start3A_133 = arith.constant 0 : i32
    %dma_start3A_134 = arith.constant 0 : i32
    %dma_start3A_135 = tpu.memref_slice %arg4[%dma_start3A_133, %dma_start3A_134] : memref<6402x32xbf16, #tpu.memory_space<hbm>> -> memref<6402x32xbf16, #tpu.memory_space<hbm>>
    %dma_start3A_136 = tpu.memref_slice %arg12[%dma_start3A_123] : memref<2x!tpu.dma_semaphore, #tpu.memory_space<semaphore_mem>> -> memref<1x!tpu.dma_semaphore, #tpu.memory_space<semaphore_mem>>
    %dma_start3A_137 = tpu.memref_squeeze %dma_start3A_136 : memref<1x!tpu.dma_semaphore, #tpu.memory_space<semaphore_mem>> -> memref<!tpu.dma_semaphore, #tpu.memory_space<semaphore_mem>>
    tpu.enqueue_indirect_dma source(%dma_start3A_135 : memref<6402x32xbf16, #tpu.memory_space<hbm>>) target(%dma_start3A_127 : memref<100x32xbf16, #tpu.memory_space<vmem>>) offsets(%dma_start3A_132 : memref<100xi32, #tpu.memory_space<vmem>>) semaphore(%dma_start3A_137 : memref<!tpu.dma_semaphore, #tpu.memory_space<semaphore_mem>>)
    %dma_start3A_138 = arith.constant 0 : i32
    %dma_start3A_139 = arith.constant 0 : i32
    %dma_start3A_140 = arith.constant 0 : i32
    %dma_start3A_141 = arith.constant 400 : i32
    %dma_start3A_142 = arith.constant 0 : i32
    %dma_start3A_143 = tpu.memref_slice %arg9[%dma_start3A_139, %dma_start3A_141, %dma_start3A_142] : memref<2x1600x32xbf16, #tpu.memory_space<vmem>> -> memref<1x100x32xbf16, #tpu.memory_space<vmem>>
    %dma_start3A_144 = tpu.memref_squeeze %dma_start3A_143 : memref<1x100x32xbf16, #tpu.memory_space<vmem>> -> memref<100x32xbf16, #tpu.memory_space<vmem>>
    %dma_start3A_145 = arith.constant 0 : i32
    %dma_start3A_146 = tpu.memref_slice %arg8[%dma_start3A_138, %dma_start3A_145] : memref<2x1664xi32, #tpu.memory_space<vmem>> -> memref<1x1664xi32, #tpu.memory_space<vmem>>
    %dma_start3A_147 = tpu.memref_squeeze %dma_start3A_146 : memref<1x1664xi32, #tpu.memory_space<vmem>> -> memref<1664xi32, #tpu.memory_space<vmem>>
    %dma_start3A_148 = arith.constant 416 : i32
    %dma_start3A_149 = tpu.memref_slice %dma_start3A_147[%dma_start3A_148] : memref<1664xi32, #tpu.memory_space<vmem>> -> memref<100xi32, #tpu.memory_space<vmem>>
    %dma_start3A_150 = arith.constant 0 : i32
    %dma_start3A_151 = arith.constant 0 : i32
    %dma_start3A_152 = tpu.memref_slice %arg4[%dma_start3A_150, %dma_start3A_151] : memref<6402x32xbf16, #tpu.memory_space<hbm>> -> memref<6402x32xbf16, #tpu.memory_space<hbm>>
    %dma_start3A_153 = tpu.memref_slice %arg12[%dma_start3A_140] : memref<2x!tpu.dma_semaphore, #tpu.memory_space<semaphore_mem>> -> memref<1x!tpu.dma_semaphore, #tpu.memory_space<semaphore_mem>>
    %dma_start3A_154 = tpu.memref_squeeze %dma_start3A_153 : memref<1x!tpu.dma_semaphore, #tpu.memory_space<semaphore_mem>> -> memref<!tpu.dma_semaphore, #tpu.memory_space<semaphore_mem>>
    tpu.enqueue_indirect_dma source(%dma_start3A_152 : memref<6402x32xbf16, #tpu.memory_space<hbm>>) target(%dma_start3A_144 : memref<100x32xbf16, #tpu.memory_space<vmem>>) offsets(%dma_start3A_149 : memref<100xi32, #tpu.memory_space<vmem>>) semaphore(%dma_start3A_154 : memref<!tpu.dma_semaphore, #tpu.memory_space<semaphore_mem>>)
    %dma_start3A_155 = arith.constant 0 : i32
    %dma_start3A_156 = arith.constant 0 : i32
    %dma_start3A_157 = arith.constant 0 : i32
    %dma_start3A_158 = arith.constant 500 : i32
    %dma_start3A_159 = arith.constant 0 : i32
    %dma_start3A_160 = tpu.memref_slice %arg9[%dma_start3A_156, %dma_start3A_158, %dma_start3A_159] : memref<2x1600x32xbf16, #tpu.memory_space<vmem>> -> memref<1x100x32xbf16, #tpu.memory_space<vmem>>
    %dma_start3A_161 = tpu.memref_squeeze %dma_start3A_160 : memref<1x100x32xbf16, #tpu.memory_space<vmem>> -> memref<100x32xbf16, #tpu.memory_space<vmem>>
    %dma_start3A_162 = arith.constant 0 : i32
    %dma_start3A_163 = tpu.memref_slice %arg8[%dma_start3A_155, %dma_start3A_162] : memref<2x1664xi32, #tpu.memory_space<vmem>> -> memref<1x1664xi32, #tpu.memory_space<vmem>>
    %dma_start3A_164 = tpu.memref_squeeze %dma_start3A_163 : memref<1x1664xi32, #tpu.memory_space<vmem>> -> memref<1664xi32, #tpu.memory_space<vmem>>
    %dma_start3A_165 = arith.constant 520 : i32
    %dma_start3A_166 = tpu.memref_slice %dma_start3A_164[%dma_start3A_165] : memref<1664xi32, #tpu.memory_space<vmem>> -> memref<100xi32, #tpu.memory_space<vmem>>
    %dma_start3A_167 = arith.constant 0 : i32
    %dma_start3A_168 = arith.constant 0 : i32
    %dma_start3A_169 = tpu.memref_slice %arg4[%dma_start3A_167, %dma_start3A_168] : memref<6402x32xbf16, #tpu.memory_space<hbm>> -> memref<6402x32xbf16, #tpu.memory_space<hbm>>
    %dma_start3A_170 = tpu.memref_slice %arg12[%dma_start3A_157] : memref<2x!tpu.dma_semaphore, #tpu.memory_space<semaphore_mem>> -> memref<1x!tpu.dma_semaphore, #tpu.memory_space<semaphore_mem>>
    %dma_start3A_171 = tpu.memref_squeeze %dma_start3A_170 : memref<1x!tpu.dma_semaphore, #tpu.memory_space<semaphore_mem>> -> memref<!tpu.dma_semaphore, #tpu.memory_space<semaphore_mem>>
    tpu.enqueue_indirect_dma source(%dma_start3A_169 : memref<6402x32xbf16, #tpu.memory_space<hbm>>) target(%dma_start3A_161 : memref<100x32xbf16, #tpu.memory_space<vmem>>) offsets(%dma_start3A_166 : memref<100xi32, #tpu.memory_space<vmem>>) semaphore(%dma_start3A_171 : memref<!tpu.dma_semaphore, #tpu.memory_space<semaphore_mem>>)
    %dma_start3A_172 = arith.constant 0 : i32
    %dma_start3A_173 = arith.constant 0 : i32
    %dma_start3A_174 = arith.constant 0 : i32
    %dma_start3A_175 = arith.constant 600 : i32
    %dma_start3A_176 = arith.constant 0 : i32
    %dma_start3A_177 = tpu.memref_slice %arg9[%dma_start3A_173, %dma_start3A_175, %dma_start3A_176] : memref<2x1600x32xbf16, #tpu.memory_space<vmem>> -> memref<1x100x32xbf16, #tpu.memory_space<vmem>>
    %dma_start3A_178 = tpu.memref_squeeze %dma_start3A_177 : memref<1x100x32xbf16, #tpu.memory_space<vmem>> -> memref<100x32xbf16, #tpu.memory_space<vmem>>
    %dma_start3A_179 = arith.constant 0 : i32
    %dma_start3A_180 = tpu.memref_slice %arg8[%dma_start3A_172, %dma_start3A_179] : memref<2x1664xi32, #tpu.memory_space<vmem>> -> memref<1x1664xi32, #tpu.memory_space<vmem>>
    %dma_start3A_181 = tpu.memref_squeeze %dma_start3A_180 : memref<1x1664xi32, #tpu.memory_space<vmem>> -> memref<1664xi32, #tpu.memory_space<vmem>>
    %dma_start3A_182 = arith.constant 624 : i32
    %dma_start3A_183 = tpu.memref_slice %dma_start3A_181[%dma_start3A_182] : memref<1664xi32, #tpu.memory_space<vmem>> -> memref<100xi32, #tpu.memory_space<vmem>>
    %dma_start3A_184 = arith.constant 0 : i32
    %dma_start3A_185 = arith.constant 0 : i32
    %dma_start3A_186 = tpu.memref_slice %arg4[%dma_start3A_184, %dma_start3A_185] : memref<6402x32xbf16, #tpu.memory_space<hbm>> -> memref<6402x32xbf16, #tpu.memory_space<hbm>>
    %dma_start3A_187 = tpu.memref_slice %arg12[%dma_start3A_174] : memref<2x!tpu.dma_semaphore, #tpu.memory_space<semaphore_mem>> -> memref<1x!tpu.dma_semaphore, #tpu.memory_space<semaphore_mem>>
    %dma_start3A_188 = tpu.memref_squeeze %dma_start3A_187 : memref<1x!tpu.dma_semaphore, #tpu.memory_space<semaphore_mem>> -> memref<!tpu.dma_semaphore, #tpu.memory_space<semaphore_mem>>
    tpu.enqueue_indirect_dma source(%dma_start3A_186 : memref<6402x32xbf16, #tpu.memory_space<hbm>>) target(%dma_start3A_178 : memref<100x32xbf16, #tpu.memory_space<vmem>>) offsets(%dma_start3A_183 : memref<100xi32, #tpu.memory_space<vmem>>) semaphore(%dma_start3A_188 : memref<!tpu.dma_semaphore, #tpu.memory_space<semaphore_mem>>)
    %dma_start3A_189 = arith.constant 0 : i32
    %dma_start3A_190 = arith.constant 0 : i32
    %dma_start3A_191 = arith.constant 0 : i32
    %dma_start3A_192 = arith.constant 700 : i32
    %dma_start3A_193 = arith.constant 0 : i32
    %dma_start3A_194 = tpu.memref_slice %arg9[%dma_start3A_190, %dma_start3A_192, %dma_start3A_193] : memref<2x1600x32xbf16, #tpu.memory_space<vmem>> -> memref<1x100x32xbf16, #tpu.memory_space<vmem>>
    %dma_start3A_195 = tpu.memref_squeeze %dma_start3A_194 : memref<1x100x32xbf16, #tpu.memory_space<vmem>> -> memref<100x32xbf16, #tpu.memory_space<vmem>>
    %dma_start3A_196 = arith.constant 0 : i32
    %dma_start3A_197 = tpu.memref_slice %arg8[%dma_start3A_189, %dma_start3A_196] : memref<2x1664xi32, #tpu.memory_space<vmem>> -> memref<1x1664xi32, #tpu.memory_space<vmem>>
    %dma_start3A_198 = tpu.memref_squeeze %dma_start3A_197 : memref<1x1664xi32, #tpu.memory_space<vmem>> -> memref<1664xi32, #tpu.memory_space<vmem>>
    %dma_start3A_199 = arith.constant 728 : i32
    %dma_start3A_200 = tpu.memref_slice %dma_start3A_198[%dma_start3A_199] : memref<1664xi32, #tpu.memory_space<vmem>> -> memref<100xi32, #tpu.memory_space<vmem>>
    %dma_start3A_201 = arith.constant 0 : i32
    %dma_start3A_202 = arith.constant 0 : i32
    %dma_start3A_203 = tpu.memref_slice %arg4[%dma_start3A_201, %dma_start3A_202] : memref<6402x32xbf16, #tpu.memory_space<hbm>> -> memref<6402x32xbf16, #tpu.memory_space<hbm>>
    %dma_start3A_204 = tpu.memref_slice %arg12[%dma_start3A_191] : memref<2x!tpu.dma_semaphore, #tpu.memory_space<semaphore_mem>> -> memref<1x!tpu.dma_semaphore, #tpu.memory_space<semaphore_mem>>
    %dma_start3A_205 = tpu.memref_squeeze %dma_start3A_204 : memref<1x!tpu.dma_semaphore, #tpu.memory_space<semaphore_mem>> -> memref<!tpu.dma_semaphore, #tpu.memory_space<semaphore_mem>>
    tpu.enqueue_indirect_dma source(%dma_start3A_203 : memref<6402x32xbf16, #tpu.memory_space<hbm>>) target(%dma_start3A_195 : memref<100x32xbf16, #tpu.memory_space<vmem>>) offsets(%dma_start3A_200 : memref<100xi32, #tpu.memory_space<vmem>>) semaphore(%dma_start3A_205 : memref<!tpu.dma_semaphore, #tpu.memory_space<semaphore_mem>>)
    %dma_start3A_206 = arith.constant 0 : i32
    %dma_start3A_207 = arith.constant 0 : i32
    %dma_start3A_208 = arith.constant 0 : i32
    %dma_start3A_209 = arith.constant 800 : i32
    %dma_start3A_210 = arith.constant 0 : i32
    %dma_start3A_211 = tpu.memref_slice %arg9[%dma_start3A_207, %dma_start3A_209, %dma_start3A_210] : memref<2x1600x32xbf16, #tpu.memory_space<vmem>> -> memref<1x100x32xbf16, #tpu.memory_space<vmem>>
    %dma_start3A_212 = tpu.memref_squeeze %dma_start3A_211 : memref<1x100x32xbf16, #tpu.memory_space<vmem>> -> memref<100x32xbf16, #tpu.memory_space<vmem>>
    %dma_start3A_213 = arith.constant 0 : i32
    %dma_start3A_214 = tpu.memref_slice %arg8[%dma_start3A_206, %dma_start3A_213] : memref<2x1664xi32, #tpu.memory_space<vmem>> -> memref<1x1664xi32, #tpu.memory_space<vmem>>
    %dma_start3A_215 = tpu.memref_squeeze %dma_start3A_214 : memref<1x1664xi32, #tpu.memory_space<vmem>> -> memref<1664xi32, #tpu.memory_space<vmem>>
    %dma_start3A_216 = arith.constant 832 : i32
    %dma_start3A_217 = tpu.memref_slice %dma_start3A_215[%dma_start3A_216] : memref<1664xi32, #tpu.memory_space<vmem>> -> memref<100xi32, #tpu.memory_space<vmem>>
    %dma_start3A_218 = arith.constant 0 : i32
    %dma_start3A_219 = arith.constant 0 : i32
    %dma_start3A_220 = tpu.memref_slice %arg4[%dma_start3A_218, %dma_start3A_219] : memref<6402x32xbf16, #tpu.memory_space<hbm>> -> memref<6402x32xbf16, #tpu.memory_space<hbm>>
    %dma_start3A_221 = tpu.memref_slice %arg12[%dma_start3A_208] : memref<2x!tpu.dma_semaphore, #tpu.memory_space<semaphore_mem>> -> memref<1x!tpu.dma_semaphore, #tpu.memory_space<semaphore_mem>>
    %dma_start3A_222 = tpu.memref_squeeze %dma_start3A_221 : memref<1x!tpu.dma_semaphore, #tpu.memory_space<semaphore_mem>> -> memref<!tpu.dma_semaphore, #tpu.memory_space<semaphore_mem>>
    tpu.enqueue_indirect_dma source(%dma_start3A_220 : memref<6402x32xbf16, #tpu.memory_space<hbm>>) target(%dma_start3A_212 : memref<100x32xbf16, #tpu.memory_space<vmem>>) offsets(%dma_start3A_217 : memref<100xi32, #tpu.memory_space<vmem>>) semaphore(%dma_start3A_222 : memref<!tpu.dma_semaphore, #tpu.memory_space<semaphore_mem>>)
    %dma_start3A_223 = arith.constant 0 : i32
    %dma_start3A_224 = arith.constant 0 : i32
    %dma_start3A_225 = arith.constant 0 : i32
    %dma_start3A_226 = arith.constant 900 : i32
    %dma_start3A_227 = arith.constant 0 : i32
    %dma_start3A_228 = tpu.memref_slice %arg9[%dma_start3A_224, %dma_start3A_226, %dma_start3A_227] : memref<2x1600x32xbf16, #tpu.memory_space<vmem>> -> memref<1x100x32xbf16, #tpu.memory_space<vmem>>
    %dma_start3A_229 = tpu.memref_squeeze %dma_start3A_228 : memref<1x100x32xbf16, #tpu.memory_space<vmem>> -> memref<100x32xbf16, #tpu.memory_space<vmem>>
    %dma_start3A_230 = arith.constant 0 : i32
    %dma_start3A_231 = tpu.memref_slice %arg8[%dma_start3A_223, %dma_start3A_230] : memref<2x1664xi32, #tpu.memory_space<vmem>> -> memref<1x1664xi32, #tpu.memory_space<vmem>>
    %dma_start3A_232 = tpu.memref_squeeze %dma_start3A_231 : memref<1x1664xi32, #tpu.memory_space<vmem>> -> memref<1664xi32, #tpu.memory_space<vmem>>
    %dma_start3A_233 = arith.constant 936 : i32
    %dma_start3A_234 = tpu.memref_slice %dma_start3A_232[%dma_start3A_233] : memref<1664xi32, #tpu.memory_space<vmem>> -> memref<100xi32, #tpu.memory_space<vmem>>
    %dma_start3A_235 = arith.constant 0 : i32
    %dma_start3A_236 = arith.constant 0 : i32
    %dma_start3A_237 = tpu.memref_slice %arg4[%dma_start3A_235, %dma_start3A_236] : memref<6402x32xbf16, #tpu.memory_space<hbm>> -> memref<6402x32xbf16, #tpu.memory_space<hbm>>
    %dma_start3A_238 = tpu.memref_slice %arg12[%dma_start3A_225] : memref<2x!tpu.dma_semaphore, #tpu.memory_space<semaphore_mem>> -> memref<1x!tpu.dma_semaphore, #tpu.memory_space<semaphore_mem>>
    %dma_start3A_239 = tpu.memref_squeeze %dma_start3A_238 : memref<1x!tpu.dma_semaphore, #tpu.memory_space<semaphore_mem>> -> memref<!tpu.dma_semaphore, #tpu.memory_space<semaphore_mem>>
    tpu.enqueue_indirect_dma source(%dma_start3A_237 : memref<6402x32xbf16, #tpu.memory_space<hbm>>) target(%dma_start3A_229 : memref<100x32xbf16, #tpu.memory_space<vmem>>) offsets(%dma_start3A_234 : memref<100xi32, #tpu.memory_space<vmem>>) semaphore(%dma_start3A_239 : memref<!tpu.dma_semaphore, #tpu.memory_space<semaphore_mem>>)
    %dma_start3A_240 = arith.constant 0 : i32
    %dma_start3A_241 = arith.constant 0 : i32
    %dma_start3A_242 = arith.constant 0 : i32
    %dma_start3A_243 = arith.constant 1000 : i32
    %dma_start3A_244 = arith.constant 0 : i32
    %dma_start3A_245 = tpu.memref_slice %arg9[%dma_start3A_241, %dma_start3A_243, %dma_start3A_244] : memref<2x1600x32xbf16, #tpu.memory_space<vmem>> -> memref<1x100x32xbf16, #tpu.memory_space<vmem>>
    %dma_start3A_246 = tpu.memref_squeeze %dma_start3A_245 : memref<1x100x32xbf16, #tpu.memory_space<vmem>> -> memref<100x32xbf16, #tpu.memory_space<vmem>>
    %dma_start3A_247 = arith.constant 0 : i32
    %dma_start3A_248 = tpu.memref_slice %arg8[%dma_start3A_240, %dma_start3A_247] : memref<2x1664xi32, #tpu.memory_space<vmem>> -> memref<1x1664xi32, #tpu.memory_space<vmem>>
    %dma_start3A_249 = tpu.memref_squeeze %dma_start3A_248 : memref<1x1664xi32, #tpu.memory_space<vmem>> -> memref<1664xi32, #tpu.memory_space<vmem>>
    %dma_start3A_250 = arith.constant 1040 : i32
    %dma_start3A_251 = tpu.memref_slice %dma_start3A_249[%dma_start3A_250] : memref<1664xi32, #tpu.memory_space<vmem>> -> memref<100xi32, #tpu.memory_space<vmem>>
    %dma_start3A_252 = arith.constant 0 : i32
    %dma_start3A_253 = arith.constant 0 : i32
    %dma_start3A_254 = tpu.memref_slice %arg4[%dma_start3A_252, %dma_start3A_253] : memref<6402x32xbf16, #tpu.memory_space<hbm>> -> memref<6402x32xbf16, #tpu.memory_space<hbm>>
    %dma_start3A_255 = tpu.memref_slice %arg12[%dma_start3A_242] : memref<2x!tpu.dma_semaphore, #tpu.memory_space<semaphore_mem>> -> memref<1x!tpu.dma_semaphore, #tpu.memory_space<semaphore_mem>>
    %dma_start3A_256 = tpu.memref_squeeze %dma_start3A_255 : memref<1x!tpu.dma_semaphore, #tpu.memory_space<semaphore_mem>> -> memref<!tpu.dma_semaphore, #tpu.memory_space<semaphore_mem>>
    tpu.enqueue_indirect_dma source(%dma_start3A_254 : memref<6402x32xbf16, #tpu.memory_space<hbm>>) target(%dma_start3A_246 : memref<100x32xbf16, #tpu.memory_space<vmem>>) offsets(%dma_start3A_251 : memref<100xi32, #tpu.memory_space<vmem>>) semaphore(%dma_start3A_256 : memref<!tpu.dma_semaphore, #tpu.memory_space<semaphore_mem>>)
    %dma_start3A_257 = arith.constant 0 : i32
    %dma_start3A_258 = arith.constant 0 : i32
    %dma_start3A_259 = arith.constant 0 : i32
    %dma_start3A_260 = arith.constant 1100 : i32
    %dma_start3A_261 = arith.constant 0 : i32
    %dma_start3A_262 = tpu.memref_slice %arg9[%dma_start3A_258, %dma_start3A_260, %dma_start3A_261] : memref<2x1600x32xbf16, #tpu.memory_space<vmem>> -> memref<1x100x32xbf16, #tpu.memory_space<vmem>>
    %dma_start3A_263 = tpu.memref_squeeze %dma_start3A_262 : memref<1x100x32xbf16, #tpu.memory_space<vmem>> -> memref<100x32xbf16, #tpu.memory_space<vmem>>
    %dma_start3A_264 = arith.constant 0 : i32
    %dma_start3A_265 = tpu.memref_slice %arg8[%dma_start3A_257, %dma_start3A_264] : memref<2x1664xi32, #tpu.memory_space<vmem>> -> memref<1x1664xi32, #tpu.memory_space<vmem>>
    %dma_start3A_266 = tpu.memref_squeeze %dma_start3A_265 : memref<1x1664xi32, #tpu.memory_space<vmem>> -> memref<1664xi32, #tpu.memory_space<vmem>>
    %dma_start3A_267 = arith.constant 1144 : i32
    %dma_start3A_268 = tpu.memref_slice %dma_start3A_266[%dma_start3A_267] : memref<1664xi32, #tpu.memory_space<vmem>> -> memref<100xi32, #tpu.memory_space<vmem>>
    %dma_start3A_269 = arith.constant 0 : i32
    %dma_start3A_270 = arith.constant 0 : i32
    %dma_start3A_271 = tpu.memref_slice %arg4[%dma_start3A_269, %dma_start3A_270] : memref<6402x32xbf16, #tpu.memory_space<hbm>> -> memref<6402x32xbf16, #tpu.memory_space<hbm>>
    %dma_start3A_272 = tpu.memref_slice %arg12[%dma_start3A_259] : memref<2x!tpu.dma_semaphore, #tpu.memory_space<semaphore_mem>> -> memref<1x!tpu.dma_semaphore, #tpu.memory_space<semaphore_mem>>
    %dma_start3A_273 = tpu.memref_squeeze %dma_start3A_272 : memref<1x!tpu.dma_semaphore, #tpu.memory_space<semaphore_mem>> -> memref<!tpu.dma_semaphore, #tpu.memory_space<semaphore_mem>>
    tpu.enqueue_indirect_dma source(%dma_start3A_271 : memref<6402x32xbf16, #tpu.memory_space<hbm>>) target(%dma_start3A_263 : memref<100x32xbf16, #tpu.memory_space<vmem>>) offsets(%dma_start3A_268 : memref<100xi32, #tpu.memory_space<vmem>>) semaphore(%dma_start3A_273 : memref<!tpu.dma_semaphore, #tpu.memory_space<semaphore_mem>>)
    %dma_start3A_274 = arith.constant 0 : i32
    %dma_start3A_275 = arith.constant 0 : i32
    %dma_start3A_276 = arith.constant 0 : i32
    %dma_start3A_277 = arith.constant 1200 : i32
    %dma_start3A_278 = arith.constant 0 : i32
    %dma_start3A_279 = tpu.memref_slice %arg9[%dma_start3A_275, %dma_start3A_277, %dma_start3A_278] : memref<2x1600x32xbf16, #tpu.memory_space<vmem>> -> memref<1x100x32xbf16, #tpu.memory_space<vmem>>
    %dma_start3A_280 = tpu.memref_squeeze %dma_start3A_279 : memref<1x100x32xbf16, #tpu.memory_space<vmem>> -> memref<100x32xbf16, #tpu.memory_space<vmem>>
    %dma_start3A_281 = arith.constant 0 : i32
    %dma_start3A_282 = tpu.memref_slice %arg8[%dma_start3A_274, %dma_start3A_281] : memref<2x1664xi32, #tpu.memory_space<vmem>> -> memref<1x1664xi32, #tpu.memory_space<vmem>>
    %dma_start3A_283 = tpu.memref_squeeze %dma_start3A_282 : memref<1x1664xi32, #tpu.memory_space<vmem>> -> memref<1664xi32, #tpu.memory_space<vmem>>
    %dma_start3A_284 = arith.constant 1248 : i32
    %dma_start3A_285 = tpu.memref_slice %dma_start3A_283[%dma_start3A_284] : memref<1664xi32, #tpu.memory_space<vmem>> -> memref<100xi32, #tpu.memory_space<vmem>>
    %dma_start3A_286 = arith.constant 0 : i32
    %dma_start3A_287 = arith.constant 0 : i32
    %dma_start3A_288 = tpu.memref_slice %arg4[%dma_start3A_286, %dma_start3A_287] : memref<6402x32xbf16, #tpu.memory_space<hbm>> -> memref<6402x32xbf16, #tpu.memory_space<hbm>>
    %dma_start3A_289 = tpu.memref_slice %arg12[%dma_start3A_276] : memref<2x!tpu.dma_semaphore, #tpu.memory_space<semaphore_mem>> -> memref<1x!tpu.dma_semaphore, #tpu.memory_space<semaphore_mem>>
    %dma_start3A_290 = tpu.memref_squeeze %dma_start3A_289 : memref<1x!tpu.dma_semaphore, #tpu.memory_space<semaphore_mem>> -> memref<!tpu.dma_semaphore, #tpu.memory_space<semaphore_mem>>
    tpu.enqueue_indirect_dma source(%dma_start3A_288 : memref<6402x32xbf16, #tpu.memory_space<hbm>>) target(%dma_start3A_280 : memref<100x32xbf16, #tpu.memory_space<vmem>>) offsets(%dma_start3A_285 : memref<100xi32, #tpu.memory_space<vmem>>) semaphore(%dma_start3A_290 : memref<!tpu.dma_semaphore, #tpu.memory_space<semaphore_mem>>)
    %dma_start3A_291 = arith.constant 0 : i32
    %dma_start3A_292 = arith.constant 0 : i32
    %dma_start3A_293 = arith.constant 0 : i32
    %dma_start3A_294 = arith.constant 1300 : i32
    %dma_start3A_295 = arith.constant 0 : i32
    %dma_start3A_296 = tpu.memref_slice %arg9[%dma_start3A_292, %dma_start3A_294, %dma_start3A_295] : memref<2x1600x32xbf16, #tpu.memory_space<vmem>> -> memref<1x100x32xbf16, #tpu.memory_space<vmem>>
    %dma_start3A_297 = tpu.memref_squeeze %dma_start3A_296 : memref<1x100x32xbf16, #tpu.memory_space<vmem>> -> memref<100x32xbf16, #tpu.memory_space<vmem>>
    %dma_start3A_298 = arith.constant 0 : i32
    %dma_start3A_299 = tpu.memref_slice %arg8[%dma_start3A_291, %dma_start3A_298] : memref<2x1664xi32, #tpu.memory_space<vmem>> -> memref<1x1664xi32, #tpu.memory_space<vmem>>
    %dma_start3A_300 = tpu.memref_squeeze %dma_start3A_299 : memref<1x1664xi32, #tpu.memory_space<vmem>> -> memref<1664xi32, #tpu.memory_space<vmem>>
    %dma_start3A_301 = arith.constant 1352 : i32
    %dma_start3A_302 = tpu.memref_slice %dma_start3A_300[%dma_start3A_301] : memref<1664xi32, #tpu.memory_space<vmem>> -> memref<100xi32, #tpu.memory_space<vmem>>
    %dma_start3A_303 = arith.constant 0 : i32
    %dma_start3A_304 = arith.constant 0 : i32
    %dma_start3A_305 = tpu.memref_slice %arg4[%dma_start3A_303, %dma_start3A_304] : memref<6402x32xbf16, #tpu.memory_space<hbm>> -> memref<6402x32xbf16, #tpu.memory_space<hbm>>
    %dma_start3A_306 = tpu.memref_slice %arg12[%dma_start3A_293] : memref<2x!tpu.dma_semaphore, #tpu.memory_space<semaphore_mem>> -> memref<1x!tpu.dma_semaphore, #tpu.memory_space<semaphore_mem>>
    %dma_start3A_307 = tpu.memref_squeeze %dma_start3A_306 : memref<1x!tpu.dma_semaphore, #tpu.memory_space<semaphore_mem>> -> memref<!tpu.dma_semaphore, #tpu.memory_space<semaphore_mem>>
    tpu.enqueue_indirect_dma source(%dma_start3A_305 : memref<6402x32xbf16, #tpu.memory_space<hbm>>) target(%dma_start3A_297 : memref<100x32xbf16, #tpu.memory_space<vmem>>) offsets(%dma_start3A_302 : memref<100xi32, #tpu.memory_space<vmem>>) semaphore(%dma_start3A_307 : memref<!tpu.dma_semaphore, #tpu.memory_space<semaphore_mem>>)
    %dma_start3A_308 = arith.constant 0 : i32
    %dma_start3A_309 = arith.constant 0 : i32
    %dma_start3A_310 = arith.constant 0 : i32
    %dma_start3A_311 = arith.constant 1400 : i32
    %dma_start3A_312 = arith.constant 0 : i32
    %dma_start3A_313 = tpu.memref_slice %arg9[%dma_start3A_309, %dma_start3A_311, %dma_start3A_312] : memref<2x1600x32xbf16, #tpu.memory_space<vmem>> -> memref<1x100x32xbf16, #tpu.memory_space<vmem>>
    %dma_start3A_314 = tpu.memref_squeeze %dma_start3A_313 : memref<1x100x32xbf16, #tpu.memory_space<vmem>> -> memref<100x32xbf16, #tpu.memory_space<vmem>>
    %dma_start3A_315 = arith.constant 0 : i32
    %dma_start3A_316 = tpu.memref_slice %arg8[%dma_start3A_308, %dma_start3A_315] : memref<2x1664xi32, #tpu.memory_space<vmem>> -> memref<1x1664xi32, #tpu.memory_space<vmem>>
    %dma_start3A_317 = tpu.memref_squeeze %dma_start3A_316 : memref<1x1664xi32, #tpu.memory_space<vmem>> -> memref<1664xi32, #tpu.memory_space<vmem>>
    %dma_start3A_318 = arith.constant 1456 : i32
    %dma_start3A_319 = tpu.memref_slice %dma_start3A_317[%dma_start3A_318] : memref<1664xi32, #tpu.memory_space<vmem>> -> memref<100xi32, #tpu.memory_space<vmem>>
    %dma_start3A_320 = arith.constant 0 : i32
    %dma_start3A_321 = arith.constant 0 : i32
    %dma_start3A_322 = tpu.memref_slice %arg4[%dma_start3A_320, %dma_start3A_321] : memref<6402x32xbf16, #tpu.memory_space<hbm>> -> memref<6402x32xbf16, #tpu.memory_space<hbm>>
    %dma_start3A_323 = tpu.memref_slice %arg12[%dma_start3A_310] : memref<2x!tpu.dma_semaphore, #tpu.memory_space<semaphore_mem>> -> memref<1x!tpu.dma_semaphore, #tpu.memory_space<semaphore_mem>>
    %dma_start3A_324 = tpu.memref_squeeze %dma_start3A_323 : memref<1x!tpu.dma_semaphore, #tpu.memory_space<semaphore_mem>> -> memref<!tpu.dma_semaphore, #tpu.memory_space<semaphore_mem>>
    tpu.enqueue_indirect_dma source(%dma_start3A_322 : memref<6402x32xbf16, #tpu.memory_space<hbm>>) target(%dma_start3A_314 : memref<100x32xbf16, #tpu.memory_space<vmem>>) offsets(%dma_start3A_319 : memref<100xi32, #tpu.memory_space<vmem>>) semaphore(%dma_start3A_324 : memref<!tpu.dma_semaphore, #tpu.memory_space<semaphore_mem>>)
    %dma_start3A_325 = arith.constant 0 : i32
    %dma_start3A_326 = arith.constant 0 : i32
    %dma_start3A_327 = arith.constant 0 : i32
    %dma_start3A_328 = arith.constant 1500 : i32
    %dma_start3A_329 = arith.constant 0 : i32
    %dma_start3A_330 = tpu.memref_slice %arg9[%dma_start3A_326, %dma_start3A_328, %dma_start3A_329] : memref<2x1600x32xbf16, #tpu.memory_space<vmem>> -> memref<1x100x32xbf16, #tpu.memory_space<vmem>>
    %dma_start3A_331 = tpu.memref_squeeze %dma_start3A_330 : memref<1x100x32xbf16, #tpu.memory_space<vmem>> -> memref<100x32xbf16, #tpu.memory_space<vmem>>
    %dma_start3A_332 = arith.constant 0 : i32
    %dma_start3A_333 = tpu.memref_slice %arg8[%dma_start3A_325, %dma_start3A_332] : memref<2x1664xi32, #tpu.memory_space<vmem>> -> memref<1x1664xi32, #tpu.memory_space<vmem>>
    %dma_start3A_334 = tpu.memref_squeeze %dma_start3A_333 : memref<1x1664xi32, #tpu.memory_space<vmem>> -> memref<1664xi32, #tpu.memory_space<vmem>>
    %dma_start3A_335 = arith.constant 1560 : i32
    %dma_start3A_336 = tpu.memref_slice %dma_start3A_334[%dma_start3A_335] : memref<1664xi32, #tpu.memory_space<vmem>> -> memref<100xi32, #tpu.memory_space<vmem>>
    %dma_start3A_337 = arith.constant 0 : i32
    %dma_start3A_338 = arith.constant 0 : i32
    %dma_start3A_339 = tpu.memref_slice %arg4[%dma_start3A_337, %dma_start3A_338] : memref<6402x32xbf16, #tpu.memory_space<hbm>> -> memref<6402x32xbf16, #tpu.memory_space<hbm>>
    %dma_start3A_340 = tpu.memref_slice %arg12[%dma_start3A_327] : memref<2x!tpu.dma_semaphore, #tpu.memory_space<semaphore_mem>> -> memref<1x!tpu.dma_semaphore, #tpu.memory_space<semaphore_mem>>
    %dma_start3A_341 = tpu.memref_squeeze %dma_start3A_340 : memref<1x!tpu.dma_semaphore, #tpu.memory_space<semaphore_mem>> -> memref<!tpu.dma_semaphore, #tpu.memory_space<semaphore_mem>>
    tpu.enqueue_indirect_dma source(%dma_start3A_339 : memref<6402x32xbf16, #tpu.memory_space<hbm>>) target(%dma_start3A_331 : memref<100x32xbf16, #tpu.memory_space<vmem>>) offsets(%dma_start3A_336 : memref<100xi32, #tpu.memory_space<vmem>>) semaphore(%dma_start3A_341 : memref<!tpu.dma_semaphore, #tpu.memory_space<semaphore_mem>>)
    %scan3A_342 = arith.constant 0 : i32
    %scan3A_343 = arith.constant 0.00999999977 : f32
    %scan3A_344 = arith.constant 0 : i32
    %scan3A_345 = arith.constant 16 : i32
    %scan3A_346 = arith.addi %scan3A_344, %scan3A_345 : i32
    %scan3A_347 = arith.constant 1 : i32
    scf.for %scan3A_377 = %scan3A_344 to %scan3A_346 step %scan3A_347  : i32 {
      %mul3A_378 = arith.constant 2 : i32
      %mul3A_379 = arith.muli %mul3A_378, %scan3A_377 : i32
      %add3A_380 = arith.constant 1 : i32
      %add3A_381 = arith.addi %mul3A_379, %add3A_380 : i32
      %dma_wait3A_382 = arith.constant 1 : i32
      %dma_wait3A_383 = arith.constant 1 : i32
      %dma_wait3A_384 = arith.constant 0 : i32
      %dma_wait3A_385 = tpu.memref_slice %arg7[%dma_wait3A_382, %dma_wait3A_384] : memref<2x1600xf32, #tpu.memory_space<vmem>> -> memref<1x1600xf32, #tpu.memory_space<vmem>>
      %dma_wait3A_386 = tpu.memref_squeeze %dma_wait3A_385 : memref<1x1600xf32, #tpu.memory_space<vmem>> -> memref<1600xf32, #tpu.memory_space<vmem>>
      %dma_wait3A_387 = arith.constant 0 : i32
      %dma_wait3A_388 = tpu.memref_slice %arg2[%dma_wait3A_387] : memref<1638400xf32, #tpu.memory_space<hbm>> -> memref<1600xf32, #tpu.memory_space<hbm>>
      %dma_wait3A_389 = tpu.memref_slice %arg11[%dma_wait3A_383] : memref<2x!tpu.dma_semaphore, #tpu.memory_space<semaphore_mem>> -> memref<1x!tpu.dma_semaphore, #tpu.memory_space<semaphore_mem>>
      %dma_wait3A_390 = tpu.memref_squeeze %dma_wait3A_389 : memref<1x!tpu.dma_semaphore, #tpu.memory_space<semaphore_mem>> -> memref<!tpu.dma_semaphore, #tpu.memory_space<semaphore_mem>>
      %dma_wait3A_391 = arith.constant 0 : i32
      %dma_wait3A_392 = tpu.memref_slice %arg7[%dma_wait3A_382, %dma_wait3A_391] : memref<2x1600xf32, #tpu.memory_space<vmem>> -> memref<1x1600xf32, #tpu.memory_space<vmem>>
      %dma_wait3A_393 = tpu.memref_squeeze %dma_wait3A_392 : memref<1x1600xf32, #tpu.memory_space<vmem>> -> memref<1600xf32, #tpu.memory_space<vmem>>
      %dma_wait3A_394 = arith.constant 0 : i32
      %dma_wait3A_395 = tpu.memref_slice %arg2[%dma_wait3A_394] : memref<1638400xf32, #tpu.memory_space<hbm>> -> memref<1600xf32, #tpu.memory_space<hbm>>
      tpu.wait_dma2 semaphore(%dma_wait3A_390 : memref<!tpu.dma_semaphore, #tpu.memory_space<semaphore_mem>>) src(%dma_wait3A_395 : memref<1600xf32, #tpu.memory_space<hbm>>) dst(%dma_wait3A_393 : memref<1600xf32, #tpu.memory_space<vmem>>)
      %scan3A_396 = arith.constant 0 : i32
      %scan3A_397 = arith.constant 1 : i32
      %scan3A_398 = arith.constant 1 : i32
      %scan3A_399 = arith.constant 0 : i32
      %scan3A_400 = arith.constant 100 : i32
      %scan3A_401 = arith.addi %scan3A_399, %scan3A_400 : i32
      %scan3A_402 = arith.constant 4 : i32
      scf.for %scan3A_1648 = %scan3A_399 to %scan3A_401 step %scan3A_402  : i32 {
        %mul3A_1649 = arith.constant 100 : i32
        %mul3A_1650 = vector.broadcast %mul3A_1649 : i32 to vector<16xi32>
        %mul3A_1651 = arith.muli %iota3A, %mul3A_1650 : vector<16xi32>
        %add3A_1652 = vector.broadcast %scan3A_1648 : i32 to vector<16xi32>
        %add3A_1653 = arith.addi %mul3A_1651, %add3A_1652 : vector<16xi32>
        %gather3A = arith.constant 0 : i32
        %gather3A_1654 = tpu.memref_slice %arg7[%scan3A_397, %gather3A] : memref<2x1600xf32, #tpu.memory_space<vmem>> -> memref<1x1600xf32, #tpu.memory_space<vmem>>
        %gather3A_1655 = tpu.memref_squeeze %gather3A_1654 : memref<1x1600xf32, #tpu.memory_space<vmem>> -> memref<1600xf32, #tpu.memory_space<vmem>>
        %gather3A_1656 = tpu.vector_load_idx %gather3A_1655[%add3A_1653] : memref<1600xf32, #tpu.memory_space<vmem>>[vector<16xi32>], vector<16xf32>,
        %broadcast_in_dim3A_1657 = arith.constant 0 : i32
        %broadcast_in_dim3A_1658 = vector.broadcast %broadcast_in_dim3A_1657 : i32 to vector<16xi32>
        %mul3A_1659 = arith.constant 64 : i32
        %mul3A_1660 = arith.muli %scan3A_1648, %mul3A_1659 : i32
        %broadcast_in_dim3A_1661 = vector.broadcast %mul3A_1660 : i32 to vector<16xi32>
        %add3A_1662 = arith.constant 31 : i32
        %add3A_1663 = vector.broadcast %add3A_1662 : i32 to vector<16xi32>
        %add3A_1664 = arith.addi %broadcast_in_dim3A_1658, %add3A_1663 : vector<16xi32>
        %add3A_1665 = arith.addi %broadcast_in_dim3A_1661, %add3A_1664 : vector<16xi32>
        %gather3A_1666 = tpu.vector_load_idx %arg6[%add3A_1665] : memref<6400xf32, #tpu.memory_space<vmem>>[vector<16xi32>], vector<16xf32>,
        %lt3A_1667 = arith.cmpf olt, %gather3A_1666, %gather3A_1656 : vector<16xf32>
        %jit3A = arith.constant 32 : i32
        %jit3A_1668 = arith.constant 0 : i32
        %broadcast_in_dim3A_1669 = vector.broadcast %jit3A : i32 to vector<16xi32>
        %broadcast_in_dim3A_1670 = vector.broadcast %jit3A_1668 : i32 to vector<16xi32>
        %select_n3A = arith.select %lt3A_1667, %broadcast_in_dim3A_1669, %broadcast_in_dim3A_1670 : vector<16xi1>, vector<16xi32>
        %add3A_1671 = arith.addi %broadcast_in_dim3A_1658, %select_n3A : vector<16xi32>
        %add3A_1672 = arith.constant 15 : i32
        %add3A_1673 = vector.broadcast %add3A_1672 : i32 to vector<16xi32>
        %add3A_1674 = arith.addi %add3A_1671, %add3A_1673 : vector<16xi32>
        %add3A_1675 = arith.addi %broadcast_in_dim3A_1661, %add3A_1674 : vector<16xi32>
        %gather3A_1676 = tpu.vector_load_idx %arg6[%add3A_1675] : memref<6400xf32, #tpu.memory_space<vmem>>[vector<16xi32>], vector<16xf32>,
        %lt3A_1677 = arith.cmpf olt, %gather3A_1676, %gather3A_1656 : vector<16xf32>
        %jit3A_1678 = arith.constant 16 : i32
        %jit3A_1679 = arith.constant 0 : i32
        %broadcast_in_dim3A_1680 = vector.broadcast %jit3A_1678 : i32 to vector<16xi32>
        %broadcast_in_dim3A_1681 = vector.broadcast %jit3A_1679 : i32 to vector<16xi32>
        %select_n3A_1682 = arith.select %lt3A_1677, %broadcast_in_dim3A_1680, %broadcast_in_dim3A_1681 : vector<16xi1>, vector<16xi32>
        %add3A_1683 = arith.addi %add3A_1671, %select_n3A_1682 : vector<16xi32>
        %add3A_1684 = arith.constant 7 : i32
        %add3A_1685 = vector.broadcast %add3A_1684 : i32 to vector<16xi32>
        %add3A_1686 = arith.addi %add3A_1683, %add3A_1685 : vector<16xi32>
        %add3A_1687 = arith.addi %broadcast_in_dim3A_1661, %add3A_1686 : vector<16xi32>
        %gather3A_1688 = tpu.vector_load_idx %arg6[%add3A_1687] : memref<6400xf32, #tpu.memory_space<vmem>>[vector<16xi32>], vector<16xf32>,
        %lt3A_1689 = arith.cmpf olt, %gather3A_1688, %gather3A_1656 : vector<16xf32>
        %jit3A_1690 = arith.constant 8 : i32
        %jit3A_1691 = arith.constant 0 : i32
        %broadcast_in_dim3A_1692 = vector.broadcast %jit3A_1690 : i32 to vector<16xi32>
        %broadcast_in_dim3A_1693 = vector.broadcast %jit3A_1691 : i32 to vector<16xi32>
        %select_n3A_1694 = arith.select %lt3A_1689, %broadcast_in_dim3A_1692, %broadcast_in_dim3A_1693 : vector<16xi1>, vector<16xi32>
        %add3A_1695 = arith.addi %add3A_1683, %select_n3A_1694 : vector<16xi32>
        %add3A_1696 = arith.constant 3 : i32
        %add3A_1697 = vector.broadcast %add3A_1696 : i32 to vector<16xi32>
        %add3A_1698 = arith.addi %add3A_1695, %add3A_1697 : vector<16xi32>
        %add3A_1699 = arith.addi %broadcast_in_dim3A_1661, %add3A_1698 : vector<16xi32>
        %gather3A_1700 = tpu.vector_load_idx %arg6[%add3A_1699] : memref<6400xf32, #tpu.memory_space<vmem>>[vector<16xi32>], vector<16xf32>,
        %lt3A_1701 = arith.cmpf olt, %gather3A_1700, %gather3A_1656 : vector<16xf32>
        %jit3A_1702 = arith.constant 4 : i32
        %jit3A_1703 = arith.constant 0 : i32
        %broadcast_in_dim3A_1704 = vector.broadcast %jit3A_1702 : i32 to vector<16xi32>
        %broadcast_in_dim3A_1705 = vector.broadcast %jit3A_1703 : i32 to vector<16xi32>
        %select_n3A_1706 = arith.select %lt3A_1701, %broadcast_in_dim3A_1704, %broadcast_in_dim3A_1705 : vector<16xi1>, vector<16xi32>
        %add3A_1707 = arith.addi %add3A_1695, %select_n3A_1706 : vector<16xi32>
        %add3A_1708 = arith.constant 1 : i32
        %add3A_1709 = vector.broadcast %add3A_1708 : i32 to vector<16xi32>
        %add3A_1710 = arith.addi %add3A_1707, %add3A_1709 : vector<16xi32>
        %add3A_1711 = arith.addi %broadcast_in_dim3A_1661, %add3A_1710 : vector<16xi32>
        %gather3A_1712 = tpu.vector_load_idx %arg6[%add3A_1711] : memref<6400xf32, #tpu.memory_space<vmem>>[vector<16xi32>], vector<16xf32>,
        %lt3A_1713 = arith.cmpf olt, %gather3A_1712, %gather3A_1656 : vector<16xf32>
        %jit3A_1714 = arith.constant 2 : i32
        %jit3A_1715 = arith.constant 0 : i32
        %broadcast_in_dim3A_1716 = vector.broadcast %jit3A_1714 : i32 to vector<16xi32>
        %broadcast_in_dim3A_1717 = vector.broadcast %jit3A_1715 : i32 to vector<16xi32>
        %select_n3A_1718 = arith.select %lt3A_1713, %broadcast_in_dim3A_1716, %broadcast_in_dim3A_1717 : vector<16xi1>, vector<16xi32>
        %add3A_1719 = arith.addi %add3A_1707, %select_n3A_1718 : vector<16xi32>
        %add3A_1720 = arith.constant 0 : i32
        %add3A_1721 = vector.broadcast %add3A_1720 : i32 to vector<16xi32>
        %add3A_1722 = arith.addi %add3A_1719, %add3A_1721 : vector<16xi32>
        %add3A_1723 = arith.addi %broadcast_in_dim3A_1661, %add3A_1722 : vector<16xi32>
        %gather3A_1724 = tpu.vector_load_idx %arg6[%add3A_1723] : memref<6400xf32, #tpu.memory_space<vmem>>[vector<16xi32>], vector<16xf32>,
        %lt3A_1725 = arith.cmpf olt, %gather3A_1724, %gather3A_1656 : vector<16xf32>
        %jit3A_1726 = arith.constant 1 : i32
        %jit3A_1727 = arith.constant 0 : i32
        %broadcast_in_dim3A_1728 = vector.broadcast %jit3A_1726 : i32 to vector<16xi32>
        %broadcast_in_dim3A_1729 = vector.broadcast %jit3A_1727 : i32 to vector<16xi32>
        %select_n3A_1730 = arith.select %lt3A_1725, %broadcast_in_dim3A_1728, %broadcast_in_dim3A_1729 : vector<16xi1>, vector<16xi32>
        %add3A_1731 = arith.addi %add3A_1719, %select_n3A_1730 : vector<16xi32>
        %add3A_1732 = arith.constant 0 : i32
        %add3A_1733 = vector.broadcast %add3A_1732 : i32 to vector<16xi32>
        %add3A_1734 = arith.addi %add3A_1731, %add3A_1733 : vector<16xi32>
        %add3A_1735 = arith.addi %broadcast_in_dim3A_1661, %add3A_1734 : vector<16xi32>
        %gather3A_1736 = tpu.vector_load_idx %arg6[%add3A_1735] : memref<6400xf32, #tpu.memory_space<vmem>>[vector<16xi32>], vector<16xf32>,
        %lt3A_1737 = arith.cmpf olt, %gather3A_1736, %gather3A_1656 : vector<16xf32>
        %jit3A_1738 = arith.constant 1 : i32
        %jit3A_1739 = arith.constant 0 : i32
        %broadcast_in_dim3A_1740 = vector.broadcast %jit3A_1738 : i32 to vector<16xi32>
        %broadcast_in_dim3A_1741 = vector.broadcast %jit3A_1739 : i32 to vector<16xi32>
        %select_n3A_1742 = arith.select %lt3A_1737, %broadcast_in_dim3A_1740, %broadcast_in_dim3A_1741 : vector<16xi1>, vector<16xi32>
        %add3A_1743 = arith.addi %add3A_1731, %select_n3A_1742 : vector<16xi32>
        %mul3A_1744 = arith.constant 104 : i32
        %mul3A_1745 = vector.broadcast %mul3A_1744 : i32 to vector<16xi32>
        %mul3A_1746 = arith.muli %iota3A, %mul3A_1745 : vector<16xi32>
        %add3A_1747 = vector.broadcast %scan3A_1648 : i32 to vector<16xi32>
        %add3A_1748 = arith.addi %mul3A_1746, %add3A_1747 : vector<16xi32>
        %mul3A_1749 = arith.constant 64 : i32
        %mul3A_1750 = arith.muli %scan3A_1648, %mul3A_1749 : i32
        %add3A_1751 = vector.broadcast %mul3A_1750 : i32 to vector<16xi32>
        %add3A_1752 = arith.addi %add3A_1751, %add3A_1743 : vector<16xi32>
        %add3A_1753 = arith.constant 1 : i32
        %add3A_1754 = vector.broadcast %add3A_1753 : i32 to vector<16xi32>
        %add3A_1755 = arith.addi %add3A_1752, %add3A_1754 : vector<16xi32>
        %scatter3A_1756 = arith.constant 0 : i32
        %scatter3A_1757 = tpu.memref_slice %arg8[%scan3A_398, %scatter3A_1756] : memref<2x1664xi32, #tpu.memory_space<vmem>> -> memref<1x1664xi32, #tpu.memory_space<vmem>>
        %scatter3A_1758 = tpu.memref_squeeze %scatter3A_1757 : memref<1x1664xi32, #tpu.memory_space<vmem>> -> memref<1664xi32, #tpu.memory_space<vmem>>
        tpu.vector_store_idx %scatter3A_1758[%add3A_1748], %add3A_1755 : memref<1664xi32, #tpu.memory_space<vmem>>[vector<16xi32>], vector<16xi32>,
        %scan3A_1759 = arith.constant 1 : i32
        %scan3A_1760 = arith.addi %scan3A_1648, %scan3A_1759 : i32
        %mul3A_1761 = arith.constant 100 : i32
        %mul3A_1762 = vector.broadcast %mul3A_1761 : i32 to vector<16xi32>
        %mul3A_1763 = arith.muli %iota3A, %mul3A_1762 : vector<16xi32>
        %add3A_1764 = vector.broadcast %scan3A_1760 : i32 to vector<16xi32>
        %add3A_1765 = arith.addi %mul3A_1763, %add3A_1764 : vector<16xi32>
        %gather3A_1766 = arith.constant 0 : i32
        %gather3A_1767 = tpu.memref_slice %arg7[%scan3A_397, %gather3A_1766] : memref<2x1600xf32, #tpu.memory_space<vmem>> -> memref<1x1600xf32, #tpu.memory_space<vmem>>
        %gather3A_1768 = tpu.memref_squeeze %gather3A_1767 : memref<1x1600xf32, #tpu.memory_space<vmem>> -> memref<1600xf32, #tpu.memory_space<vmem>>
        %gather3A_1769 = tpu.vector_load_idx %gather3A_1768[%add3A_1765] : memref<1600xf32, #tpu.memory_space<vmem>>[vector<16xi32>], vector<16xf32>,
        %broadcast_in_dim3A_1770 = arith.constant 0 : i32
        %broadcast_in_dim3A_1771 = vector.broadcast %broadcast_in_dim3A_1770 : i32 to vector<16xi32>
        %mul3A_1772 = arith.constant 64 : i32
        %mul3A_1773 = arith.muli %scan3A_1760, %mul3A_1772 : i32
        %broadcast_in_dim3A_1774 = vector.broadcast %mul3A_1773 : i32 to vector<16xi32>
        %add3A_1775 = arith.constant 31 : i32
        %add3A_1776 = vector.broadcast %add3A_1775 : i32 to vector<16xi32>
        %add3A_1777 = arith.addi %broadcast_in_dim3A_1771, %add3A_1776 : vector<16xi32>
        %add3A_1778 = arith.addi %broadcast_in_dim3A_1774, %add3A_1777 : vector<16xi32>
        %gather3A_1779 = tpu.vector_load_idx %arg6[%add3A_1778] : memref<6400xf32, #tpu.memory_space<vmem>>[vector<16xi32>], vector<16xf32>,
        %lt3A_1780 = arith.cmpf olt, %gather3A_1779, %gather3A_1769 : vector<16xf32>
        %jit3A_1781 = arith.constant 32 : i32
        %jit3A_1782 = arith.constant 0 : i32
        %broadcast_in_dim3A_1783 = vector.broadcast %jit3A_1781 : i32 to vector<16xi32>
        %broadcast_in_dim3A_1784 = vector.broadcast %jit3A_1782 : i32 to vector<16xi32>
        %select_n3A_1785 = arith.select %lt3A_1780, %broadcast_in_dim3A_1783, %broadcast_in_dim3A_1784 : vector<16xi1>, vector<16xi32>
        %add3A_1786 = arith.addi %broadcast_in_dim3A_1771, %select_n3A_1785 : vector<16xi32>
        %add3A_1787 = arith.constant 15 : i32
        %add3A_1788 = vector.broadcast %add3A_1787 : i32 to vector<16xi32>
        %add3A_1789 = arith.addi %add3A_1786, %add3A_1788 : vector<16xi32>
        %add3A_1790 = arith.addi %broadcast_in_dim3A_1774, %add3A_1789 : vector<16xi32>
        %gather3A_1791 = tpu.vector_load_idx %arg6[%add3A_1790] : memref<6400xf32, #tpu.memory_space<vmem>>[vector<16xi32>], vector<16xf32>,
        %lt3A_1792 = arith.cmpf olt, %gather3A_1791, %gather3A_1769 : vector<16xf32>
        %jit3A_1793 = arith.constant 16 : i32
        %jit3A_1794 = arith.constant 0 : i32
        %broadcast_in_dim3A_1795 = vector.broadcast %jit3A_1793 : i32 to vector<16xi32>
        %broadcast_in_dim3A_1796 = vector.broadcast %jit3A_1794 : i32 to vector<16xi32>
        %select_n3A_1797 = arith.select %lt3A_1792, %broadcast_in_dim3A_1795, %broadcast_in_dim3A_1796 : vector<16xi1>, vector<16xi32>
        %add3A_1798 = arith.addi %add3A_1786, %select_n3A_1797 : vector<16xi32>
        %add3A_1799 = arith.constant 7 : i32
        %add3A_1800 = vector.broadcast %add3A_1799 : i32 to vector<16xi32>
        %add3A_1801 = arith.addi %add3A_1798, %add3A_1800 : vector<16xi32>
        %add3A_1802 = arith.addi %broadcast_in_dim3A_1774, %add3A_1801 : vector<16xi32>
        %gather3A_1803 = tpu.vector_load_idx %arg6[%add3A_1802] : memref<6400xf32, #tpu.memory_space<vmem>>[vector<16xi32>], vector<16xf32>,
        %lt3A_1804 = arith.cmpf olt, %gather3A_1803, %gather3A_1769 : vector<16xf32>
        %jit3A_1805 = arith.constant 8 : i32
        %jit3A_1806 = arith.constant 0 : i32
        %broadcast_in_dim3A_1807 = vector.broadcast %jit3A_1805 : i32 to vector<16xi32>
        %broadcast_in_dim3A_1808 = vector.broadcast %jit3A_1806 : i32 to vector<16xi32>
        %select_n3A_1809 = arith.select %lt3A_1804, %broadcast_in_dim3A_1807, %broadcast_in_dim3A_1808 : vector<16xi1>, vector<16xi32>
        %add3A_1810 = arith.addi %add3A_1798, %select_n3A_1809 : vector<16xi32>
        %add3A_1811 = arith.constant 3 : i32
        %add3A_1812 = vector.broadcast %add3A_1811 : i32 to vector<16xi32>
        %add3A_1813 = arith.addi %add3A_1810, %add3A_1812 : vector<16xi32>
        %add3A_1814 = arith.addi %broadcast_in_dim3A_1774, %add3A_1813 : vector<16xi32>
        %gather3A_1815 = tpu.vector_load_idx %arg6[%add3A_1814] : memref<6400xf32, #tpu.memory_space<vmem>>[vector<16xi32>], vector<16xf32>,
        %lt3A_1816 = arith.cmpf olt, %gather3A_1815, %gather3A_1769 : vector<16xf32>
        %jit3A_1817 = arith.constant 4 : i32
        %jit3A_1818 = arith.constant 0 : i32
        %broadcast_in_dim3A_1819 = vector.broadcast %jit3A_1817 : i32 to vector<16xi32>
        %broadcast_in_dim3A_1820 = vector.broadcast %jit3A_1818 : i32 to vector<16xi32>
        %select_n3A_1821 = arith.select %lt3A_1816, %broadcast_in_dim3A_1819, %broadcast_in_dim3A_1820 : vector<16xi1>, vector<16xi32>
        %add3A_1822 = arith.addi %add3A_1810, %select_n3A_1821 : vector<16xi32>
        %add3A_1823 = arith.constant 1 : i32
        %add3A_1824 = vector.broadcast %add3A_1823 : i32 to vector<16xi32>
        %add3A_1825 = arith.addi %add3A_1822, %add3A_1824 : vector<16xi32>
        %add3A_1826 = arith.addi %broadcast_in_dim3A_1774, %add3A_1825 : vector<16xi32>
        %gather3A_1827 = tpu.vector_load_idx %arg6[%add3A_1826] : memref<6400xf32, #tpu.memory_space<vmem>>[vector<16xi32>], vector<16xf32>,
        %lt3A_1828 = arith.cmpf olt, %gather3A_1827, %gather3A_1769 : vector<16xf32>
        %jit3A_1829 = arith.constant 2 : i32
        %jit3A_1830 = arith.constant 0 : i32
        %broadcast_in_dim3A_1831 = vector.broadcast %jit3A_1829 : i32 to vector<16xi32>
        %broadcast_in_dim3A_1832 = vector.broadcast %jit3A_1830 : i32 to vector<16xi32>
        %select_n3A_1833 = arith.select %lt3A_1828, %broadcast_in_dim3A_1831, %broadcast_in_dim3A_1832 : vector<16xi1>, vector<16xi32>
        %add3A_1834 = arith.addi %add3A_1822, %select_n3A_1833 : vector<16xi32>
        %add3A_1835 = arith.constant 0 : i32
        %add3A_1836 = vector.broadcast %add3A_1835 : i32 to vector<16xi32>
        %add3A_1837 = arith.addi %add3A_1834, %add3A_1836 : vector<16xi32>
        %add3A_1838 = arith.addi %broadcast_in_dim3A_1774, %add3A_1837 : vector<16xi32>
        %gather3A_1839 = tpu.vector_load_idx %arg6[%add3A_1838] : memref<6400xf32, #tpu.memory_space<vmem>>[vector<16xi32>], vector<16xf32>,
        %lt3A_1840 = arith.cmpf olt, %gather3A_1839, %gather3A_1769 : vector<16xf32>
        %jit3A_1841 = arith.constant 1 : i32
        %jit3A_1842 = arith.constant 0 : i32
        %broadcast_in_dim3A_1843 = vector.broadcast %jit3A_1841 : i32 to vector<16xi32>
        %broadcast_in_dim3A_1844 = vector.broadcast %jit3A_1842 : i32 to vector<16xi32>
        %select_n3A_1845 = arith.select %lt3A_1840, %broadcast_in_dim3A_1843, %broadcast_in_dim3A_1844 : vector<16xi1>, vector<16xi32>
        %add3A_1846 = arith.addi %add3A_1834, %select_n3A_1845 : vector<16xi32>
        %add3A_1847 = arith.constant 0 : i32
        %add3A_1848 = vector.broadcast %add3A_1847 : i32 to vector<16xi32>
        %add3A_1849 = arith.addi %add3A_1846, %add3A_1848 : vector<16xi32>
        %add3A_1850 = arith.addi %broadcast_in_dim3A_1774, %add3A_1849 : vector<16xi32>
        %gather3A_1851 = tpu.vector_load_idx %arg6[%add3A_1850] : memref<6400xf32, #tpu.memory_space<vmem>>[vector<16xi32>], vector<16xf32>,
        %lt3A_1852 = arith.cmpf olt, %gather3A_1851, %gather3A_1769 : vector<16xf32>
        %jit3A_1853 = arith.constant 1 : i32
        %jit3A_1854 = arith.constant 0 : i32
        %broadcast_in_dim3A_1855 = vector.broadcast %jit3A_1853 : i32 to vector<16xi32>
        %broadcast_in_dim3A_1856 = vector.broadcast %jit3A_1854 : i32 to vector<16xi32>
        %select_n3A_1857 = arith.select %lt3A_1852, %broadcast_in_dim3A_1855, %broadcast_in_dim3A_1856 : vector<16xi1>, vector<16xi32>
        %add3A_1858 = arith.addi %add3A_1846, %select_n3A_1857 : vector<16xi32>
        %mul3A_1859 = arith.constant 104 : i32
        %mul3A_1860 = vector.broadcast %mul3A_1859 : i32 to vector<16xi32>
        %mul3A_1861 = arith.muli %iota3A, %mul3A_1860 : vector<16xi32>
        %add3A_1862 = vector.broadcast %scan3A_1760 : i32 to vector<16xi32>
        %add3A_1863 = arith.addi %mul3A_1861, %add3A_1862 : vector<16xi32>
        %mul3A_1864 = arith.constant 64 : i32
        %mul3A_1865 = arith.muli %scan3A_1760, %mul3A_1864 : i32
        %add3A_1866 = vector.broadcast %mul3A_1865 : i32 to vector<16xi32>
        %add3A_1867 = arith.addi %add3A_1866, %add3A_1858 : vector<16xi32>
        %add3A_1868 = arith.constant 1 : i32
        %add3A_1869 = vector.broadcast %add3A_1868 : i32 to vector<16xi32>
        %add3A_1870 = arith.addi %add3A_1867, %add3A_1869 : vector<16xi32>
        %scatter3A_1871 = arith.constant 0 : i32
        %scatter3A_1872 = tpu.memref_slice %arg8[%scan3A_398, %scatter3A_1871] : memref<2x1664xi32, #tpu.memory_space<vmem>> -> memref<1x1664xi32, #tpu.memory_space<vmem>>
        %scatter3A_1873 = tpu.memref_squeeze %scatter3A_1872 : memref<1x1664xi32, #tpu.memory_space<vmem>> -> memref<1664xi32, #tpu.memory_space<vmem>>
        tpu.vector_store_idx %scatter3A_1873[%add3A_1863], %add3A_1870 : memref<1664xi32, #tpu.memory_space<vmem>>[vector<16xi32>], vector<16xi32>,
        %scan3A_1874 = arith.constant 2 : i32
        %scan3A_1875 = arith.addi %scan3A_1648, %scan3A_1874 : i32
        %mul3A_1876 = arith.constant 100 : i32
        %mul3A_1877 = vector.broadcast %mul3A_1876 : i32 to vector<16xi32>
        %mul3A_1878 = arith.muli %iota3A, %mul3A_1877 : vector<16xi32>
        %add3A_1879 = vector.broadcast %scan3A_1875 : i32 to vector<16xi32>
        %add3A_1880 = arith.addi %mul3A_1878, %add3A_1879 : vector<16xi32>
        %gather3A_1881 = arith.constant 0 : i32
        %gather3A_1882 = tpu.memref_slice %arg7[%scan3A_397, %gather3A_1881] : memref<2x1600xf32, #tpu.memory_space<vmem>> -> memref<1x1600xf32, #tpu.memory_space<vmem>>
        %gather3A_1883 = tpu.memref_squeeze %gather3A_1882 : memref<1x1600xf32, #tpu.memory_space<vmem>> -> memref<1600xf32, #tpu.memory_space<vmem>>
        %gather3A_1884 = tpu.vector_load_idx %gather3A_1883[%add3A_1880] : memref<1600xf32, #tpu.memory_space<vmem>>[vector<16xi32>], vector<16xf32>,
        %broadcast_in_dim3A_1885 = arith.constant 0 : i32
        %broadcast_in_dim3A_1886 = vector.broadcast %broadcast_in_dim3A_1885 : i32 to vector<16xi32>
        %mul3A_1887 = arith.constant 64 : i32
        %mul3A_1888 = arith.muli %scan3A_1875, %mul3A_1887 : i32
        %broadcast_in_dim3A_1889 = vector.broadcast %mul3A_1888 : i32 to vector<16xi32>
        %add3A_1890 = arith.constant 31 : i32
        %add3A_1891 = vector.broadcast %add3A_1890 : i32 to vector<16xi32>
        %add3A_1892 = arith.addi %broadcast_in_dim3A_1886, %add3A_1891 : vector<16xi32>
        %add3A_1893 = arith.addi %broadcast_in_dim3A_1889, %add3A_1892 : vector<16xi32>
        %gather3A_1894 = tpu.vector_load_idx %arg6[%add3A_1893] : memref<6400xf32, #tpu.memory_space<vmem>>[vector<16xi32>], vector<16xf32>,
        %lt3A_1895 = arith.cmpf olt, %gather3A_1894, %gather3A_1884 : vector<16xf32>
        %jit3A_1896 = arith.constant 32 : i32
        %jit3A_1897 = arith.constant 0 : i32
        %broadcast_in_dim3A_1898 = vector.broadcast %jit3A_1896 : i32 to vector<16xi32>
        %broadcast_in_dim3A_1899 = vector.broadcast %jit3A_1897 : i32 to vector<16xi32>
        %select_n3A_1900 = arith.select %lt3A_1895, %broadcast_in_dim3A_1898, %broadcast_in_dim3A_1899 : vector<16xi1>, vector<16xi32>
        %add3A_1901 = arith.addi %broadcast_in_dim3A_1886, %select_n3A_1900 : vector<16xi32>
        %add3A_1902 = arith.constant 15 : i32
        %add3A_1903 = vector.broadcast %add3A_1902 : i32 to vector<16xi32>
        %add3A_1904 = arith.addi %add3A_1901, %add3A_1903 : vector<16xi32>
        %add3A_1905 = arith.addi %broadcast_in_dim3A_1889, %add3A_1904 : vector<16xi32>
        %gather3A_1906 = tpu.vector_load_idx %arg6[%add3A_1905] : memref<6400xf32, #tpu.memory_space<vmem>>[vector<16xi32>], vector<16xf32>,
        %lt3A_1907 = arith.cmpf olt, %gather3A_1906, %gather3A_1884 : vector<16xf32>
        %jit3A_1908 = arith.constant 16 : i32
        %jit3A_1909 = arith.constant 0 : i32
        %broadcast_in_dim3A_1910 = vector.broadcast %jit3A_1908 : i32 to vector<16xi32>
        %broadcast_in_dim3A_1911 = vector.broadcast %jit3A_1909 : i32 to vector<16xi32>
        %select_n3A_1912 = arith.select %lt3A_1907, %broadcast_in_dim3A_1910, %broadcast_in_dim3A_1911 : vector<16xi1>, vector<16xi32>
        %add3A_1913 = arith.addi %add3A_1901, %select_n3A_1912 : vector<16xi32>
        %add3A_1914 = arith.constant 7 : i32
        %add3A_1915 = vector.broadcast %add3A_1914 : i32 to vector<16xi32>
        %add3A_1916 = arith.addi %add3A_1913, %add3A_1915 : vector<16xi32>
        %add3A_1917 = arith.addi %broadcast_in_dim3A_1889, %add3A_1916 : vector<16xi32>
        %gather3A_1918 = tpu.vector_load_idx %arg6[%add3A_1917] : memref<6400xf32, #tpu.memory_space<vmem>>[vector<16xi32>], vector<16xf32>,
        %lt3A_1919 = arith.cmpf olt, %gather3A_1918, %gather3A_1884 : vector<16xf32>
        %jit3A_1920 = arith.constant 8 : i32
        %jit3A_1921 = arith.constant 0 : i32
        %broadcast_in_dim3A_1922 = vector.broadcast %jit3A_1920 : i32 to vector<16xi32>
        %broadcast_in_dim3A_1923 = vector.broadcast %jit3A_1921 : i32 to vector<16xi32>
        %select_n3A_1924 = arith.select %lt3A_1919, %broadcast_in_dim3A_1922, %broadcast_in_dim3A_1923 : vector<16xi1>, vector<16xi32>
        %add3A_1925 = arith.addi %add3A_1913, %select_n3A_1924 : vector<16xi32>
        %add3A_1926 = arith.constant 3 : i32
        %add3A_1927 = vector.broadcast %add3A_1926 : i32 to vector<16xi32>
        %add3A_1928 = arith.addi %add3A_1925, %add3A_1927 : vector<16xi32>
        %add3A_1929 = arith.addi %broadcast_in_dim3A_1889, %add3A_1928 : vector<16xi32>
        %gather3A_1930 = tpu.vector_load_idx %arg6[%add3A_1929] : memref<6400xf32, #tpu.memory_space<vmem>>[vector<16xi32>], vector<16xf32>,
        %lt3A_1931 = arith.cmpf olt, %gather3A_1930, %gather3A_1884 : vector<16xf32>
        %jit3A_1932 = arith.constant 4 : i32
        %jit3A_1933 = arith.constant 0 : i32
        %broadcast_in_dim3A_1934 = vector.broadcast %jit3A_1932 : i32 to vector<16xi32>
        %broadcast_in_dim3A_1935 = vector.broadcast %jit3A_1933 : i32 to vector<16xi32>
        %select_n3A_1936 = arith.select %lt3A_1931, %broadcast_in_dim3A_1934, %broadcast_in_dim3A_1935 : vector<16xi1>, vector<16xi32>
        %add3A_1937 = arith.addi %add3A_1925, %select_n3A_1936 : vector<16xi32>
        %add3A_1938 = arith.constant 1 : i32
        %add3A_1939 = vector.broadcast %add3A_1938 : i32 to vector<16xi32>
        %add3A_1940 = arith.addi %add3A_1937, %add3A_1939 : vector<16xi32>
        %add3A_1941 = arith.addi %broadcast_in_dim3A_1889, %add3A_1940 : vector<16xi32>
        %gather3A_1942 = tpu.vector_load_idx %arg6[%add3A_1941] : memref<6400xf32, #tpu.memory_space<vmem>>[vector<16xi32>], vector<16xf32>,
        %lt3A_1943 = arith.cmpf olt, %gather3A_1942, %gather3A_1884 : vector<16xf32>
        %jit3A_1944 = arith.constant 2 : i32
        %jit3A_1945 = arith.constant 0 : i32
        %broadcast_in_dim3A_1946 = vector.broadcast %jit3A_1944 : i32 to vector<16xi32>
        %broadcast_in_dim3A_1947 = vector.broadcast %jit3A_1945 : i32 to vector<16xi32>
        %select_n3A_1948 = arith.select %lt3A_1943, %broadcast_in_dim3A_1946, %broadcast_in_dim3A_1947 : vector<16xi1>, vector<16xi32>
        %add3A_1949 = arith.addi %add3A_1937, %select_n3A_1948 : vector<16xi32>
        %add3A_1950 = arith.constant 0 : i32
        %add3A_1951 = vector.broadcast %add3A_1950 : i32 to vector<16xi32>
        %add3A_1952 = arith.addi %add3A_1949, %add3A_1951 : vector<16xi32>
        %add3A_1953 = arith.addi %broadcast_in_dim3A_1889, %add3A_1952 : vector<16xi32>
        %gather3A_1954 = tpu.vector_load_idx %arg6[%add3A_1953] : memref<6400xf32, #tpu.memory_space<vmem>>[vector<16xi32>], vector<16xf32>,
        %lt3A_1955 = arith.cmpf olt, %gather3A_1954, %gather3A_1884 : vector<16xf32>
        %jit3A_1956 = arith.constant 1 : i32
        %jit3A_1957 = arith.constant 0 : i32
        %broadcast_in_dim3A_1958 = vector.broadcast %jit3A_1956 : i32 to vector<16xi32>
        %broadcast_in_dim3A_1959 = vector.broadcast %jit3A_1957 : i32 to vector<16xi32>
        %select_n3A_1960 = arith.select %lt3A_1955, %broadcast_in_dim3A_1958, %broadcast_in_dim3A_1959 : vector<16xi1>, vector<16xi32>
        %add3A_1961 = arith.addi %add3A_1949, %select_n3A_1960 : vector<16xi32>
        %add3A_1962 = arith.constant 0 : i32
        %add3A_1963 = vector.broadcast %add3A_1962 : i32 to vector<16xi32>
        %add3A_1964 = arith.addi %add3A_1961, %add3A_1963 : vector<16xi32>
        %add3A_1965 = arith.addi %broadcast_in_dim3A_1889, %add3A_1964 : vector<16xi32>
        %gather3A_1966 = tpu.vector_load_idx %arg6[%add3A_1965] : memref<6400xf32, #tpu.memory_space<vmem>>[vector<16xi32>], vector<16xf32>,
        %lt3A_1967 = arith.cmpf olt, %gather3A_1966, %gather3A_1884 : vector<16xf32>
        %jit3A_1968 = arith.constant 1 : i32
        %jit3A_1969 = arith.constant 0 : i32
        %broadcast_in_dim3A_1970 = vector.broadcast %jit3A_1968 : i32 to vector<16xi32>
        %broadcast_in_dim3A_1971 = vector.broadcast %jit3A_1969 : i32 to vector<16xi32>
        %select_n3A_1972 = arith.select %lt3A_1967, %broadcast_in_dim3A_1970, %broadcast_in_dim3A_1971 : vector<16xi1>, vector<16xi32>
        %add3A_1973 = arith.addi %add3A_1961, %select_n3A_1972 : vector<16xi32>
        %mul3A_1974 = arith.constant 104 : i32
        %mul3A_1975 = vector.broadcast %mul3A_1974 : i32 to vector<16xi32>
        %mul3A_1976 = arith.muli %iota3A, %mul3A_1975 : vector<16xi32>
        %add3A_1977 = vector.broadcast %scan3A_1875 : i32 to vector<16xi32>
        %add3A_1978 = arith.addi %mul3A_1976, %add3A_1977 : vector<16xi32>
        %mul3A_1979 = arith.constant 64 : i32
        %mul3A_1980 = arith.muli %scan3A_1875, %mul3A_1979 : i32
        %add3A_1981 = vector.broadcast %mul3A_1980 : i32 to vector<16xi32>
        %add3A_1982 = arith.addi %add3A_1981, %add3A_1973 : vector<16xi32>
        %add3A_1983 = arith.constant 1 : i32
        %add3A_1984 = vector.broadcast %add3A_1983 : i32 to vector<16xi32>
        %add3A_1985 = arith.addi %add3A_1982, %add3A_1984 : vector<16xi32>
        %scatter3A_1986 = arith.constant 0 : i32
        %scatter3A_1987 = tpu.memref_slice %arg8[%scan3A_398, %scatter3A_1986] : memref<2x1664xi32, #tpu.memory_space<vmem>> -> memref<1x1664xi32, #tpu.memory_space<vmem>>
        %scatter3A_1988 = tpu.memref_squeeze %scatter3A_1987 : memref<1x1664xi32, #tpu.memory_space<vmem>> -> memref<1664xi32, #tpu.memory_space<vmem>>
        tpu.vector_store_idx %scatter3A_1988[%add3A_1978], %add3A_1985 : memref<1664xi32, #tpu.memory_space<vmem>>[vector<16xi32>], vector<16xi32>,
        %scan3A_1989 = arith.constant 3 : i32
        %scan3A_1990 = arith.addi %scan3A_1648, %scan3A_1989 : i32
        %mul3A_1991 = arith.constant 100 : i32
        %mul3A_1992 = vector.broadcast %mul3A_1991 : i32 to vector<16xi32>
        %mul3A_1993 = arith.muli %iota3A, %mul3A_1992 : vector<16xi32>
        %add3A_1994 = vector.broadcast %scan3A_1990 : i32 to vector<16xi32>
        %add3A_1995 = arith.addi %mul3A_1993, %add3A_1994 : vector<16xi32>
        %gather3A_1996 = arith.constant 0 : i32
        %gather3A_1997 = tpu.memref_slice %arg7[%scan3A_397, %gather3A_1996] : memref<2x1600xf32, #tpu.memory_space<vmem>> -> memref<1x1600xf32, #tpu.memory_space<vmem>>
        %gather3A_1998 = tpu.memref_squeeze %gather3A_1997 : memref<1x1600xf32, #tpu.memory_space<vmem>> -> memref<1600xf32, #tpu.memory_space<vmem>>
        %gather3A_1999 = tpu.vector_load_idx %gather3A_1998[%add3A_1995] : memref<1600xf32, #tpu.memory_space<vmem>>[vector<16xi32>], vector<16xf32>,
        %broadcast_in_dim3A_2000 = arith.constant 0 : i32
        %broadcast_in_dim3A_2001 = vector.broadcast %broadcast_in_dim3A_2000 : i32 to vector<16xi32>
        %mul3A_2002 = arith.constant 64 : i32
        %mul3A_2003 = arith.muli %scan3A_1990, %mul3A_2002 : i32
        %broadcast_in_dim3A_2004 = vector.broadcast %mul3A_2003 : i32 to vector<16xi32>
        %add3A_2005 = arith.constant 31 : i32
        %add3A_2006 = vector.broadcast %add3A_2005 : i32 to vector<16xi32>
        %add3A_2007 = arith.addi %broadcast_in_dim3A_2001, %add3A_2006 : vector<16xi32>
        %add3A_2008 = arith.addi %broadcast_in_dim3A_2004, %add3A_2007 : vector<16xi32>
        %gather3A_2009 = tpu.vector_load_idx %arg6[%add3A_2008] : memref<6400xf32, #tpu.memory_space<vmem>>[vector<16xi32>], vector<16xf32>,
        %lt3A_2010 = arith.cmpf olt, %gather3A_2009, %gather3A_1999 : vector<16xf32>
        %jit3A_2011 = arith.constant 32 : i32
        %jit3A_2012 = arith.constant 0 : i32
        %broadcast_in_dim3A_2013 = vector.broadcast %jit3A_2011 : i32 to vector<16xi32>
        %broadcast_in_dim3A_2014 = vector.broadcast %jit3A_2012 : i32 to vector<16xi32>
        %select_n3A_2015 = arith.select %lt3A_2010, %broadcast_in_dim3A_2013, %broadcast_in_dim3A_2014 : vector<16xi1>, vector<16xi32>
        %add3A_2016 = arith.addi %broadcast_in_dim3A_2001, %select_n3A_2015 : vector<16xi32>
        %add3A_2017 = arith.constant 15 : i32
        %add3A_2018 = vector.broadcast %add3A_2017 : i32 to vector<16xi32>
        %add3A_2019 = arith.addi %add3A_2016, %add3A_2018 : vector<16xi32>
        %add3A_2020 = arith.addi %broadcast_in_dim3A_2004, %add3A_2019 : vector<16xi32>
        %gather3A_2021 = tpu.vector_load_idx %arg6[%add3A_2020] : memref<6400xf32, #tpu.memory_space<vmem>>[vector<16xi32>], vector<16xf32>,
        %lt3A_2022 = arith.cmpf olt, %gather3A_2021, %gather3A_1999 : vector<16xf32>
        %jit3A_2023 = arith.constant 16 : i32
        %jit3A_2024 = arith.constant 0 : i32
        %broadcast_in_dim3A_2025 = vector.broadcast %jit3A_2023 : i32 to vector<16xi32>
        %broadcast_in_dim3A_2026 = vector.broadcast %jit3A_2024 : i32 to vector<16xi32>
        %select_n3A_2027 = arith.select %lt3A_2022, %broadcast_in_dim3A_2025, %broadcast_in_dim3A_2026 : vector<16xi1>, vector<16xi32>
        %add3A_2028 = arith.addi %add3A_2016, %select_n3A_2027 : vector<16xi32>
        %add3A_2029 = arith.constant 7 : i32
        %add3A_2030 = vector.broadcast %add3A_2029 : i32 to vector<16xi32>
        %add3A_2031 = arith.addi %add3A_2028, %add3A_2030 : vector<16xi32>
        %add3A_2032 = arith.addi %broadcast_in_dim3A_2004, %add3A_2031 : vector<16xi32>
        %gather3A_2033 = tpu.vector_load_idx %arg6[%add3A_2032] : memref<6400xf32, #tpu.memory_space<vmem>>[vector<16xi32>], vector<16xf32>,
        %lt3A_2034 = arith.cmpf olt, %gather3A_2033, %gather3A_1999 : vector<16xf32>
        %jit3A_2035 = arith.constant 8 : i32
        %jit3A_2036 = arith.constant 0 : i32
        %broadcast_in_dim3A_2037 = vector.broadcast %jit3A_2035 : i32 to vector<16xi32>
        %broadcast_in_dim3A_2038 = vector.broadcast %jit3A_2036 : i32 to vector<16xi32>
        %select_n3A_2039 = arith.select %lt3A_2034, %broadcast_in_dim3A_2037, %broadcast_in_dim3A_2038 : vector<16xi1>, vector<16xi32>
        %add3A_2040 = arith.addi %add3A_2028, %select_n3A_2039 : vector<16xi32>
        %add3A_2041 = arith.constant 3 : i32
        %add3A_2042 = vector.broadcast %add3A_2041 : i32 to vector<16xi32>
        %add3A_2043 = arith.addi %add3A_2040, %add3A_2042 : vector<16xi32>
        %add3A_2044 = arith.addi %broadcast_in_dim3A_2004, %add3A_2043 : vector<16xi32>
        %gather3A_2045 = tpu.vector_load_idx %arg6[%add3A_2044] : memref<6400xf32, #tpu.memory_space<vmem>>[vector<16xi32>], vector<16xf32>,
        %lt3A_2046 = arith.cmpf olt, %gather3A_2045, %gather3A_1999 : vector<16xf32>
        %jit3A_2047 = arith.constant 4 : i32
        %jit3A_2048 = arith.constant 0 : i32
        %broadcast_in_dim3A_2049 = vector.broadcast %jit3A_2047 : i32 to vector<16xi32>
        %broadcast_in_dim3A_2050 = vector.broadcast %jit3A_2048 : i32 to vector<16xi32>
        %select_n3A_2051 = arith.select %lt3A_2046, %broadcast_in_dim3A_2049, %broadcast_in_dim3A_2050 : vector<16xi1>, vector<16xi32>
        %add3A_2052 = arith.addi %add3A_2040, %select_n3A_2051 : vector<16xi32>
        %add3A_2053 = arith.constant 1 : i32
        %add3A_2054 = vector.broadcast %add3A_2053 : i32 to vector<16xi32>
        %add3A_2055 = arith.addi %add3A_2052, %add3A_2054 : vector<16xi32>
        %add3A_2056 = arith.addi %broadcast_in_dim3A_2004, %add3A_2055 : vector<16xi32>
        %gather3A_2057 = tpu.vector_load_idx %arg6[%add3A_2056] : memref<6400xf32, #tpu.memory_space<vmem>>[vector<16xi32>], vector<16xf32>,
        %lt3A_2058 = arith.cmpf olt, %gather3A_2057, %gather3A_1999 : vector<16xf32>
        %jit3A_2059 = arith.constant 2 : i32
        %jit3A_2060 = arith.constant 0 : i32
        %broadcast_in_dim3A_2061 = vector.broadcast %jit3A_2059 : i32 to vector<16xi32>
        %broadcast_in_dim3A_2062 = vector.broadcast %jit3A_2060 : i32 to vector<16xi32>
        %select_n3A_2063 = arith.select %lt3A_2058, %broadcast_in_dim3A_2061, %broadcast_in_dim3A_2062 : vector<16xi1>, vector<16xi32>
        %add3A_2064 = arith.addi %add3A_2052, %select_n3A_2063 : vector<16xi32>
        %add3A_2065 = arith.constant 0 : i32
        %add3A_2066 = vector.broadcast %add3A_2065 : i32 to vector<16xi32>
        %add3A_2067 = arith.addi %add3A_2064, %add3A_2066 : vector<16xi32>
        %add3A_2068 = arith.addi %broadcast_in_dim3A_2004, %add3A_2067 : vector<16xi32>
        %gather3A_2069 = tpu.vector_load_idx %arg6[%add3A_2068] : memref<6400xf32, #tpu.memory_space<vmem>>[vector<16xi32>], vector<16xf32>,
        %lt3A_2070 = arith.cmpf olt, %gather3A_2069, %gather3A_1999 : vector<16xf32>
        %jit3A_2071 = arith.constant 1 : i32
        %jit3A_2072 = arith.constant 0 : i32
        %broadcast_in_dim3A_2073 = vector.broadcast %jit3A_2071 : i32 to vector<16xi32>
        %broadcast_in_dim3A_2074 = vector.broadcast %jit3A_2072 : i32 to vector<16xi32>
        %select_n3A_2075 = arith.select %lt3A_2070, %broadcast_in_dim3A_2073, %broadcast_in_dim3A_2074 : vector<16xi1>, vector<16xi32>
        %add3A_2076 = arith.addi %add3A_2064, %select_n3A_2075 : vector<16xi32>
        %add3A_2077 = arith.constant 0 : i32
        %add3A_2078 = vector.broadcast %add3A_2077 : i32 to vector<16xi32>
        %add3A_2079 = arith.addi %add3A_2076, %add3A_2078 : vector<16xi32>
        %add3A_2080 = arith.addi %broadcast_in_dim3A_2004, %add3A_2079 : vector<16xi32>
        %gather3A_2081 = tpu.vector_load_idx %arg6[%add3A_2080] : memref<6400xf32, #tpu.memory_space<vmem>>[vector<16xi32>], vector<16xf32>,
        %lt3A_2082 = arith.cmpf olt, %gather3A_2081, %gather3A_1999 : vector<16xf32>
        %jit3A_2083 = arith.constant 1 : i32
        %jit3A_2084 = arith.constant 0 : i32
        %broadcast_in_dim3A_2085 = vector.broadcast %jit3A_2083 : i32 to vector<16xi32>
        %broadcast_in_dim3A_2086 = vector.broadcast %jit3A_2084 : i32 to vector<16xi32>
        %select_n3A_2087 = arith.select %lt3A_2082, %broadcast_in_dim3A_2085, %broadcast_in_dim3A_2086 : vector<16xi1>, vector<16xi32>
        %add3A_2088 = arith.addi %add3A_2076, %select_n3A_2087 : vector<16xi32>
        %mul3A_2089 = arith.constant 104 : i32
        %mul3A_2090 = vector.broadcast %mul3A_2089 : i32 to vector<16xi32>
        %mul3A_2091 = arith.muli %iota3A, %mul3A_2090 : vector<16xi32>
        %add3A_2092 = vector.broadcast %scan3A_1990 : i32 to vector<16xi32>
        %add3A_2093 = arith.addi %mul3A_2091, %add3A_2092 : vector<16xi32>
        %mul3A_2094 = arith.constant 64 : i32
        %mul3A_2095 = arith.muli %scan3A_1990, %mul3A_2094 : i32
        %add3A_2096 = vector.broadcast %mul3A_2095 : i32 to vector<16xi32>
        %add3A_2097 = arith.addi %add3A_2096, %add3A_2088 : vector<16xi32>
        %add3A_2098 = arith.constant 1 : i32
        %add3A_2099 = vector.broadcast %add3A_2098 : i32 to vector<16xi32>
        %add3A_2100 = arith.addi %add3A_2097, %add3A_2099 : vector<16xi32>
        %scatter3A_2101 = arith.constant 0 : i32
        %scatter3A_2102 = tpu.memref_slice %arg8[%scan3A_398, %scatter3A_2101] : memref<2x1664xi32, #tpu.memory_space<vmem>> -> memref<1x1664xi32, #tpu.memory_space<vmem>>
        %scatter3A_2103 = tpu.memref_squeeze %scatter3A_2102 : memref<1x1664xi32, #tpu.memory_space<vmem>> -> memref<1664xi32, #tpu.memory_space<vmem>>
        tpu.vector_store_idx %scatter3A_2103[%add3A_2093], %add3A_2100 : memref<1664xi32, #tpu.memory_space<vmem>>[vector<16xi32>], vector<16xi32>,
      }
      %scan3A_403 = arith.constant 100 : i32
      %add3A_404 = arith.constant 2 : i32
      %add3A_405 = arith.addi %add3A_381, %add3A_404 : i32
      %lt3A = arith.constant 32 : i32
      %lt3A_406 = arith.cmpi slt, %add3A_405, %lt3A : i32
      %convert_element_type3A = arith.extui %lt3A_406 : i1 to i32
      %cond3A = arith.constant 0 : i32
      %cond3A_407 = arith.cmpi ne, %convert_element_type3A, %cond3A : i32
      scf.if %cond3A_407 {
        %add3A_1648 = arith.constant 2 : i32
        %add3A_1649 = arith.addi %add3A_381, %add3A_1648 : i32
        %mul3A_1650 = arith.constant 16 : i32
        %mul3A_1651 = arith.muli %add3A_1649, %mul3A_1650 : i32
        %add3A_1652 = arith.addi %mul3A_2, %mul3A_1651 : i32
        %mul3A_1653 = arith.constant 100 : i32
        %mul3A_1654 = arith.muli %add3A_1652, %mul3A_1653 : i32
        %dma_start3A_1655 = arith.constant 1 : i32
        %dma_start3A_1656 = arith.constant 1 : i32
        %dma_start3A_1657 = arith.constant 0 : i32
        %dma_start3A_1658 = tpu.memref_slice %arg7[%dma_start3A_1655, %dma_start3A_1657] : memref<2x1600xf32, #tpu.memory_space<vmem>> -> memref<1x1600xf32, #tpu.memory_space<vmem>>
        %dma_start3A_1659 = tpu.memref_squeeze %dma_start3A_1658 : memref<1x1600xf32, #tpu.memory_space<vmem>> -> memref<1600xf32, #tpu.memory_space<vmem>>
        %dma_start3A_1660 = tpu.memref_slice %arg2[%mul3A_1654] : memref<1638400xf32, #tpu.memory_space<hbm>> -> memref<1600xf32, #tpu.memory_space<hbm>>
        %dma_start3A_1661 = tpu.memref_slice %arg11[%dma_start3A_1656] : memref<2x!tpu.dma_semaphore, #tpu.memory_space<semaphore_mem>> -> memref<1x!tpu.dma_semaphore, #tpu.memory_space<semaphore_mem>>
        %dma_start3A_1662 = tpu.memref_squeeze %dma_start3A_1661 : memref<1x!tpu.dma_semaphore, #tpu.memory_space<semaphore_mem>> -> memref<!tpu.dma_semaphore, #tpu.memory_space<semaphore_mem>>
        %dma_start3A_1663 = arith.constant 0 : i32
        %dma_start3A_1664 = tpu.memref_slice %arg7[%dma_start3A_1655, %dma_start3A_1663] : memref<2x1600xf32, #tpu.memory_space<vmem>> -> memref<1x1600xf32, #tpu.memory_space<vmem>>
        %dma_start3A_1665 = tpu.memref_squeeze %dma_start3A_1664 : memref<1x1600xf32, #tpu.memory_space<vmem>> -> memref<1600xf32, #tpu.memory_space<vmem>>
        %dma_start3A_1666 = tpu.memref_slice %arg2[%mul3A_1654] : memref<1638400xf32, #tpu.memory_space<hbm>> -> memref<1600xf32, #tpu.memory_space<hbm>>
        tpu.enqueue_dma source(%dma_start3A_1666 : memref<1600xf32, #tpu.memory_space<hbm>>) target(%dma_start3A_1665 : memref<1600xf32, #tpu.memory_space<vmem>>) target_semaphore(%dma_start3A_1662 : memref<!tpu.dma_semaphore, #tpu.memory_space<semaphore_mem>>)
      } else {
      }
      %dma_start3A_408 = arith.constant 1 : i32
      %dma_start3A_409 = arith.constant 1 : i32
      %dma_start3A_410 = arith.constant 1 : i32
      %dma_start3A_411 = arith.constant 0 : i32
      %dma_start3A_412 = arith.constant 0 : i32
      %dma_start3A_413 = tpu.memref_slice %arg9[%dma_start3A_409, %dma_start3A_411, %dma_start3A_412] : memref<2x1600x32xbf16, #tpu.memory_space<vmem>> -> memref<1x100x32xbf16, #tpu.memory_space<vmem>>
      %dma_start3A_414 = tpu.memref_squeeze %dma_start3A_413 : memref<1x100x32xbf16, #tpu.memory_space<vmem>> -> memref<100x32xbf16, #tpu.memory_space<vmem>>
      %dma_start3A_415 = arith.constant 0 : i32
      %dma_start3A_416 = tpu.memref_slice %arg8[%dma_start3A_408, %dma_start3A_415] : memref<2x1664xi32, #tpu.memory_space<vmem>> -> memref<1x1664xi32, #tpu.memory_space<vmem>>
      %dma_start3A_417 = tpu.memref_squeeze %dma_start3A_416 : memref<1x1664xi32, #tpu.memory_space<vmem>> -> memref<1664xi32, #tpu.memory_space<vmem>>
      %dma_start3A_418 = arith.constant 0 : i32
      %dma_start3A_419 = tpu.memref_slice %dma_start3A_417[%dma_start3A_418] : memref<1664xi32, #tpu.memory_space<vmem>> -> memref<100xi32, #tpu.memory_space<vmem>>
      %dma_start3A_420 = arith.constant 0 : i32
      %dma_start3A_421 = arith.constant 0 : i32
      %dma_start3A_422 = tpu.memref_slice %arg4[%dma_start3A_420, %dma_start3A_421] : memref<6402x32xbf16, #tpu.memory_space<hbm>> -> memref<6402x32xbf16, #tpu.memory_space<hbm>>
      %dma_start3A_423 = tpu.memref_slice %arg12[%dma_start3A_410] : memref<2x!tpu.dma_semaphore, #tpu.memory_space<semaphore_mem>> -> memref<1x!tpu.dma_semaphore, #tpu.memory_space<semaphore_mem>>
      %dma_start3A_424 = tpu.memref_squeeze %dma_start3A_423 : memref<1x!tpu.dma_semaphore, #tpu.memory_space<semaphore_mem>> -> memref<!tpu.dma_semaphore, #tpu.memory_space<semaphore_mem>>
      tpu.enqueue_indirect_dma source(%dma_start3A_422 : memref<6402x32xbf16, #tpu.memory_space<hbm>>) target(%dma_start3A_414 : memref<100x32xbf16, #tpu.memory_space<vmem>>) offsets(%dma_start3A_419 : memref<100xi32, #tpu.memory_space<vmem>>) semaphore(%dma_start3A_424 : memref<!tpu.dma_semaphore, #tpu.memory_space<semaphore_mem>>)
      %dma_start3A_425 = arith.constant 1 : i32
      %dma_start3A_426 = arith.constant 1 : i32
      %dma_start3A_427 = arith.constant 1 : i32
      %dma_start3A_428 = arith.constant 100 : i32
      %dma_start3A_429 = arith.constant 0 : i32
      %dma_start3A_430 = tpu.memref_slice %arg9[%dma_start3A_426, %dma_start3A_428, %dma_start3A_429] : memref<2x1600x32xbf16, #tpu.memory_space<vmem>> -> memref<1x100x32xbf16, #tpu.memory_space<vmem>>
      %dma_start3A_431 = tpu.memref_squeeze %dma_start3A_430 : memref<1x100x32xbf16, #tpu.memory_space<vmem>> -> memref<100x32xbf16, #tpu.memory_space<vmem>>
      %dma_start3A_432 = arith.constant 0 : i32
      %dma_start3A_433 = tpu.memref_slice %arg8[%dma_start3A_425, %dma_start3A_432] : memref<2x1664xi32, #tpu.memory_space<vmem>> -> memref<1x1664xi32, #tpu.memory_space<vmem>>
      %dma_start3A_434 = tpu.memref_squeeze %dma_start3A_433 : memref<1x1664xi32, #tpu.memory_space<vmem>> -> memref<1664xi32, #tpu.memory_space<vmem>>
      %dma_start3A_435 = arith.constant 104 : i32
      %dma_start3A_436 = tpu.memref_slice %dma_start3A_434[%dma_start3A_435] : memref<1664xi32, #tpu.memory_space<vmem>> -> memref<100xi32, #tpu.memory_space<vmem>>
      %dma_start3A_437 = arith.constant 0 : i32
      %dma_start3A_438 = arith.constant 0 : i32
      %dma_start3A_439 = tpu.memref_slice %arg4[%dma_start3A_437, %dma_start3A_438] : memref<6402x32xbf16, #tpu.memory_space<hbm>> -> memref<6402x32xbf16, #tpu.memory_space<hbm>>
      %dma_start3A_440 = tpu.memref_slice %arg12[%dma_start3A_427] : memref<2x!tpu.dma_semaphore, #tpu.memory_space<semaphore_mem>> -> memref<1x!tpu.dma_semaphore, #tpu.memory_space<semaphore_mem>>
      %dma_start3A_441 = tpu.memref_squeeze %dma_start3A_440 : memref<1x!tpu.dma_semaphore, #tpu.memory_space<semaphore_mem>> -> memref<!tpu.dma_semaphore, #tpu.memory_space<semaphore_mem>>
      tpu.enqueue_indirect_dma source(%dma_start3A_439 : memref<6402x32xbf16, #tpu.memory_space<hbm>>) target(%dma_start3A_431 : memref<100x32xbf16, #tpu.memory_space<vmem>>) offsets(%dma_start3A_436 : memref<100xi32, #tpu.memory_space<vmem>>) semaphore(%dma_start3A_441 : memref<!tpu.dma_semaphore, #tpu.memory_space<semaphore_mem>>)
      %dma_start3A_442 = arith.constant 1 : i32
      %dma_start3A_443 = arith.constant 1 : i32
      %dma_start3A_444 = arith.constant 1 : i32
      %dma_start3A_445 = arith.constant 200 : i32
      %dma_start3A_446 = arith.constant 0 : i32
      %dma_start3A_447 = tpu.memref_slice %arg9[%dma_start3A_443, %dma_start3A_445, %dma_start3A_446] : memref<2x1600x32xbf16, #tpu.memory_space<vmem>> -> memref<1x100x32xbf16, #tpu.memory_space<vmem>>
      %dma_start3A_448 = tpu.memref_squeeze %dma_start3A_447 : memref<1x100x32xbf16, #tpu.memory_space<vmem>> -> memref<100x32xbf16, #tpu.memory_space<vmem>>
      %dma_start3A_449 = arith.constant 0 : i32
      %dma_start3A_450 = tpu.memref_slice %arg8[%dma_start3A_442, %dma_start3A_449] : memref<2x1664xi32, #tpu.memory_space<vmem>> -> memref<1x1664xi32, #tpu.memory_space<vmem>>
      %dma_start3A_451 = tpu.memref_squeeze %dma_start3A_450 : memref<1x1664xi32, #tpu.memory_space<vmem>> -> memref<1664xi32, #tpu.memory_space<vmem>>
      %dma_start3A_452 = arith.constant 208 : i32
      %dma_start3A_453 = tpu.memref_slice %dma_start3A_451[%dma_start3A_452] : memref<1664xi32, #tpu.memory_space<vmem>> -> memref<100xi32, #tpu.memory_space<vmem>>
      %dma_start3A_454 = arith.constant 0 : i32
      %dma_start3A_455 = arith.constant 0 : i32
      %dma_start3A_456 = tpu.memref_slice %arg4[%dma_start3A_454, %dma_start3A_455] : memref<6402x32xbf16, #tpu.memory_space<hbm>> -> memref<6402x32xbf16, #tpu.memory_space<hbm>>
      %dma_start3A_457 = tpu.memref_slice %arg12[%dma_start3A_444] : memref<2x!tpu.dma_semaphore, #tpu.memory_space<semaphore_mem>> -> memref<1x!tpu.dma_semaphore, #tpu.memory_space<semaphore_mem>>
      %dma_start3A_458 = tpu.memref_squeeze %dma_start3A_457 : memref<1x!tpu.dma_semaphore, #tpu.memory_space<semaphore_mem>> -> memref<!tpu.dma_semaphore, #tpu.memory_space<semaphore_mem>>
      tpu.enqueue_indirect_dma source(%dma_start3A_456 : memref<6402x32xbf16, #tpu.memory_space<hbm>>) target(%dma_start3A_448 : memref<100x32xbf16, #tpu.memory_space<vmem>>) offsets(%dma_start3A_453 : memref<100xi32, #tpu.memory_space<vmem>>) semaphore(%dma_start3A_458 : memref<!tpu.dma_semaphore, #tpu.memory_space<semaphore_mem>>)
      %dma_start3A_459 = arith.constant 1 : i32
      %dma_start3A_460 = arith.constant 1 : i32
      %dma_start3A_461 = arith.constant 1 : i32
      %dma_start3A_462 = arith.constant 300 : i32
      %dma_start3A_463 = arith.constant 0 : i32
      %dma_start3A_464 = tpu.memref_slice %arg9[%dma_start3A_460, %dma_start3A_462, %dma_start3A_463] : memref<2x1600x32xbf16, #tpu.memory_space<vmem>> -> memref<1x100x32xbf16, #tpu.memory_space<vmem>>
      %dma_start3A_465 = tpu.memref_squeeze %dma_start3A_464 : memref<1x100x32xbf16, #tpu.memory_space<vmem>> -> memref<100x32xbf16, #tpu.memory_space<vmem>>
      %dma_start3A_466 = arith.constant 0 : i32
      %dma_start3A_467 = tpu.memref_slice %arg8[%dma_start3A_459, %dma_start3A_466] : memref<2x1664xi32, #tpu.memory_space<vmem>> -> memref<1x1664xi32, #tpu.memory_space<vmem>>
      %dma_start3A_468 = tpu.memref_squeeze %dma_start3A_467 : memref<1x1664xi32, #tpu.memory_space<vmem>> -> memref<1664xi32, #tpu.memory_space<vmem>>
      %dma_start3A_469 = arith.constant 312 : i32
      %dma_start3A_470 = tpu.memref_slice %dma_start3A_468[%dma_start3A_469] : memref<1664xi32, #tpu.memory_space<vmem>> -> memref<100xi32, #tpu.memory_space<vmem>>
      %dma_start3A_471 = arith.constant 0 : i32
      %dma_start3A_472 = arith.constant 0 : i32
      %dma_start3A_473 = tpu.memref_slice %arg4[%dma_start3A_471, %dma_start3A_472] : memref<6402x32xbf16, #tpu.memory_space<hbm>> -> memref<6402x32xbf16, #tpu.memory_space<hbm>>
      %dma_start3A_474 = tpu.memref_slice %arg12[%dma_start3A_461] : memref<2x!tpu.dma_semaphore, #tpu.memory_space<semaphore_mem>> -> memref<1x!tpu.dma_semaphore, #tpu.memory_space<semaphore_mem>>
      %dma_start3A_475 = tpu.memref_squeeze %dma_start3A_474 : memref<1x!tpu.dma_semaphore, #tpu.memory_space<semaphore_mem>> -> memref<!tpu.dma_semaphore, #tpu.memory_space<semaphore_mem>>
      tpu.enqueue_indirect_dma source(%dma_start3A_473 : memref<6402x32xbf16, #tpu.memory_space<hbm>>) target(%dma_start3A_465 : memref<100x32xbf16, #tpu.memory_space<vmem>>) offsets(%dma_start3A_470 : memref<100xi32, #tpu.memory_space<vmem>>) semaphore(%dma_start3A_475 : memref<!tpu.dma_semaphore, #tpu.memory_space<semaphore_mem>>)
      %dma_start3A_476 = arith.constant 1 : i32
      %dma_start3A_477 = arith.constant 1 : i32
      %dma_start3A_478 = arith.constant 1 : i32
      %dma_start3A_479 = arith.constant 400 : i32
      %dma_start3A_480 = arith.constant 0 : i32
      %dma_start3A_481 = tpu.memref_slice %arg9[%dma_start3A_477, %dma_start3A_479, %dma_start3A_480] : memref<2x1600x32xbf16, #tpu.memory_space<vmem>> -> memref<1x100x32xbf16, #tpu.memory_space<vmem>>
      %dma_start3A_482 = tpu.memref_squeeze %dma_start3A_481 : memref<1x100x32xbf16, #tpu.memory_space<vmem>> -> memref<100x32xbf16, #tpu.memory_space<vmem>>
      %dma_start3A_483 = arith.constant 0 : i32
      %dma_start3A_484 = tpu.memref_slice %arg8[%dma_start3A_476, %dma_start3A_483] : memref<2x1664xi32, #tpu.memory_space<vmem>> -> memref<1x1664xi32, #tpu.memory_space<vmem>>
      %dma_start3A_485 = tpu.memref_squeeze %dma_start3A_484 : memref<1x1664xi32, #tpu.memory_space<vmem>> -> memref<1664xi32, #tpu.memory_space<vmem>>
      %dma_start3A_486 = arith.constant 416 : i32
      %dma_start3A_487 = tpu.memref_slice %dma_start3A_485[%dma_start3A_486] : memref<1664xi32, #tpu.memory_space<vmem>> -> memref<100xi32, #tpu.memory_space<vmem>>
      %dma_start3A_488 = arith.constant 0 : i32
      %dma_start3A_489 = arith.constant 0 : i32
      %dma_start3A_490 = tpu.memref_slice %arg4[%dma_start3A_488, %dma_start3A_489] : memref<6402x32xbf16, #tpu.memory_space<hbm>> -> memref<6402x32xbf16, #tpu.memory_space<hbm>>
      %dma_start3A_491 = tpu.memref_slice %arg12[%dma_start3A_478] : memref<2x!tpu.dma_semaphore, #tpu.memory_space<semaphore_mem>> -> memref<1x!tpu.dma_semaphore, #tpu.memory_space<semaphore_mem>>
      %dma_start3A_492 = tpu.memref_squeeze %dma_start3A_491 : memref<1x!tpu.dma_semaphore, #tpu.memory_space<semaphore_mem>> -> memref<!tpu.dma_semaphore, #tpu.memory_space<semaphore_mem>>
      tpu.enqueue_indirect_dma source(%dma_start3A_490 : memref<6402x32xbf16, #tpu.memory_space<hbm>>) target(%dma_start3A_482 : memref<100x32xbf16, #tpu.memory_space<vmem>>) offsets(%dma_start3A_487 : memref<100xi32, #tpu.memory_space<vmem>>) semaphore(%dma_start3A_492 : memref<!tpu.dma_semaphore, #tpu.memory_space<semaphore_mem>>)
      %dma_start3A_493 = arith.constant 1 : i32
      %dma_start3A_494 = arith.constant 1 : i32
      %dma_start3A_495 = arith.constant 1 : i32
      %dma_start3A_496 = arith.constant 500 : i32
      %dma_start3A_497 = arith.constant 0 : i32
      %dma_start3A_498 = tpu.memref_slice %arg9[%dma_start3A_494, %dma_start3A_496, %dma_start3A_497] : memref<2x1600x32xbf16, #tpu.memory_space<vmem>> -> memref<1x100x32xbf16, #tpu.memory_space<vmem>>
      %dma_start3A_499 = tpu.memref_squeeze %dma_start3A_498 : memref<1x100x32xbf16, #tpu.memory_space<vmem>> -> memref<100x32xbf16, #tpu.memory_space<vmem>>
      %dma_start3A_500 = arith.constant 0 : i32
      %dma_start3A_501 = tpu.memref_slice %arg8[%dma_start3A_493, %dma_start3A_500] : memref<2x1664xi32, #tpu.memory_space<vmem>> -> memref<1x1664xi32, #tpu.memory_space<vmem>>
      %dma_start3A_502 = tpu.memref_squeeze %dma_start3A_501 : memref<1x1664xi32, #tpu.memory_space<vmem>> -> memref<1664xi32, #tpu.memory_space<vmem>>
      %dma_start3A_503 = arith.constant 520 : i32
      %dma_start3A_504 = tpu.memref_slice %dma_start3A_502[%dma_start3A_503] : memref<1664xi32, #tpu.memory_space<vmem>> -> memref<100xi32, #tpu.memory_space<vmem>>
      %dma_start3A_505 = arith.constant 0 : i32
      %dma_start3A_506 = arith.constant 0 : i32
      %dma_start3A_507 = tpu.memref_slice %arg4[%dma_start3A_505, %dma_start3A_506] : memref<6402x32xbf16, #tpu.memory_space<hbm>> -> memref<6402x32xbf16, #tpu.memory_space<hbm>>
      %dma_start3A_508 = tpu.memref_slice %arg12[%dma_start3A_495] : memref<2x!tpu.dma_semaphore, #tpu.memory_space<semaphore_mem>> -> memref<1x!tpu.dma_semaphore, #tpu.memory_space<semaphore_mem>>
      %dma_start3A_509 = tpu.memref_squeeze %dma_start3A_508 : memref<1x!tpu.dma_semaphore, #tpu.memory_space<semaphore_mem>> -> memref<!tpu.dma_semaphore, #tpu.memory_space<semaphore_mem>>
      tpu.enqueue_indirect_dma source(%dma_start3A_507 : memref<6402x32xbf16, #tpu.memory_space<hbm>>) target(%dma_start3A_499 : memref<100x32xbf16, #tpu.memory_space<vmem>>) offsets(%dma_start3A_504 : memref<100xi32, #tpu.memory_space<vmem>>) semaphore(%dma_start3A_509 : memref<!tpu.dma_semaphore, #tpu.memory_space<semaphore_mem>>)
      %dma_start3A_510 = arith.constant 1 : i32
      %dma_start3A_511 = arith.constant 1 : i32
      %dma_start3A_512 = arith.constant 1 : i32
      %dma_start3A_513 = arith.constant 600 : i32
      %dma_start3A_514 = arith.constant 0 : i32
      %dma_start3A_515 = tpu.memref_slice %arg9[%dma_start3A_511, %dma_start3A_513, %dma_start3A_514] : memref<2x1600x32xbf16, #tpu.memory_space<vmem>> -> memref<1x100x32xbf16, #tpu.memory_space<vmem>>
      %dma_start3A_516 = tpu.memref_squeeze %dma_start3A_515 : memref<1x100x32xbf16, #tpu.memory_space<vmem>> -> memref<100x32xbf16, #tpu.memory_space<vmem>>
      %dma_start3A_517 = arith.constant 0 : i32
      %dma_start3A_518 = tpu.memref_slice %arg8[%dma_start3A_510, %dma_start3A_517] : memref<2x1664xi32, #tpu.memory_space<vmem>> -> memref<1x1664xi32, #tpu.memory_space<vmem>>
      %dma_start3A_519 = tpu.memref_squeeze %dma_start3A_518 : memref<1x1664xi32, #tpu.memory_space<vmem>> -> memref<1664xi32, #tpu.memory_space<vmem>>
      %dma_start3A_520 = arith.constant 624 : i32
      %dma_start3A_521 = tpu.memref_slice %dma_start3A_519[%dma_start3A_520] : memref<1664xi32, #tpu.memory_space<vmem>> -> memref<100xi32, #tpu.memory_space<vmem>>
      %dma_start3A_522 = arith.constant 0 : i32
      %dma_start3A_523 = arith.constant 0 : i32
      %dma_start3A_524 = tpu.memref_slice %arg4[%dma_start3A_522, %dma_start3A_523] : memref<6402x32xbf16, #tpu.memory_space<hbm>> -> memref<6402x32xbf16, #tpu.memory_space<hbm>>
      %dma_start3A_525 = tpu.memref_slice %arg12[%dma_start3A_512] : memref<2x!tpu.dma_semaphore, #tpu.memory_space<semaphore_mem>> -> memref<1x!tpu.dma_semaphore, #tpu.memory_space<semaphore_mem>>
      %dma_start3A_526 = tpu.memref_squeeze %dma_start3A_525 : memref<1x!tpu.dma_semaphore, #tpu.memory_space<semaphore_mem>> -> memref<!tpu.dma_semaphore, #tpu.memory_space<semaphore_mem>>
      tpu.enqueue_indirect_dma source(%dma_start3A_524 : memref<6402x32xbf16, #tpu.memory_space<hbm>>) target(%dma_start3A_516 : memref<100x32xbf16, #tpu.memory_space<vmem>>) offsets(%dma_start3A_521 : memref<100xi32, #tpu.memory_space<vmem>>) semaphore(%dma_start3A_526 : memref<!tpu.dma_semaphore, #tpu.memory_space<semaphore_mem>>)
      %dma_start3A_527 = arith.constant 1 : i32
      %dma_start3A_528 = arith.constant 1 : i32
      %dma_start3A_529 = arith.constant 1 : i32
      %dma_start3A_530 = arith.constant 700 : i32
      %dma_start3A_531 = arith.constant 0 : i32
      %dma_start3A_532 = tpu.memref_slice %arg9[%dma_start3A_528, %dma_start3A_530, %dma_start3A_531] : memref<2x1600x32xbf16, #tpu.memory_space<vmem>> -> memref<1x100x32xbf16, #tpu.memory_space<vmem>>
      %dma_start3A_533 = tpu.memref_squeeze %dma_start3A_532 : memref<1x100x32xbf16, #tpu.memory_space<vmem>> -> memref<100x32xbf16, #tpu.memory_space<vmem>>
      %dma_start3A_534 = arith.constant 0 : i32
      %dma_start3A_535 = tpu.memref_slice %arg8[%dma_start3A_527, %dma_start3A_534] : memref<2x1664xi32, #tpu.memory_space<vmem>> -> memref<1x1664xi32, #tpu.memory_space<vmem>>
      %dma_start3A_536 = tpu.memref_squeeze %dma_start3A_535 : memref<1x1664xi32, #tpu.memory_space<vmem>> -> memref<1664xi32, #tpu.memory_space<vmem>>
      %dma_start3A_537 = arith.constant 728 : i32
      %dma_start3A_538 = tpu.memref_slice %dma_start3A_536[%dma_start3A_537] : memref<1664xi32, #tpu.memory_space<vmem>> -> memref<100xi32, #tpu.memory_space<vmem>>
      %dma_start3A_539 = arith.constant 0 : i32
      %dma_start3A_540 = arith.constant 0 : i32
      %dma_start3A_541 = tpu.memref_slice %arg4[%dma_start3A_539, %dma_start3A_540] : memref<6402x32xbf16, #tpu.memory_space<hbm>> -> memref<6402x32xbf16, #tpu.memory_space<hbm>>
      %dma_start3A_542 = tpu.memref_slice %arg12[%dma_start3A_529] : memref<2x!tpu.dma_semaphore, #tpu.memory_space<semaphore_mem>> -> memref<1x!tpu.dma_semaphore, #tpu.memory_space<semaphore_mem>>
      %dma_start3A_543 = tpu.memref_squeeze %dma_start3A_542 : memref<1x!tpu.dma_semaphore, #tpu.memory_space<semaphore_mem>> -> memref<!tpu.dma_semaphore, #tpu.memory_space<semaphore_mem>>
      tpu.enqueue_indirect_dma source(%dma_start3A_541 : memref<6402x32xbf16, #tpu.memory_space<hbm>>) target(%dma_start3A_533 : memref<100x32xbf16, #tpu.memory_space<vmem>>) offsets(%dma_start3A_538 : memref<100xi32, #tpu.memory_space<vmem>>) semaphore(%dma_start3A_543 : memref<!tpu.dma_semaphore, #tpu.memory_space<semaphore_mem>>)
      %dma_start3A_544 = arith.constant 1 : i32
      %dma_start3A_545 = arith.constant 1 : i32
      %dma_start3A_546 = arith.constant 1 : i32
      %dma_start3A_547 = arith.constant 800 : i32
      %dma_start3A_548 = arith.constant 0 : i32
      %dma_start3A_549 = tpu.memref_slice %arg9[%dma_start3A_545, %dma_start3A_547, %dma_start3A_548] : memref<2x1600x32xbf16, #tpu.memory_space<vmem>> -> memref<1x100x32xbf16, #tpu.memory_space<vmem>>
      %dma_start3A_550 = tpu.memref_squeeze %dma_start3A_549 : memref<1x100x32xbf16, #tpu.memory_space<vmem>> -> memref<100x32xbf16, #tpu.memory_space<vmem>>
      %dma_start3A_551 = arith.constant 0 : i32
      %dma_start3A_552 = tpu.memref_slice %arg8[%dma_start3A_544, %dma_start3A_551] : memref<2x1664xi32, #tpu.memory_space<vmem>> -> memref<1x1664xi32, #tpu.memory_space<vmem>>
      %dma_start3A_553 = tpu.memref_squeeze %dma_start3A_552 : memref<1x1664xi32, #tpu.memory_space<vmem>> -> memref<1664xi32, #tpu.memory_space<vmem>>
      %dma_start3A_554 = arith.constant 832 : i32
      %dma_start3A_555 = tpu.memref_slice %dma_start3A_553[%dma_start3A_554] : memref<1664xi32, #tpu.memory_space<vmem>> -> memref<100xi32, #tpu.memory_space<vmem>>
      %dma_start3A_556 = arith.constant 0 : i32
      %dma_start3A_557 = arith.constant 0 : i32
      %dma_start3A_558 = tpu.memref_slice %arg4[%dma_start3A_556, %dma_start3A_557] : memref<6402x32xbf16, #tpu.memory_space<hbm>> -> memref<6402x32xbf16, #tpu.memory_space<hbm>>
      %dma_start3A_559 = tpu.memref_slice %arg12[%dma_start3A_546] : memref<2x!tpu.dma_semaphore, #tpu.memory_space<semaphore_mem>> -> memref<1x!tpu.dma_semaphore, #tpu.memory_space<semaphore_mem>>
      %dma_start3A_560 = tpu.memref_squeeze %dma_start3A_559 : memref<1x!tpu.dma_semaphore, #tpu.memory_space<semaphore_mem>> -> memref<!tpu.dma_semaphore, #tpu.memory_space<semaphore_mem>>
      tpu.enqueue_indirect_dma source(%dma_start3A_558 : memref<6402x32xbf16, #tpu.memory_space<hbm>>) target(%dma_start3A_550 : memref<100x32xbf16, #tpu.memory_space<vmem>>) offsets(%dma_start3A_555 : memref<100xi32, #tpu.memory_space<vmem>>) semaphore(%dma_start3A_560 : memref<!tpu.dma_semaphore, #tpu.memory_space<semaphore_mem>>)
      %dma_start3A_561 = arith.constant 1 : i32
      %dma_start3A_562 = arith.constant 1 : i32
      %dma_start3A_563 = arith.constant 1 : i32
      %dma_start3A_564 = arith.constant 900 : i32
      %dma_start3A_565 = arith.constant 0 : i32
      %dma_start3A_566 = tpu.memref_slice %arg9[%dma_start3A_562, %dma_start3A_564, %dma_start3A_565] : memref<2x1600x32xbf16, #tpu.memory_space<vmem>> -> memref<1x100x32xbf16, #tpu.memory_space<vmem>>
      %dma_start3A_567 = tpu.memref_squeeze %dma_start3A_566 : memref<1x100x32xbf16, #tpu.memory_space<vmem>> -> memref<100x32xbf16, #tpu.memory_space<vmem>>
      %dma_start3A_568 = arith.constant 0 : i32
      %dma_start3A_569 = tpu.memref_slice %arg8[%dma_start3A_561, %dma_start3A_568] : memref<2x1664xi32, #tpu.memory_space<vmem>> -> memref<1x1664xi32, #tpu.memory_space<vmem>>
      %dma_start3A_570 = tpu.memref_squeeze %dma_start3A_569 : memref<1x1664xi32, #tpu.memory_space<vmem>> -> memref<1664xi32, #tpu.memory_space<vmem>>
      %dma_start3A_571 = arith.constant 936 : i32
      %dma_start3A_572 = tpu.memref_slice %dma_start3A_570[%dma_start3A_571] : memref<1664xi32, #tpu.memory_space<vmem>> -> memref<100xi32, #tpu.memory_space<vmem>>
      %dma_start3A_573 = arith.constant 0 : i32
      %dma_start3A_574 = arith.constant 0 : i32
      %dma_start3A_575 = tpu.memref_slice %arg4[%dma_start3A_573, %dma_start3A_574] : memref<6402x32xbf16, #tpu.memory_space<hbm>> -> memref<6402x32xbf16, #tpu.memory_space<hbm>>
      %dma_start3A_576 = tpu.memref_slice %arg12[%dma_start3A_563] : memref<2x!tpu.dma_semaphore, #tpu.memory_space<semaphore_mem>> -> memref<1x!tpu.dma_semaphore, #tpu.memory_space<semaphore_mem>>
      %dma_start3A_577 = tpu.memref_squeeze %dma_start3A_576 : memref<1x!tpu.dma_semaphore, #tpu.memory_space<semaphore_mem>> -> memref<!tpu.dma_semaphore, #tpu.memory_space<semaphore_mem>>
      tpu.enqueue_indirect_dma source(%dma_start3A_575 : memref<6402x32xbf16, #tpu.memory_space<hbm>>) target(%dma_start3A_567 : memref<100x32xbf16, #tpu.memory_space<vmem>>) offsets(%dma_start3A_572 : memref<100xi32, #tpu.memory_space<vmem>>) semaphore(%dma_start3A_577 : memref<!tpu.dma_semaphore, #tpu.memory_space<semaphore_mem>>)
      %dma_start3A_578 = arith.constant 1 : i32
      %dma_start3A_579 = arith.constant 1 : i32
      %dma_start3A_580 = arith.constant 1 : i32
      %dma_start3A_581 = arith.constant 1000 : i32
      %dma_start3A_582 = arith.constant 0 : i32
      %dma_start3A_583 = tpu.memref_slice %arg9[%dma_start3A_579, %dma_start3A_581, %dma_start3A_582] : memref<2x1600x32xbf16, #tpu.memory_space<vmem>> -> memref<1x100x32xbf16, #tpu.memory_space<vmem>>
      %dma_start3A_584 = tpu.memref_squeeze %dma_start3A_583 : memref<1x100x32xbf16, #tpu.memory_space<vmem>> -> memref<100x32xbf16, #tpu.memory_space<vmem>>
      %dma_start3A_585 = arith.constant 0 : i32
      %dma_start3A_586 = tpu.memref_slice %arg8[%dma_start3A_578, %dma_start3A_585] : memref<2x1664xi32, #tpu.memory_space<vmem>> -> memref<1x1664xi32, #tpu.memory_space<vmem>>
      %dma_start3A_587 = tpu.memref_squeeze %dma_start3A_586 : memref<1x1664xi32, #tpu.memory_space<vmem>> -> memref<1664xi32, #tpu.memory_space<vmem>>
      %dma_start3A_588 = arith.constant 1040 : i32
      %dma_start3A_589 = tpu.memref_slice %dma_start3A_587[%dma_start3A_588] : memref<1664xi32, #tpu.memory_space<vmem>> -> memref<100xi32, #tpu.memory_space<vmem>>
      %dma_start3A_590 = arith.constant 0 : i32
      %dma_start3A_591 = arith.constant 0 : i32
      %dma_start3A_592 = tpu.memref_slice %arg4[%dma_start3A_590, %dma_start3A_591] : memref<6402x32xbf16, #tpu.memory_space<hbm>> -> memref<6402x32xbf16, #tpu.memory_space<hbm>>
      %dma_start3A_593 = tpu.memref_slice %arg12[%dma_start3A_580] : memref<2x!tpu.dma_semaphore, #tpu.memory_space<semaphore_mem>> -> memref<1x!tpu.dma_semaphore, #tpu.memory_space<semaphore_mem>>
      %dma_start3A_594 = tpu.memref_squeeze %dma_start3A_593 : memref<1x!tpu.dma_semaphore, #tpu.memory_space<semaphore_mem>> -> memref<!tpu.dma_semaphore, #tpu.memory_space<semaphore_mem>>
      tpu.enqueue_indirect_dma source(%dma_start3A_592 : memref<6402x32xbf16, #tpu.memory_space<hbm>>) target(%dma_start3A_584 : memref<100x32xbf16, #tpu.memory_space<vmem>>) offsets(%dma_start3A_589 : memref<100xi32, #tpu.memory_space<vmem>>) semaphore(%dma_start3A_594 : memref<!tpu.dma_semaphore, #tpu.memory_space<semaphore_mem>>)
      %dma_start3A_595 = arith.constant 1 : i32
      %dma_start3A_596 = arith.constant 1 : i32
      %dma_start3A_597 = arith.constant 1 : i32
      %dma_start3A_598 = arith.constant 1100 : i32
      %dma_start3A_599 = arith.constant 0 : i32
      %dma_start3A_600 = tpu.memref_slice %arg9[%dma_start3A_596, %dma_start3A_598, %dma_start3A_599] : memref<2x1600x32xbf16, #tpu.memory_space<vmem>> -> memref<1x100x32xbf16, #tpu.memory_space<vmem>>
      %dma_start3A_601 = tpu.memref_squeeze %dma_start3A_600 : memref<1x100x32xbf16, #tpu.memory_space<vmem>> -> memref<100x32xbf16, #tpu.memory_space<vmem>>
      %dma_start3A_602 = arith.constant 0 : i32
      %dma_start3A_603 = tpu.memref_slice %arg8[%dma_start3A_595, %dma_start3A_602] : memref<2x1664xi32, #tpu.memory_space<vmem>> -> memref<1x1664xi32, #tpu.memory_space<vmem>>
      %dma_start3A_604 = tpu.memref_squeeze %dma_start3A_603 : memref<1x1664xi32, #tpu.memory_space<vmem>> -> memref<1664xi32, #tpu.memory_space<vmem>>
      %dma_start3A_605 = arith.constant 1144 : i32
      %dma_start3A_606 = tpu.memref_slice %dma_start3A_604[%dma_start3A_605] : memref<1664xi32, #tpu.memory_space<vmem>> -> memref<100xi32, #tpu.memory_space<vmem>>
      %dma_start3A_607 = arith.constant 0 : i32
      %dma_start3A_608 = arith.constant 0 : i32
      %dma_start3A_609 = tpu.memref_slice %arg4[%dma_start3A_607, %dma_start3A_608] : memref<6402x32xbf16, #tpu.memory_space<hbm>> -> memref<6402x32xbf16, #tpu.memory_space<hbm>>
      %dma_start3A_610 = tpu.memref_slice %arg12[%dma_start3A_597] : memref<2x!tpu.dma_semaphore, #tpu.memory_space<semaphore_mem>> -> memref<1x!tpu.dma_semaphore, #tpu.memory_space<semaphore_mem>>
      %dma_start3A_611 = tpu.memref_squeeze %dma_start3A_610 : memref<1x!tpu.dma_semaphore, #tpu.memory_space<semaphore_mem>> -> memref<!tpu.dma_semaphore, #tpu.memory_space<semaphore_mem>>
      tpu.enqueue_indirect_dma source(%dma_start3A_609 : memref<6402x32xbf16, #tpu.memory_space<hbm>>) target(%dma_start3A_601 : memref<100x32xbf16, #tpu.memory_space<vmem>>) offsets(%dma_start3A_606 : memref<100xi32, #tpu.memory_space<vmem>>) semaphore(%dma_start3A_611 : memref<!tpu.dma_semaphore, #tpu.memory_space<semaphore_mem>>)
      %dma_start3A_612 = arith.constant 1 : i32
      %dma_start3A_613 = arith.constant 1 : i32
      %dma_start3A_614 = arith.constant 1 : i32
      %dma_start3A_615 = arith.constant 1200 : i32
      %dma_start3A_616 = arith.constant 0 : i32
      %dma_start3A_617 = tpu.memref_slice %arg9[%dma_start3A_613, %dma_start3A_615, %dma_start3A_616] : memref<2x1600x32xbf16, #tpu.memory_space<vmem>> -> memref<1x100x32xbf16, #tpu.memory_space<vmem>>
      %dma_start3A_618 = tpu.memref_squeeze %dma_start3A_617 : memref<1x100x32xbf16, #tpu.memory_space<vmem>> -> memref<100x32xbf16, #tpu.memory_space<vmem>>
      %dma_start3A_619 = arith.constant 0 : i32
      %dma_start3A_620 = tpu.memref_slice %arg8[%dma_start3A_612, %dma_start3A_619] : memref<2x1664xi32, #tpu.memory_space<vmem>> -> memref<1x1664xi32, #tpu.memory_space<vmem>>
      %dma_start3A_621 = tpu.memref_squeeze %dma_start3A_620 : memref<1x1664xi32, #tpu.memory_space<vmem>> -> memref<1664xi32, #tpu.memory_space<vmem>>
      %dma_start3A_622 = arith.constant 1248 : i32
      %dma_start3A_623 = tpu.memref_slice %dma_start3A_621[%dma_start3A_622] : memref<1664xi32, #tpu.memory_space<vmem>> -> memref<100xi32, #tpu.memory_space<vmem>>
      %dma_start3A_624 = arith.constant 0 : i32
      %dma_start3A_625 = arith.constant 0 : i32
      %dma_start3A_626 = tpu.memref_slice %arg4[%dma_start3A_624, %dma_start3A_625] : memref<6402x32xbf16, #tpu.memory_space<hbm>> -> memref<6402x32xbf16, #tpu.memory_space<hbm>>
      %dma_start3A_627 = tpu.memref_slice %arg12[%dma_start3A_614] : memref<2x!tpu.dma_semaphore, #tpu.memory_space<semaphore_mem>> -> memref<1x!tpu.dma_semaphore, #tpu.memory_space<semaphore_mem>>
      %dma_start3A_628 = tpu.memref_squeeze %dma_start3A_627 : memref<1x!tpu.dma_semaphore, #tpu.memory_space<semaphore_mem>> -> memref<!tpu.dma_semaphore, #tpu.memory_space<semaphore_mem>>
      tpu.enqueue_indirect_dma source(%dma_start3A_626 : memref<6402x32xbf16, #tpu.memory_space<hbm>>) target(%dma_start3A_618 : memref<100x32xbf16, #tpu.memory_space<vmem>>) offsets(%dma_start3A_623 : memref<100xi32, #tpu.memory_space<vmem>>) semaphore(%dma_start3A_628 : memref<!tpu.dma_semaphore, #tpu.memory_space<semaphore_mem>>)
      %dma_start3A_629 = arith.constant 1 : i32
      %dma_start3A_630 = arith.constant 1 : i32
      %dma_start3A_631 = arith.constant 1 : i32
      %dma_start3A_632 = arith.constant 1300 : i32
      %dma_start3A_633 = arith.constant 0 : i32
      %dma_start3A_634 = tpu.memref_slice %arg9[%dma_start3A_630, %dma_start3A_632, %dma_start3A_633] : memref<2x1600x32xbf16, #tpu.memory_space<vmem>> -> memref<1x100x32xbf16, #tpu.memory_space<vmem>>
      %dma_start3A_635 = tpu.memref_squeeze %dma_start3A_634 : memref<1x100x32xbf16, #tpu.memory_space<vmem>> -> memref<100x32xbf16, #tpu.memory_space<vmem>>
      %dma_start3A_636 = arith.constant 0 : i32
      %dma_start3A_637 = tpu.memref_slice %arg8[%dma_start3A_629, %dma_start3A_636] : memref<2x1664xi32, #tpu.memory_space<vmem>> -> memref<1x1664xi32, #tpu.memory_space<vmem>>
      %dma_start3A_638 = tpu.memref_squeeze %dma_start3A_637 : memref<1x1664xi32, #tpu.memory_space<vmem>> -> memref<1664xi32, #tpu.memory_space<vmem>>
      %dma_start3A_639 = arith.constant 1352 : i32
      %dma_start3A_640 = tpu.memref_slice %dma_start3A_638[%dma_start3A_639] : memref<1664xi32, #tpu.memory_space<vmem>> -> memref<100xi32, #tpu.memory_space<vmem>>
      %dma_start3A_641 = arith.constant 0 : i32
      %dma_start3A_642 = arith.constant 0 : i32
      %dma_start3A_643 = tpu.memref_slice %arg4[%dma_start3A_641, %dma_start3A_642] : memref<6402x32xbf16, #tpu.memory_space<hbm>> -> memref<6402x32xbf16, #tpu.memory_space<hbm>>
      %dma_start3A_644 = tpu.memref_slice %arg12[%dma_start3A_631] : memref<2x!tpu.dma_semaphore, #tpu.memory_space<semaphore_mem>> -> memref<1x!tpu.dma_semaphore, #tpu.memory_space<semaphore_mem>>
      %dma_start3A_645 = tpu.memref_squeeze %dma_start3A_644 : memref<1x!tpu.dma_semaphore, #tpu.memory_space<semaphore_mem>> -> memref<!tpu.dma_semaphore, #tpu.memory_space<semaphore_mem>>
      tpu.enqueue_indirect_dma source(%dma_start3A_643 : memref<6402x32xbf16, #tpu.memory_space<hbm>>) target(%dma_start3A_635 : memref<100x32xbf16, #tpu.memory_space<vmem>>) offsets(%dma_start3A_640 : memref<100xi32, #tpu.memory_space<vmem>>) semaphore(%dma_start3A_645 : memref<!tpu.dma_semaphore, #tpu.memory_space<semaphore_mem>>)
      %dma_start3A_646 = arith.constant 1 : i32
      %dma_start3A_647 = arith.constant 1 : i32
      %dma_start3A_648 = arith.constant 1 : i32
      %dma_start3A_649 = arith.constant 1400 : i32
      %dma_start3A_650 = arith.constant 0 : i32
      %dma_start3A_651 = tpu.memref_slice %arg9[%dma_start3A_647, %dma_start3A_649, %dma_start3A_650] : memref<2x1600x32xbf16, #tpu.memory_space<vmem>> -> memref<1x100x32xbf16, #tpu.memory_space<vmem>>
      %dma_start3A_652 = tpu.memref_squeeze %dma_start3A_651 : memref<1x100x32xbf16, #tpu.memory_space<vmem>> -> memref<100x32xbf16, #tpu.memory_space<vmem>>
      %dma_start3A_653 = arith.constant 0 : i32
      %dma_start3A_654 = tpu.memref_slice %arg8[%dma_start3A_646, %dma_start3A_653] : memref<2x1664xi32, #tpu.memory_space<vmem>> -> memref<1x1664xi32, #tpu.memory_space<vmem>>
      %dma_start3A_655 = tpu.memref_squeeze %dma_start3A_654 : memref<1x1664xi32, #tpu.memory_space<vmem>> -> memref<1664xi32, #tpu.memory_space<vmem>>
      %dma_start3A_656 = arith.constant 1456 : i32
      %dma_start3A_657 = tpu.memref_slice %dma_start3A_655[%dma_start3A_656] : memref<1664xi32, #tpu.memory_space<vmem>> -> memref<100xi32, #tpu.memory_space<vmem>>
      %dma_start3A_658 = arith.constant 0 : i32
      %dma_start3A_659 = arith.constant 0 : i32
      %dma_start3A_660 = tpu.memref_slice %arg4[%dma_start3A_658, %dma_start3A_659] : memref<6402x32xbf16, #tpu.memory_space<hbm>> -> memref<6402x32xbf16, #tpu.memory_space<hbm>>
      %dma_start3A_661 = tpu.memref_slice %arg12[%dma_start3A_648] : memref<2x!tpu.dma_semaphore, #tpu.memory_space<semaphore_mem>> -> memref<1x!tpu.dma_semaphore, #tpu.memory_space<semaphore_mem>>
      %dma_start3A_662 = tpu.memref_squeeze %dma_start3A_661 : memref<1x!tpu.dma_semaphore, #tpu.memory_space<semaphore_mem>> -> memref<!tpu.dma_semaphore, #tpu.memory_space<semaphore_mem>>
      tpu.enqueue_indirect_dma source(%dma_start3A_660 : memref<6402x32xbf16, #tpu.memory_space<hbm>>) target(%dma_start3A_652 : memref<100x32xbf16, #tpu.memory_space<vmem>>) offsets(%dma_start3A_657 : memref<100xi32, #tpu.memory_space<vmem>>) semaphore(%dma_start3A_662 : memref<!tpu.dma_semaphore, #tpu.memory_space<semaphore_mem>>)
      %dma_start3A_663 = arith.constant 1 : i32
      %dma_start3A_664 = arith.constant 1 : i32
      %dma_start3A_665 = arith.constant 1 : i32
      %dma_start3A_666 = arith.constant 1500 : i32
      %dma_start3A_667 = arith.constant 0 : i32
      %dma_start3A_668 = tpu.memref_slice %arg9[%dma_start3A_664, %dma_start3A_666, %dma_start3A_667] : memref<2x1600x32xbf16, #tpu.memory_space<vmem>> -> memref<1x100x32xbf16, #tpu.memory_space<vmem>>
      %dma_start3A_669 = tpu.memref_squeeze %dma_start3A_668 : memref<1x100x32xbf16, #tpu.memory_space<vmem>> -> memref<100x32xbf16, #tpu.memory_space<vmem>>
      %dma_start3A_670 = arith.constant 0 : i32
      %dma_start3A_671 = tpu.memref_slice %arg8[%dma_start3A_663, %dma_start3A_670] : memref<2x1664xi32, #tpu.memory_space<vmem>> -> memref<1x1664xi32, #tpu.memory_space<vmem>>
      %dma_start3A_672 = tpu.memref_squeeze %dma_start3A_671 : memref<1x1664xi32, #tpu.memory_space<vmem>> -> memref<1664xi32, #tpu.memory_space<vmem>>
      %dma_start3A_673 = arith.constant 1560 : i32
      %dma_start3A_674 = tpu.memref_slice %dma_start3A_672[%dma_start3A_673] : memref<1664xi32, #tpu.memory_space<vmem>> -> memref<100xi32, #tpu.memory_space<vmem>>
      %dma_start3A_675 = arith.constant 0 : i32
      %dma_start3A_676 = arith.constant 0 : i32
      %dma_start3A_677 = tpu.memref_slice %arg4[%dma_start3A_675, %dma_start3A_676] : memref<6402x32xbf16, #tpu.memory_space<hbm>> -> memref<6402x32xbf16, #tpu.memory_space<hbm>>
      %dma_start3A_678 = tpu.memref_slice %arg12[%dma_start3A_665] : memref<2x!tpu.dma_semaphore, #tpu.memory_space<semaphore_mem>> -> memref<1x!tpu.dma_semaphore, #tpu.memory_space<semaphore_mem>>
      %dma_start3A_679 = tpu.memref_squeeze %dma_start3A_678 : memref<1x!tpu.dma_semaphore, #tpu.memory_space<semaphore_mem>> -> memref<!tpu.dma_semaphore, #tpu.memory_space<semaphore_mem>>
      tpu.enqueue_indirect_dma source(%dma_start3A_677 : memref<6402x32xbf16, #tpu.memory_space<hbm>>) target(%dma_start3A_669 : memref<100x32xbf16, #tpu.memory_space<vmem>>) offsets(%dma_start3A_674 : memref<100xi32, #tpu.memory_space<vmem>>) semaphore(%dma_start3A_679 : memref<!tpu.dma_semaphore, #tpu.memory_space<semaphore_mem>>)
      %dma_wait3A_680 = arith.constant 0 : i32
      %dma_wait3A_681 = arith.constant 0 : i32
      %dma_wait3A_682 = arith.constant 0 : i32
      %dma_wait3A_683 = arith.constant 0 : i32
      %dma_wait3A_684 = tpu.memref_slice %arg9[%dma_wait3A_680, %dma_wait3A_682, %dma_wait3A_683] : memref<2x1600x32xbf16, #tpu.memory_space<vmem>> -> memref<1x1600x32xbf16, #tpu.memory_space<vmem>>
      %dma_wait3A_685 = tpu.memref_squeeze %dma_wait3A_684 : memref<1x1600x32xbf16, #tpu.memory_space<vmem>> -> memref<1600x32xbf16, #tpu.memory_space<vmem>>
      %dma_wait3A_686 = arith.constant 0 : i32
      %dma_wait3A_687 = arith.constant 0 : i32
      %dma_wait3A_688 = tpu.memref_slice %arg4[%dma_wait3A_686, %dma_wait3A_687] : memref<6402x32xbf16, #tpu.memory_space<hbm>> -> memref<1600x32xbf16, #tpu.memory_space<hbm>>
      %dma_wait3A_689 = tpu.memref_slice %arg12[%dma_wait3A_681] : memref<2x!tpu.dma_semaphore, #tpu.memory_space<semaphore_mem>> -> memref<1x!tpu.dma_semaphore, #tpu.memory_space<semaphore_mem>>
      %dma_wait3A_690 = tpu.memref_squeeze %dma_wait3A_689 : memref<1x!tpu.dma_semaphore, #tpu.memory_space<semaphore_mem>> -> memref<!tpu.dma_semaphore, #tpu.memory_space<semaphore_mem>>
      %dma_wait3A_691 = arith.constant 0 : i32
      %dma_wait3A_692 = arith.constant 0 : i32
      %dma_wait3A_693 = tpu.memref_slice %arg9[%dma_wait3A_680, %dma_wait3A_691, %dma_wait3A_692] : memref<2x1600x32xbf16, #tpu.memory_space<vmem>> -> memref<1x1600x32xbf16, #tpu.memory_space<vmem>>
      %dma_wait3A_694 = tpu.memref_squeeze %dma_wait3A_693 : memref<1x1600x32xbf16, #tpu.memory_space<vmem>> -> memref<1600x32xbf16, #tpu.memory_space<vmem>>
      %dma_wait3A_695 = arith.constant 0 : i32
      %dma_wait3A_696 = arith.constant 0 : i32
      %dma_wait3A_697 = tpu.memref_slice %arg4[%dma_wait3A_695, %dma_wait3A_696] : memref<6402x32xbf16, #tpu.memory_space<hbm>> -> memref<1600x32xbf16, #tpu.memory_space<hbm>>
      tpu.wait_dma2 semaphore(%dma_wait3A_690 : memref<!tpu.dma_semaphore, #tpu.memory_space<semaphore_mem>>) src(%dma_wait3A_697 : memref<1600x32xbf16, #tpu.memory_space<hbm>>) dst(%dma_wait3A_694 : memref<1600x32xbf16, #tpu.memory_space<vmem>>)
      %broadcast_in_dim3A = arith.constant 0.000000e+00 : f32
      %broadcast_in_dim3A_698 = vector.broadcast %broadcast_in_dim3A : f32 to vector<16xf32>
      %scan3A_699 = arith.constant 0 : i32
      %scan3A_700 = arith.constant 0 : i32
      %scan3A_701 = arith.constant 100 : i32
      %scan3A_702 = arith.addi %scan3A_700, %scan3A_701 : i32
      %scan3A_703 = arith.constant 2 : i32
      %scan3A_704:32 = scf.for %scan3A_1648 = %scan3A_700 to %scan3A_702 step %scan3A_703 iter_args(%scan3A_1649 = %broadcast_in_dim3A_698, %scan3A_1650 = %broadcast_in_dim3A_698, %scan3A_1651 = %broadcast_in_dim3A_698, %scan3A_1652 = %broadcast_in_dim3A_698, %scan3A_1653 = %broadcast_in_dim3A_698, %scan3A_1654 = %broadcast_in_dim3A_698, %scan3A_1655 = %broadcast_in_dim3A_698, %scan3A_1656 = %broadcast_in_dim3A_698, %scan3A_1657 = %broadcast_in_dim3A_698, %scan3A_1658 = %broadcast_in_dim3A_698, %scan3A_1659 = %broadcast_in_dim3A_698, %scan3A_1660 = %broadcast_in_dim3A_698, %scan3A_1661 = %broadcast_in_dim3A_698, %scan3A_1662 = %broadcast_in_dim3A_698, %scan3A_1663 = %broadcast_in_dim3A_698, %scan3A_1664 = %broadcast_in_dim3A_698, %scan3A_1665 = %broadcast_in_dim3A_698, %scan3A_1666 = %broadcast_in_dim3A_698, %scan3A_1667 = %broadcast_in_dim3A_698, %scan3A_1668 = %broadcast_in_dim3A_698, %scan3A_1669 = %broadcast_in_dim3A_698, %scan3A_1670 = %broadcast_in_dim3A_698, %scan3A_1671 = %broadcast_in_dim3A_698, %scan3A_1672 = %broadcast_in_dim3A_698, %scan3A_1673 = %broadcast_in_dim3A_698, %scan3A_1674 = %broadcast_in_dim3A_698, %scan3A_1675 = %broadcast_in_dim3A_698, %scan3A_1676 = %broadcast_in_dim3A_698, %scan3A_1677 = %broadcast_in_dim3A_698, %scan3A_1678 = %broadcast_in_dim3A_698, %scan3A_1679 = %broadcast_in_dim3A_698, %scan3A_1680 = %broadcast_in_dim3A_698) -> (vector<16xf32>, vector<16xf32>, vector<16xf32>, vector<16xf32>, vector<16xf32>, vector<16xf32>, vector<16xf32>, vector<16xf32>, vector<16xf32>, vector<16xf32>, vector<16xf32>, vector<16xf32>, vector<16xf32>, vector<16xf32>, vector<16xf32>, vector<16xf32>, vector<16xf32>, vector<16xf32>, vector<16xf32>, vector<16xf32>, vector<16xf32>, vector<16xf32>, vector<16xf32>, vector<16xf32>, vector<16xf32>, vector<16xf32>, vector<16xf32>, vector<16xf32>, vector<16xf32>, vector<16xf32>, vector<16xf32>, vector<16xf32>)  : i32 {
        %add3A_1681 = arith.constant 0 : i32
        %add3A_1682 = arith.addi %add3A_1681, %scan3A_1648 : i32
        %get3A = arith.constant 0 : i32
        %get3A_1683 = arith.constant 0 : i32
        %get3A_1684 = tpu.memref_slice %arg9[%scan3A_699, %get3A, %get3A_1683] : memref<2x1600x32xbf16, #tpu.memory_space<vmem>> -> memref<1x1600x32xbf16, #tpu.memory_space<vmem>>
        %get3A_1685 = tpu.memref_squeeze %get3A_1684 : memref<1x1600x32xbf16, #tpu.memory_space<vmem>> -> memref<1600x32xbf16, #tpu.memory_space<vmem>>
        %get3A_1686 = arith.index_cast %add3A_1682 : i32 to index
        %get3A_1687 = arith.constant 0 : index
        %get3A_1688 = tpu.vector_load %get3A_1685[%get3A_1686, %get3A_1687] {strides = array<i32>} : memref<1600x32xbf16, #tpu.memory_space<vmem>>, vector<32xbf16>,
        %unpack3A = tpu.unpack_subelements %get3A_1688, 0 {pack_format = #tpu.pack_format<interleaved>} : vector<32xbf16> -> vector<16xf32>
        %unpack3A_1689 = tpu.unpack_subelements %get3A_1688, 1 {pack_format = #tpu.pack_format<interleaved>} : vector<32xbf16> -> vector<16xf32>
        %add3A_1690 = arith.addf %scan3A_1649, %unpack3A : vector<16xf32>
        %add3A_1691 = arith.addf %scan3A_1650, %unpack3A_1689 : vector<16xf32>
        %add3A_1692 = arith.constant 100 : i32
        %add3A_1693 = arith.addi %add3A_1692, %scan3A_1648 : i32
        %get3A_1694 = arith.constant 0 : i32
        %get3A_1695 = arith.constant 0 : i32
        %get3A_1696 = tpu.memref_slice %arg9[%scan3A_699, %get3A_1694, %get3A_1695] : memref<2x1600x32xbf16, #tpu.memory_space<vmem>> -> memref<1x1600x32xbf16, #tpu.memory_space<vmem>>
        %get3A_1697 = tpu.memref_squeeze %get3A_1696 : memref<1x1600x32xbf16, #tpu.memory_space<vmem>> -> memref<1600x32xbf16, #tpu.memory_space<vmem>>
        %get3A_1698 = arith.index_cast %add3A_1693 : i32 to index
        %get3A_1699 = arith.constant 0 : index
        %get3A_1700 = tpu.vector_load %get3A_1697[%get3A_1698, %get3A_1699] {strides = array<i32>} : memref<1600x32xbf16, #tpu.memory_space<vmem>>, vector<32xbf16>,
        %unpack3A_1701 = tpu.unpack_subelements %get3A_1700, 0 {pack_format = #tpu.pack_format<interleaved>} : vector<32xbf16> -> vector<16xf32>
        %unpack3A_1702 = tpu.unpack_subelements %get3A_1700, 1 {pack_format = #tpu.pack_format<interleaved>} : vector<32xbf16> -> vector<16xf32>
        %add3A_1703 = arith.addf %scan3A_1651, %unpack3A_1701 : vector<16xf32>
        %add3A_1704 = arith.addf %scan3A_1652, %unpack3A_1702 : vector<16xf32>
        %add3A_1705 = arith.constant 200 : i32
        %add3A_1706 = arith.addi %add3A_1705, %scan3A_1648 : i32
        %get3A_1707 = arith.constant 0 : i32
        %get3A_1708 = arith.constant 0 : i32
        %get3A_1709 = tpu.memref_slice %arg9[%scan3A_699, %get3A_1707, %get3A_1708] : memref<2x1600x32xbf16, #tpu.memory_space<vmem>> -> memref<1x1600x32xbf16, #tpu.memory_space<vmem>>
        %get3A_1710 = tpu.memref_squeeze %get3A_1709 : memref<1x1600x32xbf16, #tpu.memory_space<vmem>> -> memref<1600x32xbf16, #tpu.memory_space<vmem>>
        %get3A_1711 = arith.index_cast %add3A_1706 : i32 to index
        %get3A_1712 = arith.constant 0 : index
        %get3A_1713 = tpu.vector_load %get3A_1710[%get3A_1711, %get3A_1712] {strides = array<i32>} : memref<1600x32xbf16, #tpu.memory_space<vmem>>, vector<32xbf16>,
        %unpack3A_1714 = tpu.unpack_subelements %get3A_1713, 0 {pack_format = #tpu.pack_format<interleaved>} : vector<32xbf16> -> vector<16xf32>
        %unpack3A_1715 = tpu.unpack_subelements %get3A_1713, 1 {pack_format = #tpu.pack_format<interleaved>} : vector<32xbf16> -> vector<16xf32>
        %add3A_1716 = arith.addf %scan3A_1653, %unpack3A_1714 : vector<16xf32>
        %add3A_1717 = arith.addf %scan3A_1654, %unpack3A_1715 : vector<16xf32>
        %add3A_1718 = arith.constant 300 : i32
        %add3A_1719 = arith.addi %add3A_1718, %scan3A_1648 : i32
        %get3A_1720 = arith.constant 0 : i32
        %get3A_1721 = arith.constant 0 : i32
        %get3A_1722 = tpu.memref_slice %arg9[%scan3A_699, %get3A_1720, %get3A_1721] : memref<2x1600x32xbf16, #tpu.memory_space<vmem>> -> memref<1x1600x32xbf16, #tpu.memory_space<vmem>>
        %get3A_1723 = tpu.memref_squeeze %get3A_1722 : memref<1x1600x32xbf16, #tpu.memory_space<vmem>> -> memref<1600x32xbf16, #tpu.memory_space<vmem>>
        %get3A_1724 = arith.index_cast %add3A_1719 : i32 to index
        %get3A_1725 = arith.constant 0 : index
        %get3A_1726 = tpu.vector_load %get3A_1723[%get3A_1724, %get3A_1725] {strides = array<i32>} : memref<1600x32xbf16, #tpu.memory_space<vmem>>, vector<32xbf16>,
        %unpack3A_1727 = tpu.unpack_subelements %get3A_1726, 0 {pack_format = #tpu.pack_format<interleaved>} : vector<32xbf16> -> vector<16xf32>
        %unpack3A_1728 = tpu.unpack_subelements %get3A_1726, 1 {pack_format = #tpu.pack_format<interleaved>} : vector<32xbf16> -> vector<16xf32>
        %add3A_1729 = arith.addf %scan3A_1655, %unpack3A_1727 : vector<16xf32>
        %add3A_1730 = arith.addf %scan3A_1656, %unpack3A_1728 : vector<16xf32>
        %add3A_1731 = arith.constant 400 : i32
        %add3A_1732 = arith.addi %add3A_1731, %scan3A_1648 : i32
        %get3A_1733 = arith.constant 0 : i32
        %get3A_1734 = arith.constant 0 : i32
        %get3A_1735 = tpu.memref_slice %arg9[%scan3A_699, %get3A_1733, %get3A_1734] : memref<2x1600x32xbf16, #tpu.memory_space<vmem>> -> memref<1x1600x32xbf16, #tpu.memory_space<vmem>>
        %get3A_1736 = tpu.memref_squeeze %get3A_1735 : memref<1x1600x32xbf16, #tpu.memory_space<vmem>> -> memref<1600x32xbf16, #tpu.memory_space<vmem>>
        %get3A_1737 = arith.index_cast %add3A_1732 : i32 to index
        %get3A_1738 = arith.constant 0 : index
        %get3A_1739 = tpu.vector_load %get3A_1736[%get3A_1737, %get3A_1738] {strides = array<i32>} : memref<1600x32xbf16, #tpu.memory_space<vmem>>, vector<32xbf16>,
        %unpack3A_1740 = tpu.unpack_subelements %get3A_1739, 0 {pack_format = #tpu.pack_format<interleaved>} : vector<32xbf16> -> vector<16xf32>
        %unpack3A_1741 = tpu.unpack_subelements %get3A_1739, 1 {pack_format = #tpu.pack_format<interleaved>} : vector<32xbf16> -> vector<16xf32>
        %add3A_1742 = arith.addf %scan3A_1657, %unpack3A_1740 : vector<16xf32>
        %add3A_1743 = arith.addf %scan3A_1658, %unpack3A_1741 : vector<16xf32>
        %add3A_1744 = arith.constant 500 : i32
        %add3A_1745 = arith.addi %add3A_1744, %scan3A_1648 : i32
        %get3A_1746 = arith.constant 0 : i32
        %get3A_1747 = arith.constant 0 : i32
        %get3A_1748 = tpu.memref_slice %arg9[%scan3A_699, %get3A_1746, %get3A_1747] : memref<2x1600x32xbf16, #tpu.memory_space<vmem>> -> memref<1x1600x32xbf16, #tpu.memory_space<vmem>>
        %get3A_1749 = tpu.memref_squeeze %get3A_1748 : memref<1x1600x32xbf16, #tpu.memory_space<vmem>> -> memref<1600x32xbf16, #tpu.memory_space<vmem>>
        %get3A_1750 = arith.index_cast %add3A_1745 : i32 to index
        %get3A_1751 = arith.constant 0 : index
        %get3A_1752 = tpu.vector_load %get3A_1749[%get3A_1750, %get3A_1751] {strides = array<i32>} : memref<1600x32xbf16, #tpu.memory_space<vmem>>, vector<32xbf16>,
        %unpack3A_1753 = tpu.unpack_subelements %get3A_1752, 0 {pack_format = #tpu.pack_format<interleaved>} : vector<32xbf16> -> vector<16xf32>
        %unpack3A_1754 = tpu.unpack_subelements %get3A_1752, 1 {pack_format = #tpu.pack_format<interleaved>} : vector<32xbf16> -> vector<16xf32>
        %add3A_1755 = arith.addf %scan3A_1659, %unpack3A_1753 : vector<16xf32>
        %add3A_1756 = arith.addf %scan3A_1660, %unpack3A_1754 : vector<16xf32>
        %add3A_1757 = arith.constant 600 : i32
        %add3A_1758 = arith.addi %add3A_1757, %scan3A_1648 : i32
        %get3A_1759 = arith.constant 0 : i32
        %get3A_1760 = arith.constant 0 : i32
        %get3A_1761 = tpu.memref_slice %arg9[%scan3A_699, %get3A_1759, %get3A_1760] : memref<2x1600x32xbf16, #tpu.memory_space<vmem>> -> memref<1x1600x32xbf16, #tpu.memory_space<vmem>>
        %get3A_1762 = tpu.memref_squeeze %get3A_1761 : memref<1x1600x32xbf16, #tpu.memory_space<vmem>> -> memref<1600x32xbf16, #tpu.memory_space<vmem>>
        %get3A_1763 = arith.index_cast %add3A_1758 : i32 to index
        %get3A_1764 = arith.constant 0 : index
        %get3A_1765 = tpu.vector_load %get3A_1762[%get3A_1763, %get3A_1764] {strides = array<i32>} : memref<1600x32xbf16, #tpu.memory_space<vmem>>, vector<32xbf16>,
        %unpack3A_1766 = tpu.unpack_subelements %get3A_1765, 0 {pack_format = #tpu.pack_format<interleaved>} : vector<32xbf16> -> vector<16xf32>
        %unpack3A_1767 = tpu.unpack_subelements %get3A_1765, 1 {pack_format = #tpu.pack_format<interleaved>} : vector<32xbf16> -> vector<16xf32>
        %add3A_1768 = arith.addf %scan3A_1661, %unpack3A_1766 : vector<16xf32>
        %add3A_1769 = arith.addf %scan3A_1662, %unpack3A_1767 : vector<16xf32>
        %add3A_1770 = arith.constant 700 : i32
        %add3A_1771 = arith.addi %add3A_1770, %scan3A_1648 : i32
        %get3A_1772 = arith.constant 0 : i32
        %get3A_1773 = arith.constant 0 : i32
        %get3A_1774 = tpu.memref_slice %arg9[%scan3A_699, %get3A_1772, %get3A_1773] : memref<2x1600x32xbf16, #tpu.memory_space<vmem>> -> memref<1x1600x32xbf16, #tpu.memory_space<vmem>>
        %get3A_1775 = tpu.memref_squeeze %get3A_1774 : memref<1x1600x32xbf16, #tpu.memory_space<vmem>> -> memref<1600x32xbf16, #tpu.memory_space<vmem>>
        %get3A_1776 = arith.index_cast %add3A_1771 : i32 to index
        %get3A_1777 = arith.constant 0 : index
        %get3A_1778 = tpu.vector_load %get3A_1775[%get3A_1776, %get3A_1777] {strides = array<i32>} : memref<1600x32xbf16, #tpu.memory_space<vmem>>, vector<32xbf16>,
        %unpack3A_1779 = tpu.unpack_subelements %get3A_1778, 0 {pack_format = #tpu.pack_format<interleaved>} : vector<32xbf16> -> vector<16xf32>
        %unpack3A_1780 = tpu.unpack_subelements %get3A_1778, 1 {pack_format = #tpu.pack_format<interleaved>} : vector<32xbf16> -> vector<16xf32>
        %add3A_1781 = arith.addf %scan3A_1663, %unpack3A_1779 : vector<16xf32>
        %add3A_1782 = arith.addf %scan3A_1664, %unpack3A_1780 : vector<16xf32>
        %add3A_1783 = arith.constant 800 : i32
        %add3A_1784 = arith.addi %add3A_1783, %scan3A_1648 : i32
        %get3A_1785 = arith.constant 0 : i32
        %get3A_1786 = arith.constant 0 : i32
        %get3A_1787 = tpu.memref_slice %arg9[%scan3A_699, %get3A_1785, %get3A_1786] : memref<2x1600x32xbf16, #tpu.memory_space<vmem>> -> memref<1x1600x32xbf16, #tpu.memory_space<vmem>>
        %get3A_1788 = tpu.memref_squeeze %get3A_1787 : memref<1x1600x32xbf16, #tpu.memory_space<vmem>> -> memref<1600x32xbf16, #tpu.memory_space<vmem>>
        %get3A_1789 = arith.index_cast %add3A_1784 : i32 to index
        %get3A_1790 = arith.constant 0 : index
        %get3A_1791 = tpu.vector_load %get3A_1788[%get3A_1789, %get3A_1790] {strides = array<i32>} : memref<1600x32xbf16, #tpu.memory_space<vmem>>, vector<32xbf16>,
        %unpack3A_1792 = tpu.unpack_subelements %get3A_1791, 0 {pack_format = #tpu.pack_format<interleaved>} : vector<32xbf16> -> vector<16xf32>
        %unpack3A_1793 = tpu.unpack_subelements %get3A_1791, 1 {pack_format = #tpu.pack_format<interleaved>} : vector<32xbf16> -> vector<16xf32>
        %add3A_1794 = arith.addf %scan3A_1665, %unpack3A_1792 : vector<16xf32>
        %add3A_1795 = arith.addf %scan3A_1666, %unpack3A_1793 : vector<16xf32>
        %add3A_1796 = arith.constant 900 : i32
        %add3A_1797 = arith.addi %add3A_1796, %scan3A_1648 : i32
        %get3A_1798 = arith.constant 0 : i32
        %get3A_1799 = arith.constant 0 : i32
        %get3A_1800 = tpu.memref_slice %arg9[%scan3A_699, %get3A_1798, %get3A_1799] : memref<2x1600x32xbf16, #tpu.memory_space<vmem>> -> memref<1x1600x32xbf16, #tpu.memory_space<vmem>>
        %get3A_1801 = tpu.memref_squeeze %get3A_1800 : memref<1x1600x32xbf16, #tpu.memory_space<vmem>> -> memref<1600x32xbf16, #tpu.memory_space<vmem>>
        %get3A_1802 = arith.index_cast %add3A_1797 : i32 to index
        %get3A_1803 = arith.constant 0 : index
        %get3A_1804 = tpu.vector_load %get3A_1801[%get3A_1802, %get3A_1803] {strides = array<i32>} : memref<1600x32xbf16, #tpu.memory_space<vmem>>, vector<32xbf16>,
        %unpack3A_1805 = tpu.unpack_subelements %get3A_1804, 0 {pack_format = #tpu.pack_format<interleaved>} : vector<32xbf16> -> vector<16xf32>
        %unpack3A_1806 = tpu.unpack_subelements %get3A_1804, 1 {pack_format = #tpu.pack_format<interleaved>} : vector<32xbf16> -> vector<16xf32>
        %add3A_1807 = arith.addf %scan3A_1667, %unpack3A_1805 : vector<16xf32>
        %add3A_1808 = arith.addf %scan3A_1668, %unpack3A_1806 : vector<16xf32>
        %add3A_1809 = arith.constant 1000 : i32
        %add3A_1810 = arith.addi %add3A_1809, %scan3A_1648 : i32
        %get3A_1811 = arith.constant 0 : i32
        %get3A_1812 = arith.constant 0 : i32
        %get3A_1813 = tpu.memref_slice %arg9[%scan3A_699, %get3A_1811, %get3A_1812] : memref<2x1600x32xbf16, #tpu.memory_space<vmem>> -> memref<1x1600x32xbf16, #tpu.memory_space<vmem>>
        %get3A_1814 = tpu.memref_squeeze %get3A_1813 : memref<1x1600x32xbf16, #tpu.memory_space<vmem>> -> memref<1600x32xbf16, #tpu.memory_space<vmem>>
        %get3A_1815 = arith.index_cast %add3A_1810 : i32 to index
        %get3A_1816 = arith.constant 0 : index
        %get3A_1817 = tpu.vector_load %get3A_1814[%get3A_1815, %get3A_1816] {strides = array<i32>} : memref<1600x32xbf16, #tpu.memory_space<vmem>>, vector<32xbf16>,
        %unpack3A_1818 = tpu.unpack_subelements %get3A_1817, 0 {pack_format = #tpu.pack_format<interleaved>} : vector<32xbf16> -> vector<16xf32>
        %unpack3A_1819 = tpu.unpack_subelements %get3A_1817, 1 {pack_format = #tpu.pack_format<interleaved>} : vector<32xbf16> -> vector<16xf32>
        %add3A_1820 = arith.addf %scan3A_1669, %unpack3A_1818 : vector<16xf32>
        %add3A_1821 = arith.addf %scan3A_1670, %unpack3A_1819 : vector<16xf32>
        %add3A_1822 = arith.constant 1100 : i32
        %add3A_1823 = arith.addi %add3A_1822, %scan3A_1648 : i32
        %get3A_1824 = arith.constant 0 : i32
        %get3A_1825 = arith.constant 0 : i32
        %get3A_1826 = tpu.memref_slice %arg9[%scan3A_699, %get3A_1824, %get3A_1825] : memref<2x1600x32xbf16, #tpu.memory_space<vmem>> -> memref<1x1600x32xbf16, #tpu.memory_space<vmem>>
        %get3A_1827 = tpu.memref_squeeze %get3A_1826 : memref<1x1600x32xbf16, #tpu.memory_space<vmem>> -> memref<1600x32xbf16, #tpu.memory_space<vmem>>
        %get3A_1828 = arith.index_cast %add3A_1823 : i32 to index
        %get3A_1829 = arith.constant 0 : index
        %get3A_1830 = tpu.vector_load %get3A_1827[%get3A_1828, %get3A_1829] {strides = array<i32>} : memref<1600x32xbf16, #tpu.memory_space<vmem>>, vector<32xbf16>,
        %unpack3A_1831 = tpu.unpack_subelements %get3A_1830, 0 {pack_format = #tpu.pack_format<interleaved>} : vector<32xbf16> -> vector<16xf32>
        %unpack3A_1832 = tpu.unpack_subelements %get3A_1830, 1 {pack_format = #tpu.pack_format<interleaved>} : vector<32xbf16> -> vector<16xf32>
        %add3A_1833 = arith.addf %scan3A_1671, %unpack3A_1831 : vector<16xf32>
        %add3A_1834 = arith.addf %scan3A_1672, %unpack3A_1832 : vector<16xf32>
        %add3A_1835 = arith.constant 1200 : i32
        %add3A_1836 = arith.addi %add3A_1835, %scan3A_1648 : i32
        %get3A_1837 = arith.constant 0 : i32
        %get3A_1838 = arith.constant 0 : i32
        %get3A_1839 = tpu.memref_slice %arg9[%scan3A_699, %get3A_1837, %get3A_1838] : memref<2x1600x32xbf16, #tpu.memory_space<vmem>> -> memref<1x1600x32xbf16, #tpu.memory_space<vmem>>
        %get3A_1840 = tpu.memref_squeeze %get3A_1839 : memref<1x1600x32xbf16, #tpu.memory_space<vmem>> -> memref<1600x32xbf16, #tpu.memory_space<vmem>>
        %get3A_1841 = arith.index_cast %add3A_1836 : i32 to index
        %get3A_1842 = arith.constant 0 : index
        %get3A_1843 = tpu.vector_load %get3A_1840[%get3A_1841, %get3A_1842] {strides = array<i32>} : memref<1600x32xbf16, #tpu.memory_space<vmem>>, vector<32xbf16>,
        %unpack3A_1844 = tpu.unpack_subelements %get3A_1843, 0 {pack_format = #tpu.pack_format<interleaved>} : vector<32xbf16> -> vector<16xf32>
        %unpack3A_1845 = tpu.unpack_subelements %get3A_1843, 1 {pack_format = #tpu.pack_format<interleaved>} : vector<32xbf16> -> vector<16xf32>
        %add3A_1846 = arith.addf %scan3A_1673, %unpack3A_1844 : vector<16xf32>
        %add3A_1847 = arith.addf %scan3A_1674, %unpack3A_1845 : vector<16xf32>
        %add3A_1848 = arith.constant 1300 : i32
        %add3A_1849 = arith.addi %add3A_1848, %scan3A_1648 : i32
        %get3A_1850 = arith.constant 0 : i32
        %get3A_1851 = arith.constant 0 : i32
        %get3A_1852 = tpu.memref_slice %arg9[%scan3A_699, %get3A_1850, %get3A_1851] : memref<2x1600x32xbf16, #tpu.memory_space<vmem>> -> memref<1x1600x32xbf16, #tpu.memory_space<vmem>>
        %get3A_1853 = tpu.memref_squeeze %get3A_1852 : memref<1x1600x32xbf16, #tpu.memory_space<vmem>> -> memref<1600x32xbf16, #tpu.memory_space<vmem>>
        %get3A_1854 = arith.index_cast %add3A_1849 : i32 to index
        %get3A_1855 = arith.constant 0 : index
        %get3A_1856 = tpu.vector_load %get3A_1853[%get3A_1854, %get3A_1855] {strides = array<i32>} : memref<1600x32xbf16, #tpu.memory_space<vmem>>, vector<32xbf16>,
        %unpack3A_1857 = tpu.unpack_subelements %get3A_1856, 0 {pack_format = #tpu.pack_format<interleaved>} : vector<32xbf16> -> vector<16xf32>
        %unpack3A_1858 = tpu.unpack_subelements %get3A_1856, 1 {pack_format = #tpu.pack_format<interleaved>} : vector<32xbf16> -> vector<16xf32>
        %add3A_1859 = arith.addf %scan3A_1675, %unpack3A_1857 : vector<16xf32>
        %add3A_1860 = arith.addf %scan3A_1676, %unpack3A_1858 : vector<16xf32>
        %add3A_1861 = arith.constant 1400 : i32
        %add3A_1862 = arith.addi %add3A_1861, %scan3A_1648 : i32
        %get3A_1863 = arith.constant 0 : i32
        %get3A_1864 = arith.constant 0 : i32
        %get3A_1865 = tpu.memref_slice %arg9[%scan3A_699, %get3A_1863, %get3A_1864] : memref<2x1600x32xbf16, #tpu.memory_space<vmem>> -> memref<1x1600x32xbf16, #tpu.memory_space<vmem>>
        %get3A_1866 = tpu.memref_squeeze %get3A_1865 : memref<1x1600x32xbf16, #tpu.memory_space<vmem>> -> memref<1600x32xbf16, #tpu.memory_space<vmem>>
        %get3A_1867 = arith.index_cast %add3A_1862 : i32 to index
        %get3A_1868 = arith.constant 0 : index
        %get3A_1869 = tpu.vector_load %get3A_1866[%get3A_1867, %get3A_1868] {strides = array<i32>} : memref<1600x32xbf16, #tpu.memory_space<vmem>>, vector<32xbf16>,
        %unpack3A_1870 = tpu.unpack_subelements %get3A_1869, 0 {pack_format = #tpu.pack_format<interleaved>} : vector<32xbf16> -> vector<16xf32>
        %unpack3A_1871 = tpu.unpack_subelements %get3A_1869, 1 {pack_format = #tpu.pack_format<interleaved>} : vector<32xbf16> -> vector<16xf32>
        %add3A_1872 = arith.addf %scan3A_1677, %unpack3A_1870 : vector<16xf32>
        %add3A_1873 = arith.addf %scan3A_1678, %unpack3A_1871 : vector<16xf32>
        %add3A_1874 = arith.constant 1500 : i32
        %add3A_1875 = arith.addi %add3A_1874, %scan3A_1648 : i32
        %get3A_1876 = arith.constant 0 : i32
        %get3A_1877 = arith.constant 0 : i32
        %get3A_1878 = tpu.memref_slice %arg9[%scan3A_699, %get3A_1876, %get3A_1877] : memref<2x1600x32xbf16, #tpu.memory_space<vmem>> -> memref<1x1600x32xbf16, #tpu.memory_space<vmem>>
        %get3A_1879 = tpu.memref_squeeze %get3A_1878 : memref<1x1600x32xbf16, #tpu.memory_space<vmem>> -> memref<1600x32xbf16, #tpu.memory_space<vmem>>
        %get3A_1880 = arith.index_cast %add3A_1875 : i32 to index
        %get3A_1881 = arith.constant 0 : index
        %get3A_1882 = tpu.vector_load %get3A_1879[%get3A_1880, %get3A_1881] {strides = array<i32>} : memref<1600x32xbf16, #tpu.memory_space<vmem>>, vector<32xbf16>,
        %unpack3A_1883 = tpu.unpack_subelements %get3A_1882, 0 {pack_format = #tpu.pack_format<interleaved>} : vector<32xbf16> -> vector<16xf32>
        %unpack3A_1884 = tpu.unpack_subelements %get3A_1882, 1 {pack_format = #tpu.pack_format<interleaved>} : vector<32xbf16> -> vector<16xf32>
        %add3A_1885 = arith.addf %scan3A_1679, %unpack3A_1883 : vector<16xf32>
        %add3A_1886 = arith.addf %scan3A_1680, %unpack3A_1884 : vector<16xf32>
        %scan3A_1887 = arith.constant 1 : i32
        %scan3A_1888 = arith.addi %scan3A_1648, %scan3A_1887 : i32
        %add3A_1889 = arith.constant 0 : i32
        %add3A_1890 = arith.addi %add3A_1889, %scan3A_1888 : i32
        %get3A_1891 = arith.constant 0 : i32
        %get3A_1892 = arith.constant 0 : i32
        %get3A_1893 = tpu.memref_slice %arg9[%scan3A_699, %get3A_1891, %get3A_1892] : memref<2x1600x32xbf16, #tpu.memory_space<vmem>> -> memref<1x1600x32xbf16, #tpu.memory_space<vmem>>
        %get3A_1894 = tpu.memref_squeeze %get3A_1893 : memref<1x1600x32xbf16, #tpu.memory_space<vmem>> -> memref<1600x32xbf16, #tpu.memory_space<vmem>>
        %get3A_1895 = arith.index_cast %add3A_1890 : i32 to index
        %get3A_1896 = arith.constant 0 : index
        %get3A_1897 = tpu.vector_load %get3A_1894[%get3A_1895, %get3A_1896] {strides = array<i32>} : memref<1600x32xbf16, #tpu.memory_space<vmem>>, vector<32xbf16>,
        %unpack3A_1898 = tpu.unpack_subelements %get3A_1897, 0 {pack_format = #tpu.pack_format<interleaved>} : vector<32xbf16> -> vector<16xf32>
        %unpack3A_1899 = tpu.unpack_subelements %get3A_1897, 1 {pack_format = #tpu.pack_format<interleaved>} : vector<32xbf16> -> vector<16xf32>
        %add3A_1900 = arith.addf %add3A_1690, %unpack3A_1898 : vector<16xf32>
        %add3A_1901 = arith.addf %add3A_1691, %unpack3A_1899 : vector<16xf32>
        %add3A_1902 = arith.constant 100 : i32
        %add3A_1903 = arith.addi %add3A_1902, %scan3A_1888 : i32
        %get3A_1904 = arith.constant 0 : i32
        %get3A_1905 = arith.constant 0 : i32
        %get3A_1906 = tpu.memref_slice %arg9[%scan3A_699, %get3A_1904, %get3A_1905] : memref<2x1600x32xbf16, #tpu.memory_space<vmem>> -> memref<1x1600x32xbf16, #tpu.memory_space<vmem>>
        %get3A_1907 = tpu.memref_squeeze %get3A_1906 : memref<1x1600x32xbf16, #tpu.memory_space<vmem>> -> memref<1600x32xbf16, #tpu.memory_space<vmem>>
        %get3A_1908 = arith.index_cast %add3A_1903 : i32 to index
        %get3A_1909 = arith.constant 0 : index
        %get3A_1910 = tpu.vector_load %get3A_1907[%get3A_1908, %get3A_1909] {strides = array<i32>} : memref<1600x32xbf16, #tpu.memory_space<vmem>>, vector<32xbf16>,
        %unpack3A_1911 = tpu.unpack_subelements %get3A_1910, 0 {pack_format = #tpu.pack_format<interleaved>} : vector<32xbf16> -> vector<16xf32>
        %unpack3A_1912 = tpu.unpack_subelements %get3A_1910, 1 {pack_format = #tpu.pack_format<interleaved>} : vector<32xbf16> -> vector<16xf32>
        %add3A_1913 = arith.addf %add3A_1703, %unpack3A_1911 : vector<16xf32>
        %add3A_1914 = arith.addf %add3A_1704, %unpack3A_1912 : vector<16xf32>
        %add3A_1915 = arith.constant 200 : i32
        %add3A_1916 = arith.addi %add3A_1915, %scan3A_1888 : i32
        %get3A_1917 = arith.constant 0 : i32
        %get3A_1918 = arith.constant 0 : i32
        %get3A_1919 = tpu.memref_slice %arg9[%scan3A_699, %get3A_1917, %get3A_1918] : memref<2x1600x32xbf16, #tpu.memory_space<vmem>> -> memref<1x1600x32xbf16, #tpu.memory_space<vmem>>
        %get3A_1920 = tpu.memref_squeeze %get3A_1919 : memref<1x1600x32xbf16, #tpu.memory_space<vmem>> -> memref<1600x32xbf16, #tpu.memory_space<vmem>>
        %get3A_1921 = arith.index_cast %add3A_1916 : i32 to index
        %get3A_1922 = arith.constant 0 : index
        %get3A_1923 = tpu.vector_load %get3A_1920[%get3A_1921, %get3A_1922] {strides = array<i32>} : memref<1600x32xbf16, #tpu.memory_space<vmem>>, vector<32xbf16>,
        %unpack3A_1924 = tpu.unpack_subelements %get3A_1923, 0 {pack_format = #tpu.pack_format<interleaved>} : vector<32xbf16> -> vector<16xf32>
        %unpack3A_1925 = tpu.unpack_subelements %get3A_1923, 1 {pack_format = #tpu.pack_format<interleaved>} : vector<32xbf16> -> vector<16xf32>
        %add3A_1926 = arith.addf %add3A_1716, %unpack3A_1924 : vector<16xf32>
        %add3A_1927 = arith.addf %add3A_1717, %unpack3A_1925 : vector<16xf32>
        %add3A_1928 = arith.constant 300 : i32
        %add3A_1929 = arith.addi %add3A_1928, %scan3A_1888 : i32
        %get3A_1930 = arith.constant 0 : i32
        %get3A_1931 = arith.constant 0 : i32
        %get3A_1932 = tpu.memref_slice %arg9[%scan3A_699, %get3A_1930, %get3A_1931] : memref<2x1600x32xbf16, #tpu.memory_space<vmem>> -> memref<1x1600x32xbf16, #tpu.memory_space<vmem>>
        %get3A_1933 = tpu.memref_squeeze %get3A_1932 : memref<1x1600x32xbf16, #tpu.memory_space<vmem>> -> memref<1600x32xbf16, #tpu.memory_space<vmem>>
        %get3A_1934 = arith.index_cast %add3A_1929 : i32 to index
        %get3A_1935 = arith.constant 0 : index
        %get3A_1936 = tpu.vector_load %get3A_1933[%get3A_1934, %get3A_1935] {strides = array<i32>} : memref<1600x32xbf16, #tpu.memory_space<vmem>>, vector<32xbf16>,
        %unpack3A_1937 = tpu.unpack_subelements %get3A_1936, 0 {pack_format = #tpu.pack_format<interleaved>} : vector<32xbf16> -> vector<16xf32>
        %unpack3A_1938 = tpu.unpack_subelements %get3A_1936, 1 {pack_format = #tpu.pack_format<interleaved>} : vector<32xbf16> -> vector<16xf32>
        %add3A_1939 = arith.addf %add3A_1729, %unpack3A_1937 : vector<16xf32>
        %add3A_1940 = arith.addf %add3A_1730, %unpack3A_1938 : vector<16xf32>
        %add3A_1941 = arith.constant 400 : i32
        %add3A_1942 = arith.addi %add3A_1941, %scan3A_1888 : i32
        %get3A_1943 = arith.constant 0 : i32
        %get3A_1944 = arith.constant 0 : i32
        %get3A_1945 = tpu.memref_slice %arg9[%scan3A_699, %get3A_1943, %get3A_1944] : memref<2x1600x32xbf16, #tpu.memory_space<vmem>> -> memref<1x1600x32xbf16, #tpu.memory_space<vmem>>
        %get3A_1946 = tpu.memref_squeeze %get3A_1945 : memref<1x1600x32xbf16, #tpu.memory_space<vmem>> -> memref<1600x32xbf16, #tpu.memory_space<vmem>>
        %get3A_1947 = arith.index_cast %add3A_1942 : i32 to index
        %get3A_1948 = arith.constant 0 : index
        %get3A_1949 = tpu.vector_load %get3A_1946[%get3A_1947, %get3A_1948] {strides = array<i32>} : memref<1600x32xbf16, #tpu.memory_space<vmem>>, vector<32xbf16>,
        %unpack3A_1950 = tpu.unpack_subelements %get3A_1949, 0 {pack_format = #tpu.pack_format<interleaved>} : vector<32xbf16> -> vector<16xf32>
        %unpack3A_1951 = tpu.unpack_subelements %get3A_1949, 1 {pack_format = #tpu.pack_format<interleaved>} : vector<32xbf16> -> vector<16xf32>
        %add3A_1952 = arith.addf %add3A_1742, %unpack3A_1950 : vector<16xf32>
        %add3A_1953 = arith.addf %add3A_1743, %unpack3A_1951 : vector<16xf32>
        %add3A_1954 = arith.constant 500 : i32
        %add3A_1955 = arith.addi %add3A_1954, %scan3A_1888 : i32
        %get3A_1956 = arith.constant 0 : i32
        %get3A_1957 = arith.constant 0 : i32
        %get3A_1958 = tpu.memref_slice %arg9[%scan3A_699, %get3A_1956, %get3A_1957] : memref<2x1600x32xbf16, #tpu.memory_space<vmem>> -> memref<1x1600x32xbf16, #tpu.memory_space<vmem>>
        %get3A_1959 = tpu.memref_squeeze %get3A_1958 : memref<1x1600x32xbf16, #tpu.memory_space<vmem>> -> memref<1600x32xbf16, #tpu.memory_space<vmem>>
        %get3A_1960 = arith.index_cast %add3A_1955 : i32 to index
        %get3A_1961 = arith.constant 0 : index
        %get3A_1962 = tpu.vector_load %get3A_1959[%get3A_1960, %get3A_1961] {strides = array<i32>} : memref<1600x32xbf16, #tpu.memory_space<vmem>>, vector<32xbf16>,
        %unpack3A_1963 = tpu.unpack_subelements %get3A_1962, 0 {pack_format = #tpu.pack_format<interleaved>} : vector<32xbf16> -> vector<16xf32>
        %unpack3A_1964 = tpu.unpack_subelements %get3A_1962, 1 {pack_format = #tpu.pack_format<interleaved>} : vector<32xbf16> -> vector<16xf32>
        %add3A_1965 = arith.addf %add3A_1755, %unpack3A_1963 : vector<16xf32>
        %add3A_1966 = arith.addf %add3A_1756, %unpack3A_1964 : vector<16xf32>
        %add3A_1967 = arith.constant 600 : i32
        %add3A_1968 = arith.addi %add3A_1967, %scan3A_1888 : i32
        %get3A_1969 = arith.constant 0 : i32
        %get3A_1970 = arith.constant 0 : i32
        %get3A_1971 = tpu.memref_slice %arg9[%scan3A_699, %get3A_1969, %get3A_1970] : memref<2x1600x32xbf16, #tpu.memory_space<vmem>> -> memref<1x1600x32xbf16, #tpu.memory_space<vmem>>
        %get3A_1972 = tpu.memref_squeeze %get3A_1971 : memref<1x1600x32xbf16, #tpu.memory_space<vmem>> -> memref<1600x32xbf16, #tpu.memory_space<vmem>>
        %get3A_1973 = arith.index_cast %add3A_1968 : i32 to index
        %get3A_1974 = arith.constant 0 : index
        %get3A_1975 = tpu.vector_load %get3A_1972[%get3A_1973, %get3A_1974] {strides = array<i32>} : memref<1600x32xbf16, #tpu.memory_space<vmem>>, vector<32xbf16>,
        %unpack3A_1976 = tpu.unpack_subelements %get3A_1975, 0 {pack_format = #tpu.pack_format<interleaved>} : vector<32xbf16> -> vector<16xf32>
        %unpack3A_1977 = tpu.unpack_subelements %get3A_1975, 1 {pack_format = #tpu.pack_format<interleaved>} : vector<32xbf16> -> vector<16xf32>
        %add3A_1978 = arith.addf %add3A_1768, %unpack3A_1976 : vector<16xf32>
        %add3A_1979 = arith.addf %add3A_1769, %unpack3A_1977 : vector<16xf32>
        %add3A_1980 = arith.constant 700 : i32
        %add3A_1981 = arith.addi %add3A_1980, %scan3A_1888 : i32
        %get3A_1982 = arith.constant 0 : i32
        %get3A_1983 = arith.constant 0 : i32
        %get3A_1984 = tpu.memref_slice %arg9[%scan3A_699, %get3A_1982, %get3A_1983] : memref<2x1600x32xbf16, #tpu.memory_space<vmem>> -> memref<1x1600x32xbf16, #tpu.memory_space<vmem>>
        %get3A_1985 = tpu.memref_squeeze %get3A_1984 : memref<1x1600x32xbf16, #tpu.memory_space<vmem>> -> memref<1600x32xbf16, #tpu.memory_space<vmem>>
        %get3A_1986 = arith.index_cast %add3A_1981 : i32 to index
        %get3A_1987 = arith.constant 0 : index
        %get3A_1988 = tpu.vector_load %get3A_1985[%get3A_1986, %get3A_1987] {strides = array<i32>} : memref<1600x32xbf16, #tpu.memory_space<vmem>>, vector<32xbf16>,
        %unpack3A_1989 = tpu.unpack_subelements %get3A_1988, 0 {pack_format = #tpu.pack_format<interleaved>} : vector<32xbf16> -> vector<16xf32>
        %unpack3A_1990 = tpu.unpack_subelements %get3A_1988, 1 {pack_format = #tpu.pack_format<interleaved>} : vector<32xbf16> -> vector<16xf32>
        %add3A_1991 = arith.addf %add3A_1781, %unpack3A_1989 : vector<16xf32>
        %add3A_1992 = arith.addf %add3A_1782, %unpack3A_1990 : vector<16xf32>
        %add3A_1993 = arith.constant 800 : i32
        %add3A_1994 = arith.addi %add3A_1993, %scan3A_1888 : i32
        %get3A_1995 = arith.constant 0 : i32
        %get3A_1996 = arith.constant 0 : i32
        %get3A_1997 = tpu.memref_slice %arg9[%scan3A_699, %get3A_1995, %get3A_1996] : memref<2x1600x32xbf16, #tpu.memory_space<vmem>> -> memref<1x1600x32xbf16, #tpu.memory_space<vmem>>
        %get3A_1998 = tpu.memref_squeeze %get3A_1997 : memref<1x1600x32xbf16, #tpu.memory_space<vmem>> -> memref<1600x32xbf16, #tpu.memory_space<vmem>>
        %get3A_1999 = arith.index_cast %add3A_1994 : i32 to index
        %get3A_2000 = arith.constant 0 : index
        %get3A_2001 = tpu.vector_load %get3A_1998[%get3A_1999, %get3A_2000] {strides = array<i32>} : memref<1600x32xbf16, #tpu.memory_space<vmem>>, vector<32xbf16>,
        %unpack3A_2002 = tpu.unpack_subelements %get3A_2001, 0 {pack_format = #tpu.pack_format<interleaved>} : vector<32xbf16> -> vector<16xf32>
        %unpack3A_2003 = tpu.unpack_subelements %get3A_2001, 1 {pack_format = #tpu.pack_format<interleaved>} : vector<32xbf16> -> vector<16xf32>
        %add3A_2004 = arith.addf %add3A_1794, %unpack3A_2002 : vector<16xf32>
        %add3A_2005 = arith.addf %add3A_1795, %unpack3A_2003 : vector<16xf32>
        %add3A_2006 = arith.constant 900 : i32
        %add3A_2007 = arith.addi %add3A_2006, %scan3A_1888 : i32
        %get3A_2008 = arith.constant 0 : i32
        %get3A_2009 = arith.constant 0 : i32
        %get3A_2010 = tpu.memref_slice %arg9[%scan3A_699, %get3A_2008, %get3A_2009] : memref<2x1600x32xbf16, #tpu.memory_space<vmem>> -> memref<1x1600x32xbf16, #tpu.memory_space<vmem>>
        %get3A_2011 = tpu.memref_squeeze %get3A_2010 : memref<1x1600x32xbf16, #tpu.memory_space<vmem>> -> memref<1600x32xbf16, #tpu.memory_space<vmem>>
        %get3A_2012 = arith.index_cast %add3A_2007 : i32 to index
        %get3A_2013 = arith.constant 0 : index
        %get3A_2014 = tpu.vector_load %get3A_2011[%get3A_2012, %get3A_2013] {strides = array<i32>} : memref<1600x32xbf16, #tpu.memory_space<vmem>>, vector<32xbf16>,
        %unpack3A_2015 = tpu.unpack_subelements %get3A_2014, 0 {pack_format = #tpu.pack_format<interleaved>} : vector<32xbf16> -> vector<16xf32>
        %unpack3A_2016 = tpu.unpack_subelements %get3A_2014, 1 {pack_format = #tpu.pack_format<interleaved>} : vector<32xbf16> -> vector<16xf32>
        %add3A_2017 = arith.addf %add3A_1807, %unpack3A_2015 : vector<16xf32>
        %add3A_2018 = arith.addf %add3A_1808, %unpack3A_2016 : vector<16xf32>
        %add3A_2019 = arith.constant 1000 : i32
        %add3A_2020 = arith.addi %add3A_2019, %scan3A_1888 : i32
        %get3A_2021 = arith.constant 0 : i32
        %get3A_2022 = arith.constant 0 : i32
        %get3A_2023 = tpu.memref_slice %arg9[%scan3A_699, %get3A_2021, %get3A_2022] : memref<2x1600x32xbf16, #tpu.memory_space<vmem>> -> memref<1x1600x32xbf16, #tpu.memory_space<vmem>>
        %get3A_2024 = tpu.memref_squeeze %get3A_2023 : memref<1x1600x32xbf16, #tpu.memory_space<vmem>> -> memref<1600x32xbf16, #tpu.memory_space<vmem>>
        %get3A_2025 = arith.index_cast %add3A_2020 : i32 to index
        %get3A_2026 = arith.constant 0 : index
        %get3A_2027 = tpu.vector_load %get3A_2024[%get3A_2025, %get3A_2026] {strides = array<i32>} : memref<1600x32xbf16, #tpu.memory_space<vmem>>, vector<32xbf16>,
        %unpack3A_2028 = tpu.unpack_subelements %get3A_2027, 0 {pack_format = #tpu.pack_format<interleaved>} : vector<32xbf16> -> vector<16xf32>
        %unpack3A_2029 = tpu.unpack_subelements %get3A_2027, 1 {pack_format = #tpu.pack_format<interleaved>} : vector<32xbf16> -> vector<16xf32>
        %add3A_2030 = arith.addf %add3A_1820, %unpack3A_2028 : vector<16xf32>
        %add3A_2031 = arith.addf %add3A_1821, %unpack3A_2029 : vector<16xf32>
        %add3A_2032 = arith.constant 1100 : i32
        %add3A_2033 = arith.addi %add3A_2032, %scan3A_1888 : i32
        %get3A_2034 = arith.constant 0 : i32
        %get3A_2035 = arith.constant 0 : i32
        %get3A_2036 = tpu.memref_slice %arg9[%scan3A_699, %get3A_2034, %get3A_2035] : memref<2x1600x32xbf16, #tpu.memory_space<vmem>> -> memref<1x1600x32xbf16, #tpu.memory_space<vmem>>
        %get3A_2037 = tpu.memref_squeeze %get3A_2036 : memref<1x1600x32xbf16, #tpu.memory_space<vmem>> -> memref<1600x32xbf16, #tpu.memory_space<vmem>>
        %get3A_2038 = arith.index_cast %add3A_2033 : i32 to index
        %get3A_2039 = arith.constant 0 : index
        %get3A_2040 = tpu.vector_load %get3A_2037[%get3A_2038, %get3A_2039] {strides = array<i32>} : memref<1600x32xbf16, #tpu.memory_space<vmem>>, vector<32xbf16>,
        %unpack3A_2041 = tpu.unpack_subelements %get3A_2040, 0 {pack_format = #tpu.pack_format<interleaved>} : vector<32xbf16> -> vector<16xf32>
        %unpack3A_2042 = tpu.unpack_subelements %get3A_2040, 1 {pack_format = #tpu.pack_format<interleaved>} : vector<32xbf16> -> vector<16xf32>
        %add3A_2043 = arith.addf %add3A_1833, %unpack3A_2041 : vector<16xf32>
        %add3A_2044 = arith.addf %add3A_1834, %unpack3A_2042 : vector<16xf32>
        %add3A_2045 = arith.constant 1200 : i32
        %add3A_2046 = arith.addi %add3A_2045, %scan3A_1888 : i32
        %get3A_2047 = arith.constant 0 : i32
        %get3A_2048 = arith.constant 0 : i32
        %get3A_2049 = tpu.memref_slice %arg9[%scan3A_699, %get3A_2047, %get3A_2048] : memref<2x1600x32xbf16, #tpu.memory_space<vmem>> -> memref<1x1600x32xbf16, #tpu.memory_space<vmem>>
        %get3A_2050 = tpu.memref_squeeze %get3A_2049 : memref<1x1600x32xbf16, #tpu.memory_space<vmem>> -> memref<1600x32xbf16, #tpu.memory_space<vmem>>
        %get3A_2051 = arith.index_cast %add3A_2046 : i32 to index
        %get3A_2052 = arith.constant 0 : index
        %get3A_2053 = tpu.vector_load %get3A_2050[%get3A_2051, %get3A_2052] {strides = array<i32>} : memref<1600x32xbf16, #tpu.memory_space<vmem>>, vector<32xbf16>,
        %unpack3A_2054 = tpu.unpack_subelements %get3A_2053, 0 {pack_format = #tpu.pack_format<interleaved>} : vector<32xbf16> -> vector<16xf32>
        %unpack3A_2055 = tpu.unpack_subelements %get3A_2053, 1 {pack_format = #tpu.pack_format<interleaved>} : vector<32xbf16> -> vector<16xf32>
        %add3A_2056 = arith.addf %add3A_1846, %unpack3A_2054 : vector<16xf32>
        %add3A_2057 = arith.addf %add3A_1847, %unpack3A_2055 : vector<16xf32>
        %add3A_2058 = arith.constant 1300 : i32
        %add3A_2059 = arith.addi %add3A_2058, %scan3A_1888 : i32
        %get3A_2060 = arith.constant 0 : i32
        %get3A_2061 = arith.constant 0 : i32
        %get3A_2062 = tpu.memref_slice %arg9[%scan3A_699, %get3A_2060, %get3A_2061] : memref<2x1600x32xbf16, #tpu.memory_space<vmem>> -> memref<1x1600x32xbf16, #tpu.memory_space<vmem>>
        %get3A_2063 = tpu.memref_squeeze %get3A_2062 : memref<1x1600x32xbf16, #tpu.memory_space<vmem>> -> memref<1600x32xbf16, #tpu.memory_space<vmem>>
        %get3A_2064 = arith.index_cast %add3A_2059 : i32 to index
        %get3A_2065 = arith.constant 0 : index
        %get3A_2066 = tpu.vector_load %get3A_2063[%get3A_2064, %get3A_2065] {strides = array<i32>} : memref<1600x32xbf16, #tpu.memory_space<vmem>>, vector<32xbf16>,
        %unpack3A_2067 = tpu.unpack_subelements %get3A_2066, 0 {pack_format = #tpu.pack_format<interleaved>} : vector<32xbf16> -> vector<16xf32>
        %unpack3A_2068 = tpu.unpack_subelements %get3A_2066, 1 {pack_format = #tpu.pack_format<interleaved>} : vector<32xbf16> -> vector<16xf32>
        %add3A_2069 = arith.addf %add3A_1859, %unpack3A_2067 : vector<16xf32>
        %add3A_2070 = arith.addf %add3A_1860, %unpack3A_2068 : vector<16xf32>
        %add3A_2071 = arith.constant 1400 : i32
        %add3A_2072 = arith.addi %add3A_2071, %scan3A_1888 : i32
        %get3A_2073 = arith.constant 0 : i32
        %get3A_2074 = arith.constant 0 : i32
        %get3A_2075 = tpu.memref_slice %arg9[%scan3A_699, %get3A_2073, %get3A_2074] : memref<2x1600x32xbf16, #tpu.memory_space<vmem>> -> memref<1x1600x32xbf16, #tpu.memory_space<vmem>>
        %get3A_2076 = tpu.memref_squeeze %get3A_2075 : memref<1x1600x32xbf16, #tpu.memory_space<vmem>> -> memref<1600x32xbf16, #tpu.memory_space<vmem>>
        %get3A_2077 = arith.index_cast %add3A_2072 : i32 to index
        %get3A_2078 = arith.constant 0 : index
        %get3A_2079 = tpu.vector_load %get3A_2076[%get3A_2077, %get3A_2078] {strides = array<i32>} : memref<1600x32xbf16, #tpu.memory_space<vmem>>, vector<32xbf16>,
        %unpack3A_2080 = tpu.unpack_subelements %get3A_2079, 0 {pack_format = #tpu.pack_format<interleaved>} : vector<32xbf16> -> vector<16xf32>
        %unpack3A_2081 = tpu.unpack_subelements %get3A_2079, 1 {pack_format = #tpu.pack_format<interleaved>} : vector<32xbf16> -> vector<16xf32>
        %add3A_2082 = arith.addf %add3A_1872, %unpack3A_2080 : vector<16xf32>
        %add3A_2083 = arith.addf %add3A_1873, %unpack3A_2081 : vector<16xf32>
        %add3A_2084 = arith.constant 1500 : i32
        %add3A_2085 = arith.addi %add3A_2084, %scan3A_1888 : i32
        %get3A_2086 = arith.constant 0 : i32
        %get3A_2087 = arith.constant 0 : i32
        %get3A_2088 = tpu.memref_slice %arg9[%scan3A_699, %get3A_2086, %get3A_2087] : memref<2x1600x32xbf16, #tpu.memory_space<vmem>> -> memref<1x1600x32xbf16, #tpu.memory_space<vmem>>
        %get3A_2089 = tpu.memref_squeeze %get3A_2088 : memref<1x1600x32xbf16, #tpu.memory_space<vmem>> -> memref<1600x32xbf16, #tpu.memory_space<vmem>>
        %get3A_2090 = arith.index_cast %add3A_2085 : i32 to index
        %get3A_2091 = arith.constant 0 : index
        %get3A_2092 = tpu.vector_load %get3A_2089[%get3A_2090, %get3A_2091] {strides = array<i32>} : memref<1600x32xbf16, #tpu.memory_space<vmem>>, vector<32xbf16>,
        %unpack3A_2093 = tpu.unpack_subelements %get3A_2092, 0 {pack_format = #tpu.pack_format<interleaved>} : vector<32xbf16> -> vector<16xf32>
        %unpack3A_2094 = tpu.unpack_subelements %get3A_2092, 1 {pack_format = #tpu.pack_format<interleaved>} : vector<32xbf16> -> vector<16xf32>
        %add3A_2095 = arith.addf %add3A_1885, %unpack3A_2093 : vector<16xf32>
        %add3A_2096 = arith.addf %add3A_1886, %unpack3A_2094 : vector<16xf32>
        scf.yield %add3A_1900, %add3A_1901, %add3A_1913, %add3A_1914, %add3A_1926, %add3A_1927, %add3A_1939, %add3A_1940, %add3A_1952, %add3A_1953, %add3A_1965, %add3A_1966, %add3A_1978, %add3A_1979, %add3A_1991, %add3A_1992, %add3A_2004, %add3A_2005, %add3A_2017, %add3A_2018, %add3A_2030, %add3A_2031, %add3A_2043, %add3A_2044, %add3A_2056, %add3A_2057, %add3A_2069, %add3A_2070, %add3A_2082, %add3A_2083, %add3A_2095, %add3A_2096 : vector<16xf32>, vector<16xf32>, vector<16xf32>, vector<16xf32>, vector<16xf32>, vector<16xf32>, vector<16xf32>, vector<16xf32>, vector<16xf32>, vector<16xf32>, vector<16xf32>, vector<16xf32>, vector<16xf32>, vector<16xf32>, vector<16xf32>, vector<16xf32>, vector<16xf32>, vector<16xf32>, vector<16xf32>, vector<16xf32>, vector<16xf32>, vector<16xf32>, vector<16xf32>, vector<16xf32>, vector<16xf32>, vector<16xf32>, vector<16xf32>, vector<16xf32>, vector<16xf32>, vector<16xf32>, vector<16xf32>, vector<16xf32>
      }
      %scan3A_705 = arith.constant 100 : i32
      %ge3A = arith.constant 2 : i32
      %ge3A_706 = arith.cmpi sge, %mul3A_379, %ge3A : i32
      %convert_element_type3A_707 = arith.extui %ge3A_706 : i1 to i32
      %cond3A_708 = arith.constant 0 : i32
      %cond3A_709 = arith.cmpi ne, %convert_element_type3A_707, %cond3A_708 : i32
      scf.if %cond3A_709 {
        %dma_wait3A_1648 = arith.constant 0 : i32
        %dma_wait3A_1649 = arith.constant 0 : i32
        %dma_wait3A_1650 = arith.constant 0 : i32
        %dma_wait3A_1651 = tpu.memref_slice %arg10[%dma_wait3A_1648, %dma_wait3A_1650] : memref<2x512xf32, #tpu.memory_space<vmem>> -> memref<1x512xf32, #tpu.memory_space<vmem>>
        %dma_wait3A_1652 = tpu.memref_squeeze %dma_wait3A_1651 : memref<1x512xf32, #tpu.memory_space<vmem>> -> memref<512xf32, #tpu.memory_space<vmem>>
        %dma_wait3A_1653 = arith.constant 0 : i32
        %dma_wait3A_1654 = tpu.memref_slice %arg5[%dma_wait3A_1653] : memref<524288xf32, #tpu.memory_space<hbm>> -> memref<512xf32, #tpu.memory_space<hbm>>
        %dma_wait3A_1655 = tpu.memref_slice %arg13[%dma_wait3A_1649] : memref<2x!tpu.dma_semaphore, #tpu.memory_space<semaphore_mem>> -> memref<1x!tpu.dma_semaphore, #tpu.memory_space<semaphore_mem>>
        %dma_wait3A_1656 = tpu.memref_squeeze %dma_wait3A_1655 : memref<1x!tpu.dma_semaphore, #tpu.memory_space<semaphore_mem>> -> memref<!tpu.dma_semaphore, #tpu.memory_space<semaphore_mem>>
        %dma_wait3A_1657 = arith.constant 0 : i32
        %dma_wait3A_1658 = tpu.memref_slice %arg10[%dma_wait3A_1648, %dma_wait3A_1657] : memref<2x512xf32, #tpu.memory_space<vmem>> -> memref<1x512xf32, #tpu.memory_space<vmem>>
        %dma_wait3A_1659 = tpu.memref_squeeze %dma_wait3A_1658 : memref<1x512xf32, #tpu.memory_space<vmem>> -> memref<512xf32, #tpu.memory_space<vmem>>
        %dma_wait3A_1660 = arith.constant 0 : i32
        %dma_wait3A_1661 = tpu.memref_slice %arg5[%dma_wait3A_1660] : memref<524288xf32, #tpu.memory_space<hbm>> -> memref<512xf32, #tpu.memory_space<hbm>>
        tpu.wait_dma2 semaphore(%dma_wait3A_1656 : memref<!tpu.dma_semaphore, #tpu.memory_space<semaphore_mem>>) src(%dma_wait3A_1661 : memref<512xf32, #tpu.memory_space<hbm>>) dst(%dma_wait3A_1659 : memref<512xf32, #tpu.memory_space<vmem>>)
      } else {
      }
      %mul3A_710 = arith.constant 2 : i32
      %mul3A_711 = vector.broadcast %mul3A_710 : i32 to vector<16xi32>
      %mul3A_712 = arith.muli %mul3A_711, %iota3A : vector<16xi32>
      %add3A_713 = arith.constant 0 : i32
      %add3A_714 = vector.broadcast %add3A_713 : i32 to vector<16xi32>
      %add3A_715 = arith.addi %add3A_714, %mul3A_712 : vector<16xi32>
      %mul3A_716 = vector.broadcast %scan3A_343 : f32 to vector<16xf32>
      %mul3A_717 = arith.mulf %scan3A_704#0, %mul3A_716 : vector<16xf32>
      %scatter3A = arith.constant 0 : i32
      %scatter3A_718 = arith.constant 0 : i32
      %scatter3A_719 = tpu.memref_slice %arg10[%scatter3A, %scatter3A_718] : memref<2x512xf32, #tpu.memory_space<vmem>> -> memref<1x512xf32, #tpu.memory_space<vmem>>
      %scatter3A_720 = tpu.memref_squeeze %scatter3A_719 : memref<1x512xf32, #tpu.memory_space<vmem>> -> memref<512xf32, #tpu.memory_space<vmem>>
      tpu.vector_store_idx %scatter3A_720[%add3A_715], %mul3A_717 : memref<512xf32, #tpu.memory_space<vmem>>[vector<16xi32>], vector<16xf32>,
      %mul3A_721 = arith.constant 2 : i32
      %mul3A_722 = vector.broadcast %mul3A_721 : i32 to vector<16xi32>
      %mul3A_723 = arith.muli %mul3A_722, %iota3A : vector<16xi32>
      %add3A_724 = arith.constant 0 : i32
      %add3A_725 = vector.broadcast %add3A_724 : i32 to vector<16xi32>
      %add3A_726 = arith.addi %add3A_725, %mul3A_723 : vector<16xi32>
      %add3A_727 = arith.constant 1 : i32
      %add3A_728 = vector.broadcast %add3A_727 : i32 to vector<16xi32>
      %add3A_729 = arith.addi %add3A_726, %add3A_728 : vector<16xi32>
      %mul3A_730 = vector.broadcast %scan3A_343 : f32 to vector<16xf32>
      %mul3A_731 = arith.mulf %scan3A_704#1, %mul3A_730 : vector<16xf32>
      %scatter3A_732 = arith.constant 0 : i32
      %scatter3A_733 = arith.constant 0 : i32
      %scatter3A_734 = tpu.memref_slice %arg10[%scatter3A_732, %scatter3A_733] : memref<2x512xf32, #tpu.memory_space<vmem>> -> memref<1x512xf32, #tpu.memory_space<vmem>>
      %scatter3A_735 = tpu.memref_squeeze %scatter3A_734 : memref<1x512xf32, #tpu.memory_space<vmem>> -> memref<512xf32, #tpu.memory_space<vmem>>
      tpu.vector_store_idx %scatter3A_735[%add3A_729], %mul3A_731 : memref<512xf32, #tpu.memory_space<vmem>>[vector<16xi32>], vector<16xf32>,
      %mul3A_736 = arith.constant 2 : i32
      %mul3A_737 = vector.broadcast %mul3A_736 : i32 to vector<16xi32>
      %mul3A_738 = arith.muli %mul3A_737, %iota3A : vector<16xi32>
      %add3A_739 = arith.constant 32 : i32
      %add3A_740 = vector.broadcast %add3A_739 : i32 to vector<16xi32>
      %add3A_741 = arith.addi %add3A_740, %mul3A_738 : vector<16xi32>
      %mul3A_742 = vector.broadcast %scan3A_343 : f32 to vector<16xf32>
      %mul3A_743 = arith.mulf %scan3A_704#2, %mul3A_742 : vector<16xf32>
      %scatter3A_744 = arith.constant 0 : i32
      %scatter3A_745 = arith.constant 0 : i32
      %scatter3A_746 = tpu.memref_slice %arg10[%scatter3A_744, %scatter3A_745] : memref<2x512xf32, #tpu.memory_space<vmem>> -> memref<1x512xf32, #tpu.memory_space<vmem>>
      %scatter3A_747 = tpu.memref_squeeze %scatter3A_746 : memref<1x512xf32, #tpu.memory_space<vmem>> -> memref<512xf32, #tpu.memory_space<vmem>>
      tpu.vector_store_idx %scatter3A_747[%add3A_741], %mul3A_743 : memref<512xf32, #tpu.memory_space<vmem>>[vector<16xi32>], vector<16xf32>,
      %mul3A_748 = arith.constant 2 : i32
      %mul3A_749 = vector.broadcast %mul3A_748 : i32 to vector<16xi32>
      %mul3A_750 = arith.muli %mul3A_749, %iota3A : vector<16xi32>
      %add3A_751 = arith.constant 32 : i32
      %add3A_752 = vector.broadcast %add3A_751 : i32 to vector<16xi32>
      %add3A_753 = arith.addi %add3A_752, %mul3A_750 : vector<16xi32>
      %add3A_754 = arith.constant 1 : i32
      %add3A_755 = vector.broadcast %add3A_754 : i32 to vector<16xi32>
      %add3A_756 = arith.addi %add3A_753, %add3A_755 : vector<16xi32>
      %mul3A_757 = vector.broadcast %scan3A_343 : f32 to vector<16xf32>
      %mul3A_758 = arith.mulf %scan3A_704#3, %mul3A_757 : vector<16xf32>
      %scatter3A_759 = arith.constant 0 : i32
      %scatter3A_760 = arith.constant 0 : i32
      %scatter3A_761 = tpu.memref_slice %arg10[%scatter3A_759, %scatter3A_760] : memref<2x512xf32, #tpu.memory_space<vmem>> -> memref<1x512xf32, #tpu.memory_space<vmem>>
      %scatter3A_762 = tpu.memref_squeeze %scatter3A_761 : memref<1x512xf32, #tpu.memory_space<vmem>> -> memref<512xf32, #tpu.memory_space<vmem>>
      tpu.vector_store_idx %scatter3A_762[%add3A_756], %mul3A_758 : memref<512xf32, #tpu.memory_space<vmem>>[vector<16xi32>], vector<16xf32>,
      %mul3A_763 = arith.constant 2 : i32
      %mul3A_764 = vector.broadcast %mul3A_763 : i32 to vector<16xi32>
      %mul3A_765 = arith.muli %mul3A_764, %iota3A : vector<16xi32>
      %add3A_766 = arith.constant 64 : i32
      %add3A_767 = vector.broadcast %add3A_766 : i32 to vector<16xi32>
      %add3A_768 = arith.addi %add3A_767, %mul3A_765 : vector<16xi32>
      %mul3A_769 = vector.broadcast %scan3A_343 : f32 to vector<16xf32>
      %mul3A_770 = arith.mulf %scan3A_704#4, %mul3A_769 : vector<16xf32>
      %scatter3A_771 = arith.constant 0 : i32
      %scatter3A_772 = arith.constant 0 : i32
      %scatter3A_773 = tpu.memref_slice %arg10[%scatter3A_771, %scatter3A_772] : memref<2x512xf32, #tpu.memory_space<vmem>> -> memref<1x512xf32, #tpu.memory_space<vmem>>
      %scatter3A_774 = tpu.memref_squeeze %scatter3A_773 : memref<1x512xf32, #tpu.memory_space<vmem>> -> memref<512xf32, #tpu.memory_space<vmem>>
      tpu.vector_store_idx %scatter3A_774[%add3A_768], %mul3A_770 : memref<512xf32, #tpu.memory_space<vmem>>[vector<16xi32>], vector<16xf32>,
      %mul3A_775 = arith.constant 2 : i32
      %mul3A_776 = vector.broadcast %mul3A_775 : i32 to vector<16xi32>
      %mul3A_777 = arith.muli %mul3A_776, %iota3A : vector<16xi32>
      %add3A_778 = arith.constant 64 : i32
      %add3A_779 = vector.broadcast %add3A_778 : i32 to vector<16xi32>
      %add3A_780 = arith.addi %add3A_779, %mul3A_777 : vector<16xi32>
      %add3A_781 = arith.constant 1 : i32
      %add3A_782 = vector.broadcast %add3A_781 : i32 to vector<16xi32>
      %add3A_783 = arith.addi %add3A_780, %add3A_782 : vector<16xi32>
      %mul3A_784 = vector.broadcast %scan3A_343 : f32 to vector<16xf32>
      %mul3A_785 = arith.mulf %scan3A_704#5, %mul3A_784 : vector<16xf32>
      %scatter3A_786 = arith.constant 0 : i32
      %scatter3A_787 = arith.constant 0 : i32
      %scatter3A_788 = tpu.memref_slice %arg10[%scatter3A_786, %scatter3A_787] : memref<2x512xf32, #tpu.memory_space<vmem>> -> memref<1x512xf32, #tpu.memory_space<vmem>>
      %scatter3A_789 = tpu.memref_squeeze %scatter3A_788 : memref<1x512xf32, #tpu.memory_space<vmem>> -> memref<512xf32, #tpu.memory_space<vmem>>
      tpu.vector_store_idx %scatter3A_789[%add3A_783], %mul3A_785 : memref<512xf32, #tpu.memory_space<vmem>>[vector<16xi32>], vector<16xf32>,
      %mul3A_790 = arith.constant 2 : i32
      %mul3A_791 = vector.broadcast %mul3A_790 : i32 to vector<16xi32>
      %mul3A_792 = arith.muli %mul3A_791, %iota3A : vector<16xi32>
      %add3A_793 = arith.constant 96 : i32
      %add3A_794 = vector.broadcast %add3A_793 : i32 to vector<16xi32>
      %add3A_795 = arith.addi %add3A_794, %mul3A_792 : vector<16xi32>
      %mul3A_796 = vector.broadcast %scan3A_343 : f32 to vector<16xf32>
      %mul3A_797 = arith.mulf %scan3A_704#6, %mul3A_796 : vector<16xf32>
      %scatter3A_798 = arith.constant 0 : i32
      %scatter3A_799 = arith.constant 0 : i32
      %scatter3A_800 = tpu.memref_slice %arg10[%scatter3A_798, %scatter3A_799] : memref<2x512xf32, #tpu.memory_space<vmem>> -> memref<1x512xf32, #tpu.memory_space<vmem>>
      %scatter3A_801 = tpu.memref_squeeze %scatter3A_800 : memref<1x512xf32, #tpu.memory_space<vmem>> -> memref<512xf32, #tpu.memory_space<vmem>>
      tpu.vector_store_idx %scatter3A_801[%add3A_795], %mul3A_797 : memref<512xf32, #tpu.memory_space<vmem>>[vector<16xi32>], vector<16xf32>,
      %mul3A_802 = arith.constant 2 : i32
      %mul3A_803 = vector.broadcast %mul3A_802 : i32 to vector<16xi32>
      %mul3A_804 = arith.muli %mul3A_803, %iota3A : vector<16xi32>
      %add3A_805 = arith.constant 96 : i32
      %add3A_806 = vector.broadcast %add3A_805 : i32 to vector<16xi32>
      %add3A_807 = arith.addi %add3A_806, %mul3A_804 : vector<16xi32>
      %add3A_808 = arith.constant 1 : i32
      %add3A_809 = vector.broadcast %add3A_808 : i32 to vector<16xi32>
      %add3A_810 = arith.addi %add3A_807, %add3A_809 : vector<16xi32>
      %mul3A_811 = vector.broadcast %scan3A_343 : f32 to vector<16xf32>
      %mul3A_812 = arith.mulf %scan3A_704#7, %mul3A_811 : vector<16xf32>
      %scatter3A_813 = arith.constant 0 : i32
      %scatter3A_814 = arith.constant 0 : i32
      %scatter3A_815 = tpu.memref_slice %arg10[%scatter3A_813, %scatter3A_814] : memref<2x512xf32, #tpu.memory_space<vmem>> -> memref<1x512xf32, #tpu.memory_space<vmem>>
      %scatter3A_816 = tpu.memref_squeeze %scatter3A_815 : memref<1x512xf32, #tpu.memory_space<vmem>> -> memref<512xf32, #tpu.memory_space<vmem>>
      tpu.vector_store_idx %scatter3A_816[%add3A_810], %mul3A_812 : memref<512xf32, #tpu.memory_space<vmem>>[vector<16xi32>], vector<16xf32>,
      %mul3A_817 = arith.constant 2 : i32
      %mul3A_818 = vector.broadcast %mul3A_817 : i32 to vector<16xi32>
      %mul3A_819 = arith.muli %mul3A_818, %iota3A : vector<16xi32>
      %add3A_820 = arith.constant 128 : i32
      %add3A_821 = vector.broadcast %add3A_820 : i32 to vector<16xi32>
      %add3A_822 = arith.addi %add3A_821, %mul3A_819 : vector<16xi32>
      %mul3A_823 = vector.broadcast %scan3A_343 : f32 to vector<16xf32>
      %mul3A_824 = arith.mulf %scan3A_704#8, %mul3A_823 : vector<16xf32>
      %scatter3A_825 = arith.constant 0 : i32
      %scatter3A_826 = arith.constant 0 : i32
      %scatter3A_827 = tpu.memref_slice %arg10[%scatter3A_825, %scatter3A_826] : memref<2x512xf32, #tpu.memory_space<vmem>> -> memref<1x512xf32, #tpu.memory_space<vmem>>
      %scatter3A_828 = tpu.memref_squeeze %scatter3A_827 : memref<1x512xf32, #tpu.memory_space<vmem>> -> memref<512xf32, #tpu.memory_space<vmem>>
      tpu.vector_store_idx %scatter3A_828[%add3A_822], %mul3A_824 : memref<512xf32, #tpu.memory_space<vmem>>[vector<16xi32>], vector<16xf32>,
      %mul3A_829 = arith.constant 2 : i32
      %mul3A_830 = vector.broadcast %mul3A_829 : i32 to vector<16xi32>
      %mul3A_831 = arith.muli %mul3A_830, %iota3A : vector<16xi32>
      %add3A_832 = arith.constant 128 : i32
      %add3A_833 = vector.broadcast %add3A_832 : i32 to vector<16xi32>
      %add3A_834 = arith.addi %add3A_833, %mul3A_831 : vector<16xi32>
      %add3A_835 = arith.constant 1 : i32
      %add3A_836 = vector.broadcast %add3A_835 : i32 to vector<16xi32>
      %add3A_837 = arith.addi %add3A_834, %add3A_836 : vector<16xi32>
      %mul3A_838 = vector.broadcast %scan3A_343 : f32 to vector<16xf32>
      %mul3A_839 = arith.mulf %scan3A_704#9, %mul3A_838 : vector<16xf32>
      %scatter3A_840 = arith.constant 0 : i32
      %scatter3A_841 = arith.constant 0 : i32
      %scatter3A_842 = tpu.memref_slice %arg10[%scatter3A_840, %scatter3A_841] : memref<2x512xf32, #tpu.memory_space<vmem>> -> memref<1x512xf32, #tpu.memory_space<vmem>>
      %scatter3A_843 = tpu.memref_squeeze %scatter3A_842 : memref<1x512xf32, #tpu.memory_space<vmem>> -> memref<512xf32, #tpu.memory_space<vmem>>
      tpu.vector_store_idx %scatter3A_843[%add3A_837], %mul3A_839 : memref<512xf32, #tpu.memory_space<vmem>>[vector<16xi32>], vector<16xf32>,
      %mul3A_844 = arith.constant 2 : i32
      %mul3A_845 = vector.broadcast %mul3A_844 : i32 to vector<16xi32>
      %mul3A_846 = arith.muli %mul3A_845, %iota3A : vector<16xi32>
      %add3A_847 = arith.constant 160 : i32
      %add3A_848 = vector.broadcast %add3A_847 : i32 to vector<16xi32>
      %add3A_849 = arith.addi %add3A_848, %mul3A_846 : vector<16xi32>
      %mul3A_850 = vector.broadcast %scan3A_343 : f32 to vector<16xf32>
      %mul3A_851 = arith.mulf %scan3A_704#10, %mul3A_850 : vector<16xf32>
      %scatter3A_852 = arith.constant 0 : i32
      %scatter3A_853 = arith.constant 0 : i32
      %scatter3A_854 = tpu.memref_slice %arg10[%scatter3A_852, %scatter3A_853] : memref<2x512xf32, #tpu.memory_space<vmem>> -> memref<1x512xf32, #tpu.memory_space<vmem>>
      %scatter3A_855 = tpu.memref_squeeze %scatter3A_854 : memref<1x512xf32, #tpu.memory_space<vmem>> -> memref<512xf32, #tpu.memory_space<vmem>>
      tpu.vector_store_idx %scatter3A_855[%add3A_849], %mul3A_851 : memref<512xf32, #tpu.memory_space<vmem>>[vector<16xi32>], vector<16xf32>,
      %mul3A_856 = arith.constant 2 : i32
      %mul3A_857 = vector.broadcast %mul3A_856 : i32 to vector<16xi32>
      %mul3A_858 = arith.muli %mul3A_857, %iota3A : vector<16xi32>
      %add3A_859 = arith.constant 160 : i32
      %add3A_860 = vector.broadcast %add3A_859 : i32 to vector<16xi32>
      %add3A_861 = arith.addi %add3A_860, %mul3A_858 : vector<16xi32>
      %add3A_862 = arith.constant 1 : i32
      %add3A_863 = vector.broadcast %add3A_862 : i32 to vector<16xi32>
      %add3A_864 = arith.addi %add3A_861, %add3A_863 : vector<16xi32>
      %mul3A_865 = vector.broadcast %scan3A_343 : f32 to vector<16xf32>
      %mul3A_866 = arith.mulf %scan3A_704#11, %mul3A_865 : vector<16xf32>
      %scatter3A_867 = arith.constant 0 : i32
      %scatter3A_868 = arith.constant 0 : i32
      %scatter3A_869 = tpu.memref_slice %arg10[%scatter3A_867, %scatter3A_868] : memref<2x512xf32, #tpu.memory_space<vmem>> -> memref<1x512xf32, #tpu.memory_space<vmem>>
      %scatter3A_870 = tpu.memref_squeeze %scatter3A_869 : memref<1x512xf32, #tpu.memory_space<vmem>> -> memref<512xf32, #tpu.memory_space<vmem>>
      tpu.vector_store_idx %scatter3A_870[%add3A_864], %mul3A_866 : memref<512xf32, #tpu.memory_space<vmem>>[vector<16xi32>], vector<16xf32>,
      %mul3A_871 = arith.constant 2 : i32
      %mul3A_872 = vector.broadcast %mul3A_871 : i32 to vector<16xi32>
      %mul3A_873 = arith.muli %mul3A_872, %iota3A : vector<16xi32>
      %add3A_874 = arith.constant 192 : i32
      %add3A_875 = vector.broadcast %add3A_874 : i32 to vector<16xi32>
      %add3A_876 = arith.addi %add3A_875, %mul3A_873 : vector<16xi32>
      %mul3A_877 = vector.broadcast %scan3A_343 : f32 to vector<16xf32>
      %mul3A_878 = arith.mulf %scan3A_704#12, %mul3A_877 : vector<16xf32>
      %scatter3A_879 = arith.constant 0 : i32
      %scatter3A_880 = arith.constant 0 : i32
      %scatter3A_881 = tpu.memref_slice %arg10[%scatter3A_879, %scatter3A_880] : memref<2x512xf32, #tpu.memory_space<vmem>> -> memref<1x512xf32, #tpu.memory_space<vmem>>
      %scatter3A_882 = tpu.memref_squeeze %scatter3A_881 : memref<1x512xf32, #tpu.memory_space<vmem>> -> memref<512xf32, #tpu.memory_space<vmem>>
      tpu.vector_store_idx %scatter3A_882[%add3A_876], %mul3A_878 : memref<512xf32, #tpu.memory_space<vmem>>[vector<16xi32>], vector<16xf32>,
      %mul3A_883 = arith.constant 2 : i32
      %mul3A_884 = vector.broadcast %mul3A_883 : i32 to vector<16xi32>
      %mul3A_885 = arith.muli %mul3A_884, %iota3A : vector<16xi32>
      %add3A_886 = arith.constant 192 : i32
      %add3A_887 = vector.broadcast %add3A_886 : i32 to vector<16xi32>
      %add3A_888 = arith.addi %add3A_887, %mul3A_885 : vector<16xi32>
      %add3A_889 = arith.constant 1 : i32
      %add3A_890 = vector.broadcast %add3A_889 : i32 to vector<16xi32>
      %add3A_891 = arith.addi %add3A_888, %add3A_890 : vector<16xi32>
      %mul3A_892 = vector.broadcast %scan3A_343 : f32 to vector<16xf32>
      %mul3A_893 = arith.mulf %scan3A_704#13, %mul3A_892 : vector<16xf32>
      %scatter3A_894 = arith.constant 0 : i32
      %scatter3A_895 = arith.constant 0 : i32
      %scatter3A_896 = tpu.memref_slice %arg10[%scatter3A_894, %scatter3A_895] : memref<2x512xf32, #tpu.memory_space<vmem>> -> memref<1x512xf32, #tpu.memory_space<vmem>>
      %scatter3A_897 = tpu.memref_squeeze %scatter3A_896 : memref<1x512xf32, #tpu.memory_space<vmem>> -> memref<512xf32, #tpu.memory_space<vmem>>
      tpu.vector_store_idx %scatter3A_897[%add3A_891], %mul3A_893 : memref<512xf32, #tpu.memory_space<vmem>>[vector<16xi32>], vector<16xf32>,
      %mul3A_898 = arith.constant 2 : i32
      %mul3A_899 = vector.broadcast %mul3A_898 : i32 to vector<16xi32>
      %mul3A_900 = arith.muli %mul3A_899, %iota3A : vector<16xi32>
      %add3A_901 = arith.constant 224 : i32
      %add3A_902 = vector.broadcast %add3A_901 : i32 to vector<16xi32>
      %add3A_903 = arith.addi %add3A_902, %mul3A_900 : vector<16xi32>
      %mul3A_904 = vector.broadcast %scan3A_343 : f32 to vector<16xf32>
      %mul3A_905 = arith.mulf %scan3A_704#14, %mul3A_904 : vector<16xf32>
      %scatter3A_906 = arith.constant 0 : i32
      %scatter3A_907 = arith.constant 0 : i32
      %scatter3A_908 = tpu.memref_slice %arg10[%scatter3A_906, %scatter3A_907] : memref<2x512xf32, #tpu.memory_space<vmem>> -> memref<1x512xf32, #tpu.memory_space<vmem>>
      %scatter3A_909 = tpu.memref_squeeze %scatter3A_908 : memref<1x512xf32, #tpu.memory_space<vmem>> -> memref<512xf32, #tpu.memory_space<vmem>>
      tpu.vector_store_idx %scatter3A_909[%add3A_903], %mul3A_905 : memref<512xf32, #tpu.memory_space<vmem>>[vector<16xi32>], vector<16xf32>,
      %mul3A_910 = arith.constant 2 : i32
      %mul3A_911 = vector.broadcast %mul3A_910 : i32 to vector<16xi32>
      %mul3A_912 = arith.muli %mul3A_911, %iota3A : vector<16xi32>
      %add3A_913 = arith.constant 224 : i32
      %add3A_914 = vector.broadcast %add3A_913 : i32 to vector<16xi32>
      %add3A_915 = arith.addi %add3A_914, %mul3A_912 : vector<16xi32>
      %add3A_916 = arith.constant 1 : i32
      %add3A_917 = vector.broadcast %add3A_916 : i32 to vector<16xi32>
      %add3A_918 = arith.addi %add3A_915, %add3A_917 : vector<16xi32>
      %mul3A_919 = vector.broadcast %scan3A_343 : f32 to vector<16xf32>
      %mul3A_920 = arith.mulf %scan3A_704#15, %mul3A_919 : vector<16xf32>
      %scatter3A_921 = arith.constant 0 : i32
      %scatter3A_922 = arith.constant 0 : i32
      %scatter3A_923 = tpu.memref_slice %arg10[%scatter3A_921, %scatter3A_922] : memref<2x512xf32, #tpu.memory_space<vmem>> -> memref<1x512xf32, #tpu.memory_space<vmem>>
      %scatter3A_924 = tpu.memref_squeeze %scatter3A_923 : memref<1x512xf32, #tpu.memory_space<vmem>> -> memref<512xf32, #tpu.memory_space<vmem>>
      tpu.vector_store_idx %scatter3A_924[%add3A_918], %mul3A_920 : memref<512xf32, #tpu.memory_space<vmem>>[vector<16xi32>], vector<16xf32>,
      %mul3A_925 = arith.constant 2 : i32
      %mul3A_926 = vector.broadcast %mul3A_925 : i32 to vector<16xi32>
      %mul3A_927 = arith.muli %mul3A_926, %iota3A : vector<16xi32>
      %add3A_928 = arith.constant 256 : i32
      %add3A_929 = vector.broadcast %add3A_928 : i32 to vector<16xi32>
      %add3A_930 = arith.addi %add3A_929, %mul3A_927 : vector<16xi32>
      %mul3A_931 = vector.broadcast %scan3A_343 : f32 to vector<16xf32>
      %mul3A_932 = arith.mulf %scan3A_704#16, %mul3A_931 : vector<16xf32>
      %scatter3A_933 = arith.constant 0 : i32
      %scatter3A_934 = arith.constant 0 : i32
      %scatter3A_935 = tpu.memref_slice %arg10[%scatter3A_933, %scatter3A_934] : memref<2x512xf32, #tpu.memory_space<vmem>> -> memref<1x512xf32, #tpu.memory_space<vmem>>
      %scatter3A_936 = tpu.memref_squeeze %scatter3A_935 : memref<1x512xf32, #tpu.memory_space<vmem>> -> memref<512xf32, #tpu.memory_space<vmem>>
      tpu.vector_store_idx %scatter3A_936[%add3A_930], %mul3A_932 : memref<512xf32, #tpu.memory_space<vmem>>[vector<16xi32>], vector<16xf32>,
      %mul3A_937 = arith.constant 2 : i32
      %mul3A_938 = vector.broadcast %mul3A_937 : i32 to vector<16xi32>
      %mul3A_939 = arith.muli %mul3A_938, %iota3A : vector<16xi32>
      %add3A_940 = arith.constant 256 : i32
      %add3A_941 = vector.broadcast %add3A_940 : i32 to vector<16xi32>
      %add3A_942 = arith.addi %add3A_941, %mul3A_939 : vector<16xi32>
      %add3A_943 = arith.constant 1 : i32
      %add3A_944 = vector.broadcast %add3A_943 : i32 to vector<16xi32>
      %add3A_945 = arith.addi %add3A_942, %add3A_944 : vector<16xi32>
      %mul3A_946 = vector.broadcast %scan3A_343 : f32 to vector<16xf32>
      %mul3A_947 = arith.mulf %scan3A_704#17, %mul3A_946 : vector<16xf32>
      %scatter3A_948 = arith.constant 0 : i32
      %scatter3A_949 = arith.constant 0 : i32
      %scatter3A_950 = tpu.memref_slice %arg10[%scatter3A_948, %scatter3A_949] : memref<2x512xf32, #tpu.memory_space<vmem>> -> memref<1x512xf32, #tpu.memory_space<vmem>>
      %scatter3A_951 = tpu.memref_squeeze %scatter3A_950 : memref<1x512xf32, #tpu.memory_space<vmem>> -> memref<512xf32, #tpu.memory_space<vmem>>
      tpu.vector_store_idx %scatter3A_951[%add3A_945], %mul3A_947 : memref<512xf32, #tpu.memory_space<vmem>>[vector<16xi32>], vector<16xf32>,
      %mul3A_952 = arith.constant 2 : i32
      %mul3A_953 = vector.broadcast %mul3A_952 : i32 to vector<16xi32>
      %mul3A_954 = arith.muli %mul3A_953, %iota3A : vector<16xi32>
      %add3A_955 = arith.constant 288 : i32
      %add3A_956 = vector.broadcast %add3A_955 : i32 to vector<16xi32>
      %add3A_957 = arith.addi %add3A_956, %mul3A_954 : vector<16xi32>
      %mul3A_958 = vector.broadcast %scan3A_343 : f32 to vector<16xf32>
      %mul3A_959 = arith.mulf %scan3A_704#18, %mul3A_958 : vector<16xf32>
      %scatter3A_960 = arith.constant 0 : i32
      %scatter3A_961 = arith.constant 0 : i32
      %scatter3A_962 = tpu.memref_slice %arg10[%scatter3A_960, %scatter3A_961] : memref<2x512xf32, #tpu.memory_space<vmem>> -> memref<1x512xf32, #tpu.memory_space<vmem>>
      %scatter3A_963 = tpu.memref_squeeze %scatter3A_962 : memref<1x512xf32, #tpu.memory_space<vmem>> -> memref<512xf32, #tpu.memory_space<vmem>>
      tpu.vector_store_idx %scatter3A_963[%add3A_957], %mul3A_959 : memref<512xf32, #tpu.memory_space<vmem>>[vector<16xi32>], vector<16xf32>,
      %mul3A_964 = arith.constant 2 : i32
      %mul3A_965 = vector.broadcast %mul3A_964 : i32 to vector<16xi32>
      %mul3A_966 = arith.muli %mul3A_965, %iota3A : vector<16xi32>
      %add3A_967 = arith.constant 288 : i32
      %add3A_968 = vector.broadcast %add3A_967 : i32 to vector<16xi32>
      %add3A_969 = arith.addi %add3A_968, %mul3A_966 : vector<16xi32>
      %add3A_970 = arith.constant 1 : i32
      %add3A_971 = vector.broadcast %add3A_970 : i32 to vector<16xi32>
      %add3A_972 = arith.addi %add3A_969, %add3A_971 : vector<16xi32>
      %mul3A_973 = vector.broadcast %scan3A_343 : f32 to vector<16xf32>
      %mul3A_974 = arith.mulf %scan3A_704#19, %mul3A_973 : vector<16xf32>
      %scatter3A_975 = arith.constant 0 : i32
      %scatter3A_976 = arith.constant 0 : i32
      %scatter3A_977 = tpu.memref_slice %arg10[%scatter3A_975, %scatter3A_976] : memref<2x512xf32, #tpu.memory_space<vmem>> -> memref<1x512xf32, #tpu.memory_space<vmem>>
      %scatter3A_978 = tpu.memref_squeeze %scatter3A_977 : memref<1x512xf32, #tpu.memory_space<vmem>> -> memref<512xf32, #tpu.memory_space<vmem>>
      tpu.vector_store_idx %scatter3A_978[%add3A_972], %mul3A_974 : memref<512xf32, #tpu.memory_space<vmem>>[vector<16xi32>], vector<16xf32>,
      %mul3A_979 = arith.constant 2 : i32
      %mul3A_980 = vector.broadcast %mul3A_979 : i32 to vector<16xi32>
      %mul3A_981 = arith.muli %mul3A_980, %iota3A : vector<16xi32>
      %add3A_982 = arith.constant 320 : i32
      %add3A_983 = vector.broadcast %add3A_982 : i32 to vector<16xi32>
      %add3A_984 = arith.addi %add3A_983, %mul3A_981 : vector<16xi32>
      %mul3A_985 = vector.broadcast %scan3A_343 : f32 to vector<16xf32>
      %mul3A_986 = arith.mulf %scan3A_704#20, %mul3A_985 : vector<16xf32>
      %scatter3A_987 = arith.constant 0 : i32
      %scatter3A_988 = arith.constant 0 : i32
      %scatter3A_989 = tpu.memref_slice %arg10[%scatter3A_987, %scatter3A_988] : memref<2x512xf32, #tpu.memory_space<vmem>> -> memref<1x512xf32, #tpu.memory_space<vmem>>
      %scatter3A_990 = tpu.memref_squeeze %scatter3A_989 : memref<1x512xf32, #tpu.memory_space<vmem>> -> memref<512xf32, #tpu.memory_space<vmem>>
      tpu.vector_store_idx %scatter3A_990[%add3A_984], %mul3A_986 : memref<512xf32, #tpu.memory_space<vmem>>[vector<16xi32>], vector<16xf32>,
      %mul3A_991 = arith.constant 2 : i32
      %mul3A_992 = vector.broadcast %mul3A_991 : i32 to vector<16xi32>
      %mul3A_993 = arith.muli %mul3A_992, %iota3A : vector<16xi32>
      %add3A_994 = arith.constant 320 : i32
      %add3A_995 = vector.broadcast %add3A_994 : i32 to vector<16xi32>
      %add3A_996 = arith.addi %add3A_995, %mul3A_993 : vector<16xi32>
      %add3A_997 = arith.constant 1 : i32
      %add3A_998 = vector.broadcast %add3A_997 : i32 to vector<16xi32>
      %add3A_999 = arith.addi %add3A_996, %add3A_998 : vector<16xi32>
      %mul3A_1000 = vector.broadcast %scan3A_343 : f32 to vector<16xf32>
      %mul3A_1001 = arith.mulf %scan3A_704#21, %mul3A_1000 : vector<16xf32>
      %scatter3A_1002 = arith.constant 0 : i32
      %scatter3A_1003 = arith.constant 0 : i32
      %scatter3A_1004 = tpu.memref_slice %arg10[%scatter3A_1002, %scatter3A_1003] : memref<2x512xf32, #tpu.memory_space<vmem>> -> memref<1x512xf32, #tpu.memory_space<vmem>>
      %scatter3A_1005 = tpu.memref_squeeze %scatter3A_1004 : memref<1x512xf32, #tpu.memory_space<vmem>> -> memref<512xf32, #tpu.memory_space<vmem>>
      tpu.vector_store_idx %scatter3A_1005[%add3A_999], %mul3A_1001 : memref<512xf32, #tpu.memory_space<vmem>>[vector<16xi32>], vector<16xf32>,
      %mul3A_1006 = arith.constant 2 : i32
      %mul3A_1007 = vector.broadcast %mul3A_1006 : i32 to vector<16xi32>
      %mul3A_1008 = arith.muli %mul3A_1007, %iota3A : vector<16xi32>
      %add3A_1009 = arith.constant 352 : i32
      %add3A_1010 = vector.broadcast %add3A_1009 : i32 to vector<16xi32>
      %add3A_1011 = arith.addi %add3A_1010, %mul3A_1008 : vector<16xi32>
      %mul3A_1012 = vector.broadcast %scan3A_343 : f32 to vector<16xf32>
      %mul3A_1013 = arith.mulf %scan3A_704#22, %mul3A_1012 : vector<16xf32>
      %scatter3A_1014 = arith.constant 0 : i32
      %scatter3A_1015 = arith.constant 0 : i32
      %scatter3A_1016 = tpu.memref_slice %arg10[%scatter3A_1014, %scatter3A_1015] : memref<2x512xf32, #tpu.memory_space<vmem>> -> memref<1x512xf32, #tpu.memory_space<vmem>>
      %scatter3A_1017 = tpu.memref_squeeze %scatter3A_1016 : memref<1x512xf32, #tpu.memory_space<vmem>> -> memref<512xf32, #tpu.memory_space<vmem>>
      tpu.vector_store_idx %scatter3A_1017[%add3A_1011], %mul3A_1013 : memref<512xf32, #tpu.memory_space<vmem>>[vector<16xi32>], vector<16xf32>,
      %mul3A_1018 = arith.constant 2 : i32
      %mul3A_1019 = vector.broadcast %mul3A_1018 : i32 to vector<16xi32>
      %mul3A_1020 = arith.muli %mul3A_1019, %iota3A : vector<16xi32>
      %add3A_1021 = arith.constant 352 : i32
      %add3A_1022 = vector.broadcast %add3A_1021 : i32 to vector<16xi32>
      %add3A_1023 = arith.addi %add3A_1022, %mul3A_1020 : vector<16xi32>
      %add3A_1024 = arith.constant 1 : i32
      %add3A_1025 = vector.broadcast %add3A_1024 : i32 to vector<16xi32>
      %add3A_1026 = arith.addi %add3A_1023, %add3A_1025 : vector<16xi32>
      %mul3A_1027 = vector.broadcast %scan3A_343 : f32 to vector<16xf32>
      %mul3A_1028 = arith.mulf %scan3A_704#23, %mul3A_1027 : vector<16xf32>
      %scatter3A_1029 = arith.constant 0 : i32
      %scatter3A_1030 = arith.constant 0 : i32
      %scatter3A_1031 = tpu.memref_slice %arg10[%scatter3A_1029, %scatter3A_1030] : memref<2x512xf32, #tpu.memory_space<vmem>> -> memref<1x512xf32, #tpu.memory_space<vmem>>
      %scatter3A_1032 = tpu.memref_squeeze %scatter3A_1031 : memref<1x512xf32, #tpu.memory_space<vmem>> -> memref<512xf32, #tpu.memory_space<vmem>>
      tpu.vector_store_idx %scatter3A_1032[%add3A_1026], %mul3A_1028 : memref<512xf32, #tpu.memory_space<vmem>>[vector<16xi32>], vector<16xf32>,
      %mul3A_1033 = arith.constant 2 : i32
      %mul3A_1034 = vector.broadcast %mul3A_1033 : i32 to vector<16xi32>
      %mul3A_1035 = arith.muli %mul3A_1034, %iota3A : vector<16xi32>
      %add3A_1036 = arith.constant 384 : i32
      %add3A_1037 = vector.broadcast %add3A_1036 : i32 to vector<16xi32>
      %add3A_1038 = arith.addi %add3A_1037, %mul3A_1035 : vector<16xi32>
      %mul3A_1039 = vector.broadcast %scan3A_343 : f32 to vector<16xf32>
      %mul3A_1040 = arith.mulf %scan3A_704#24, %mul3A_1039 : vector<16xf32>
      %scatter3A_1041 = arith.constant 0 : i32
      %scatter3A_1042 = arith.constant 0 : i32
      %scatter3A_1043 = tpu.memref_slice %arg10[%scatter3A_1041, %scatter3A_1042] : memref<2x512xf32, #tpu.memory_space<vmem>> -> memref<1x512xf32, #tpu.memory_space<vmem>>
      %scatter3A_1044 = tpu.memref_squeeze %scatter3A_1043 : memref<1x512xf32, #tpu.memory_space<vmem>> -> memref<512xf32, #tpu.memory_space<vmem>>
      tpu.vector_store_idx %scatter3A_1044[%add3A_1038], %mul3A_1040 : memref<512xf32, #tpu.memory_space<vmem>>[vector<16xi32>], vector<16xf32>,
      %mul3A_1045 = arith.constant 2 : i32
      %mul3A_1046 = vector.broadcast %mul3A_1045 : i32 to vector<16xi32>
      %mul3A_1047 = arith.muli %mul3A_1046, %iota3A : vector<16xi32>
      %add3A_1048 = arith.constant 384 : i32
      %add3A_1049 = vector.broadcast %add3A_1048 : i32 to vector<16xi32>
      %add3A_1050 = arith.addi %add3A_1049, %mul3A_1047 : vector<16xi32>
      %add3A_1051 = arith.constant 1 : i32
      %add3A_1052 = vector.broadcast %add3A_1051 : i32 to vector<16xi32>
      %add3A_1053 = arith.addi %add3A_1050, %add3A_1052 : vector<16xi32>
      %mul3A_1054 = vector.broadcast %scan3A_343 : f32 to vector<16xf32>
      %mul3A_1055 = arith.mulf %scan3A_704#25, %mul3A_1054 : vector<16xf32>
      %scatter3A_1056 = arith.constant 0 : i32
      %scatter3A_1057 = arith.constant 0 : i32
      %scatter3A_1058 = tpu.memref_slice %arg10[%scatter3A_1056, %scatter3A_1057] : memref<2x512xf32, #tpu.memory_space<vmem>> -> memref<1x512xf32, #tpu.memory_space<vmem>>
      %scatter3A_1059 = tpu.memref_squeeze %scatter3A_1058 : memref<1x512xf32, #tpu.memory_space<vmem>> -> memref<512xf32, #tpu.memory_space<vmem>>
      tpu.vector_store_idx %scatter3A_1059[%add3A_1053], %mul3A_1055 : memref<512xf32, #tpu.memory_space<vmem>>[vector<16xi32>], vector<16xf32>,
      %mul3A_1060 = arith.constant 2 : i32
      %mul3A_1061 = vector.broadcast %mul3A_1060 : i32 to vector<16xi32>
      %mul3A_1062 = arith.muli %mul3A_1061, %iota3A : vector<16xi32>
      %add3A_1063 = arith.constant 416 : i32
      %add3A_1064 = vector.broadcast %add3A_1063 : i32 to vector<16xi32>
      %add3A_1065 = arith.addi %add3A_1064, %mul3A_1062 : vector<16xi32>
      %mul3A_1066 = vector.broadcast %scan3A_343 : f32 to vector<16xf32>
      %mul3A_1067 = arith.mulf %scan3A_704#26, %mul3A_1066 : vector<16xf32>
      %scatter3A_1068 = arith.constant 0 : i32
      %scatter3A_1069 = arith.constant 0 : i32
      %scatter3A_1070 = tpu.memref_slice %arg10[%scatter3A_1068, %scatter3A_1069] : memref<2x512xf32, #tpu.memory_space<vmem>> -> memref<1x512xf32, #tpu.memory_space<vmem>>
      %scatter3A_1071 = tpu.memref_squeeze %scatter3A_1070 : memref<1x512xf32, #tpu.memory_space<vmem>> -> memref<512xf32, #tpu.memory_space<vmem>>
      tpu.vector_store_idx %scatter3A_1071[%add3A_1065], %mul3A_1067 : memref<512xf32, #tpu.memory_space<vmem>>[vector<16xi32>], vector<16xf32>,
      %mul3A_1072 = arith.constant 2 : i32
      %mul3A_1073 = vector.broadcast %mul3A_1072 : i32 to vector<16xi32>
      %mul3A_1074 = arith.muli %mul3A_1073, %iota3A : vector<16xi32>
      %add3A_1075 = arith.constant 416 : i32
      %add3A_1076 = vector.broadcast %add3A_1075 : i32 to vector<16xi32>
      %add3A_1077 = arith.addi %add3A_1076, %mul3A_1074 : vector<16xi32>
      %add3A_1078 = arith.constant 1 : i32
      %add3A_1079 = vector.broadcast %add3A_1078 : i32 to vector<16xi32>
      %add3A_1080 = arith.addi %add3A_1077, %add3A_1079 : vector<16xi32>
      %mul3A_1081 = vector.broadcast %scan3A_343 : f32 to vector<16xf32>
      %mul3A_1082 = arith.mulf %scan3A_704#27, %mul3A_1081 : vector<16xf32>
      %scatter3A_1083 = arith.constant 0 : i32
      %scatter3A_1084 = arith.constant 0 : i32
      %scatter3A_1085 = tpu.memref_slice %arg10[%scatter3A_1083, %scatter3A_1084] : memref<2x512xf32, #tpu.memory_space<vmem>> -> memref<1x512xf32, #tpu.memory_space<vmem>>
      %scatter3A_1086 = tpu.memref_squeeze %scatter3A_1085 : memref<1x512xf32, #tpu.memory_space<vmem>> -> memref<512xf32, #tpu.memory_space<vmem>>
      tpu.vector_store_idx %scatter3A_1086[%add3A_1080], %mul3A_1082 : memref<512xf32, #tpu.memory_space<vmem>>[vector<16xi32>], vector<16xf32>,
      %mul3A_1087 = arith.constant 2 : i32
      %mul3A_1088 = vector.broadcast %mul3A_1087 : i32 to vector<16xi32>
      %mul3A_1089 = arith.muli %mul3A_1088, %iota3A : vector<16xi32>
      %add3A_1090 = arith.constant 448 : i32
      %add3A_1091 = vector.broadcast %add3A_1090 : i32 to vector<16xi32>
      %add3A_1092 = arith.addi %add3A_1091, %mul3A_1089 : vector<16xi32>
      %mul3A_1093 = vector.broadcast %scan3A_343 : f32 to vector<16xf32>
      %mul3A_1094 = arith.mulf %scan3A_704#28, %mul3A_1093 : vector<16xf32>
      %scatter3A_1095 = arith.constant 0 : i32
      %scatter3A_1096 = arith.constant 0 : i32
      %scatter3A_1097 = tpu.memref_slice %arg10[%scatter3A_1095, %scatter3A_1096] : memref<2x512xf32, #tpu.memory_space<vmem>> -> memref<1x512xf32, #tpu.memory_space<vmem>>
      %scatter3A_1098 = tpu.memref_squeeze %scatter3A_1097 : memref<1x512xf32, #tpu.memory_space<vmem>> -> memref<512xf32, #tpu.memory_space<vmem>>
      tpu.vector_store_idx %scatter3A_1098[%add3A_1092], %mul3A_1094 : memref<512xf32, #tpu.memory_space<vmem>>[vector<16xi32>], vector<16xf32>,
      %mul3A_1099 = arith.constant 2 : i32
      %mul3A_1100 = vector.broadcast %mul3A_1099 : i32 to vector<16xi32>
      %mul3A_1101 = arith.muli %mul3A_1100, %iota3A : vector<16xi32>
      %add3A_1102 = arith.constant 448 : i32
      %add3A_1103 = vector.broadcast %add3A_1102 : i32 to vector<16xi32>
      %add3A_1104 = arith.addi %add3A_1103, %mul3A_1101 : vector<16xi32>
      %add3A_1105 = arith.constant 1 : i32
      %add3A_1106 = vector.broadcast %add3A_1105 : i32 to vector<16xi32>
      %add3A_1107 = arith.addi %add3A_1104, %add3A_1106 : vector<16xi32>
      %mul3A_1108 = vector.broadcast %scan3A_343 : f32 to vector<16xf32>
      %mul3A_1109 = arith.mulf %scan3A_704#29, %mul3A_1108 : vector<16xf32>
      %scatter3A_1110 = arith.constant 0 : i32
      %scatter3A_1111 = arith.constant 0 : i32
      %scatter3A_1112 = tpu.memref_slice %arg10[%scatter3A_1110, %scatter3A_1111] : memref<2x512xf32, #tpu.memory_space<vmem>> -> memref<1x512xf32, #tpu.memory_space<vmem>>
      %scatter3A_1113 = tpu.memref_squeeze %scatter3A_1112 : memref<1x512xf32, #tpu.memory_space<vmem>> -> memref<512xf32, #tpu.memory_space<vmem>>
      tpu.vector_store_idx %scatter3A_1113[%add3A_1107], %mul3A_1109 : memref<512xf32, #tpu.memory_space<vmem>>[vector<16xi32>], vector<16xf32>,
      %mul3A_1114 = arith.constant 2 : i32
      %mul3A_1115 = vector.broadcast %mul3A_1114 : i32 to vector<16xi32>
      %mul3A_1116 = arith.muli %mul3A_1115, %iota3A : vector<16xi32>
      %add3A_1117 = arith.constant 480 : i32
      %add3A_1118 = vector.broadcast %add3A_1117 : i32 to vector<16xi32>
      %add3A_1119 = arith.addi %add3A_1118, %mul3A_1116 : vector<16xi32>
      %mul3A_1120 = vector.broadcast %scan3A_343 : f32 to vector<16xf32>
      %mul3A_1121 = arith.mulf %scan3A_704#30, %mul3A_1120 : vector<16xf32>
      %scatter3A_1122 = arith.constant 0 : i32
      %scatter3A_1123 = arith.constant 0 : i32
      %scatter3A_1124 = tpu.memref_slice %arg10[%scatter3A_1122, %scatter3A_1123] : memref<2x512xf32, #tpu.memory_space<vmem>> -> memref<1x512xf32, #tpu.memory_space<vmem>>
      %scatter3A_1125 = tpu.memref_squeeze %scatter3A_1124 : memref<1x512xf32, #tpu.memory_space<vmem>> -> memref<512xf32, #tpu.memory_space<vmem>>
      tpu.vector_store_idx %scatter3A_1125[%add3A_1119], %mul3A_1121 : memref<512xf32, #tpu.memory_space<vmem>>[vector<16xi32>], vector<16xf32>,
      %mul3A_1126 = arith.constant 2 : i32
      %mul3A_1127 = vector.broadcast %mul3A_1126 : i32 to vector<16xi32>
      %mul3A_1128 = arith.muli %mul3A_1127, %iota3A : vector<16xi32>
      %add3A_1129 = arith.constant 480 : i32
      %add3A_1130 = vector.broadcast %add3A_1129 : i32 to vector<16xi32>
      %add3A_1131 = arith.addi %add3A_1130, %mul3A_1128 : vector<16xi32>
      %add3A_1132 = arith.constant 1 : i32
      %add3A_1133 = vector.broadcast %add3A_1132 : i32 to vector<16xi32>
      %add3A_1134 = arith.addi %add3A_1131, %add3A_1133 : vector<16xi32>
      %mul3A_1135 = vector.broadcast %scan3A_343 : f32 to vector<16xf32>
      %mul3A_1136 = arith.mulf %scan3A_704#31, %mul3A_1135 : vector<16xf32>
      %scatter3A_1137 = arith.constant 0 : i32
      %scatter3A_1138 = arith.constant 0 : i32
      %scatter3A_1139 = tpu.memref_slice %arg10[%scatter3A_1137, %scatter3A_1138] : memref<2x512xf32, #tpu.memory_space<vmem>> -> memref<1x512xf32, #tpu.memory_space<vmem>>
      %scatter3A_1140 = tpu.memref_squeeze %scatter3A_1139 : memref<1x512xf32, #tpu.memory_space<vmem>> -> memref<512xf32, #tpu.memory_space<vmem>>
      tpu.vector_store_idx %scatter3A_1140[%add3A_1134], %mul3A_1136 : memref<512xf32, #tpu.memory_space<vmem>>[vector<16xi32>], vector<16xf32>,
      %mul3A_1141 = arith.constant 16 : i32
      %mul3A_1142 = arith.muli %mul3A_379, %mul3A_1141 : i32
      %add3A_1143 = arith.addi %mul3A_2, %mul3A_1142 : i32
      %mul3A_1144 = arith.constant 32 : i32
      %mul3A_1145 = arith.muli %add3A_1143, %mul3A_1144 : i32
      %dma_start3A_1146 = arith.constant 0 : i32
      %dma_start3A_1147 = arith.constant 0 : i32
      %dma_start3A_1148 = arith.constant 0 : i32
      %dma_start3A_1149 = tpu.memref_slice %arg10[%dma_start3A_1146, %dma_start3A_1148] : memref<2x512xf32, #tpu.memory_space<vmem>> -> memref<1x512xf32, #tpu.memory_space<vmem>>
      %dma_start3A_1150 = tpu.memref_squeeze %dma_start3A_1149 : memref<1x512xf32, #tpu.memory_space<vmem>> -> memref<512xf32, #tpu.memory_space<vmem>>
      %dma_start3A_1151 = tpu.memref_slice %arg5[%mul3A_1145] : memref<524288xf32, #tpu.memory_space<hbm>> -> memref<512xf32, #tpu.memory_space<hbm>>
      %dma_start3A_1152 = tpu.memref_slice %arg13[%dma_start3A_1147] : memref<2x!tpu.dma_semaphore, #tpu.memory_space<semaphore_mem>> -> memref<1x!tpu.dma_semaphore, #tpu.memory_space<semaphore_mem>>
      %dma_start3A_1153 = tpu.memref_squeeze %dma_start3A_1152 : memref<1x!tpu.dma_semaphore, #tpu.memory_space<semaphore_mem>> -> memref<!tpu.dma_semaphore, #tpu.memory_space<semaphore_mem>>
      %dma_start3A_1154 = tpu.memref_slice %arg5[%mul3A_1145] : memref<524288xf32, #tpu.memory_space<hbm>> -> memref<512xf32, #tpu.memory_space<hbm>>
      %dma_start3A_1155 = arith.constant 0 : i32
      %dma_start3A_1156 = tpu.memref_slice %arg10[%dma_start3A_1146, %dma_start3A_1155] : memref<2x512xf32, #tpu.memory_space<vmem>> -> memref<1x512xf32, #tpu.memory_space<vmem>>
      %dma_start3A_1157 = tpu.memref_squeeze %dma_start3A_1156 : memref<1x512xf32, #tpu.memory_space<vmem>> -> memref<512xf32, #tpu.memory_space<vmem>>
      tpu.enqueue_dma source(%dma_start3A_1157 : memref<512xf32, #tpu.memory_space<vmem>>) target(%dma_start3A_1154 : memref<512xf32, #tpu.memory_space<hbm>>) target_semaphore(%dma_start3A_1153 : memref<!tpu.dma_semaphore, #tpu.memory_space<semaphore_mem>>)
      %add3A_1158 = arith.constant 2 : i32
      %add3A_1159 = arith.addi %mul3A_379, %add3A_1158 : i32
      %lt3A_1160 = arith.constant 32 : i32
      %lt3A_1161 = arith.cmpi slt, %add3A_1159, %lt3A_1160 : i32
      %convert_element_type3A_1162 = arith.extui %lt3A_1161 : i1 to i32
      %cond3A_1163 = arith.constant 0 : i32
      %cond3A_1164 = arith.cmpi ne, %convert_element_type3A_1162, %cond3A_1163 : i32
      scf.if %cond3A_1164 {
        %add3A_1648 = arith.constant 2 : i32
        %add3A_1649 = arith.addi %mul3A_379, %add3A_1648 : i32
        %dma_wait3A_1650 = arith.constant 0 : i32
        %dma_wait3A_1651 = arith.constant 0 : i32
        %dma_wait3A_1652 = arith.constant 0 : i32
        %dma_wait3A_1653 = tpu.memref_slice %arg7[%dma_wait3A_1650, %dma_wait3A_1652] : memref<2x1600xf32, #tpu.memory_space<vmem>> -> memref<1x1600xf32, #tpu.memory_space<vmem>>
        %dma_wait3A_1654 = tpu.memref_squeeze %dma_wait3A_1653 : memref<1x1600xf32, #tpu.memory_space<vmem>> -> memref<1600xf32, #tpu.memory_space<vmem>>
        %dma_wait3A_1655 = arith.constant 0 : i32
        %dma_wait3A_1656 = tpu.memref_slice %arg2[%dma_wait3A_1655] : memref<1638400xf32, #tpu.memory_space<hbm>> -> memref<1600xf32, #tpu.memory_space<hbm>>
        %dma_wait3A_1657 = tpu.memref_slice %arg11[%dma_wait3A_1651] : memref<2x!tpu.dma_semaphore, #tpu.memory_space<semaphore_mem>> -> memref<1x!tpu.dma_semaphore, #tpu.memory_space<semaphore_mem>>
        %dma_wait3A_1658 = tpu.memref_squeeze %dma_wait3A_1657 : memref<1x!tpu.dma_semaphore, #tpu.memory_space<semaphore_mem>> -> memref<!tpu.dma_semaphore, #tpu.memory_space<semaphore_mem>>
        %dma_wait3A_1659 = arith.constant 0 : i32
        %dma_wait3A_1660 = tpu.memref_slice %arg7[%dma_wait3A_1650, %dma_wait3A_1659] : memref<2x1600xf32, #tpu.memory_space<vmem>> -> memref<1x1600xf32, #tpu.memory_space<vmem>>
        %dma_wait3A_1661 = tpu.memref_squeeze %dma_wait3A_1660 : memref<1x1600xf32, #tpu.memory_space<vmem>> -> memref<1600xf32, #tpu.memory_space<vmem>>
        %dma_wait3A_1662 = arith.constant 0 : i32
        %dma_wait3A_1663 = tpu.memref_slice %arg2[%dma_wait3A_1662] : memref<1638400xf32, #tpu.memory_space<hbm>> -> memref<1600xf32, #tpu.memory_space<hbm>>
        tpu.wait_dma2 semaphore(%dma_wait3A_1658 : memref<!tpu.dma_semaphore, #tpu.memory_space<semaphore_mem>>) src(%dma_wait3A_1663 : memref<1600xf32, #tpu.memory_space<hbm>>) dst(%dma_wait3A_1661 : memref<1600xf32, #tpu.memory_space<vmem>>)
        %scan3A_1664 = arith.constant 0 : i32
        %scan3A_1665 = arith.constant 0 : i32
        %scan3A_1666 = arith.constant 0 : i32
        %scan3A_1667 = arith.constant 0 : i32
        %scan3A_1668 = arith.constant 100 : i32
        %scan3A_1669 = arith.addi %scan3A_1667, %scan3A_1668 : i32
        %scan3A_1670 = arith.constant 4 : i32
        scf.for %scan3A_1951 = %scan3A_1667 to %scan3A_1669 step %scan3A_1670  : i32 {
          %mul3A_1952 = arith.constant 100 : i32
          %mul3A_1953 = vector.broadcast %mul3A_1952 : i32 to vector<16xi32>
          %mul3A_1954 = arith.muli %iota3A, %mul3A_1953 : vector<16xi32>
          %add3A_1955 = vector.broadcast %scan3A_1951 : i32 to vector<16xi32>
          %add3A_1956 = arith.addi %mul3A_1954, %add3A_1955 : vector<16xi32>
          %gather3A = arith.constant 0 : i32
          %gather3A_1957 = tpu.memref_slice %arg7[%scan3A_1665, %gather3A] : memref<2x1600xf32, #tpu.memory_space<vmem>> -> memref<1x1600xf32, #tpu.memory_space<vmem>>
          %gather3A_1958 = tpu.memref_squeeze %gather3A_1957 : memref<1x1600xf32, #tpu.memory_space<vmem>> -> memref<1600xf32, #tpu.memory_space<vmem>>
          %gather3A_1959 = tpu.vector_load_idx %gather3A_1958[%add3A_1956] : memref<1600xf32, #tpu.memory_space<vmem>>[vector<16xi32>], vector<16xf32>,
          %broadcast_in_dim3A_1960 = arith.constant 0 : i32
          %broadcast_in_dim3A_1961 = vector.broadcast %broadcast_in_dim3A_1960 : i32 to vector<16xi32>
          %mul3A_1962 = arith.constant 64 : i32
          %mul3A_1963 = arith.muli %scan3A_1951, %mul3A_1962 : i32
          %broadcast_in_dim3A_1964 = vector.broadcast %mul3A_1963 : i32 to vector<16xi32>
          %add3A_1965 = arith.constant 31 : i32
          %add3A_1966 = vector.broadcast %add3A_1965 : i32 to vector<16xi32>
          %add3A_1967 = arith.addi %broadcast_in_dim3A_1961, %add3A_1966 : vector<16xi32>
          %add3A_1968 = arith.addi %broadcast_in_dim3A_1964, %add3A_1967 : vector<16xi32>
          %gather3A_1969 = tpu.vector_load_idx %arg6[%add3A_1968] : memref<6400xf32, #tpu.memory_space<vmem>>[vector<16xi32>], vector<16xf32>,
          %lt3A_1970 = arith.cmpf olt, %gather3A_1969, %gather3A_1959 : vector<16xf32>
          %jit3A = arith.constant 32 : i32
          %jit3A_1971 = arith.constant 0 : i32
          %broadcast_in_dim3A_1972 = vector.broadcast %jit3A : i32 to vector<16xi32>
          %broadcast_in_dim3A_1973 = vector.broadcast %jit3A_1971 : i32 to vector<16xi32>
          %select_n3A = arith.select %lt3A_1970, %broadcast_in_dim3A_1972, %broadcast_in_dim3A_1973 : vector<16xi1>, vector<16xi32>
          %add3A_1974 = arith.addi %broadcast_in_dim3A_1961, %select_n3A : vector<16xi32>
          %add3A_1975 = arith.constant 15 : i32
          %add3A_1976 = vector.broadcast %add3A_1975 : i32 to vector<16xi32>
          %add3A_1977 = arith.addi %add3A_1974, %add3A_1976 : vector<16xi32>
          %add3A_1978 = arith.addi %broadcast_in_dim3A_1964, %add3A_1977 : vector<16xi32>
          %gather3A_1979 = tpu.vector_load_idx %arg6[%add3A_1978] : memref<6400xf32, #tpu.memory_space<vmem>>[vector<16xi32>], vector<16xf32>,
          %lt3A_1980 = arith.cmpf olt, %gather3A_1979, %gather3A_1959 : vector<16xf32>
          %jit3A_1981 = arith.constant 16 : i32
          %jit3A_1982 = arith.constant 0 : i32
          %broadcast_in_dim3A_1983 = vector.broadcast %jit3A_1981 : i32 to vector<16xi32>
          %broadcast_in_dim3A_1984 = vector.broadcast %jit3A_1982 : i32 to vector<16xi32>
          %select_n3A_1985 = arith.select %lt3A_1980, %broadcast_in_dim3A_1983, %broadcast_in_dim3A_1984 : vector<16xi1>, vector<16xi32>
          %add3A_1986 = arith.addi %add3A_1974, %select_n3A_1985 : vector<16xi32>
          %add3A_1987 = arith.constant 7 : i32
          %add3A_1988 = vector.broadcast %add3A_1987 : i32 to vector<16xi32>
          %add3A_1989 = arith.addi %add3A_1986, %add3A_1988 : vector<16xi32>
          %add3A_1990 = arith.addi %broadcast_in_dim3A_1964, %add3A_1989 : vector<16xi32>
          %gather3A_1991 = tpu.vector_load_idx %arg6[%add3A_1990] : memref<6400xf32, #tpu.memory_space<vmem>>[vector<16xi32>], vector<16xf32>,
          %lt3A_1992 = arith.cmpf olt, %gather3A_1991, %gather3A_1959 : vector<16xf32>
          %jit3A_1993 = arith.constant 8 : i32
          %jit3A_1994 = arith.constant 0 : i32
          %broadcast_in_dim3A_1995 = vector.broadcast %jit3A_1993 : i32 to vector<16xi32>
          %broadcast_in_dim3A_1996 = vector.broadcast %jit3A_1994 : i32 to vector<16xi32>
          %select_n3A_1997 = arith.select %lt3A_1992, %broadcast_in_dim3A_1995, %broadcast_in_dim3A_1996 : vector<16xi1>, vector<16xi32>
          %add3A_1998 = arith.addi %add3A_1986, %select_n3A_1997 : vector<16xi32>
          %add3A_1999 = arith.constant 3 : i32
          %add3A_2000 = vector.broadcast %add3A_1999 : i32 to vector<16xi32>
          %add3A_2001 = arith.addi %add3A_1998, %add3A_2000 : vector<16xi32>
          %add3A_2002 = arith.addi %broadcast_in_dim3A_1964, %add3A_2001 : vector<16xi32>
          %gather3A_2003 = tpu.vector_load_idx %arg6[%add3A_2002] : memref<6400xf32, #tpu.memory_space<vmem>>[vector<16xi32>], vector<16xf32>,
          %lt3A_2004 = arith.cmpf olt, %gather3A_2003, %gather3A_1959 : vector<16xf32>
          %jit3A_2005 = arith.constant 4 : i32
          %jit3A_2006 = arith.constant 0 : i32
          %broadcast_in_dim3A_2007 = vector.broadcast %jit3A_2005 : i32 to vector<16xi32>
          %broadcast_in_dim3A_2008 = vector.broadcast %jit3A_2006 : i32 to vector<16xi32>
          %select_n3A_2009 = arith.select %lt3A_2004, %broadcast_in_dim3A_2007, %broadcast_in_dim3A_2008 : vector<16xi1>, vector<16xi32>
          %add3A_2010 = arith.addi %add3A_1998, %select_n3A_2009 : vector<16xi32>
          %add3A_2011 = arith.constant 1 : i32
          %add3A_2012 = vector.broadcast %add3A_2011 : i32 to vector<16xi32>
          %add3A_2013 = arith.addi %add3A_2010, %add3A_2012 : vector<16xi32>
          %add3A_2014 = arith.addi %broadcast_in_dim3A_1964, %add3A_2013 : vector<16xi32>
          %gather3A_2015 = tpu.vector_load_idx %arg6[%add3A_2014] : memref<6400xf32, #tpu.memory_space<vmem>>[vector<16xi32>], vector<16xf32>,
          %lt3A_2016 = arith.cmpf olt, %gather3A_2015, %gather3A_1959 : vector<16xf32>
          %jit3A_2017 = arith.constant 2 : i32
          %jit3A_2018 = arith.constant 0 : i32
          %broadcast_in_dim3A_2019 = vector.broadcast %jit3A_2017 : i32 to vector<16xi32>
          %broadcast_in_dim3A_2020 = vector.broadcast %jit3A_2018 : i32 to vector<16xi32>
          %select_n3A_2021 = arith.select %lt3A_2016, %broadcast_in_dim3A_2019, %broadcast_in_dim3A_2020 : vector<16xi1>, vector<16xi32>
          %add3A_2022 = arith.addi %add3A_2010, %select_n3A_2021 : vector<16xi32>
          %add3A_2023 = arith.constant 0 : i32
          %add3A_2024 = vector.broadcast %add3A_2023 : i32 to vector<16xi32>
          %add3A_2025 = arith.addi %add3A_2022, %add3A_2024 : vector<16xi32>
          %add3A_2026 = arith.addi %broadcast_in_dim3A_1964, %add3A_2025 : vector<16xi32>
          %gather3A_2027 = tpu.vector_load_idx %arg6[%add3A_2026] : memref<6400xf32, #tpu.memory_space<vmem>>[vector<16xi32>], vector<16xf32>,
          %lt3A_2028 = arith.cmpf olt, %gather3A_2027, %gather3A_1959 : vector<16xf32>
          %jit3A_2029 = arith.constant 1 : i32
          %jit3A_2030 = arith.constant 0 : i32
          %broadcast_in_dim3A_2031 = vector.broadcast %jit3A_2029 : i32 to vector<16xi32>
          %broadcast_in_dim3A_2032 = vector.broadcast %jit3A_2030 : i32 to vector<16xi32>
          %select_n3A_2033 = arith.select %lt3A_2028, %broadcast_in_dim3A_2031, %broadcast_in_dim3A_2032 : vector<16xi1>, vector<16xi32>
          %add3A_2034 = arith.addi %add3A_2022, %select_n3A_2033 : vector<16xi32>
          %add3A_2035 = arith.constant 0 : i32
          %add3A_2036 = vector.broadcast %add3A_2035 : i32 to vector<16xi32>
          %add3A_2037 = arith.addi %add3A_2034, %add3A_2036 : vector<16xi32>
          %add3A_2038 = arith.addi %broadcast_in_dim3A_1964, %add3A_2037 : vector<16xi32>
          %gather3A_2039 = tpu.vector_load_idx %arg6[%add3A_2038] : memref<6400xf32, #tpu.memory_space<vmem>>[vector<16xi32>], vector<16xf32>,
          %lt3A_2040 = arith.cmpf olt, %gather3A_2039, %gather3A_1959 : vector<16xf32>
          %jit3A_2041 = arith.constant 1 : i32
          %jit3A_2042 = arith.constant 0 : i32
          %broadcast_in_dim3A_2043 = vector.broadcast %jit3A_2041 : i32 to vector<16xi32>
          %broadcast_in_dim3A_2044 = vector.broadcast %jit3A_2042 : i32 to vector<16xi32>
          %select_n3A_2045 = arith.select %lt3A_2040, %broadcast_in_dim3A_2043, %broadcast_in_dim3A_2044 : vector<16xi1>, vector<16xi32>
          %add3A_2046 = arith.addi %add3A_2034, %select_n3A_2045 : vector<16xi32>
          %mul3A_2047 = arith.constant 104 : i32
          %mul3A_2048 = vector.broadcast %mul3A_2047 : i32 to vector<16xi32>
          %mul3A_2049 = arith.muli %iota3A, %mul3A_2048 : vector<16xi32>
          %add3A_2050 = vector.broadcast %scan3A_1951 : i32 to vector<16xi32>
          %add3A_2051 = arith.addi %mul3A_2049, %add3A_2050 : vector<16xi32>
          %mul3A_2052 = arith.constant 64 : i32
          %mul3A_2053 = arith.muli %scan3A_1951, %mul3A_2052 : i32
          %add3A_2054 = vector.broadcast %mul3A_2053 : i32 to vector<16xi32>
          %add3A_2055 = arith.addi %add3A_2054, %add3A_2046 : vector<16xi32>
          %add3A_2056 = arith.constant 1 : i32
          %add3A_2057 = vector.broadcast %add3A_2056 : i32 to vector<16xi32>
          %add3A_2058 = arith.addi %add3A_2055, %add3A_2057 : vector<16xi32>
          %scatter3A_2059 = arith.constant 0 : i32
          %scatter3A_2060 = tpu.memref_slice %arg8[%scan3A_1666, %scatter3A_2059] : memref<2x1664xi32, #tpu.memory_space<vmem>> -> memref<1x1664xi32, #tpu.memory_space<vmem>>
          %scatter3A_2061 = tpu.memref_squeeze %scatter3A_2060 : memref<1x1664xi32, #tpu.memory_space<vmem>> -> memref<1664xi32, #tpu.memory_space<vmem>>
          tpu.vector_store_idx %scatter3A_2061[%add3A_2051], %add3A_2058 : memref<1664xi32, #tpu.memory_space<vmem>>[vector<16xi32>], vector<16xi32>,
          %scan3A_2062 = arith.constant 1 : i32
          %scan3A_2063 = arith.addi %scan3A_1951, %scan3A_2062 : i32
          %mul3A_2064 = arith.constant 100 : i32
          %mul3A_2065 = vector.broadcast %mul3A_2064 : i32 to vector<16xi32>
          %mul3A_2066 = arith.muli %iota3A, %mul3A_2065 : vector<16xi32>
          %add3A_2067 = vector.broadcast %scan3A_2063 : i32 to vector<16xi32>
          %add3A_2068 = arith.addi %mul3A_2066, %add3A_2067 : vector<16xi32>
          %gather3A_2069 = arith.constant 0 : i32
          %gather3A_2070 = tpu.memref_slice %arg7[%scan3A_1665, %gather3A_2069] : memref<2x1600xf32, #tpu.memory_space<vmem>> -> memref<1x1600xf32, #tpu.memory_space<vmem>>
          %gather3A_2071 = tpu.memref_squeeze %gather3A_2070 : memref<1x1600xf32, #tpu.memory_space<vmem>> -> memref<1600xf32, #tpu.memory_space<vmem>>
          %gather3A_2072 = tpu.vector_load_idx %gather3A_2071[%add3A_2068] : memref<1600xf32, #tpu.memory_space<vmem>>[vector<16xi32>], vector<16xf32>,
          %broadcast_in_dim3A_2073 = arith.constant 0 : i32
          %broadcast_in_dim3A_2074 = vector.broadcast %broadcast_in_dim3A_2073 : i32 to vector<16xi32>
          %mul3A_2075 = arith.constant 64 : i32
          %mul3A_2076 = arith.muli %scan3A_2063, %mul3A_2075 : i32
          %broadcast_in_dim3A_2077 = vector.broadcast %mul3A_2076 : i32 to vector<16xi32>
          %add3A_2078 = arith.constant 31 : i32
          %add3A_2079 = vector.broadcast %add3A_2078 : i32 to vector<16xi32>
          %add3A_2080 = arith.addi %broadcast_in_dim3A_2074, %add3A_2079 : vector<16xi32>
          %add3A_2081 = arith.addi %broadcast_in_dim3A_2077, %add3A_2080 : vector<16xi32>
          %gather3A_2082 = tpu.vector_load_idx %arg6[%add3A_2081] : memref<6400xf32, #tpu.memory_space<vmem>>[vector<16xi32>], vector<16xf32>,
          %lt3A_2083 = arith.cmpf olt, %gather3A_2082, %gather3A_2072 : vector<16xf32>
          %jit3A_2084 = arith.constant 32 : i32
          %jit3A_2085 = arith.constant 0 : i32
          %broadcast_in_dim3A_2086 = vector.broadcast %jit3A_2084 : i32 to vector<16xi32>
          %broadcast_in_dim3A_2087 = vector.broadcast %jit3A_2085 : i32 to vector<16xi32>
          %select_n3A_2088 = arith.select %lt3A_2083, %broadcast_in_dim3A_2086, %broadcast_in_dim3A_2087 : vector<16xi1>, vector<16xi32>
          %add3A_2089 = arith.addi %broadcast_in_dim3A_2074, %select_n3A_2088 : vector<16xi32>
          %add3A_2090 = arith.constant 15 : i32
          %add3A_2091 = vector.broadcast %add3A_2090 : i32 to vector<16xi32>
          %add3A_2092 = arith.addi %add3A_2089, %add3A_2091 : vector<16xi32>
          %add3A_2093 = arith.addi %broadcast_in_dim3A_2077, %add3A_2092 : vector<16xi32>
          %gather3A_2094 = tpu.vector_load_idx %arg6[%add3A_2093] : memref<6400xf32, #tpu.memory_space<vmem>>[vector<16xi32>], vector<16xf32>,
          %lt3A_2095 = arith.cmpf olt, %gather3A_2094, %gather3A_2072 : vector<16xf32>
          %jit3A_2096 = arith.constant 16 : i32
          %jit3A_2097 = arith.constant 0 : i32
          %broadcast_in_dim3A_2098 = vector.broadcast %jit3A_2096 : i32 to vector<16xi32>
          %broadcast_in_dim3A_2099 = vector.broadcast %jit3A_2097 : i32 to vector<16xi32>
          %select_n3A_2100 = arith.select %lt3A_2095, %broadcast_in_dim3A_2098, %broadcast_in_dim3A_2099 : vector<16xi1>, vector<16xi32>
          %add3A_2101 = arith.addi %add3A_2089, %select_n3A_2100 : vector<16xi32>
          %add3A_2102 = arith.constant 7 : i32
          %add3A_2103 = vector.broadcast %add3A_2102 : i32 to vector<16xi32>
          %add3A_2104 = arith.addi %add3A_2101, %add3A_2103 : vector<16xi32>
          %add3A_2105 = arith.addi %broadcast_in_dim3A_2077, %add3A_2104 : vector<16xi32>
          %gather3A_2106 = tpu.vector_load_idx %arg6[%add3A_2105] : memref<6400xf32, #tpu.memory_space<vmem>>[vector<16xi32>], vector<16xf32>,
          %lt3A_2107 = arith.cmpf olt, %gather3A_2106, %gather3A_2072 : vector<16xf32>
          %jit3A_2108 = arith.constant 8 : i32
          %jit3A_2109 = arith.constant 0 : i32
          %broadcast_in_dim3A_2110 = vector.broadcast %jit3A_2108 : i32 to vector<16xi32>
          %broadcast_in_dim3A_2111 = vector.broadcast %jit3A_2109 : i32 to vector<16xi32>
          %select_n3A_2112 = arith.select %lt3A_2107, %broadcast_in_dim3A_2110, %broadcast_in_dim3A_2111 : vector<16xi1>, vector<16xi32>
          %add3A_2113 = arith.addi %add3A_2101, %select_n3A_2112 : vector<16xi32>
          %add3A_2114 = arith.constant 3 : i32
          %add3A_2115 = vector.broadcast %add3A_2114 : i32 to vector<16xi32>
          %add3A_2116 = arith.addi %add3A_2113, %add3A_2115 : vector<16xi32>
          %add3A_2117 = arith.addi %broadcast_in_dim3A_2077, %add3A_2116 : vector<16xi32>
          %gather3A_2118 = tpu.vector_load_idx %arg6[%add3A_2117] : memref<6400xf32, #tpu.memory_space<vmem>>[vector<16xi32>], vector<16xf32>,
          %lt3A_2119 = arith.cmpf olt, %gather3A_2118, %gather3A_2072 : vector<16xf32>
          %jit3A_2120 = arith.constant 4 : i32
          %jit3A_2121 = arith.constant 0 : i32
          %broadcast_in_dim3A_2122 = vector.broadcast %jit3A_2120 : i32 to vector<16xi32>
          %broadcast_in_dim3A_2123 = vector.broadcast %jit3A_2121 : i32 to vector<16xi32>
          %select_n3A_2124 = arith.select %lt3A_2119, %broadcast_in_dim3A_2122, %broadcast_in_dim3A_2123 : vector<16xi1>, vector<16xi32>
          %add3A_2125 = arith.addi %add3A_2113, %select_n3A_2124 : vector<16xi32>
          %add3A_2126 = arith.constant 1 : i32
          %add3A_2127 = vector.broadcast %add3A_2126 : i32 to vector<16xi32>
          %add3A_2128 = arith.addi %add3A_2125, %add3A_2127 : vector<16xi32>
          %add3A_2129 = arith.addi %broadcast_in_dim3A_2077, %add3A_2128 : vector<16xi32>
          %gather3A_2130 = tpu.vector_load_idx %arg6[%add3A_2129] : memref<6400xf32, #tpu.memory_space<vmem>>[vector<16xi32>], vector<16xf32>,
          %lt3A_2131 = arith.cmpf olt, %gather3A_2130, %gather3A_2072 : vector<16xf32>
          %jit3A_2132 = arith.constant 2 : i32
          %jit3A_2133 = arith.constant 0 : i32
          %broadcast_in_dim3A_2134 = vector.broadcast %jit3A_2132 : i32 to vector<16xi32>
          %broadcast_in_dim3A_2135 = vector.broadcast %jit3A_2133 : i32 to vector<16xi32>
          %select_n3A_2136 = arith.select %lt3A_2131, %broadcast_in_dim3A_2134, %broadcast_in_dim3A_2135 : vector<16xi1>, vector<16xi32>
          %add3A_2137 = arith.addi %add3A_2125, %select_n3A_2136 : vector<16xi32>
          %add3A_2138 = arith.constant 0 : i32
          %add3A_2139 = vector.broadcast %add3A_2138 : i32 to vector<16xi32>
          %add3A_2140 = arith.addi %add3A_2137, %add3A_2139 : vector<16xi32>
          %add3A_2141 = arith.addi %broadcast_in_dim3A_2077, %add3A_2140 : vector<16xi32>
          %gather3A_2142 = tpu.vector_load_idx %arg6[%add3A_2141] : memref<6400xf32, #tpu.memory_space<vmem>>[vector<16xi32>], vector<16xf32>,
          %lt3A_2143 = arith.cmpf olt, %gather3A_2142, %gather3A_2072 : vector<16xf32>
          %jit3A_2144 = arith.constant 1 : i32
          %jit3A_2145 = arith.constant 0 : i32
          %broadcast_in_dim3A_2146 = vector.broadcast %jit3A_2144 : i32 to vector<16xi32>
          %broadcast_in_dim3A_2147 = vector.broadcast %jit3A_2145 : i32 to vector<16xi32>
          %select_n3A_2148 = arith.select %lt3A_2143, %broadcast_in_dim3A_2146, %broadcast_in_dim3A_2147 : vector<16xi1>, vector<16xi32>
          %add3A_2149 = arith.addi %add3A_2137, %select_n3A_2148 : vector<16xi32>
          %add3A_2150 = arith.constant 0 : i32
          %add3A_2151 = vector.broadcast %add3A_2150 : i32 to vector<16xi32>
          %add3A_2152 = arith.addi %add3A_2149, %add3A_2151 : vector<16xi32>
          %add3A_2153 = arith.addi %broadcast_in_dim3A_2077, %add3A_2152 : vector<16xi32>
          %gather3A_2154 = tpu.vector_load_idx %arg6[%add3A_2153] : memref<6400xf32, #tpu.memory_space<vmem>>[vector<16xi32>], vector<16xf32>,
          %lt3A_2155 = arith.cmpf olt, %gather3A_2154, %gather3A_2072 : vector<16xf32>
          %jit3A_2156 = arith.constant 1 : i32
          %jit3A_2157 = arith.constant 0 : i32
          %broadcast_in_dim3A_2158 = vector.broadcast %jit3A_2156 : i32 to vector<16xi32>
          %broadcast_in_dim3A_2159 = vector.broadcast %jit3A_2157 : i32 to vector<16xi32>
          %select_n3A_2160 = arith.select %lt3A_2155, %broadcast_in_dim3A_2158, %broadcast_in_dim3A_2159 : vector<16xi1>, vector<16xi32>
          %add3A_2161 = arith.addi %add3A_2149, %select_n3A_2160 : vector<16xi32>
          %mul3A_2162 = arith.constant 104 : i32
          %mul3A_2163 = vector.broadcast %mul3A_2162 : i32 to vector<16xi32>
          %mul3A_2164 = arith.muli %iota3A, %mul3A_2163 : vector<16xi32>
          %add3A_2165 = vector.broadcast %scan3A_2063 : i32 to vector<16xi32>
          %add3A_2166 = arith.addi %mul3A_2164, %add3A_2165 : vector<16xi32>
          %mul3A_2167 = arith.constant 64 : i32
          %mul3A_2168 = arith.muli %scan3A_2063, %mul3A_2167 : i32
          %add3A_2169 = vector.broadcast %mul3A_2168 : i32 to vector<16xi32>
          %add3A_2170 = arith.addi %add3A_2169, %add3A_2161 : vector<16xi32>
          %add3A_2171 = arith.constant 1 : i32
          %add3A_2172 = vector.broadcast %add3A_2171 : i32 to vector<16xi32>
          %add3A_2173 = arith.addi %add3A_2170, %add3A_2172 : vector<16xi32>
          %scatter3A_2174 = arith.constant 0 : i32
          %scatter3A_2175 = tpu.memref_slice %arg8[%scan3A_1666, %scatter3A_2174] : memref<2x1664xi32, #tpu.memory_space<vmem>> -> memref<1x1664xi32, #tpu.memory_space<vmem>>
          %scatter3A_2176 = tpu.memref_squeeze %scatter3A_2175 : memref<1x1664xi32, #tpu.memory_space<vmem>> -> memref<1664xi32, #tpu.memory_space<vmem>>
          tpu.vector_store_idx %scatter3A_2176[%add3A_2166], %add3A_2173 : memref<1664xi32, #tpu.memory_space<vmem>>[vector<16xi32>], vector<16xi32>,
          %scan3A_2177 = arith.constant 2 : i32
          %scan3A_2178 = arith.addi %scan3A_1951, %scan3A_2177 : i32
          %mul3A_2179 = arith.constant 100 : i32
          %mul3A_2180 = vector.broadcast %mul3A_2179 : i32 to vector<16xi32>
          %mul3A_2181 = arith.muli %iota3A, %mul3A_2180 : vector<16xi32>
          %add3A_2182 = vector.broadcast %scan3A_2178 : i32 to vector<16xi32>
          %add3A_2183 = arith.addi %mul3A_2181, %add3A_2182 : vector<16xi32>
          %gather3A_2184 = arith.constant 0 : i32
          %gather3A_2185 = tpu.memref_slice %arg7[%scan3A_1665, %gather3A_2184] : memref<2x1600xf32, #tpu.memory_space<vmem>> -> memref<1x1600xf32, #tpu.memory_space<vmem>>
          %gather3A_2186 = tpu.memref_squeeze %gather3A_2185 : memref<1x1600xf32, #tpu.memory_space<vmem>> -> memref<1600xf32, #tpu.memory_space<vmem>>
          %gather3A_2187 = tpu.vector_load_idx %gather3A_2186[%add3A_2183] : memref<1600xf32, #tpu.memory_space<vmem>>[vector<16xi32>], vector<16xf32>,
          %broadcast_in_dim3A_2188 = arith.constant 0 : i32
          %broadcast_in_dim3A_2189 = vector.broadcast %broadcast_in_dim3A_2188 : i32 to vector<16xi32>
          %mul3A_2190 = arith.constant 64 : i32
          %mul3A_2191 = arith.muli %scan3A_2178, %mul3A_2190 : i32
          %broadcast_in_dim3A_2192 = vector.broadcast %mul3A_2191 : i32 to vector<16xi32>
          %add3A_2193 = arith.constant 31 : i32
          %add3A_2194 = vector.broadcast %add3A_2193 : i32 to vector<16xi32>
          %add3A_2195 = arith.addi %broadcast_in_dim3A_2189, %add3A_2194 : vector<16xi32>
          %add3A_2196 = arith.addi %broadcast_in_dim3A_2192, %add3A_2195 : vector<16xi32>
          %gather3A_2197 = tpu.vector_load_idx %arg6[%add3A_2196] : memref<6400xf32, #tpu.memory_space<vmem>>[vector<16xi32>], vector<16xf32>,
          %lt3A_2198 = arith.cmpf olt, %gather3A_2197, %gather3A_2187 : vector<16xf32>
          %jit3A_2199 = arith.constant 32 : i32
          %jit3A_2200 = arith.constant 0 : i32
          %broadcast_in_dim3A_2201 = vector.broadcast %jit3A_2199 : i32 to vector<16xi32>
          %broadcast_in_dim3A_2202 = vector.broadcast %jit3A_2200 : i32 to vector<16xi32>
          %select_n3A_2203 = arith.select %lt3A_2198, %broadcast_in_dim3A_2201, %broadcast_in_dim3A_2202 : vector<16xi1>, vector<16xi32>
          %add3A_2204 = arith.addi %broadcast_in_dim3A_2189, %select_n3A_2203 : vector<16xi32>
          %add3A_2205 = arith.constant 15 : i32
          %add3A_2206 = vector.broadcast %add3A_2205 : i32 to vector<16xi32>
          %add3A_2207 = arith.addi %add3A_2204, %add3A_2206 : vector<16xi32>
          %add3A_2208 = arith.addi %broadcast_in_dim3A_2192, %add3A_2207 : vector<16xi32>
          %gather3A_2209 = tpu.vector_load_idx %arg6[%add3A_2208] : memref<6400xf32, #tpu.memory_space<vmem>>[vector<16xi32>], vector<16xf32>,
          %lt3A_2210 = arith.cmpf olt, %gather3A_2209, %gather3A_2187 : vector<16xf32>
          %jit3A_2211 = arith.constant 16 : i32
          %jit3A_2212 = arith.constant 0 : i32
          %broadcast_in_dim3A_2213 = vector.broadcast %jit3A_2211 : i32 to vector<16xi32>
          %broadcast_in_dim3A_2214 = vector.broadcast %jit3A_2212 : i32 to vector<16xi32>
          %select_n3A_2215 = arith.select %lt3A_2210, %broadcast_in_dim3A_2213, %broadcast_in_dim3A_2214 : vector<16xi1>, vector<16xi32>
          %add3A_2216 = arith.addi %add3A_2204, %select_n3A_2215 : vector<16xi32>
          %add3A_2217 = arith.constant 7 : i32
          %add3A_2218 = vector.broadcast %add3A_2217 : i32 to vector<16xi32>
          %add3A_2219 = arith.addi %add3A_2216, %add3A_2218 : vector<16xi32>
          %add3A_2220 = arith.addi %broadcast_in_dim3A_2192, %add3A_2219 : vector<16xi32>
          %gather3A_2221 = tpu.vector_load_idx %arg6[%add3A_2220] : memref<6400xf32, #tpu.memory_space<vmem>>[vector<16xi32>], vector<16xf32>,
          %lt3A_2222 = arith.cmpf olt, %gather3A_2221, %gather3A_2187 : vector<16xf32>
          %jit3A_2223 = arith.constant 8 : i32
          %jit3A_2224 = arith.constant 0 : i32
          %broadcast_in_dim3A_2225 = vector.broadcast %jit3A_2223 : i32 to vector<16xi32>
          %broadcast_in_dim3A_2226 = vector.broadcast %jit3A_2224 : i32 to vector<16xi32>
          %select_n3A_2227 = arith.select %lt3A_2222, %broadcast_in_dim3A_2225, %broadcast_in_dim3A_2226 : vector<16xi1>, vector<16xi32>
          %add3A_2228 = arith.addi %add3A_2216, %select_n3A_2227 : vector<16xi32>
          %add3A_2229 = arith.constant 3 : i32
          %add3A_2230 = vector.broadcast %add3A_2229 : i32 to vector<16xi32>
          %add3A_2231 = arith.addi %add3A_2228, %add3A_2230 : vector<16xi32>
          %add3A_2232 = arith.addi %broadcast_in_dim3A_2192, %add3A_2231 : vector<16xi32>
          %gather3A_2233 = tpu.vector_load_idx %arg6[%add3A_2232] : memref<6400xf32, #tpu.memory_space<vmem>>[vector<16xi32>], vector<16xf32>,
          %lt3A_2234 = arith.cmpf olt, %gather3A_2233, %gather3A_2187 : vector<16xf32>
          %jit3A_2235 = arith.constant 4 : i32
          %jit3A_2236 = arith.constant 0 : i32
          %broadcast_in_dim3A_2237 = vector.broadcast %jit3A_2235 : i32 to vector<16xi32>
          %broadcast_in_dim3A_2238 = vector.broadcast %jit3A_2236 : i32 to vector<16xi32>
          %select_n3A_2239 = arith.select %lt3A_2234, %broadcast_in_dim3A_2237, %broadcast_in_dim3A_2238 : vector<16xi1>, vector<16xi32>
          %add3A_2240 = arith.addi %add3A_2228, %select_n3A_2239 : vector<16xi32>
          %add3A_2241 = arith.constant 1 : i32
          %add3A_2242 = vector.broadcast %add3A_2241 : i32 to vector<16xi32>
          %add3A_2243 = arith.addi %add3A_2240, %add3A_2242 : vector<16xi32>
          %add3A_2244 = arith.addi %broadcast_in_dim3A_2192, %add3A_2243 : vector<16xi32>
          %gather3A_2245 = tpu.vector_load_idx %arg6[%add3A_2244] : memref<6400xf32, #tpu.memory_space<vmem>>[vector<16xi32>], vector<16xf32>,
          %lt3A_2246 = arith.cmpf olt, %gather3A_2245, %gather3A_2187 : vector<16xf32>
          %jit3A_2247 = arith.constant 2 : i32
          %jit3A_2248 = arith.constant 0 : i32
          %broadcast_in_dim3A_2249 = vector.broadcast %jit3A_2247 : i32 to vector<16xi32>
          %broadcast_in_dim3A_2250 = vector.broadcast %jit3A_2248 : i32 to vector<16xi32>
          %select_n3A_2251 = arith.select %lt3A_2246, %broadcast_in_dim3A_2249, %broadcast_in_dim3A_2250 : vector<16xi1>, vector<16xi32>
          %add3A_2252 = arith.addi %add3A_2240, %select_n3A_2251 : vector<16xi32>
          %add3A_2253 = arith.constant 0 : i32
          %add3A_2254 = vector.broadcast %add3A_2253 : i32 to vector<16xi32>
          %add3A_2255 = arith.addi %add3A_2252, %add3A_2254 : vector<16xi32>
          %add3A_2256 = arith.addi %broadcast_in_dim3A_2192, %add3A_2255 : vector<16xi32>
          %gather3A_2257 = tpu.vector_load_idx %arg6[%add3A_2256] : memref<6400xf32, #tpu.memory_space<vmem>>[vector<16xi32>], vector<16xf32>,
          %lt3A_2258 = arith.cmpf olt, %gather3A_2257, %gather3A_2187 : vector<16xf32>
          %jit3A_2259 = arith.constant 1 : i32
          %jit3A_2260 = arith.constant 0 : i32
          %broadcast_in_dim3A_2261 = vector.broadcast %jit3A_2259 : i32 to vector<16xi32>
          %broadcast_in_dim3A_2262 = vector.broadcast %jit3A_2260 : i32 to vector<16xi32>
          %select_n3A_2263 = arith.select %lt3A_2258, %broadcast_in_dim3A_2261, %broadcast_in_dim3A_2262 : vector<16xi1>, vector<16xi32>
          %add3A_2264 = arith.addi %add3A_2252, %select_n3A_2263 : vector<16xi32>
          %add3A_2265 = arith.constant 0 : i32
          %add3A_2266 = vector.broadcast %add3A_2265 : i32 to vector<16xi32>
          %add3A_2267 = arith.addi %add3A_2264, %add3A_2266 : vector<16xi32>
          %add3A_2268 = arith.addi %broadcast_in_dim3A_2192, %add3A_2267 : vector<16xi32>
          %gather3A_2269 = tpu.vector_load_idx %arg6[%add3A_2268] : memref<6400xf32, #tpu.memory_space<vmem>>[vector<16xi32>], vector<16xf32>,
          %lt3A_2270 = arith.cmpf olt, %gather3A_2269, %gather3A_2187 : vector<16xf32>
          %jit3A_2271 = arith.constant 1 : i32
          %jit3A_2272 = arith.constant 0 : i32
          %broadcast_in_dim3A_2273 = vector.broadcast %jit3A_2271 : i32 to vector<16xi32>
          %broadcast_in_dim3A_2274 = vector.broadcast %jit3A_2272 : i32 to vector<16xi32>
          %select_n3A_2275 = arith.select %lt3A_2270, %broadcast_in_dim3A_2273, %broadcast_in_dim3A_2274 : vector<16xi1>, vector<16xi32>
          %add3A_2276 = arith.addi %add3A_2264, %select_n3A_2275 : vector<16xi32>
          %mul3A_2277 = arith.constant 104 : i32
          %mul3A_2278 = vector.broadcast %mul3A_2277 : i32 to vector<16xi32>
          %mul3A_2279 = arith.muli %iota3A, %mul3A_2278 : vector<16xi32>
          %add3A_2280 = vector.broadcast %scan3A_2178 : i32 to vector<16xi32>
          %add3A_2281 = arith.addi %mul3A_2279, %add3A_2280 : vector<16xi32>
          %mul3A_2282 = arith.constant 64 : i32
          %mul3A_2283 = arith.muli %scan3A_2178, %mul3A_2282 : i32
          %add3A_2284 = vector.broadcast %mul3A_2283 : i32 to vector<16xi32>
          %add3A_2285 = arith.addi %add3A_2284, %add3A_2276 : vector<16xi32>
          %add3A_2286 = arith.constant 1 : i32
          %add3A_2287 = vector.broadcast %add3A_2286 : i32 to vector<16xi32>
          %add3A_2288 = arith.addi %add3A_2285, %add3A_2287 : vector<16xi32>
          %scatter3A_2289 = arith.constant 0 : i32
          %scatter3A_2290 = tpu.memref_slice %arg8[%scan3A_1666, %scatter3A_2289] : memref<2x1664xi32, #tpu.memory_space<vmem>> -> memref<1x1664xi32, #tpu.memory_space<vmem>>
          %scatter3A_2291 = tpu.memref_squeeze %scatter3A_2290 : memref<1x1664xi32, #tpu.memory_space<vmem>> -> memref<1664xi32, #tpu.memory_space<vmem>>
          tpu.vector_store_idx %scatter3A_2291[%add3A_2281], %add3A_2288 : memref<1664xi32, #tpu.memory_space<vmem>>[vector<16xi32>], vector<16xi32>,
          %scan3A_2292 = arith.constant 3 : i32
          %scan3A_2293 = arith.addi %scan3A_1951, %scan3A_2292 : i32
          %mul3A_2294 = arith.constant 100 : i32
          %mul3A_2295 = vector.broadcast %mul3A_2294 : i32 to vector<16xi32>
          %mul3A_2296 = arith.muli %iota3A, %mul3A_2295 : vector<16xi32>
          %add3A_2297 = vector.broadcast %scan3A_2293 : i32 to vector<16xi32>
          %add3A_2298 = arith.addi %mul3A_2296, %add3A_2297 : vector<16xi32>
          %gather3A_2299 = arith.constant 0 : i32
          %gather3A_2300 = tpu.memref_slice %arg7[%scan3A_1665, %gather3A_2299] : memref<2x1600xf32, #tpu.memory_space<vmem>> -> memref<1x1600xf32, #tpu.memory_space<vmem>>
          %gather3A_2301 = tpu.memref_squeeze %gather3A_2300 : memref<1x1600xf32, #tpu.memory_space<vmem>> -> memref<1600xf32, #tpu.memory_space<vmem>>
          %gather3A_2302 = tpu.vector_load_idx %gather3A_2301[%add3A_2298] : memref<1600xf32, #tpu.memory_space<vmem>>[vector<16xi32>], vector<16xf32>,
          %broadcast_in_dim3A_2303 = arith.constant 0 : i32
          %broadcast_in_dim3A_2304 = vector.broadcast %broadcast_in_dim3A_2303 : i32 to vector<16xi32>
          %mul3A_2305 = arith.constant 64 : i32
          %mul3A_2306 = arith.muli %scan3A_2293, %mul3A_2305 : i32
          %broadcast_in_dim3A_2307 = vector.broadcast %mul3A_2306 : i32 to vector<16xi32>
          %add3A_2308 = arith.constant 31 : i32
          %add3A_2309 = vector.broadcast %add3A_2308 : i32 to vector<16xi32>
          %add3A_2310 = arith.addi %broadcast_in_dim3A_2304, %add3A_2309 : vector<16xi32>
          %add3A_2311 = arith.addi %broadcast_in_dim3A_2307, %add3A_2310 : vector<16xi32>
          %gather3A_2312 = tpu.vector_load_idx %arg6[%add3A_2311] : memref<6400xf32, #tpu.memory_space<vmem>>[vector<16xi32>], vector<16xf32>,
          %lt3A_2313 = arith.cmpf olt, %gather3A_2312, %gather3A_2302 : vector<16xf32>
          %jit3A_2314 = arith.constant 32 : i32
          %jit3A_2315 = arith.constant 0 : i32
          %broadcast_in_dim3A_2316 = vector.broadcast %jit3A_2314 : i32 to vector<16xi32>
          %broadcast_in_dim3A_2317 = vector.broadcast %jit3A_2315 : i32 to vector<16xi32>
          %select_n3A_2318 = arith.select %lt3A_2313, %broadcast_in_dim3A_2316, %broadcast_in_dim3A_2317 : vector<16xi1>, vector<16xi32>
          %add3A_2319 = arith.addi %broadcast_in_dim3A_2304, %select_n3A_2318 : vector<16xi32>
          %add3A_2320 = arith.constant 15 : i32
          %add3A_2321 = vector.broadcast %add3A_2320 : i32 to vector<16xi32>
          %add3A_2322 = arith.addi %add3A_2319, %add3A_2321 : vector<16xi32>
          %add3A_2323 = arith.addi %broadcast_in_dim3A_2307, %add3A_2322 : vector<16xi32>
          %gather3A_2324 = tpu.vector_load_idx %arg6[%add3A_2323] : memref<6400xf32, #tpu.memory_space<vmem>>[vector<16xi32>], vector<16xf32>,
          %lt3A_2325 = arith.cmpf olt, %gather3A_2324, %gather3A_2302 : vector<16xf32>
          %jit3A_2326 = arith.constant 16 : i32
          %jit3A_2327 = arith.constant 0 : i32
          %broadcast_in_dim3A_2328 = vector.broadcast %jit3A_2326 : i32 to vector<16xi32>
          %broadcast_in_dim3A_2329 = vector.broadcast %jit3A_2327 : i32 to vector<16xi32>
          %select_n3A_2330 = arith.select %lt3A_2325, %broadcast_in_dim3A_2328, %broadcast_in_dim3A_2329 : vector<16xi1>, vector<16xi32>
          %add3A_2331 = arith.addi %add3A_2319, %select_n3A_2330 : vector<16xi32>
          %add3A_2332 = arith.constant 7 : i32
          %add3A_2333 = vector.broadcast %add3A_2332 : i32 to vector<16xi32>
          %add3A_2334 = arith.addi %add3A_2331, %add3A_2333 : vector<16xi32>
          %add3A_2335 = arith.addi %broadcast_in_dim3A_2307, %add3A_2334 : vector<16xi32>
          %gather3A_2336 = tpu.vector_load_idx %arg6[%add3A_2335] : memref<6400xf32, #tpu.memory_space<vmem>>[vector<16xi32>], vector<16xf32>,
          %lt3A_2337 = arith.cmpf olt, %gather3A_2336, %gather3A_2302 : vector<16xf32>
          %jit3A_2338 = arith.constant 8 : i32
          %jit3A_2339 = arith.constant 0 : i32
          %broadcast_in_dim3A_2340 = vector.broadcast %jit3A_2338 : i32 to vector<16xi32>
          %broadcast_in_dim3A_2341 = vector.broadcast %jit3A_2339 : i32 to vector<16xi32>
          %select_n3A_2342 = arith.select %lt3A_2337, %broadcast_in_dim3A_2340, %broadcast_in_dim3A_2341 : vector<16xi1>, vector<16xi32>
          %add3A_2343 = arith.addi %add3A_2331, %select_n3A_2342 : vector<16xi32>
          %add3A_2344 = arith.constant 3 : i32
          %add3A_2345 = vector.broadcast %add3A_2344 : i32 to vector<16xi32>
          %add3A_2346 = arith.addi %add3A_2343, %add3A_2345 : vector<16xi32>
          %add3A_2347 = arith.addi %broadcast_in_dim3A_2307, %add3A_2346 : vector<16xi32>
          %gather3A_2348 = tpu.vector_load_idx %arg6[%add3A_2347] : memref<6400xf32, #tpu.memory_space<vmem>>[vector<16xi32>], vector<16xf32>,
          %lt3A_2349 = arith.cmpf olt, %gather3A_2348, %gather3A_2302 : vector<16xf32>
          %jit3A_2350 = arith.constant 4 : i32
          %jit3A_2351 = arith.constant 0 : i32
          %broadcast_in_dim3A_2352 = vector.broadcast %jit3A_2350 : i32 to vector<16xi32>
          %broadcast_in_dim3A_2353 = vector.broadcast %jit3A_2351 : i32 to vector<16xi32>
          %select_n3A_2354 = arith.select %lt3A_2349, %broadcast_in_dim3A_2352, %broadcast_in_dim3A_2353 : vector<16xi1>, vector<16xi32>
          %add3A_2355 = arith.addi %add3A_2343, %select_n3A_2354 : vector<16xi32>
          %add3A_2356 = arith.constant 1 : i32
          %add3A_2357 = vector.broadcast %add3A_2356 : i32 to vector<16xi32>
          %add3A_2358 = arith.addi %add3A_2355, %add3A_2357 : vector<16xi32>
          %add3A_2359 = arith.addi %broadcast_in_dim3A_2307, %add3A_2358 : vector<16xi32>
          %gather3A_2360 = tpu.vector_load_idx %arg6[%add3A_2359] : memref<6400xf32, #tpu.memory_space<vmem>>[vector<16xi32>], vector<16xf32>,
          %lt3A_2361 = arith.cmpf olt, %gather3A_2360, %gather3A_2302 : vector<16xf32>
          %jit3A_2362 = arith.constant 2 : i32
          %jit3A_2363 = arith.constant 0 : i32
          %broadcast_in_dim3A_2364 = vector.broadcast %jit3A_2362 : i32 to vector<16xi32>
          %broadcast_in_dim3A_2365 = vector.broadcast %jit3A_2363 : i32 to vector<16xi32>
          %select_n3A_2366 = arith.select %lt3A_2361, %broadcast_in_dim3A_2364, %broadcast_in_dim3A_2365 : vector<16xi1>, vector<16xi32>
          %add3A_2367 = arith.addi %add3A_2355, %select_n3A_2366 : vector<16xi32>
          %add3A_2368 = arith.constant 0 : i32
          %add3A_2369 = vector.broadcast %add3A_2368 : i32 to vector<16xi32>
          %add3A_2370 = arith.addi %add3A_2367, %add3A_2369 : vector<16xi32>
          %add3A_2371 = arith.addi %broadcast_in_dim3A_2307, %add3A_2370 : vector<16xi32>
          %gather3A_2372 = tpu.vector_load_idx %arg6[%add3A_2371] : memref<6400xf32, #tpu.memory_space<vmem>>[vector<16xi32>], vector<16xf32>,
          %lt3A_2373 = arith.cmpf olt, %gather3A_2372, %gather3A_2302 : vector<16xf32>
          %jit3A_2374 = arith.constant 1 : i32
          %jit3A_2375 = arith.constant 0 : i32
          %broadcast_in_dim3A_2376 = vector.broadcast %jit3A_2374 : i32 to vector<16xi32>
          %broadcast_in_dim3A_2377 = vector.broadcast %jit3A_2375 : i32 to vector<16xi32>
          %select_n3A_2378 = arith.select %lt3A_2373, %broadcast_in_dim3A_2376, %broadcast_in_dim3A_2377 : vector<16xi1>, vector<16xi32>
          %add3A_2379 = arith.addi %add3A_2367, %select_n3A_2378 : vector<16xi32>
          %add3A_2380 = arith.constant 0 : i32
          %add3A_2381 = vector.broadcast %add3A_2380 : i32 to vector<16xi32>
          %add3A_2382 = arith.addi %add3A_2379, %add3A_2381 : vector<16xi32>
          %add3A_2383 = arith.addi %broadcast_in_dim3A_2307, %add3A_2382 : vector<16xi32>
          %gather3A_2384 = tpu.vector_load_idx %arg6[%add3A_2383] : memref<6400xf32, #tpu.memory_space<vmem>>[vector<16xi32>], vector<16xf32>,
          %lt3A_2385 = arith.cmpf olt, %gather3A_2384, %gather3A_2302 : vector<16xf32>
          %jit3A_2386 = arith.constant 1 : i32
          %jit3A_2387 = arith.constant 0 : i32
          %broadcast_in_dim3A_2388 = vector.broadcast %jit3A_2386 : i32 to vector<16xi32>
          %broadcast_in_dim3A_2389 = vector.broadcast %jit3A_2387 : i32 to vector<16xi32>
          %select_n3A_2390 = arith.select %lt3A_2385, %broadcast_in_dim3A_2388, %broadcast_in_dim3A_2389 : vector<16xi1>, vector<16xi32>
          %add3A_2391 = arith.addi %add3A_2379, %select_n3A_2390 : vector<16xi32>
          %mul3A_2392 = arith.constant 104 : i32
          %mul3A_2393 = vector.broadcast %mul3A_2392 : i32 to vector<16xi32>
          %mul3A_2394 = arith.muli %iota3A, %mul3A_2393 : vector<16xi32>
          %add3A_2395 = vector.broadcast %scan3A_2293 : i32 to vector<16xi32>
          %add3A_2396 = arith.addi %mul3A_2394, %add3A_2395 : vector<16xi32>
          %mul3A_2397 = arith.constant 64 : i32
          %mul3A_2398 = arith.muli %scan3A_2293, %mul3A_2397 : i32
          %add3A_2399 = vector.broadcast %mul3A_2398 : i32 to vector<16xi32>
          %add3A_2400 = arith.addi %add3A_2399, %add3A_2391 : vector<16xi32>
          %add3A_2401 = arith.constant 1 : i32
          %add3A_2402 = vector.broadcast %add3A_2401 : i32 to vector<16xi32>
          %add3A_2403 = arith.addi %add3A_2400, %add3A_2402 : vector<16xi32>
          %scatter3A_2404 = arith.constant 0 : i32
          %scatter3A_2405 = tpu.memref_slice %arg8[%scan3A_1666, %scatter3A_2404] : memref<2x1664xi32, #tpu.memory_space<vmem>> -> memref<1x1664xi32, #tpu.memory_space<vmem>>
          %scatter3A_2406 = tpu.memref_squeeze %scatter3A_2405 : memref<1x1664xi32, #tpu.memory_space<vmem>> -> memref<1664xi32, #tpu.memory_space<vmem>>
          tpu.vector_store_idx %scatter3A_2406[%add3A_2396], %add3A_2403 : memref<1664xi32, #tpu.memory_space<vmem>>[vector<16xi32>], vector<16xi32>,
        }
        %scan3A_1671 = arith.constant 100 : i32
        %add3A_1672 = arith.constant 2 : i32
        %add3A_1673 = arith.addi %add3A_1649, %add3A_1672 : i32
        %lt3A_1674 = arith.constant 32 : i32
        %lt3A_1675 = arith.cmpi slt, %add3A_1673, %lt3A_1674 : i32
        %convert_element_type3A_1676 = arith.extui %lt3A_1675 : i1 to i32
        %cond3A_1677 = arith.constant 0 : i32
        %cond3A_1678 = arith.cmpi ne, %convert_element_type3A_1676, %cond3A_1677 : i32
        scf.if %cond3A_1678 {
          %add3A_1951 = arith.constant 2 : i32
          %add3A_1952 = arith.addi %add3A_1649, %add3A_1951 : i32
          %mul3A_1953 = arith.constant 16 : i32
          %mul3A_1954 = arith.muli %add3A_1952, %mul3A_1953 : i32
          %add3A_1955 = arith.addi %mul3A_2, %mul3A_1954 : i32
          %mul3A_1956 = arith.constant 100 : i32
          %mul3A_1957 = arith.muli %add3A_1955, %mul3A_1956 : i32
          %dma_start3A_1958 = arith.constant 0 : i32
          %dma_start3A_1959 = arith.constant 0 : i32
          %dma_start3A_1960 = arith.constant 0 : i32
          %dma_start3A_1961 = tpu.memref_slice %arg7[%dma_start3A_1958, %dma_start3A_1960] : memref<2x1600xf32, #tpu.memory_space<vmem>> -> memref<1x1600xf32, #tpu.memory_space<vmem>>
          %dma_start3A_1962 = tpu.memref_squeeze %dma_start3A_1961 : memref<1x1600xf32, #tpu.memory_space<vmem>> -> memref<1600xf32, #tpu.memory_space<vmem>>
          %dma_start3A_1963 = tpu.memref_slice %arg2[%mul3A_1957] : memref<1638400xf32, #tpu.memory_space<hbm>> -> memref<1600xf32, #tpu.memory_space<hbm>>
          %dma_start3A_1964 = tpu.memref_slice %arg11[%dma_start3A_1959] : memref<2x!tpu.dma_semaphore, #tpu.memory_space<semaphore_mem>> -> memref<1x!tpu.dma_semaphore, #tpu.memory_space<semaphore_mem>>
          %dma_start3A_1965 = tpu.memref_squeeze %dma_start3A_1964 : memref<1x!tpu.dma_semaphore, #tpu.memory_space<semaphore_mem>> -> memref<!tpu.dma_semaphore, #tpu.memory_space<semaphore_mem>>
          %dma_start3A_1966 = arith.constant 0 : i32
          %dma_start3A_1967 = tpu.memref_slice %arg7[%dma_start3A_1958, %dma_start3A_1966] : memref<2x1600xf32, #tpu.memory_space<vmem>> -> memref<1x1600xf32, #tpu.memory_space<vmem>>
          %dma_start3A_1968 = tpu.memref_squeeze %dma_start3A_1967 : memref<1x1600xf32, #tpu.memory_space<vmem>> -> memref<1600xf32, #tpu.memory_space<vmem>>
          %dma_start3A_1969 = tpu.memref_slice %arg2[%mul3A_1957] : memref<1638400xf32, #tpu.memory_space<hbm>> -> memref<1600xf32, #tpu.memory_space<hbm>>
          tpu.enqueue_dma source(%dma_start3A_1969 : memref<1600xf32, #tpu.memory_space<hbm>>) target(%dma_start3A_1968 : memref<1600xf32, #tpu.memory_space<vmem>>) target_semaphore(%dma_start3A_1965 : memref<!tpu.dma_semaphore, #tpu.memory_space<semaphore_mem>>)
        } else {
        }
        %dma_start3A_1679 = arith.constant 0 : i32
        %dma_start3A_1680 = arith.constant 0 : i32
        %dma_start3A_1681 = arith.constant 0 : i32
        %dma_start3A_1682 = arith.constant 0 : i32
        %dma_start3A_1683 = arith.constant 0 : i32
        %dma_start3A_1684 = tpu.memref_slice %arg9[%dma_start3A_1680, %dma_start3A_1682, %dma_start3A_1683] : memref<2x1600x32xbf16, #tpu.memory_space<vmem>> -> memref<1x100x32xbf16, #tpu.memory_space<vmem>>
        %dma_start3A_1685 = tpu.memref_squeeze %dma_start3A_1684 : memref<1x100x32xbf16, #tpu.memory_space<vmem>> -> memref<100x32xbf16, #tpu.memory_space<vmem>>
        %dma_start3A_1686 = arith.constant 0 : i32
        %dma_start3A_1687 = tpu.memref_slice %arg8[%dma_start3A_1679, %dma_start3A_1686] : memref<2x1664xi32, #tpu.memory_space<vmem>> -> memref<1x1664xi32, #tpu.memory_space<vmem>>
        %dma_start3A_1688 = tpu.memref_squeeze %dma_start3A_1687 : memref<1x1664xi32, #tpu.memory_space<vmem>> -> memref<1664xi32, #tpu.memory_space<vmem>>
        %dma_start3A_1689 = arith.constant 0 : i32
        %dma_start3A_1690 = tpu.memref_slice %dma_start3A_1688[%dma_start3A_1689] : memref<1664xi32, #tpu.memory_space<vmem>> -> memref<100xi32, #tpu.memory_space<vmem>>
        %dma_start3A_1691 = arith.constant 0 : i32
        %dma_start3A_1692 = arith.constant 0 : i32
        %dma_start3A_1693 = tpu.memref_slice %arg4[%dma_start3A_1691, %dma_start3A_1692] : memref<6402x32xbf16, #tpu.memory_space<hbm>> -> memref<6402x32xbf16, #tpu.memory_space<hbm>>
        %dma_start3A_1694 = tpu.memref_slice %arg12[%dma_start3A_1681] : memref<2x!tpu.dma_semaphore, #tpu.memory_space<semaphore_mem>> -> memref<1x!tpu.dma_semaphore, #tpu.memory_space<semaphore_mem>>
        %dma_start3A_1695 = tpu.memref_squeeze %dma_start3A_1694 : memref<1x!tpu.dma_semaphore, #tpu.memory_space<semaphore_mem>> -> memref<!tpu.dma_semaphore, #tpu.memory_space<semaphore_mem>>
        tpu.enqueue_indirect_dma source(%dma_start3A_1693 : memref<6402x32xbf16, #tpu.memory_space<hbm>>) target(%dma_start3A_1685 : memref<100x32xbf16, #tpu.memory_space<vmem>>) offsets(%dma_start3A_1690 : memref<100xi32, #tpu.memory_space<vmem>>) semaphore(%dma_start3A_1695 : memref<!tpu.dma_semaphore, #tpu.memory_space<semaphore_mem>>)
        %dma_start3A_1696 = arith.constant 0 : i32
        %dma_start3A_1697 = arith.constant 0 : i32
        %dma_start3A_1698 = arith.constant 0 : i32
        %dma_start3A_1699 = arith.constant 100 : i32
        %dma_start3A_1700 = arith.constant 0 : i32
        %dma_start3A_1701 = tpu.memref_slice %arg9[%dma_start3A_1697, %dma_start3A_1699, %dma_start3A_1700] : memref<2x1600x32xbf16, #tpu.memory_space<vmem>> -> memref<1x100x32xbf16, #tpu.memory_space<vmem>>
        %dma_start3A_1702 = tpu.memref_squeeze %dma_start3A_1701 : memref<1x100x32xbf16, #tpu.memory_space<vmem>> -> memref<100x32xbf16, #tpu.memory_space<vmem>>
        %dma_start3A_1703 = arith.constant 0 : i32
        %dma_start3A_1704 = tpu.memref_slice %arg8[%dma_start3A_1696, %dma_start3A_1703] : memref<2x1664xi32, #tpu.memory_space<vmem>> -> memref<1x1664xi32, #tpu.memory_space<vmem>>
        %dma_start3A_1705 = tpu.memref_squeeze %dma_start3A_1704 : memref<1x1664xi32, #tpu.memory_space<vmem>> -> memref<1664xi32, #tpu.memory_space<vmem>>
        %dma_start3A_1706 = arith.constant 104 : i32
        %dma_start3A_1707 = tpu.memref_slice %dma_start3A_1705[%dma_start3A_1706] : memref<1664xi32, #tpu.memory_space<vmem>> -> memref<100xi32, #tpu.memory_space<vmem>>
        %dma_start3A_1708 = arith.constant 0 : i32
        %dma_start3A_1709 = arith.constant 0 : i32
        %dma_start3A_1710 = tpu.memref_slice %arg4[%dma_start3A_1708, %dma_start3A_1709] : memref<6402x32xbf16, #tpu.memory_space<hbm>> -> memref<6402x32xbf16, #tpu.memory_space<hbm>>
        %dma_start3A_1711 = tpu.memref_slice %arg12[%dma_start3A_1698] : memref<2x!tpu.dma_semaphore, #tpu.memory_space<semaphore_mem>> -> memref<1x!tpu.dma_semaphore, #tpu.memory_space<semaphore_mem>>
        %dma_start3A_1712 = tpu.memref_squeeze %dma_start3A_1711 : memref<1x!tpu.dma_semaphore, #tpu.memory_space<semaphore_mem>> -> memref<!tpu.dma_semaphore, #tpu.memory_space<semaphore_mem>>
        tpu.enqueue_indirect_dma source(%dma_start3A_1710 : memref<6402x32xbf16, #tpu.memory_space<hbm>>) target(%dma_start3A_1702 : memref<100x32xbf16, #tpu.memory_space<vmem>>) offsets(%dma_start3A_1707 : memref<100xi32, #tpu.memory_space<vmem>>) semaphore(%dma_start3A_1712 : memref<!tpu.dma_semaphore, #tpu.memory_space<semaphore_mem>>)
        %dma_start3A_1713 = arith.constant 0 : i32
        %dma_start3A_1714 = arith.constant 0 : i32
        %dma_start3A_1715 = arith.constant 0 : i32
        %dma_start3A_1716 = arith.constant 200 : i32
        %dma_start3A_1717 = arith.constant 0 : i32
        %dma_start3A_1718 = tpu.memref_slice %arg9[%dma_start3A_1714, %dma_start3A_1716, %dma_start3A_1717] : memref<2x1600x32xbf16, #tpu.memory_space<vmem>> -> memref<1x100x32xbf16, #tpu.memory_space<vmem>>
        %dma_start3A_1719 = tpu.memref_squeeze %dma_start3A_1718 : memref<1x100x32xbf16, #tpu.memory_space<vmem>> -> memref<100x32xbf16, #tpu.memory_space<vmem>>
        %dma_start3A_1720 = arith.constant 0 : i32
        %dma_start3A_1721 = tpu.memref_slice %arg8[%dma_start3A_1713, %dma_start3A_1720] : memref<2x1664xi32, #tpu.memory_space<vmem>> -> memref<1x1664xi32, #tpu.memory_space<vmem>>
        %dma_start3A_1722 = tpu.memref_squeeze %dma_start3A_1721 : memref<1x1664xi32, #tpu.memory_space<vmem>> -> memref<1664xi32, #tpu.memory_space<vmem>>
        %dma_start3A_1723 = arith.constant 208 : i32
        %dma_start3A_1724 = tpu.memref_slice %dma_start3A_1722[%dma_start3A_1723] : memref<1664xi32, #tpu.memory_space<vmem>> -> memref<100xi32, #tpu.memory_space<vmem>>
        %dma_start3A_1725 = arith.constant 0 : i32
        %dma_start3A_1726 = arith.constant 0 : i32
        %dma_start3A_1727 = tpu.memref_slice %arg4[%dma_start3A_1725, %dma_start3A_1726] : memref<6402x32xbf16, #tpu.memory_space<hbm>> -> memref<6402x32xbf16, #tpu.memory_space<hbm>>
        %dma_start3A_1728 = tpu.memref_slice %arg12[%dma_start3A_1715] : memref<2x!tpu.dma_semaphore, #tpu.memory_space<semaphore_mem>> -> memref<1x!tpu.dma_semaphore, #tpu.memory_space<semaphore_mem>>
        %dma_start3A_1729 = tpu.memref_squeeze %dma_start3A_1728 : memref<1x!tpu.dma_semaphore, #tpu.memory_space<semaphore_mem>> -> memref<!tpu.dma_semaphore, #tpu.memory_space<semaphore_mem>>
        tpu.enqueue_indirect_dma source(%dma_start3A_1727 : memref<6402x32xbf16, #tpu.memory_space<hbm>>) target(%dma_start3A_1719 : memref<100x32xbf16, #tpu.memory_space<vmem>>) offsets(%dma_start3A_1724 : memref<100xi32, #tpu.memory_space<vmem>>) semaphore(%dma_start3A_1729 : memref<!tpu.dma_semaphore, #tpu.memory_space<semaphore_mem>>)
        %dma_start3A_1730 = arith.constant 0 : i32
        %dma_start3A_1731 = arith.constant 0 : i32
        %dma_start3A_1732 = arith.constant 0 : i32
        %dma_start3A_1733 = arith.constant 300 : i32
        %dma_start3A_1734 = arith.constant 0 : i32
        %dma_start3A_1735 = tpu.memref_slice %arg9[%dma_start3A_1731, %dma_start3A_1733, %dma_start3A_1734] : memref<2x1600x32xbf16, #tpu.memory_space<vmem>> -> memref<1x100x32xbf16, #tpu.memory_space<vmem>>
        %dma_start3A_1736 = tpu.memref_squeeze %dma_start3A_1735 : memref<1x100x32xbf16, #tpu.memory_space<vmem>> -> memref<100x32xbf16, #tpu.memory_space<vmem>>
        %dma_start3A_1737 = arith.constant 0 : i32
        %dma_start3A_1738 = tpu.memref_slice %arg8[%dma_start3A_1730, %dma_start3A_1737] : memref<2x1664xi32, #tpu.memory_space<vmem>> -> memref<1x1664xi32, #tpu.memory_space<vmem>>
        %dma_start3A_1739 = tpu.memref_squeeze %dma_start3A_1738 : memref<1x1664xi32, #tpu.memory_space<vmem>> -> memref<1664xi32, #tpu.memory_space<vmem>>
        %dma_start3A_1740 = arith.constant 312 : i32
        %dma_start3A_1741 = tpu.memref_slice %dma_start3A_1739[%dma_start3A_1740] : memref<1664xi32, #tpu.memory_space<vmem>> -> memref<100xi32, #tpu.memory_space<vmem>>
        %dma_start3A_1742 = arith.constant 0 : i32
        %dma_start3A_1743 = arith.constant 0 : i32
        %dma_start3A_1744 = tpu.memref_slice %arg4[%dma_start3A_1742, %dma_start3A_1743] : memref<6402x32xbf16, #tpu.memory_space<hbm>> -> memref<6402x32xbf16, #tpu.memory_space<hbm>>
        %dma_start3A_1745 = tpu.memref_slice %arg12[%dma_start3A_1732] : memref<2x!tpu.dma_semaphore, #tpu.memory_space<semaphore_mem>> -> memref<1x!tpu.dma_semaphore, #tpu.memory_space<semaphore_mem>>
        %dma_start3A_1746 = tpu.memref_squeeze %dma_start3A_1745 : memref<1x!tpu.dma_semaphore, #tpu.memory_space<semaphore_mem>> -> memref<!tpu.dma_semaphore, #tpu.memory_space<semaphore_mem>>
        tpu.enqueue_indirect_dma source(%dma_start3A_1744 : memref<6402x32xbf16, #tpu.memory_space<hbm>>) target(%dma_start3A_1736 : memref<100x32xbf16, #tpu.memory_space<vmem>>) offsets(%dma_start3A_1741 : memref<100xi32, #tpu.memory_space<vmem>>) semaphore(%dma_start3A_1746 : memref<!tpu.dma_semaphore, #tpu.memory_space<semaphore_mem>>)
        %dma_start3A_1747 = arith.constant 0 : i32
        %dma_start3A_1748 = arith.constant 0 : i32
        %dma_start3A_1749 = arith.constant 0 : i32
        %dma_start3A_1750 = arith.constant 400 : i32
        %dma_start3A_1751 = arith.constant 0 : i32
        %dma_start3A_1752 = tpu.memref_slice %arg9[%dma_start3A_1748, %dma_start3A_1750, %dma_start3A_1751] : memref<2x1600x32xbf16, #tpu.memory_space<vmem>> -> memref<1x100x32xbf16, #tpu.memory_space<vmem>>
        %dma_start3A_1753 = tpu.memref_squeeze %dma_start3A_1752 : memref<1x100x32xbf16, #tpu.memory_space<vmem>> -> memref<100x32xbf16, #tpu.memory_space<vmem>>
        %dma_start3A_1754 = arith.constant 0 : i32
        %dma_start3A_1755 = tpu.memref_slice %arg8[%dma_start3A_1747, %dma_start3A_1754] : memref<2x1664xi32, #tpu.memory_space<vmem>> -> memref<1x1664xi32, #tpu.memory_space<vmem>>
        %dma_start3A_1756 = tpu.memref_squeeze %dma_start3A_1755 : memref<1x1664xi32, #tpu.memory_space<vmem>> -> memref<1664xi32, #tpu.memory_space<vmem>>
        %dma_start3A_1757 = arith.constant 416 : i32
        %dma_start3A_1758 = tpu.memref_slice %dma_start3A_1756[%dma_start3A_1757] : memref<1664xi32, #tpu.memory_space<vmem>> -> memref<100xi32, #tpu.memory_space<vmem>>
        %dma_start3A_1759 = arith.constant 0 : i32
        %dma_start3A_1760 = arith.constant 0 : i32
        %dma_start3A_1761 = tpu.memref_slice %arg4[%dma_start3A_1759, %dma_start3A_1760] : memref<6402x32xbf16, #tpu.memory_space<hbm>> -> memref<6402x32xbf16, #tpu.memory_space<hbm>>
        %dma_start3A_1762 = tpu.memref_slice %arg12[%dma_start3A_1749] : memref<2x!tpu.dma_semaphore, #tpu.memory_space<semaphore_mem>> -> memref<1x!tpu.dma_semaphore, #tpu.memory_space<semaphore_mem>>
        %dma_start3A_1763 = tpu.memref_squeeze %dma_start3A_1762 : memref<1x!tpu.dma_semaphore, #tpu.memory_space<semaphore_mem>> -> memref<!tpu.dma_semaphore, #tpu.memory_space<semaphore_mem>>
        tpu.enqueue_indirect_dma source(%dma_start3A_1761 : memref<6402x32xbf16, #tpu.memory_space<hbm>>) target(%dma_start3A_1753 : memref<100x32xbf16, #tpu.memory_space<vmem>>) offsets(%dma_start3A_1758 : memref<100xi32, #tpu.memory_space<vmem>>) semaphore(%dma_start3A_1763 : memref<!tpu.dma_semaphore, #tpu.memory_space<semaphore_mem>>)
        %dma_start3A_1764 = arith.constant 0 : i32
        %dma_start3A_1765 = arith.constant 0 : i32
        %dma_start3A_1766 = arith.constant 0 : i32
        %dma_start3A_1767 = arith.constant 500 : i32
        %dma_start3A_1768 = arith.constant 0 : i32
        %dma_start3A_1769 = tpu.memref_slice %arg9[%dma_start3A_1765, %dma_start3A_1767, %dma_start3A_1768] : memref<2x1600x32xbf16, #tpu.memory_space<vmem>> -> memref<1x100x32xbf16, #tpu.memory_space<vmem>>
        %dma_start3A_1770 = tpu.memref_squeeze %dma_start3A_1769 : memref<1x100x32xbf16, #tpu.memory_space<vmem>> -> memref<100x32xbf16, #tpu.memory_space<vmem>>
        %dma_start3A_1771 = arith.constant 0 : i32
        %dma_start3A_1772 = tpu.memref_slice %arg8[%dma_start3A_1764, %dma_start3A_1771] : memref<2x1664xi32, #tpu.memory_space<vmem>> -> memref<1x1664xi32, #tpu.memory_space<vmem>>
        %dma_start3A_1773 = tpu.memref_squeeze %dma_start3A_1772 : memref<1x1664xi32, #tpu.memory_space<vmem>> -> memref<1664xi32, #tpu.memory_space<vmem>>
        %dma_start3A_1774 = arith.constant 520 : i32
        %dma_start3A_1775 = tpu.memref_slice %dma_start3A_1773[%dma_start3A_1774] : memref<1664xi32, #tpu.memory_space<vmem>> -> memref<100xi32, #tpu.memory_space<vmem>>
        %dma_start3A_1776 = arith.constant 0 : i32
        %dma_start3A_1777 = arith.constant 0 : i32
        %dma_start3A_1778 = tpu.memref_slice %arg4[%dma_start3A_1776, %dma_start3A_1777] : memref<6402x32xbf16, #tpu.memory_space<hbm>> -> memref<6402x32xbf16, #tpu.memory_space<hbm>>
        %dma_start3A_1779 = tpu.memref_slice %arg12[%dma_start3A_1766] : memref<2x!tpu.dma_semaphore, #tpu.memory_space<semaphore_mem>> -> memref<1x!tpu.dma_semaphore, #tpu.memory_space<semaphore_mem>>
        %dma_start3A_1780 = tpu.memref_squeeze %dma_start3A_1779 : memref<1x!tpu.dma_semaphore, #tpu.memory_space<semaphore_mem>> -> memref<!tpu.dma_semaphore, #tpu.memory_space<semaphore_mem>>
        tpu.enqueue_indirect_dma source(%dma_start3A_1778 : memref<6402x32xbf16, #tpu.memory_space<hbm>>) target(%dma_start3A_1770 : memref<100x32xbf16, #tpu.memory_space<vmem>>) offsets(%dma_start3A_1775 : memref<100xi32, #tpu.memory_space<vmem>>) semaphore(%dma_start3A_1780 : memref<!tpu.dma_semaphore, #tpu.memory_space<semaphore_mem>>)
        %dma_start3A_1781 = arith.constant 0 : i32
        %dma_start3A_1782 = arith.constant 0 : i32
        %dma_start3A_1783 = arith.constant 0 : i32
        %dma_start3A_1784 = arith.constant 600 : i32
        %dma_start3A_1785 = arith.constant 0 : i32
        %dma_start3A_1786 = tpu.memref_slice %arg9[%dma_start3A_1782, %dma_start3A_1784, %dma_start3A_1785] : memref<2x1600x32xbf16, #tpu.memory_space<vmem>> -> memref<1x100x32xbf16, #tpu.memory_space<vmem>>
        %dma_start3A_1787 = tpu.memref_squeeze %dma_start3A_1786 : memref<1x100x32xbf16, #tpu.memory_space<vmem>> -> memref<100x32xbf16, #tpu.memory_space<vmem>>
        %dma_start3A_1788 = arith.constant 0 : i32
        %dma_start3A_1789 = tpu.memref_slice %arg8[%dma_start3A_1781, %dma_start3A_1788] : memref<2x1664xi32, #tpu.memory_space<vmem>> -> memref<1x1664xi32, #tpu.memory_space<vmem>>
        %dma_start3A_1790 = tpu.memref_squeeze %dma_start3A_1789 : memref<1x1664xi32, #tpu.memory_space<vmem>> -> memref<1664xi32, #tpu.memory_space<vmem>>
        %dma_start3A_1791 = arith.constant 624 : i32
        %dma_start3A_1792 = tpu.memref_slice %dma_start3A_1790[%dma_start3A_1791] : memref<1664xi32, #tpu.memory_space<vmem>> -> memref<100xi32, #tpu.memory_space<vmem>>
        %dma_start3A_1793 = arith.constant 0 : i32
        %dma_start3A_1794 = arith.constant 0 : i32
        %dma_start3A_1795 = tpu.memref_slice %arg4[%dma_start3A_1793, %dma_start3A_1794] : memref<6402x32xbf16, #tpu.memory_space<hbm>> -> memref<6402x32xbf16, #tpu.memory_space<hbm>>
        %dma_start3A_1796 = tpu.memref_slice %arg12[%dma_start3A_1783] : memref<2x!tpu.dma_semaphore, #tpu.memory_space<semaphore_mem>> -> memref<1x!tpu.dma_semaphore, #tpu.memory_space<semaphore_mem>>
        %dma_start3A_1797 = tpu.memref_squeeze %dma_start3A_1796 : memref<1x!tpu.dma_semaphore, #tpu.memory_space<semaphore_mem>> -> memref<!tpu.dma_semaphore, #tpu.memory_space<semaphore_mem>>
        tpu.enqueue_indirect_dma source(%dma_start3A_1795 : memref<6402x32xbf16, #tpu.memory_space<hbm>>) target(%dma_start3A_1787 : memref<100x32xbf16, #tpu.memory_space<vmem>>) offsets(%dma_start3A_1792 : memref<100xi32, #tpu.memory_space<vmem>>) semaphore(%dma_start3A_1797 : memref<!tpu.dma_semaphore, #tpu.memory_space<semaphore_mem>>)
        %dma_start3A_1798 = arith.constant 0 : i32
        %dma_start3A_1799 = arith.constant 0 : i32
        %dma_start3A_1800 = arith.constant 0 : i32
        %dma_start3A_1801 = arith.constant 700 : i32
        %dma_start3A_1802 = arith.constant 0 : i32
        %dma_start3A_1803 = tpu.memref_slice %arg9[%dma_start3A_1799, %dma_start3A_1801, %dma_start3A_1802] : memref<2x1600x32xbf16, #tpu.memory_space<vmem>> -> memref<1x100x32xbf16, #tpu.memory_space<vmem>>
        %dma_start3A_1804 = tpu.memref_squeeze %dma_start3A_1803 : memref<1x100x32xbf16, #tpu.memory_space<vmem>> -> memref<100x32xbf16, #tpu.memory_space<vmem>>
        %dma_start3A_1805 = arith.constant 0 : i32
        %dma_start3A_1806 = tpu.memref_slice %arg8[%dma_start3A_1798, %dma_start3A_1805] : memref<2x1664xi32, #tpu.memory_space<vmem>> -> memref<1x1664xi32, #tpu.memory_space<vmem>>
        %dma_start3A_1807 = tpu.memref_squeeze %dma_start3A_1806 : memref<1x1664xi32, #tpu.memory_space<vmem>> -> memref<1664xi32, #tpu.memory_space<vmem>>
        %dma_start3A_1808 = arith.constant 728 : i32
        %dma_start3A_1809 = tpu.memref_slice %dma_start3A_1807[%dma_start3A_1808] : memref<1664xi32, #tpu.memory_space<vmem>> -> memref<100xi32, #tpu.memory_space<vmem>>
        %dma_start3A_1810 = arith.constant 0 : i32
        %dma_start3A_1811 = arith.constant 0 : i32
        %dma_start3A_1812 = tpu.memref_slice %arg4[%dma_start3A_1810, %dma_start3A_1811] : memref<6402x32xbf16, #tpu.memory_space<hbm>> -> memref<6402x32xbf16, #tpu.memory_space<hbm>>
        %dma_start3A_1813 = tpu.memref_slice %arg12[%dma_start3A_1800] : memref<2x!tpu.dma_semaphore, #tpu.memory_space<semaphore_mem>> -> memref<1x!tpu.dma_semaphore, #tpu.memory_space<semaphore_mem>>
        %dma_start3A_1814 = tpu.memref_squeeze %dma_start3A_1813 : memref<1x!tpu.dma_semaphore, #tpu.memory_space<semaphore_mem>> -> memref<!tpu.dma_semaphore, #tpu.memory_space<semaphore_mem>>
        tpu.enqueue_indirect_dma source(%dma_start3A_1812 : memref<6402x32xbf16, #tpu.memory_space<hbm>>) target(%dma_start3A_1804 : memref<100x32xbf16, #tpu.memory_space<vmem>>) offsets(%dma_start3A_1809 : memref<100xi32, #tpu.memory_space<vmem>>) semaphore(%dma_start3A_1814 : memref<!tpu.dma_semaphore, #tpu.memory_space<semaphore_mem>>)
        %dma_start3A_1815 = arith.constant 0 : i32
        %dma_start3A_1816 = arith.constant 0 : i32
        %dma_start3A_1817 = arith.constant 0 : i32
        %dma_start3A_1818 = arith.constant 800 : i32
        %dma_start3A_1819 = arith.constant 0 : i32
        %dma_start3A_1820 = tpu.memref_slice %arg9[%dma_start3A_1816, %dma_start3A_1818, %dma_start3A_1819] : memref<2x1600x32xbf16, #tpu.memory_space<vmem>> -> memref<1x100x32xbf16, #tpu.memory_space<vmem>>
        %dma_start3A_1821 = tpu.memref_squeeze %dma_start3A_1820 : memref<1x100x32xbf16, #tpu.memory_space<vmem>> -> memref<100x32xbf16, #tpu.memory_space<vmem>>
        %dma_start3A_1822 = arith.constant 0 : i32
        %dma_start3A_1823 = tpu.memref_slice %arg8[%dma_start3A_1815, %dma_start3A_1822] : memref<2x1664xi32, #tpu.memory_space<vmem>> -> memref<1x1664xi32, #tpu.memory_space<vmem>>
        %dma_start3A_1824 = tpu.memref_squeeze %dma_start3A_1823 : memref<1x1664xi32, #tpu.memory_space<vmem>> -> memref<1664xi32, #tpu.memory_space<vmem>>
        %dma_start3A_1825 = arith.constant 832 : i32
        %dma_start3A_1826 = tpu.memref_slice %dma_start3A_1824[%dma_start3A_1825] : memref<1664xi32, #tpu.memory_space<vmem>> -> memref<100xi32, #tpu.memory_space<vmem>>
        %dma_start3A_1827 = arith.constant 0 : i32
        %dma_start3A_1828 = arith.constant 0 : i32
        %dma_start3A_1829 = tpu.memref_slice %arg4[%dma_start3A_1827, %dma_start3A_1828] : memref<6402x32xbf16, #tpu.memory_space<hbm>> -> memref<6402x32xbf16, #tpu.memory_space<hbm>>
        %dma_start3A_1830 = tpu.memref_slice %arg12[%dma_start3A_1817] : memref<2x!tpu.dma_semaphore, #tpu.memory_space<semaphore_mem>> -> memref<1x!tpu.dma_semaphore, #tpu.memory_space<semaphore_mem>>
        %dma_start3A_1831 = tpu.memref_squeeze %dma_start3A_1830 : memref<1x!tpu.dma_semaphore, #tpu.memory_space<semaphore_mem>> -> memref<!tpu.dma_semaphore, #tpu.memory_space<semaphore_mem>>
        tpu.enqueue_indirect_dma source(%dma_start3A_1829 : memref<6402x32xbf16, #tpu.memory_space<hbm>>) target(%dma_start3A_1821 : memref<100x32xbf16, #tpu.memory_space<vmem>>) offsets(%dma_start3A_1826 : memref<100xi32, #tpu.memory_space<vmem>>) semaphore(%dma_start3A_1831 : memref<!tpu.dma_semaphore, #tpu.memory_space<semaphore_mem>>)
        %dma_start3A_1832 = arith.constant 0 : i32
        %dma_start3A_1833 = arith.constant 0 : i32
        %dma_start3A_1834 = arith.constant 0 : i32
        %dma_start3A_1835 = arith.constant 900 : i32
        %dma_start3A_1836 = arith.constant 0 : i32
        %dma_start3A_1837 = tpu.memref_slice %arg9[%dma_start3A_1833, %dma_start3A_1835, %dma_start3A_1836] : memref<2x1600x32xbf16, #tpu.memory_space<vmem>> -> memref<1x100x32xbf16, #tpu.memory_space<vmem>>
        %dma_start3A_1838 = tpu.memref_squeeze %dma_start3A_1837 : memref<1x100x32xbf16, #tpu.memory_space<vmem>> -> memref<100x32xbf16, #tpu.memory_space<vmem>>
        %dma_start3A_1839 = arith.constant 0 : i32
        %dma_start3A_1840 = tpu.memref_slice %arg8[%dma_start3A_1832, %dma_start3A_1839] : memref<2x1664xi32, #tpu.memory_space<vmem>> -> memref<1x1664xi32, #tpu.memory_space<vmem>>
        %dma_start3A_1841 = tpu.memref_squeeze %dma_start3A_1840 : memref<1x1664xi32, #tpu.memory_space<vmem>> -> memref<1664xi32, #tpu.memory_space<vmem>>
        %dma_start3A_1842 = arith.constant 936 : i32
        %dma_start3A_1843 = tpu.memref_slice %dma_start3A_1841[%dma_start3A_1842] : memref<1664xi32, #tpu.memory_space<vmem>> -> memref<100xi32, #tpu.memory_space<vmem>>
        %dma_start3A_1844 = arith.constant 0 : i32
        %dma_start3A_1845 = arith.constant 0 : i32
        %dma_start3A_1846 = tpu.memref_slice %arg4[%dma_start3A_1844, %dma_start3A_1845] : memref<6402x32xbf16, #tpu.memory_space<hbm>> -> memref<6402x32xbf16, #tpu.memory_space<hbm>>
        %dma_start3A_1847 = tpu.memref_slice %arg12[%dma_start3A_1834] : memref<2x!tpu.dma_semaphore, #tpu.memory_space<semaphore_mem>> -> memref<1x!tpu.dma_semaphore, #tpu.memory_space<semaphore_mem>>
        %dma_start3A_1848 = tpu.memref_squeeze %dma_start3A_1847 : memref<1x!tpu.dma_semaphore, #tpu.memory_space<semaphore_mem>> -> memref<!tpu.dma_semaphore, #tpu.memory_space<semaphore_mem>>
        tpu.enqueue_indirect_dma source(%dma_start3A_1846 : memref<6402x32xbf16, #tpu.memory_space<hbm>>) target(%dma_start3A_1838 : memref<100x32xbf16, #tpu.memory_space<vmem>>) offsets(%dma_start3A_1843 : memref<100xi32, #tpu.memory_space<vmem>>) semaphore(%dma_start3A_1848 : memref<!tpu.dma_semaphore, #tpu.memory_space<semaphore_mem>>)
        %dma_start3A_1849 = arith.constant 0 : i32
        %dma_start3A_1850 = arith.constant 0 : i32
        %dma_start3A_1851 = arith.constant 0 : i32
        %dma_start3A_1852 = arith.constant 1000 : i32
        %dma_start3A_1853 = arith.constant 0 : i32
        %dma_start3A_1854 = tpu.memref_slice %arg9[%dma_start3A_1850, %dma_start3A_1852, %dma_start3A_1853] : memref<2x1600x32xbf16, #tpu.memory_space<vmem>> -> memref<1x100x32xbf16, #tpu.memory_space<vmem>>
        %dma_start3A_1855 = tpu.memref_squeeze %dma_start3A_1854 : memref<1x100x32xbf16, #tpu.memory_space<vmem>> -> memref<100x32xbf16, #tpu.memory_space<vmem>>
        %dma_start3A_1856 = arith.constant 0 : i32
        %dma_start3A_1857 = tpu.memref_slice %arg8[%dma_start3A_1849, %dma_start3A_1856] : memref<2x1664xi32, #tpu.memory_space<vmem>> -> memref<1x1664xi32, #tpu.memory_space<vmem>>
        %dma_start3A_1858 = tpu.memref_squeeze %dma_start3A_1857 : memref<1x1664xi32, #tpu.memory_space<vmem>> -> memref<1664xi32, #tpu.memory_space<vmem>>
        %dma_start3A_1859 = arith.constant 1040 : i32
        %dma_start3A_1860 = tpu.memref_slice %dma_start3A_1858[%dma_start3A_1859] : memref<1664xi32, #tpu.memory_space<vmem>> -> memref<100xi32, #tpu.memory_space<vmem>>
        %dma_start3A_1861 = arith.constant 0 : i32
        %dma_start3A_1862 = arith.constant 0 : i32
        %dma_start3A_1863 = tpu.memref_slice %arg4[%dma_start3A_1861, %dma_start3A_1862] : memref<6402x32xbf16, #tpu.memory_space<hbm>> -> memref<6402x32xbf16, #tpu.memory_space<hbm>>
        %dma_start3A_1864 = tpu.memref_slice %arg12[%dma_start3A_1851] : memref<2x!tpu.dma_semaphore, #tpu.memory_space<semaphore_mem>> -> memref<1x!tpu.dma_semaphore, #tpu.memory_space<semaphore_mem>>
        %dma_start3A_1865 = tpu.memref_squeeze %dma_start3A_1864 : memref<1x!tpu.dma_semaphore, #tpu.memory_space<semaphore_mem>> -> memref<!tpu.dma_semaphore, #tpu.memory_space<semaphore_mem>>
        tpu.enqueue_indirect_dma source(%dma_start3A_1863 : memref<6402x32xbf16, #tpu.memory_space<hbm>>) target(%dma_start3A_1855 : memref<100x32xbf16, #tpu.memory_space<vmem>>) offsets(%dma_start3A_1860 : memref<100xi32, #tpu.memory_space<vmem>>) semaphore(%dma_start3A_1865 : memref<!tpu.dma_semaphore, #tpu.memory_space<semaphore_mem>>)
        %dma_start3A_1866 = arith.constant 0 : i32
        %dma_start3A_1867 = arith.constant 0 : i32
        %dma_start3A_1868 = arith.constant 0 : i32
        %dma_start3A_1869 = arith.constant 1100 : i32
        %dma_start3A_1870 = arith.constant 0 : i32
        %dma_start3A_1871 = tpu.memref_slice %arg9[%dma_start3A_1867, %dma_start3A_1869, %dma_start3A_1870] : memref<2x1600x32xbf16, #tpu.memory_space<vmem>> -> memref<1x100x32xbf16, #tpu.memory_space<vmem>>
        %dma_start3A_1872 = tpu.memref_squeeze %dma_start3A_1871 : memref<1x100x32xbf16, #tpu.memory_space<vmem>> -> memref<100x32xbf16, #tpu.memory_space<vmem>>
        %dma_start3A_1873 = arith.constant 0 : i32
        %dma_start3A_1874 = tpu.memref_slice %arg8[%dma_start3A_1866, %dma_start3A_1873] : memref<2x1664xi32, #tpu.memory_space<vmem>> -> memref<1x1664xi32, #tpu.memory_space<vmem>>
        %dma_start3A_1875 = tpu.memref_squeeze %dma_start3A_1874 : memref<1x1664xi32, #tpu.memory_space<vmem>> -> memref<1664xi32, #tpu.memory_space<vmem>>
        %dma_start3A_1876 = arith.constant 1144 : i32
        %dma_start3A_1877 = tpu.memref_slice %dma_start3A_1875[%dma_start3A_1876] : memref<1664xi32, #tpu.memory_space<vmem>> -> memref<100xi32, #tpu.memory_space<vmem>>
        %dma_start3A_1878 = arith.constant 0 : i32
        %dma_start3A_1879 = arith.constant 0 : i32
        %dma_start3A_1880 = tpu.memref_slice %arg4[%dma_start3A_1878, %dma_start3A_1879] : memref<6402x32xbf16, #tpu.memory_space<hbm>> -> memref<6402x32xbf16, #tpu.memory_space<hbm>>
        %dma_start3A_1881 = tpu.memref_slice %arg12[%dma_start3A_1868] : memref<2x!tpu.dma_semaphore, #tpu.memory_space<semaphore_mem>> -> memref<1x!tpu.dma_semaphore, #tpu.memory_space<semaphore_mem>>
        %dma_start3A_1882 = tpu.memref_squeeze %dma_start3A_1881 : memref<1x!tpu.dma_semaphore, #tpu.memory_space<semaphore_mem>> -> memref<!tpu.dma_semaphore, #tpu.memory_space<semaphore_mem>>
        tpu.enqueue_indirect_dma source(%dma_start3A_1880 : memref<6402x32xbf16, #tpu.memory_space<hbm>>) target(%dma_start3A_1872 : memref<100x32xbf16, #tpu.memory_space<vmem>>) offsets(%dma_start3A_1877 : memref<100xi32, #tpu.memory_space<vmem>>) semaphore(%dma_start3A_1882 : memref<!tpu.dma_semaphore, #tpu.memory_space<semaphore_mem>>)
        %dma_start3A_1883 = arith.constant 0 : i32
        %dma_start3A_1884 = arith.constant 0 : i32
        %dma_start3A_1885 = arith.constant 0 : i32
        %dma_start3A_1886 = arith.constant 1200 : i32
        %dma_start3A_1887 = arith.constant 0 : i32
        %dma_start3A_1888 = tpu.memref_slice %arg9[%dma_start3A_1884, %dma_start3A_1886, %dma_start3A_1887] : memref<2x1600x32xbf16, #tpu.memory_space<vmem>> -> memref<1x100x32xbf16, #tpu.memory_space<vmem>>
        %dma_start3A_1889 = tpu.memref_squeeze %dma_start3A_1888 : memref<1x100x32xbf16, #tpu.memory_space<vmem>> -> memref<100x32xbf16, #tpu.memory_space<vmem>>
        %dma_start3A_1890 = arith.constant 0 : i32
        %dma_start3A_1891 = tpu.memref_slice %arg8[%dma_start3A_1883, %dma_start3A_1890] : memref<2x1664xi32, #tpu.memory_space<vmem>> -> memref<1x1664xi32, #tpu.memory_space<vmem>>
        %dma_start3A_1892 = tpu.memref_squeeze %dma_start3A_1891 : memref<1x1664xi32, #tpu.memory_space<vmem>> -> memref<1664xi32, #tpu.memory_space<vmem>>
        %dma_start3A_1893 = arith.constant 1248 : i32
        %dma_start3A_1894 = tpu.memref_slice %dma_start3A_1892[%dma_start3A_1893] : memref<1664xi32, #tpu.memory_space<vmem>> -> memref<100xi32, #tpu.memory_space<vmem>>
        %dma_start3A_1895 = arith.constant 0 : i32
        %dma_start3A_1896 = arith.constant 0 : i32
        %dma_start3A_1897 = tpu.memref_slice %arg4[%dma_start3A_1895, %dma_start3A_1896] : memref<6402x32xbf16, #tpu.memory_space<hbm>> -> memref<6402x32xbf16, #tpu.memory_space<hbm>>
        %dma_start3A_1898 = tpu.memref_slice %arg12[%dma_start3A_1885] : memref<2x!tpu.dma_semaphore, #tpu.memory_space<semaphore_mem>> -> memref<1x!tpu.dma_semaphore, #tpu.memory_space<semaphore_mem>>
        %dma_start3A_1899 = tpu.memref_squeeze %dma_start3A_1898 : memref<1x!tpu.dma_semaphore, #tpu.memory_space<semaphore_mem>> -> memref<!tpu.dma_semaphore, #tpu.memory_space<semaphore_mem>>
        tpu.enqueue_indirect_dma source(%dma_start3A_1897 : memref<6402x32xbf16, #tpu.memory_space<hbm>>) target(%dma_start3A_1889 : memref<100x32xbf16, #tpu.memory_space<vmem>>) offsets(%dma_start3A_1894 : memref<100xi32, #tpu.memory_space<vmem>>) semaphore(%dma_start3A_1899 : memref<!tpu.dma_semaphore, #tpu.memory_space<semaphore_mem>>)
        %dma_start3A_1900 = arith.constant 0 : i32
        %dma_start3A_1901 = arith.constant 0 : i32
        %dma_start3A_1902 = arith.constant 0 : i32
        %dma_start3A_1903 = arith.constant 1300 : i32
        %dma_start3A_1904 = arith.constant 0 : i32
        %dma_start3A_1905 = tpu.memref_slice %arg9[%dma_start3A_1901, %dma_start3A_1903, %dma_start3A_1904] : memref<2x1600x32xbf16, #tpu.memory_space<vmem>> -> memref<1x100x32xbf16, #tpu.memory_space<vmem>>
        %dma_start3A_1906 = tpu.memref_squeeze %dma_start3A_1905 : memref<1x100x32xbf16, #tpu.memory_space<vmem>> -> memref<100x32xbf16, #tpu.memory_space<vmem>>
        %dma_start3A_1907 = arith.constant 0 : i32
        %dma_start3A_1908 = tpu.memref_slice %arg8[%dma_start3A_1900, %dma_start3A_1907] : memref<2x1664xi32, #tpu.memory_space<vmem>> -> memref<1x1664xi32, #tpu.memory_space<vmem>>
        %dma_start3A_1909 = tpu.memref_squeeze %dma_start3A_1908 : memref<1x1664xi32, #tpu.memory_space<vmem>> -> memref<1664xi32, #tpu.memory_space<vmem>>
        %dma_start3A_1910 = arith.constant 1352 : i32
        %dma_start3A_1911 = tpu.memref_slice %dma_start3A_1909[%dma_start3A_1910] : memref<1664xi32, #tpu.memory_space<vmem>> -> memref<100xi32, #tpu.memory_space<vmem>>
        %dma_start3A_1912 = arith.constant 0 : i32
        %dma_start3A_1913 = arith.constant 0 : i32
        %dma_start3A_1914 = tpu.memref_slice %arg4[%dma_start3A_1912, %dma_start3A_1913] : memref<6402x32xbf16, #tpu.memory_space<hbm>> -> memref<6402x32xbf16, #tpu.memory_space<hbm>>
        %dma_start3A_1915 = tpu.memref_slice %arg12[%dma_start3A_1902] : memref<2x!tpu.dma_semaphore, #tpu.memory_space<semaphore_mem>> -> memref<1x!tpu.dma_semaphore, #tpu.memory_space<semaphore_mem>>
        %dma_start3A_1916 = tpu.memref_squeeze %dma_start3A_1915 : memref<1x!tpu.dma_semaphore, #tpu.memory_space<semaphore_mem>> -> memref<!tpu.dma_semaphore, #tpu.memory_space<semaphore_mem>>
        tpu.enqueue_indirect_dma source(%dma_start3A_1914 : memref<6402x32xbf16, #tpu.memory_space<hbm>>) target(%dma_start3A_1906 : memref<100x32xbf16, #tpu.memory_space<vmem>>) offsets(%dma_start3A_1911 : memref<100xi32, #tpu.memory_space<vmem>>) semaphore(%dma_start3A_1916 : memref<!tpu.dma_semaphore, #tpu.memory_space<semaphore_mem>>)
        %dma_start3A_1917 = arith.constant 0 : i32
        %dma_start3A_1918 = arith.constant 0 : i32
        %dma_start3A_1919 = arith.constant 0 : i32
        %dma_start3A_1920 = arith.constant 1400 : i32
        %dma_start3A_1921 = arith.constant 0 : i32
        %dma_start3A_1922 = tpu.memref_slice %arg9[%dma_start3A_1918, %dma_start3A_1920, %dma_start3A_1921] : memref<2x1600x32xbf16, #tpu.memory_space<vmem>> -> memref<1x100x32xbf16, #tpu.memory_space<vmem>>
        %dma_start3A_1923 = tpu.memref_squeeze %dma_start3A_1922 : memref<1x100x32xbf16, #tpu.memory_space<vmem>> -> memref<100x32xbf16, #tpu.memory_space<vmem>>
        %dma_start3A_1924 = arith.constant 0 : i32
        %dma_start3A_1925 = tpu.memref_slice %arg8[%dma_start3A_1917, %dma_start3A_1924] : memref<2x1664xi32, #tpu.memory_space<vmem>> -> memref<1x1664xi32, #tpu.memory_space<vmem>>
        %dma_start3A_1926 = tpu.memref_squeeze %dma_start3A_1925 : memref<1x1664xi32, #tpu.memory_space<vmem>> -> memref<1664xi32, #tpu.memory_space<vmem>>
        %dma_start3A_1927 = arith.constant 1456 : i32
        %dma_start3A_1928 = tpu.memref_slice %dma_start3A_1926[%dma_start3A_1927] : memref<1664xi32, #tpu.memory_space<vmem>> -> memref<100xi32, #tpu.memory_space<vmem>>
        %dma_start3A_1929 = arith.constant 0 : i32
        %dma_start3A_1930 = arith.constant 0 : i32
        %dma_start3A_1931 = tpu.memref_slice %arg4[%dma_start3A_1929, %dma_start3A_1930] : memref<6402x32xbf16, #tpu.memory_space<hbm>> -> memref<6402x32xbf16, #tpu.memory_space<hbm>>
        %dma_start3A_1932 = tpu.memref_slice %arg12[%dma_start3A_1919] : memref<2x!tpu.dma_semaphore, #tpu.memory_space<semaphore_mem>> -> memref<1x!tpu.dma_semaphore, #tpu.memory_space<semaphore_mem>>
        %dma_start3A_1933 = tpu.memref_squeeze %dma_start3A_1932 : memref<1x!tpu.dma_semaphore, #tpu.memory_space<semaphore_mem>> -> memref<!tpu.dma_semaphore, #tpu.memory_space<semaphore_mem>>
        tpu.enqueue_indirect_dma source(%dma_start3A_1931 : memref<6402x32xbf16, #tpu.memory_space<hbm>>) target(%dma_start3A_1923 : memref<100x32xbf16, #tpu.memory_space<vmem>>) offsets(%dma_start3A_1928 : memref<100xi32, #tpu.memory_space<vmem>>) semaphore(%dma_start3A_1933 : memref<!tpu.dma_semaphore, #tpu.memory_space<semaphore_mem>>)
        %dma_start3A_1934 = arith.constant 0 : i32
        %dma_start3A_1935 = arith.constant 0 : i32
        %dma_start3A_1936 = arith.constant 0 : i32
        %dma_start3A_1937 = arith.constant 1500 : i32
        %dma_start3A_1938 = arith.constant 0 : i32
        %dma_start3A_1939 = tpu.memref_slice %arg9[%dma_start3A_1935, %dma_start3A_1937, %dma_start3A_1938] : memref<2x1600x32xbf16, #tpu.memory_space<vmem>> -> memref<1x100x32xbf16, #tpu.memory_space<vmem>>
        %dma_start3A_1940 = tpu.memref_squeeze %dma_start3A_1939 : memref<1x100x32xbf16, #tpu.memory_space<vmem>> -> memref<100x32xbf16, #tpu.memory_space<vmem>>
        %dma_start3A_1941 = arith.constant 0 : i32
        %dma_start3A_1942 = tpu.memref_slice %arg8[%dma_start3A_1934, %dma_start3A_1941] : memref<2x1664xi32, #tpu.memory_space<vmem>> -> memref<1x1664xi32, #tpu.memory_space<vmem>>
        %dma_start3A_1943 = tpu.memref_squeeze %dma_start3A_1942 : memref<1x1664xi32, #tpu.memory_space<vmem>> -> memref<1664xi32, #tpu.memory_space<vmem>>
        %dma_start3A_1944 = arith.constant 1560 : i32
        %dma_start3A_1945 = tpu.memref_slice %dma_start3A_1943[%dma_start3A_1944] : memref<1664xi32, #tpu.memory_space<vmem>> -> memref<100xi32, #tpu.memory_space<vmem>>
        %dma_start3A_1946 = arith.constant 0 : i32
        %dma_start3A_1947 = arith.constant 0 : i32
        %dma_start3A_1948 = tpu.memref_slice %arg4[%dma_start3A_1946, %dma_start3A_1947] : memref<6402x32xbf16, #tpu.memory_space<hbm>> -> memref<6402x32xbf16, #tpu.memory_space<hbm>>
        %dma_start3A_1949 = tpu.memref_slice %arg12[%dma_start3A_1936] : memref<2x!tpu.dma_semaphore, #tpu.memory_space<semaphore_mem>> -> memref<1x!tpu.dma_semaphore, #tpu.memory_space<semaphore_mem>>
        %dma_start3A_1950 = tpu.memref_squeeze %dma_start3A_1949 : memref<1x!tpu.dma_semaphore, #tpu.memory_space<semaphore_mem>> -> memref<!tpu.dma_semaphore, #tpu.memory_space<semaphore_mem>>
        tpu.enqueue_indirect_dma source(%dma_start3A_1948 : memref<6402x32xbf16, #tpu.memory_space<hbm>>) target(%dma_start3A_1940 : memref<100x32xbf16, #tpu.memory_space<vmem>>) offsets(%dma_start3A_1945 : memref<100xi32, #tpu.memory_space<vmem>>) semaphore(%dma_start3A_1950 : memref<!tpu.dma_semaphore, #tpu.memory_space<semaphore_mem>>)
      } else {
      }
      %add3A_1165 = arith.constant 1 : i32
      %add3A_1166 = arith.addi %mul3A_379, %add3A_1165 : i32
      %dma_wait3A_1167 = arith.constant 1 : i32
      %dma_wait3A_1168 = arith.constant 1 : i32
      %dma_wait3A_1169 = arith.constant 0 : i32
      %dma_wait3A_1170 = arith.constant 0 : i32
      %dma_wait3A_1171 = tpu.memref_slice %arg9[%dma_wait3A_1167, %dma_wait3A_1169, %dma_wait3A_1170] : memref<2x1600x32xbf16, #tpu.memory_space<vmem>> -> memref<1x1600x32xbf16, #tpu.memory_space<vmem>>
      %dma_wait3A_1172 = tpu.memref_squeeze %dma_wait3A_1171 : memref<1x1600x32xbf16, #tpu.memory_space<vmem>> -> memref<1600x32xbf16, #tpu.memory_space<vmem>>
      %dma_wait3A_1173 = arith.constant 0 : i32
      %dma_wait3A_1174 = arith.constant 0 : i32
      %dma_wait3A_1175 = tpu.memref_slice %arg4[%dma_wait3A_1173, %dma_wait3A_1174] : memref<6402x32xbf16, #tpu.memory_space<hbm>> -> memref<1600x32xbf16, #tpu.memory_space<hbm>>
      %dma_wait3A_1176 = tpu.memref_slice %arg12[%dma_wait3A_1168] : memref<2x!tpu.dma_semaphore, #tpu.memory_space<semaphore_mem>> -> memref<1x!tpu.dma_semaphore, #tpu.memory_space<semaphore_mem>>
      %dma_wait3A_1177 = tpu.memref_squeeze %dma_wait3A_1176 : memref<1x!tpu.dma_semaphore, #tpu.memory_space<semaphore_mem>> -> memref<!tpu.dma_semaphore, #tpu.memory_space<semaphore_mem>>
      %dma_wait3A_1178 = arith.constant 0 : i32
      %dma_wait3A_1179 = arith.constant 0 : i32
      %dma_wait3A_1180 = tpu.memref_slice %arg9[%dma_wait3A_1167, %dma_wait3A_1178, %dma_wait3A_1179] : memref<2x1600x32xbf16, #tpu.memory_space<vmem>> -> memref<1x1600x32xbf16, #tpu.memory_space<vmem>>
      %dma_wait3A_1181 = tpu.memref_squeeze %dma_wait3A_1180 : memref<1x1600x32xbf16, #tpu.memory_space<vmem>> -> memref<1600x32xbf16, #tpu.memory_space<vmem>>
      %dma_wait3A_1182 = arith.constant 0 : i32
      %dma_wait3A_1183 = arith.constant 0 : i32
      %dma_wait3A_1184 = tpu.memref_slice %arg4[%dma_wait3A_1182, %dma_wait3A_1183] : memref<6402x32xbf16, #tpu.memory_space<hbm>> -> memref<1600x32xbf16, #tpu.memory_space<hbm>>
      tpu.wait_dma2 semaphore(%dma_wait3A_1177 : memref<!tpu.dma_semaphore, #tpu.memory_space<semaphore_mem>>) src(%dma_wait3A_1184 : memref<1600x32xbf16, #tpu.memory_space<hbm>>) dst(%dma_wait3A_1181 : memref<1600x32xbf16, #tpu.memory_space<vmem>>)
      %broadcast_in_dim3A_1185 = arith.constant 0.000000e+00 : f32
      %broadcast_in_dim3A_1186 = vector.broadcast %broadcast_in_dim3A_1185 : f32 to vector<16xf32>
      %scan3A_1187 = arith.constant 1 : i32
      %scan3A_1188 = arith.constant 0 : i32
      %scan3A_1189 = arith.constant 100 : i32
      %scan3A_1190 = arith.addi %scan3A_1188, %scan3A_1189 : i32
      %scan3A_1191 = arith.constant 2 : i32
      %scan3A_1192:32 = scf.for %scan3A_1648 = %scan3A_1188 to %scan3A_1190 step %scan3A_1191 iter_args(%scan3A_1649 = %broadcast_in_dim3A_1186, %scan3A_1650 = %broadcast_in_dim3A_1186, %scan3A_1651 = %broadcast_in_dim3A_1186, %scan3A_1652 = %broadcast_in_dim3A_1186, %scan3A_1653 = %broadcast_in_dim3A_1186, %scan3A_1654 = %broadcast_in_dim3A_1186, %scan3A_1655 = %broadcast_in_dim3A_1186, %scan3A_1656 = %broadcast_in_dim3A_1186, %scan3A_1657 = %broadcast_in_dim3A_1186, %scan3A_1658 = %broadcast_in_dim3A_1186, %scan3A_1659 = %broadcast_in_dim3A_1186, %scan3A_1660 = %broadcast_in_dim3A_1186, %scan3A_1661 = %broadcast_in_dim3A_1186, %scan3A_1662 = %broadcast_in_dim3A_1186, %scan3A_1663 = %broadcast_in_dim3A_1186, %scan3A_1664 = %broadcast_in_dim3A_1186, %scan3A_1665 = %broadcast_in_dim3A_1186, %scan3A_1666 = %broadcast_in_dim3A_1186, %scan3A_1667 = %broadcast_in_dim3A_1186, %scan3A_1668 = %broadcast_in_dim3A_1186, %scan3A_1669 = %broadcast_in_dim3A_1186, %scan3A_1670 = %broadcast_in_dim3A_1186, %scan3A_1671 = %broadcast_in_dim3A_1186, %scan3A_1672 = %broadcast_in_dim3A_1186, %scan3A_1673 = %broadcast_in_dim3A_1186, %scan3A_1674 = %broadcast_in_dim3A_1186, %scan3A_1675 = %broadcast_in_dim3A_1186, %scan3A_1676 = %broadcast_in_dim3A_1186, %scan3A_1677 = %broadcast_in_dim3A_1186, %scan3A_1678 = %broadcast_in_dim3A_1186, %scan3A_1679 = %broadcast_in_dim3A_1186, %scan3A_1680 = %broadcast_in_dim3A_1186) -> (vector<16xf32>, vector<16xf32>, vector<16xf32>, vector<16xf32>, vector<16xf32>, vector<16xf32>, vector<16xf32>, vector<16xf32>, vector<16xf32>, vector<16xf32>, vector<16xf32>, vector<16xf32>, vector<16xf32>, vector<16xf32>, vector<16xf32>, vector<16xf32>, vector<16xf32>, vector<16xf32>, vector<16xf32>, vector<16xf32>, vector<16xf32>, vector<16xf32>, vector<16xf32>, vector<16xf32>, vector<16xf32>, vector<16xf32>, vector<16xf32>, vector<16xf32>, vector<16xf32>, vector<16xf32>, vector<16xf32>, vector<16xf32>)  : i32 {
        %add3A_1681 = arith.constant 0 : i32
        %add3A_1682 = arith.addi %add3A_1681, %scan3A_1648 : i32
        %get3A = arith.constant 0 : i32
        %get3A_1683 = arith.constant 0 : i32
        %get3A_1684 = tpu.memref_slice %arg9[%scan3A_1187, %get3A, %get3A_1683] : memref<2x1600x32xbf16, #tpu.memory_space<vmem>> -> memref<1x1600x32xbf16, #tpu.memory_space<vmem>>
        %get3A_1685 = tpu.memref_squeeze %get3A_1684 : memref<1x1600x32xbf16, #tpu.memory_space<vmem>> -> memref<1600x32xbf16, #tpu.memory_space<vmem>>
        %get3A_1686 = arith.index_cast %add3A_1682 : i32 to index
        %get3A_1687 = arith.constant 0 : index
        %get3A_1688 = tpu.vector_load %get3A_1685[%get3A_1686, %get3A_1687] {strides = array<i32>} : memref<1600x32xbf16, #tpu.memory_space<vmem>>, vector<32xbf16>,
        %unpack3A = tpu.unpack_subelements %get3A_1688, 0 {pack_format = #tpu.pack_format<interleaved>} : vector<32xbf16> -> vector<16xf32>
        %unpack3A_1689 = tpu.unpack_subelements %get3A_1688, 1 {pack_format = #tpu.pack_format<interleaved>} : vector<32xbf16> -> vector<16xf32>
        %add3A_1690 = arith.addf %scan3A_1649, %unpack3A : vector<16xf32>
        %add3A_1691 = arith.addf %scan3A_1650, %unpack3A_1689 : vector<16xf32>
        %add3A_1692 = arith.constant 100 : i32
        %add3A_1693 = arith.addi %add3A_1692, %scan3A_1648 : i32
        %get3A_1694 = arith.constant 0 : i32
        %get3A_1695 = arith.constant 0 : i32
        %get3A_1696 = tpu.memref_slice %arg9[%scan3A_1187, %get3A_1694, %get3A_1695] : memref<2x1600x32xbf16, #tpu.memory_space<vmem>> -> memref<1x1600x32xbf16, #tpu.memory_space<vmem>>
        %get3A_1697 = tpu.memref_squeeze %get3A_1696 : memref<1x1600x32xbf16, #tpu.memory_space<vmem>> -> memref<1600x32xbf16, #tpu.memory_space<vmem>>
        %get3A_1698 = arith.index_cast %add3A_1693 : i32 to index
        %get3A_1699 = arith.constant 0 : index
        %get3A_1700 = tpu.vector_load %get3A_1697[%get3A_1698, %get3A_1699] {strides = array<i32>} : memref<1600x32xbf16, #tpu.memory_space<vmem>>, vector<32xbf16>,
        %unpack3A_1701 = tpu.unpack_subelements %get3A_1700, 0 {pack_format = #tpu.pack_format<interleaved>} : vector<32xbf16> -> vector<16xf32>
        %unpack3A_1702 = tpu.unpack_subelements %get3A_1700, 1 {pack_format = #tpu.pack_format<interleaved>} : vector<32xbf16> -> vector<16xf32>
        %add3A_1703 = arith.addf %scan3A_1651, %unpack3A_1701 : vector<16xf32>
        %add3A_1704 = arith.addf %scan3A_1652, %unpack3A_1702 : vector<16xf32>
        %add3A_1705 = arith.constant 200 : i32
        %add3A_1706 = arith.addi %add3A_1705, %scan3A_1648 : i32
        %get3A_1707 = arith.constant 0 : i32
        %get3A_1708 = arith.constant 0 : i32
        %get3A_1709 = tpu.memref_slice %arg9[%scan3A_1187, %get3A_1707, %get3A_1708] : memref<2x1600x32xbf16, #tpu.memory_space<vmem>> -> memref<1x1600x32xbf16, #tpu.memory_space<vmem>>
        %get3A_1710 = tpu.memref_squeeze %get3A_1709 : memref<1x1600x32xbf16, #tpu.memory_space<vmem>> -> memref<1600x32xbf16, #tpu.memory_space<vmem>>
        %get3A_1711 = arith.index_cast %add3A_1706 : i32 to index
        %get3A_1712 = arith.constant 0 : index
        %get3A_1713 = tpu.vector_load %get3A_1710[%get3A_1711, %get3A_1712] {strides = array<i32>} : memref<1600x32xbf16, #tpu.memory_space<vmem>>, vector<32xbf16>,
        %unpack3A_1714 = tpu.unpack_subelements %get3A_1713, 0 {pack_format = #tpu.pack_format<interleaved>} : vector<32xbf16> -> vector<16xf32>
        %unpack3A_1715 = tpu.unpack_subelements %get3A_1713, 1 {pack_format = #tpu.pack_format<interleaved>} : vector<32xbf16> -> vector<16xf32>
        %add3A_1716 = arith.addf %scan3A_1653, %unpack3A_1714 : vector<16xf32>
        %add3A_1717 = arith.addf %scan3A_1654, %unpack3A_1715 : vector<16xf32>
        %add3A_1718 = arith.constant 300 : i32
        %add3A_1719 = arith.addi %add3A_1718, %scan3A_1648 : i32
        %get3A_1720 = arith.constant 0 : i32
        %get3A_1721 = arith.constant 0 : i32
        %get3A_1722 = tpu.memref_slice %arg9[%scan3A_1187, %get3A_1720, %get3A_1721] : memref<2x1600x32xbf16, #tpu.memory_space<vmem>> -> memref<1x1600x32xbf16, #tpu.memory_space<vmem>>
        %get3A_1723 = tpu.memref_squeeze %get3A_1722 : memref<1x1600x32xbf16, #tpu.memory_space<vmem>> -> memref<1600x32xbf16, #tpu.memory_space<vmem>>
        %get3A_1724 = arith.index_cast %add3A_1719 : i32 to index
        %get3A_1725 = arith.constant 0 : index
        %get3A_1726 = tpu.vector_load %get3A_1723[%get3A_1724, %get3A_1725] {strides = array<i32>} : memref<1600x32xbf16, #tpu.memory_space<vmem>>, vector<32xbf16>,
        %unpack3A_1727 = tpu.unpack_subelements %get3A_1726, 0 {pack_format = #tpu.pack_format<interleaved>} : vector<32xbf16> -> vector<16xf32>
        %unpack3A_1728 = tpu.unpack_subelements %get3A_1726, 1 {pack_format = #tpu.pack_format<interleaved>} : vector<32xbf16> -> vector<16xf32>
        %add3A_1729 = arith.addf %scan3A_1655, %unpack3A_1727 : vector<16xf32>
        %add3A_1730 = arith.addf %scan3A_1656, %unpack3A_1728 : vector<16xf32>
        %add3A_1731 = arith.constant 400 : i32
        %add3A_1732 = arith.addi %add3A_1731, %scan3A_1648 : i32
        %get3A_1733 = arith.constant 0 : i32
        %get3A_1734 = arith.constant 0 : i32
        %get3A_1735 = tpu.memref_slice %arg9[%scan3A_1187, %get3A_1733, %get3A_1734] : memref<2x1600x32xbf16, #tpu.memory_space<vmem>> -> memref<1x1600x32xbf16, #tpu.memory_space<vmem>>
        %get3A_1736 = tpu.memref_squeeze %get3A_1735 : memref<1x1600x32xbf16, #tpu.memory_space<vmem>> -> memref<1600x32xbf16, #tpu.memory_space<vmem>>
        %get3A_1737 = arith.index_cast %add3A_1732 : i32 to index
        %get3A_1738 = arith.constant 0 : index
        %get3A_1739 = tpu.vector_load %get3A_1736[%get3A_1737, %get3A_1738] {strides = array<i32>} : memref<1600x32xbf16, #tpu.memory_space<vmem>>, vector<32xbf16>,
        %unpack3A_1740 = tpu.unpack_subelements %get3A_1739, 0 {pack_format = #tpu.pack_format<interleaved>} : vector<32xbf16> -> vector<16xf32>
        %unpack3A_1741 = tpu.unpack_subelements %get3A_1739, 1 {pack_format = #tpu.pack_format<interleaved>} : vector<32xbf16> -> vector<16xf32>
        %add3A_1742 = arith.addf %scan3A_1657, %unpack3A_1740 : vector<16xf32>
        %add3A_1743 = arith.addf %scan3A_1658, %unpack3A_1741 : vector<16xf32>
        %add3A_1744 = arith.constant 500 : i32
        %add3A_1745 = arith.addi %add3A_1744, %scan3A_1648 : i32
        %get3A_1746 = arith.constant 0 : i32
        %get3A_1747 = arith.constant 0 : i32
        %get3A_1748 = tpu.memref_slice %arg9[%scan3A_1187, %get3A_1746, %get3A_1747] : memref<2x1600x32xbf16, #tpu.memory_space<vmem>> -> memref<1x1600x32xbf16, #tpu.memory_space<vmem>>
        %get3A_1749 = tpu.memref_squeeze %get3A_1748 : memref<1x1600x32xbf16, #tpu.memory_space<vmem>> -> memref<1600x32xbf16, #tpu.memory_space<vmem>>
        %get3A_1750 = arith.index_cast %add3A_1745 : i32 to index
        %get3A_1751 = arith.constant 0 : index
        %get3A_1752 = tpu.vector_load %get3A_1749[%get3A_1750, %get3A_1751] {strides = array<i32>} : memref<1600x32xbf16, #tpu.memory_space<vmem>>, vector<32xbf16>,
        %unpack3A_1753 = tpu.unpack_subelements %get3A_1752, 0 {pack_format = #tpu.pack_format<interleaved>} : vector<32xbf16> -> vector<16xf32>
        %unpack3A_1754 = tpu.unpack_subelements %get3A_1752, 1 {pack_format = #tpu.pack_format<interleaved>} : vector<32xbf16> -> vector<16xf32>
        %add3A_1755 = arith.addf %scan3A_1659, %unpack3A_1753 : vector<16xf32>
        %add3A_1756 = arith.addf %scan3A_1660, %unpack3A_1754 : vector<16xf32>
        %add3A_1757 = arith.constant 600 : i32
        %add3A_1758 = arith.addi %add3A_1757, %scan3A_1648 : i32
        %get3A_1759 = arith.constant 0 : i32
        %get3A_1760 = arith.constant 0 : i32
        %get3A_1761 = tpu.memref_slice %arg9[%scan3A_1187, %get3A_1759, %get3A_1760] : memref<2x1600x32xbf16, #tpu.memory_space<vmem>> -> memref<1x1600x32xbf16, #tpu.memory_space<vmem>>
        %get3A_1762 = tpu.memref_squeeze %get3A_1761 : memref<1x1600x32xbf16, #tpu.memory_space<vmem>> -> memref<1600x32xbf16, #tpu.memory_space<vmem>>
        %get3A_1763 = arith.index_cast %add3A_1758 : i32 to index
        %get3A_1764 = arith.constant 0 : index
        %get3A_1765 = tpu.vector_load %get3A_1762[%get3A_1763, %get3A_1764] {strides = array<i32>} : memref<1600x32xbf16, #tpu.memory_space<vmem>>, vector<32xbf16>,
        %unpack3A_1766 = tpu.unpack_subelements %get3A_1765, 0 {pack_format = #tpu.pack_format<interleaved>} : vector<32xbf16> -> vector<16xf32>
        %unpack3A_1767 = tpu.unpack_subelements %get3A_1765, 1 {pack_format = #tpu.pack_format<interleaved>} : vector<32xbf16> -> vector<16xf32>
        %add3A_1768 = arith.addf %scan3A_1661, %unpack3A_1766 : vector<16xf32>
        %add3A_1769 = arith.addf %scan3A_1662, %unpack3A_1767 : vector<16xf32>
        %add3A_1770 = arith.constant 700 : i32
        %add3A_1771 = arith.addi %add3A_1770, %scan3A_1648 : i32
        %get3A_1772 = arith.constant 0 : i32
        %get3A_1773 = arith.constant 0 : i32
        %get3A_1774 = tpu.memref_slice %arg9[%scan3A_1187, %get3A_1772, %get3A_1773] : memref<2x1600x32xbf16, #tpu.memory_space<vmem>> -> memref<1x1600x32xbf16, #tpu.memory_space<vmem>>
        %get3A_1775 = tpu.memref_squeeze %get3A_1774 : memref<1x1600x32xbf16, #tpu.memory_space<vmem>> -> memref<1600x32xbf16, #tpu.memory_space<vmem>>
        %get3A_1776 = arith.index_cast %add3A_1771 : i32 to index
        %get3A_1777 = arith.constant 0 : index
        %get3A_1778 = tpu.vector_load %get3A_1775[%get3A_1776, %get3A_1777] {strides = array<i32>} : memref<1600x32xbf16, #tpu.memory_space<vmem>>, vector<32xbf16>,
        %unpack3A_1779 = tpu.unpack_subelements %get3A_1778, 0 {pack_format = #tpu.pack_format<interleaved>} : vector<32xbf16> -> vector<16xf32>
        %unpack3A_1780 = tpu.unpack_subelements %get3A_1778, 1 {pack_format = #tpu.pack_format<interleaved>} : vector<32xbf16> -> vector<16xf32>
        %add3A_1781 = arith.addf %scan3A_1663, %unpack3A_1779 : vector<16xf32>
        %add3A_1782 = arith.addf %scan3A_1664, %unpack3A_1780 : vector<16xf32>
        %add3A_1783 = arith.constant 800 : i32
        %add3A_1784 = arith.addi %add3A_1783, %scan3A_1648 : i32
        %get3A_1785 = arith.constant 0 : i32
        %get3A_1786 = arith.constant 0 : i32
        %get3A_1787 = tpu.memref_slice %arg9[%scan3A_1187, %get3A_1785, %get3A_1786] : memref<2x1600x32xbf16, #tpu.memory_space<vmem>> -> memref<1x1600x32xbf16, #tpu.memory_space<vmem>>
        %get3A_1788 = tpu.memref_squeeze %get3A_1787 : memref<1x1600x32xbf16, #tpu.memory_space<vmem>> -> memref<1600x32xbf16, #tpu.memory_space<vmem>>
        %get3A_1789 = arith.index_cast %add3A_1784 : i32 to index
        %get3A_1790 = arith.constant 0 : index
        %get3A_1791 = tpu.vector_load %get3A_1788[%get3A_1789, %get3A_1790] {strides = array<i32>} : memref<1600x32xbf16, #tpu.memory_space<vmem>>, vector<32xbf16>,
        %unpack3A_1792 = tpu.unpack_subelements %get3A_1791, 0 {pack_format = #tpu.pack_format<interleaved>} : vector<32xbf16> -> vector<16xf32>
        %unpack3A_1793 = tpu.unpack_subelements %get3A_1791, 1 {pack_format = #tpu.pack_format<interleaved>} : vector<32xbf16> -> vector<16xf32>
        %add3A_1794 = arith.addf %scan3A_1665, %unpack3A_1792 : vector<16xf32>
        %add3A_1795 = arith.addf %scan3A_1666, %unpack3A_1793 : vector<16xf32>
        %add3A_1796 = arith.constant 900 : i32
        %add3A_1797 = arith.addi %add3A_1796, %scan3A_1648 : i32
        %get3A_1798 = arith.constant 0 : i32
        %get3A_1799 = arith.constant 0 : i32
        %get3A_1800 = tpu.memref_slice %arg9[%scan3A_1187, %get3A_1798, %get3A_1799] : memref<2x1600x32xbf16, #tpu.memory_space<vmem>> -> memref<1x1600x32xbf16, #tpu.memory_space<vmem>>
        %get3A_1801 = tpu.memref_squeeze %get3A_1800 : memref<1x1600x32xbf16, #tpu.memory_space<vmem>> -> memref<1600x32xbf16, #tpu.memory_space<vmem>>
        %get3A_1802 = arith.index_cast %add3A_1797 : i32 to index
        %get3A_1803 = arith.constant 0 : index
        %get3A_1804 = tpu.vector_load %get3A_1801[%get3A_1802, %get3A_1803] {strides = array<i32>} : memref<1600x32xbf16, #tpu.memory_space<vmem>>, vector<32xbf16>,
        %unpack3A_1805 = tpu.unpack_subelements %get3A_1804, 0 {pack_format = #tpu.pack_format<interleaved>} : vector<32xbf16> -> vector<16xf32>
        %unpack3A_1806 = tpu.unpack_subelements %get3A_1804, 1 {pack_format = #tpu.pack_format<interleaved>} : vector<32xbf16> -> vector<16xf32>
        %add3A_1807 = arith.addf %scan3A_1667, %unpack3A_1805 : vector<16xf32>
        %add3A_1808 = arith.addf %scan3A_1668, %unpack3A_1806 : vector<16xf32>
        %add3A_1809 = arith.constant 1000 : i32
        %add3A_1810 = arith.addi %add3A_1809, %scan3A_1648 : i32
        %get3A_1811 = arith.constant 0 : i32
        %get3A_1812 = arith.constant 0 : i32
        %get3A_1813 = tpu.memref_slice %arg9[%scan3A_1187, %get3A_1811, %get3A_1812] : memref<2x1600x32xbf16, #tpu.memory_space<vmem>> -> memref<1x1600x32xbf16, #tpu.memory_space<vmem>>
        %get3A_1814 = tpu.memref_squeeze %get3A_1813 : memref<1x1600x32xbf16, #tpu.memory_space<vmem>> -> memref<1600x32xbf16, #tpu.memory_space<vmem>>
        %get3A_1815 = arith.index_cast %add3A_1810 : i32 to index
        %get3A_1816 = arith.constant 0 : index
        %get3A_1817 = tpu.vector_load %get3A_1814[%get3A_1815, %get3A_1816] {strides = array<i32>} : memref<1600x32xbf16, #tpu.memory_space<vmem>>, vector<32xbf16>,
        %unpack3A_1818 = tpu.unpack_subelements %get3A_1817, 0 {pack_format = #tpu.pack_format<interleaved>} : vector<32xbf16> -> vector<16xf32>
        %unpack3A_1819 = tpu.unpack_subelements %get3A_1817, 1 {pack_format = #tpu.pack_format<interleaved>} : vector<32xbf16> -> vector<16xf32>
        %add3A_1820 = arith.addf %scan3A_1669, %unpack3A_1818 : vector<16xf32>
        %add3A_1821 = arith.addf %scan3A_1670, %unpack3A_1819 : vector<16xf32>
        %add3A_1822 = arith.constant 1100 : i32
        %add3A_1823 = arith.addi %add3A_1822, %scan3A_1648 : i32
        %get3A_1824 = arith.constant 0 : i32
        %get3A_1825 = arith.constant 0 : i32
        %get3A_1826 = tpu.memref_slice %arg9[%scan3A_1187, %get3A_1824, %get3A_1825] : memref<2x1600x32xbf16, #tpu.memory_space<vmem>> -> memref<1x1600x32xbf16, #tpu.memory_space<vmem>>
        %get3A_1827 = tpu.memref_squeeze %get3A_1826 : memref<1x1600x32xbf16, #tpu.memory_space<vmem>> -> memref<1600x32xbf16, #tpu.memory_space<vmem>>
        %get3A_1828 = arith.index_cast %add3A_1823 : i32 to index
        %get3A_1829 = arith.constant 0 : index
        %get3A_1830 = tpu.vector_load %get3A_1827[%get3A_1828, %get3A_1829] {strides = array<i32>} : memref<1600x32xbf16, #tpu.memory_space<vmem>>, vector<32xbf16>,
        %unpack3A_1831 = tpu.unpack_subelements %get3A_1830, 0 {pack_format = #tpu.pack_format<interleaved>} : vector<32xbf16> -> vector<16xf32>
        %unpack3A_1832 = tpu.unpack_subelements %get3A_1830, 1 {pack_format = #tpu.pack_format<interleaved>} : vector<32xbf16> -> vector<16xf32>
        %add3A_1833 = arith.addf %scan3A_1671, %unpack3A_1831 : vector<16xf32>
        %add3A_1834 = arith.addf %scan3A_1672, %unpack3A_1832 : vector<16xf32>
        %add3A_1835 = arith.constant 1200 : i32
        %add3A_1836 = arith.addi %add3A_1835, %scan3A_1648 : i32
        %get3A_1837 = arith.constant 0 : i32
        %get3A_1838 = arith.constant 0 : i32
        %get3A_1839 = tpu.memref_slice %arg9[%scan3A_1187, %get3A_1837, %get3A_1838] : memref<2x1600x32xbf16, #tpu.memory_space<vmem>> -> memref<1x1600x32xbf16, #tpu.memory_space<vmem>>
        %get3A_1840 = tpu.memref_squeeze %get3A_1839 : memref<1x1600x32xbf16, #tpu.memory_space<vmem>> -> memref<1600x32xbf16, #tpu.memory_space<vmem>>
        %get3A_1841 = arith.index_cast %add3A_1836 : i32 to index
        %get3A_1842 = arith.constant 0 : index
        %get3A_1843 = tpu.vector_load %get3A_1840[%get3A_1841, %get3A_1842] {strides = array<i32>} : memref<1600x32xbf16, #tpu.memory_space<vmem>>, vector<32xbf16>,
        %unpack3A_1844 = tpu.unpack_subelements %get3A_1843, 0 {pack_format = #tpu.pack_format<interleaved>} : vector<32xbf16> -> vector<16xf32>
        %unpack3A_1845 = tpu.unpack_subelements %get3A_1843, 1 {pack_format = #tpu.pack_format<interleaved>} : vector<32xbf16> -> vector<16xf32>
        %add3A_1846 = arith.addf %scan3A_1673, %unpack3A_1844 : vector<16xf32>
        %add3A_1847 = arith.addf %scan3A_1674, %unpack3A_1845 : vector<16xf32>
        %add3A_1848 = arith.constant 1300 : i32
        %add3A_1849 = arith.addi %add3A_1848, %scan3A_1648 : i32
        %get3A_1850 = arith.constant 0 : i32
        %get3A_1851 = arith.constant 0 : i32
        %get3A_1852 = tpu.memref_slice %arg9[%scan3A_1187, %get3A_1850, %get3A_1851] : memref<2x1600x32xbf16, #tpu.memory_space<vmem>> -> memref<1x1600x32xbf16, #tpu.memory_space<vmem>>
        %get3A_1853 = tpu.memref_squeeze %get3A_1852 : memref<1x1600x32xbf16, #tpu.memory_space<vmem>> -> memref<1600x32xbf16, #tpu.memory_space<vmem>>
        %get3A_1854 = arith.index_cast %add3A_1849 : i32 to index
        %get3A_1855 = arith.constant 0 : index
        %get3A_1856 = tpu.vector_load %get3A_1853[%get3A_1854, %get3A_1855] {strides = array<i32>} : memref<1600x32xbf16, #tpu.memory_space<vmem>>, vector<32xbf16>,
        %unpack3A_1857 = tpu.unpack_subelements %get3A_1856, 0 {pack_format = #tpu.pack_format<interleaved>} : vector<32xbf16> -> vector<16xf32>
        %unpack3A_1858 = tpu.unpack_subelements %get3A_1856, 1 {pack_format = #tpu.pack_format<interleaved>} : vector<32xbf16> -> vector<16xf32>
        %add3A_1859 = arith.addf %scan3A_1675, %unpack3A_1857 : vector<16xf32>
        %add3A_1860 = arith.addf %scan3A_1676, %unpack3A_1858 : vector<16xf32>
        %add3A_1861 = arith.constant 1400 : i32
        %add3A_1862 = arith.addi %add3A_1861, %scan3A_1648 : i32
        %get3A_1863 = arith.constant 0 : i32
        %get3A_1864 = arith.constant 0 : i32
        %get3A_1865 = tpu.memref_slice %arg9[%scan3A_1187, %get3A_1863, %get3A_1864] : memref<2x1600x32xbf16, #tpu.memory_space<vmem>> -> memref<1x1600x32xbf16, #tpu.memory_space<vmem>>
        %get3A_1866 = tpu.memref_squeeze %get3A_1865 : memref<1x1600x32xbf16, #tpu.memory_space<vmem>> -> memref<1600x32xbf16, #tpu.memory_space<vmem>>
        %get3A_1867 = arith.index_cast %add3A_1862 : i32 to index
        %get3A_1868 = arith.constant 0 : index
        %get3A_1869 = tpu.vector_load %get3A_1866[%get3A_1867, %get3A_1868] {strides = array<i32>} : memref<1600x32xbf16, #tpu.memory_space<vmem>>, vector<32xbf16>,
        %unpack3A_1870 = tpu.unpack_subelements %get3A_1869, 0 {pack_format = #tpu.pack_format<interleaved>} : vector<32xbf16> -> vector<16xf32>
        %unpack3A_1871 = tpu.unpack_subelements %get3A_1869, 1 {pack_format = #tpu.pack_format<interleaved>} : vector<32xbf16> -> vector<16xf32>
        %add3A_1872 = arith.addf %scan3A_1677, %unpack3A_1870 : vector<16xf32>
        %add3A_1873 = arith.addf %scan3A_1678, %unpack3A_1871 : vector<16xf32>
        %add3A_1874 = arith.constant 1500 : i32
        %add3A_1875 = arith.addi %add3A_1874, %scan3A_1648 : i32
        %get3A_1876 = arith.constant 0 : i32
        %get3A_1877 = arith.constant 0 : i32
        %get3A_1878 = tpu.memref_slice %arg9[%scan3A_1187, %get3A_1876, %get3A_1877] : memref<2x1600x32xbf16, #tpu.memory_space<vmem>> -> memref<1x1600x32xbf16, #tpu.memory_space<vmem>>
        %get3A_1879 = tpu.memref_squeeze %get3A_1878 : memref<1x1600x32xbf16, #tpu.memory_space<vmem>> -> memref<1600x32xbf16, #tpu.memory_space<vmem>>
        %get3A_1880 = arith.index_cast %add3A_1875 : i32 to index
        %get3A_1881 = arith.constant 0 : index
        %get3A_1882 = tpu.vector_load %get3A_1879[%get3A_1880, %get3A_1881] {strides = array<i32>} : memref<1600x32xbf16, #tpu.memory_space<vmem>>, vector<32xbf16>,
        %unpack3A_1883 = tpu.unpack_subelements %get3A_1882, 0 {pack_format = #tpu.pack_format<interleaved>} : vector<32xbf16> -> vector<16xf32>
        %unpack3A_1884 = tpu.unpack_subelements %get3A_1882, 1 {pack_format = #tpu.pack_format<interleaved>} : vector<32xbf16> -> vector<16xf32>
        %add3A_1885 = arith.addf %scan3A_1679, %unpack3A_1883 : vector<16xf32>
        %add3A_1886 = arith.addf %scan3A_1680, %unpack3A_1884 : vector<16xf32>
        %scan3A_1887 = arith.constant 1 : i32
        %scan3A_1888 = arith.addi %scan3A_1648, %scan3A_1887 : i32
        %add3A_1889 = arith.constant 0 : i32
        %add3A_1890 = arith.addi %add3A_1889, %scan3A_1888 : i32
        %get3A_1891 = arith.constant 0 : i32
        %get3A_1892 = arith.constant 0 : i32
        %get3A_1893 = tpu.memref_slice %arg9[%scan3A_1187, %get3A_1891, %get3A_1892] : memref<2x1600x32xbf16, #tpu.memory_space<vmem>> -> memref<1x1600x32xbf16, #tpu.memory_space<vmem>>
        %get3A_1894 = tpu.memref_squeeze %get3A_1893 : memref<1x1600x32xbf16, #tpu.memory_space<vmem>> -> memref<1600x32xbf16, #tpu.memory_space<vmem>>
        %get3A_1895 = arith.index_cast %add3A_1890 : i32 to index
        %get3A_1896 = arith.constant 0 : index
        %get3A_1897 = tpu.vector_load %get3A_1894[%get3A_1895, %get3A_1896] {strides = array<i32>} : memref<1600x32xbf16, #tpu.memory_space<vmem>>, vector<32xbf16>,
        %unpack3A_1898 = tpu.unpack_subelements %get3A_1897, 0 {pack_format = #tpu.pack_format<interleaved>} : vector<32xbf16> -> vector<16xf32>
        %unpack3A_1899 = tpu.unpack_subelements %get3A_1897, 1 {pack_format = #tpu.pack_format<interleaved>} : vector<32xbf16> -> vector<16xf32>
        %add3A_1900 = arith.addf %add3A_1690, %unpack3A_1898 : vector<16xf32>
        %add3A_1901 = arith.addf %add3A_1691, %unpack3A_1899 : vector<16xf32>
        %add3A_1902 = arith.constant 100 : i32
        %add3A_1903 = arith.addi %add3A_1902, %scan3A_1888 : i32
        %get3A_1904 = arith.constant 0 : i32
        %get3A_1905 = arith.constant 0 : i32
        %get3A_1906 = tpu.memref_slice %arg9[%scan3A_1187, %get3A_1904, %get3A_1905] : memref<2x1600x32xbf16, #tpu.memory_space<vmem>> -> memref<1x1600x32xbf16, #tpu.memory_space<vmem>>
        %get3A_1907 = tpu.memref_squeeze %get3A_1906 : memref<1x1600x32xbf16, #tpu.memory_space<vmem>> -> memref<1600x32xbf16, #tpu.memory_space<vmem>>
        %get3A_1908 = arith.index_cast %add3A_1903 : i32 to index
        %get3A_1909 = arith.constant 0 : index
        %get3A_1910 = tpu.vector_load %get3A_1907[%get3A_1908, %get3A_1909] {strides = array<i32>} : memref<1600x32xbf16, #tpu.memory_space<vmem>>, vector<32xbf16>,
        %unpack3A_1911 = tpu.unpack_subelements %get3A_1910, 0 {pack_format = #tpu.pack_format<interleaved>} : vector<32xbf16> -> vector<16xf32>
        %unpack3A_1912 = tpu.unpack_subelements %get3A_1910, 1 {pack_format = #tpu.pack_format<interleaved>} : vector<32xbf16> -> vector<16xf32>
        %add3A_1913 = arith.addf %add3A_1703, %unpack3A_1911 : vector<16xf32>
        %add3A_1914 = arith.addf %add3A_1704, %unpack3A_1912 : vector<16xf32>
        %add3A_1915 = arith.constant 200 : i32
        %add3A_1916 = arith.addi %add3A_1915, %scan3A_1888 : i32
        %get3A_1917 = arith.constant 0 : i32
        %get3A_1918 = arith.constant 0 : i32
        %get3A_1919 = tpu.memref_slice %arg9[%scan3A_1187, %get3A_1917, %get3A_1918] : memref<2x1600x32xbf16, #tpu.memory_space<vmem>> -> memref<1x1600x32xbf16, #tpu.memory_space<vmem>>
        %get3A_1920 = tpu.memref_squeeze %get3A_1919 : memref<1x1600x32xbf16, #tpu.memory_space<vmem>> -> memref<1600x32xbf16, #tpu.memory_space<vmem>>
        %get3A_1921 = arith.index_cast %add3A_1916 : i32 to index
        %get3A_1922 = arith.constant 0 : index
        %get3A_1923 = tpu.vector_load %get3A_1920[%get3A_1921, %get3A_1922] {strides = array<i32>} : memref<1600x32xbf16, #tpu.memory_space<vmem>>, vector<32xbf16>,
        %unpack3A_1924 = tpu.unpack_subelements %get3A_1923, 0 {pack_format = #tpu.pack_format<interleaved>} : vector<32xbf16> -> vector<16xf32>
        %unpack3A_1925 = tpu.unpack_subelements %get3A_1923, 1 {pack_format = #tpu.pack_format<interleaved>} : vector<32xbf16> -> vector<16xf32>
        %add3A_1926 = arith.addf %add3A_1716, %unpack3A_1924 : vector<16xf32>
        %add3A_1927 = arith.addf %add3A_1717, %unpack3A_1925 : vector<16xf32>
        %add3A_1928 = arith.constant 300 : i32
        %add3A_1929 = arith.addi %add3A_1928, %scan3A_1888 : i32
        %get3A_1930 = arith.constant 0 : i32
        %get3A_1931 = arith.constant 0 : i32
        %get3A_1932 = tpu.memref_slice %arg9[%scan3A_1187, %get3A_1930, %get3A_1931] : memref<2x1600x32xbf16, #tpu.memory_space<vmem>> -> memref<1x1600x32xbf16, #tpu.memory_space<vmem>>
        %get3A_1933 = tpu.memref_squeeze %get3A_1932 : memref<1x1600x32xbf16, #tpu.memory_space<vmem>> -> memref<1600x32xbf16, #tpu.memory_space<vmem>>
        %get3A_1934 = arith.index_cast %add3A_1929 : i32 to index
        %get3A_1935 = arith.constant 0 : index
        %get3A_1936 = tpu.vector_load %get3A_1933[%get3A_1934, %get3A_1935] {strides = array<i32>} : memref<1600x32xbf16, #tpu.memory_space<vmem>>, vector<32xbf16>,
        %unpack3A_1937 = tpu.unpack_subelements %get3A_1936, 0 {pack_format = #tpu.pack_format<interleaved>} : vector<32xbf16> -> vector<16xf32>
        %unpack3A_1938 = tpu.unpack_subelements %get3A_1936, 1 {pack_format = #tpu.pack_format<interleaved>} : vector<32xbf16> -> vector<16xf32>
        %add3A_1939 = arith.addf %add3A_1729, %unpack3A_1937 : vector<16xf32>
        %add3A_1940 = arith.addf %add3A_1730, %unpack3A_1938 : vector<16xf32>
        %add3A_1941 = arith.constant 400 : i32
        %add3A_1942 = arith.addi %add3A_1941, %scan3A_1888 : i32
        %get3A_1943 = arith.constant 0 : i32
        %get3A_1944 = arith.constant 0 : i32
        %get3A_1945 = tpu.memref_slice %arg9[%scan3A_1187, %get3A_1943, %get3A_1944] : memref<2x1600x32xbf16, #tpu.memory_space<vmem>> -> memref<1x1600x32xbf16, #tpu.memory_space<vmem>>
        %get3A_1946 = tpu.memref_squeeze %get3A_1945 : memref<1x1600x32xbf16, #tpu.memory_space<vmem>> -> memref<1600x32xbf16, #tpu.memory_space<vmem>>
        %get3A_1947 = arith.index_cast %add3A_1942 : i32 to index
        %get3A_1948 = arith.constant 0 : index
        %get3A_1949 = tpu.vector_load %get3A_1946[%get3A_1947, %get3A_1948] {strides = array<i32>} : memref<1600x32xbf16, #tpu.memory_space<vmem>>, vector<32xbf16>,
        %unpack3A_1950 = tpu.unpack_subelements %get3A_1949, 0 {pack_format = #tpu.pack_format<interleaved>} : vector<32xbf16> -> vector<16xf32>
        %unpack3A_1951 = tpu.unpack_subelements %get3A_1949, 1 {pack_format = #tpu.pack_format<interleaved>} : vector<32xbf16> -> vector<16xf32>
        %add3A_1952 = arith.addf %add3A_1742, %unpack3A_1950 : vector<16xf32>
        %add3A_1953 = arith.addf %add3A_1743, %unpack3A_1951 : vector<16xf32>
        %add3A_1954 = arith.constant 500 : i32
        %add3A_1955 = arith.addi %add3A_1954, %scan3A_1888 : i32
        %get3A_1956 = arith.constant 0 : i32
        %get3A_1957 = arith.constant 0 : i32
        %get3A_1958 = tpu.memref_slice %arg9[%scan3A_1187, %get3A_1956, %get3A_1957] : memref<2x1600x32xbf16, #tpu.memory_space<vmem>> -> memref<1x1600x32xbf16, #tpu.memory_space<vmem>>
        %get3A_1959 = tpu.memref_squeeze %get3A_1958 : memref<1x1600x32xbf16, #tpu.memory_space<vmem>> -> memref<1600x32xbf16, #tpu.memory_space<vmem>>
        %get3A_1960 = arith.index_cast %add3A_1955 : i32 to index
        %get3A_1961 = arith.constant 0 : index
        %get3A_1962 = tpu.vector_load %get3A_1959[%get3A_1960, %get3A_1961] {strides = array<i32>} : memref<1600x32xbf16, #tpu.memory_space<vmem>>, vector<32xbf16>,
        %unpack3A_1963 = tpu.unpack_subelements %get3A_1962, 0 {pack_format = #tpu.pack_format<interleaved>} : vector<32xbf16> -> vector<16xf32>
        %unpack3A_1964 = tpu.unpack_subelements %get3A_1962, 1 {pack_format = #tpu.pack_format<interleaved>} : vector<32xbf16> -> vector<16xf32>
        %add3A_1965 = arith.addf %add3A_1755, %unpack3A_1963 : vector<16xf32>
        %add3A_1966 = arith.addf %add3A_1756, %unpack3A_1964 : vector<16xf32>
        %add3A_1967 = arith.constant 600 : i32
        %add3A_1968 = arith.addi %add3A_1967, %scan3A_1888 : i32
        %get3A_1969 = arith.constant 0 : i32
        %get3A_1970 = arith.constant 0 : i32
        %get3A_1971 = tpu.memref_slice %arg9[%scan3A_1187, %get3A_1969, %get3A_1970] : memref<2x1600x32xbf16, #tpu.memory_space<vmem>> -> memref<1x1600x32xbf16, #tpu.memory_space<vmem>>
        %get3A_1972 = tpu.memref_squeeze %get3A_1971 : memref<1x1600x32xbf16, #tpu.memory_space<vmem>> -> memref<1600x32xbf16, #tpu.memory_space<vmem>>
        %get3A_1973 = arith.index_cast %add3A_1968 : i32 to index
        %get3A_1974 = arith.constant 0 : index
        %get3A_1975 = tpu.vector_load %get3A_1972[%get3A_1973, %get3A_1974] {strides = array<i32>} : memref<1600x32xbf16, #tpu.memory_space<vmem>>, vector<32xbf16>,
        %unpack3A_1976 = tpu.unpack_subelements %get3A_1975, 0 {pack_format = #tpu.pack_format<interleaved>} : vector<32xbf16> -> vector<16xf32>
        %unpack3A_1977 = tpu.unpack_subelements %get3A_1975, 1 {pack_format = #tpu.pack_format<interleaved>} : vector<32xbf16> -> vector<16xf32>
        %add3A_1978 = arith.addf %add3A_1768, %unpack3A_1976 : vector<16xf32>
        %add3A_1979 = arith.addf %add3A_1769, %unpack3A_1977 : vector<16xf32>
        %add3A_1980 = arith.constant 700 : i32
        %add3A_1981 = arith.addi %add3A_1980, %scan3A_1888 : i32
        %get3A_1982 = arith.constant 0 : i32
        %get3A_1983 = arith.constant 0 : i32
        %get3A_1984 = tpu.memref_slice %arg9[%scan3A_1187, %get3A_1982, %get3A_1983] : memref<2x1600x32xbf16, #tpu.memory_space<vmem>> -> memref<1x1600x32xbf16, #tpu.memory_space<vmem>>
        %get3A_1985 = tpu.memref_squeeze %get3A_1984 : memref<1x1600x32xbf16, #tpu.memory_space<vmem>> -> memref<1600x32xbf16, #tpu.memory_space<vmem>>
        %get3A_1986 = arith.index_cast %add3A_1981 : i32 to index
        %get3A_1987 = arith.constant 0 : index
        %get3A_1988 = tpu.vector_load %get3A_1985[%get3A_1986, %get3A_1987] {strides = array<i32>} : memref<1600x32xbf16, #tpu.memory_space<vmem>>, vector<32xbf16>,
        %unpack3A_1989 = tpu.unpack_subelements %get3A_1988, 0 {pack_format = #tpu.pack_format<interleaved>} : vector<32xbf16> -> vector<16xf32>
        %unpack3A_1990 = tpu.unpack_subelements %get3A_1988, 1 {pack_format = #tpu.pack_format<interleaved>} : vector<32xbf16> -> vector<16xf32>
        %add3A_1991 = arith.addf %add3A_1781, %unpack3A_1989 : vector<16xf32>
        %add3A_1992 = arith.addf %add3A_1782, %unpack3A_1990 : vector<16xf32>
        %add3A_1993 = arith.constant 800 : i32
        %add3A_1994 = arith.addi %add3A_1993, %scan3A_1888 : i32
        %get3A_1995 = arith.constant 0 : i32
        %get3A_1996 = arith.constant 0 : i32
        %get3A_1997 = tpu.memref_slice %arg9[%scan3A_1187, %get3A_1995, %get3A_1996] : memref<2x1600x32xbf16, #tpu.memory_space<vmem>> -> memref<1x1600x32xbf16, #tpu.memory_space<vmem>>
        %get3A_1998 = tpu.memref_squeeze %get3A_1997 : memref<1x1600x32xbf16, #tpu.memory_space<vmem>> -> memref<1600x32xbf16, #tpu.memory_space<vmem>>
        %get3A_1999 = arith.index_cast %add3A_1994 : i32 to index
        %get3A_2000 = arith.constant 0 : index
        %get3A_2001 = tpu.vector_load %get3A_1998[%get3A_1999, %get3A_2000] {strides = array<i32>} : memref<1600x32xbf16, #tpu.memory_space<vmem>>, vector<32xbf16>,
        %unpack3A_2002 = tpu.unpack_subelements %get3A_2001, 0 {pack_format = #tpu.pack_format<interleaved>} : vector<32xbf16> -> vector<16xf32>
        %unpack3A_2003 = tpu.unpack_subelements %get3A_2001, 1 {pack_format = #tpu.pack_format<interleaved>} : vector<32xbf16> -> vector<16xf32>
        %add3A_2004 = arith.addf %add3A_1794, %unpack3A_2002 : vector<16xf32>
        %add3A_2005 = arith.addf %add3A_1795, %unpack3A_2003 : vector<16xf32>
        %add3A_2006 = arith.constant 900 : i32
        %add3A_2007 = arith.addi %add3A_2006, %scan3A_1888 : i32
        %get3A_2008 = arith.constant 0 : i32
        %get3A_2009 = arith.constant 0 : i32
        %get3A_2010 = tpu.memref_slice %arg9[%scan3A_1187, %get3A_2008, %get3A_2009] : memref<2x1600x32xbf16, #tpu.memory_space<vmem>> -> memref<1x1600x32xbf16, #tpu.memory_space<vmem>>
        %get3A_2011 = tpu.memref_squeeze %get3A_2010 : memref<1x1600x32xbf16, #tpu.memory_space<vmem>> -> memref<1600x32xbf16, #tpu.memory_space<vmem>>
        %get3A_2012 = arith.index_cast %add3A_2007 : i32 to index
        %get3A_2013 = arith.constant 0 : index
        %get3A_2014 = tpu.vector_load %get3A_2011[%get3A_2012, %get3A_2013] {strides = array<i32>} : memref<1600x32xbf16, #tpu.memory_space<vmem>>, vector<32xbf16>,
        %unpack3A_2015 = tpu.unpack_subelements %get3A_2014, 0 {pack_format = #tpu.pack_format<interleaved>} : vector<32xbf16> -> vector<16xf32>
        %unpack3A_2016 = tpu.unpack_subelements %get3A_2014, 1 {pack_format = #tpu.pack_format<interleaved>} : vector<32xbf16> -> vector<16xf32>
        %add3A_2017 = arith.addf %add3A_1807, %unpack3A_2015 : vector<16xf32>
        %add3A_2018 = arith.addf %add3A_1808, %unpack3A_2016 : vector<16xf32>
        %add3A_2019 = arith.constant 1000 : i32
        %add3A_2020 = arith.addi %add3A_2019, %scan3A_1888 : i32
        %get3A_2021 = arith.constant 0 : i32
        %get3A_2022 = arith.constant 0 : i32
        %get3A_2023 = tpu.memref_slice %arg9[%scan3A_1187, %get3A_2021, %get3A_2022] : memref<2x1600x32xbf16, #tpu.memory_space<vmem>> -> memref<1x1600x32xbf16, #tpu.memory_space<vmem>>
        %get3A_2024 = tpu.memref_squeeze %get3A_2023 : memref<1x1600x32xbf16, #tpu.memory_space<vmem>> -> memref<1600x32xbf16, #tpu.memory_space<vmem>>
        %get3A_2025 = arith.index_cast %add3A_2020 : i32 to index
        %get3A_2026 = arith.constant 0 : index
        %get3A_2027 = tpu.vector_load %get3A_2024[%get3A_2025, %get3A_2026] {strides = array<i32>} : memref<1600x32xbf16, #tpu.memory_space<vmem>>, vector<32xbf16>,
        %unpack3A_2028 = tpu.unpack_subelements %get3A_2027, 0 {pack_format = #tpu.pack_format<interleaved>} : vector<32xbf16> -> vector<16xf32>
        %unpack3A_2029 = tpu.unpack_subelements %get3A_2027, 1 {pack_format = #tpu.pack_format<interleaved>} : vector<32xbf16> -> vector<16xf32>
        %add3A_2030 = arith.addf %add3A_1820, %unpack3A_2028 : vector<16xf32>
        %add3A_2031 = arith.addf %add3A_1821, %unpack3A_2029 : vector<16xf32>
        %add3A_2032 = arith.constant 1100 : i32
        %add3A_2033 = arith.addi %add3A_2032, %scan3A_1888 : i32
        %get3A_2034 = arith.constant 0 : i32
        %get3A_2035 = arith.constant 0 : i32
        %get3A_2036 = tpu.memref_slice %arg9[%scan3A_1187, %get3A_2034, %get3A_2035] : memref<2x1600x32xbf16, #tpu.memory_space<vmem>> -> memref<1x1600x32xbf16, #tpu.memory_space<vmem>>
        %get3A_2037 = tpu.memref_squeeze %get3A_2036 : memref<1x1600x32xbf16, #tpu.memory_space<vmem>> -> memref<1600x32xbf16, #tpu.memory_space<vmem>>
        %get3A_2038 = arith.index_cast %add3A_2033 : i32 to index
        %get3A_2039 = arith.constant 0 : index
        %get3A_2040 = tpu.vector_load %get3A_2037[%get3A_2038, %get3A_2039] {strides = array<i32>} : memref<1600x32xbf16, #tpu.memory_space<vmem>>, vector<32xbf16>,
        %unpack3A_2041 = tpu.unpack_subelements %get3A_2040, 0 {pack_format = #tpu.pack_format<interleaved>} : vector<32xbf16> -> vector<16xf32>
        %unpack3A_2042 = tpu.unpack_subelements %get3A_2040, 1 {pack_format = #tpu.pack_format<interleaved>} : vector<32xbf16> -> vector<16xf32>
        %add3A_2043 = arith.addf %add3A_1833, %unpack3A_2041 : vector<16xf32>
        %add3A_2044 = arith.addf %add3A_1834, %unpack3A_2042 : vector<16xf32>
        %add3A_2045 = arith.constant 1200 : i32
        %add3A_2046 = arith.addi %add3A_2045, %scan3A_1888 : i32
        %get3A_2047 = arith.constant 0 : i32
        %get3A_2048 = arith.constant 0 : i32
        %get3A_2049 = tpu.memref_slice %arg9[%scan3A_1187, %get3A_2047, %get3A_2048] : memref<2x1600x32xbf16, #tpu.memory_space<vmem>> -> memref<1x1600x32xbf16, #tpu.memory_space<vmem>>
        %get3A_2050 = tpu.memref_squeeze %get3A_2049 : memref<1x1600x32xbf16, #tpu.memory_space<vmem>> -> memref<1600x32xbf16, #tpu.memory_space<vmem>>
        %get3A_2051 = arith.index_cast %add3A_2046 : i32 to index
        %get3A_2052 = arith.constant 0 : index
        %get3A_2053 = tpu.vector_load %get3A_2050[%get3A_2051, %get3A_2052] {strides = array<i32>} : memref<1600x32xbf16, #tpu.memory_space<vmem>>, vector<32xbf16>,
        %unpack3A_2054 = tpu.unpack_subelements %get3A_2053, 0 {pack_format = #tpu.pack_format<interleaved>} : vector<32xbf16> -> vector<16xf32>
        %unpack3A_2055 = tpu.unpack_subelements %get3A_2053, 1 {pack_format = #tpu.pack_format<interleaved>} : vector<32xbf16> -> vector<16xf32>
        %add3A_2056 = arith.addf %add3A_1846, %unpack3A_2054 : vector<16xf32>
        %add3A_2057 = arith.addf %add3A_1847, %unpack3A_2055 : vector<16xf32>
        %add3A_2058 = arith.constant 1300 : i32
        %add3A_2059 = arith.addi %add3A_2058, %scan3A_1888 : i32
        %get3A_2060 = arith.constant 0 : i32
        %get3A_2061 = arith.constant 0 : i32
        %get3A_2062 = tpu.memref_slice %arg9[%scan3A_1187, %get3A_2060, %get3A_2061] : memref<2x1600x32xbf16, #tpu.memory_space<vmem>> -> memref<1x1600x32xbf16, #tpu.memory_space<vmem>>
        %get3A_2063 = tpu.memref_squeeze %get3A_2062 : memref<1x1600x32xbf16, #tpu.memory_space<vmem>> -> memref<1600x32xbf16, #tpu.memory_space<vmem>>
        %get3A_2064 = arith.index_cast %add3A_2059 : i32 to index
        %get3A_2065 = arith.constant 0 : index
        %get3A_2066 = tpu.vector_load %get3A_2063[%get3A_2064, %get3A_2065] {strides = array<i32>} : memref<1600x32xbf16, #tpu.memory_space<vmem>>, vector<32xbf16>,
        %unpack3A_2067 = tpu.unpack_subelements %get3A_2066, 0 {pack_format = #tpu.pack_format<interleaved>} : vector<32xbf16> -> vector<16xf32>
        %unpack3A_2068 = tpu.unpack_subelements %get3A_2066, 1 {pack_format = #tpu.pack_format<interleaved>} : vector<32xbf16> -> vector<16xf32>
        %add3A_2069 = arith.addf %add3A_1859, %unpack3A_2067 : vector<16xf32>
        %add3A_2070 = arith.addf %add3A_1860, %unpack3A_2068 : vector<16xf32>
        %add3A_2071 = arith.constant 1400 : i32
        %add3A_2072 = arith.addi %add3A_2071, %scan3A_1888 : i32
        %get3A_2073 = arith.constant 0 : i32
        %get3A_2074 = arith.constant 0 : i32
        %get3A_2075 = tpu.memref_slice %arg9[%scan3A_1187, %get3A_2073, %get3A_2074] : memref<2x1600x32xbf16, #tpu.memory_space<vmem>> -> memref<1x1600x32xbf16, #tpu.memory_space<vmem>>
        %get3A_2076 = tpu.memref_squeeze %get3A_2075 : memref<1x1600x32xbf16, #tpu.memory_space<vmem>> -> memref<1600x32xbf16, #tpu.memory_space<vmem>>
        %get3A_2077 = arith.index_cast %add3A_2072 : i32 to index
        %get3A_2078 = arith.constant 0 : index
        %get3A_2079 = tpu.vector_load %get3A_2076[%get3A_2077, %get3A_2078] {strides = array<i32>} : memref<1600x32xbf16, #tpu.memory_space<vmem>>, vector<32xbf16>,
        %unpack3A_2080 = tpu.unpack_subelements %get3A_2079, 0 {pack_format = #tpu.pack_format<interleaved>} : vector<32xbf16> -> vector<16xf32>
        %unpack3A_2081 = tpu.unpack_subelements %get3A_2079, 1 {pack_format = #tpu.pack_format<interleaved>} : vector<32xbf16> -> vector<16xf32>
        %add3A_2082 = arith.addf %add3A_1872, %unpack3A_2080 : vector<16xf32>
        %add3A_2083 = arith.addf %add3A_1873, %unpack3A_2081 : vector<16xf32>
        %add3A_2084 = arith.constant 1500 : i32
        %add3A_2085 = arith.addi %add3A_2084, %scan3A_1888 : i32
        %get3A_2086 = arith.constant 0 : i32
        %get3A_2087 = arith.constant 0 : i32
        %get3A_2088 = tpu.memref_slice %arg9[%scan3A_1187, %get3A_2086, %get3A_2087] : memref<2x1600x32xbf16, #tpu.memory_space<vmem>> -> memref<1x1600x32xbf16, #tpu.memory_space<vmem>>
        %get3A_2089 = tpu.memref_squeeze %get3A_2088 : memref<1x1600x32xbf16, #tpu.memory_space<vmem>> -> memref<1600x32xbf16, #tpu.memory_space<vmem>>
        %get3A_2090 = arith.index_cast %add3A_2085 : i32 to index
        %get3A_2091 = arith.constant 0 : index
        %get3A_2092 = tpu.vector_load %get3A_2089[%get3A_2090, %get3A_2091] {strides = array<i32>} : memref<1600x32xbf16, #tpu.memory_space<vmem>>, vector<32xbf16>,
        %unpack3A_2093 = tpu.unpack_subelements %get3A_2092, 0 {pack_format = #tpu.pack_format<interleaved>} : vector<32xbf16> -> vector<16xf32>
        %unpack3A_2094 = tpu.unpack_subelements %get3A_2092, 1 {pack_format = #tpu.pack_format<interleaved>} : vector<32xbf16> -> vector<16xf32>
        %add3A_2095 = arith.addf %add3A_1885, %unpack3A_2093 : vector<16xf32>
        %add3A_2096 = arith.addf %add3A_1886, %unpack3A_2094 : vector<16xf32>
        scf.yield %add3A_1900, %add3A_1901, %add3A_1913, %add3A_1914, %add3A_1926, %add3A_1927, %add3A_1939, %add3A_1940, %add3A_1952, %add3A_1953, %add3A_1965, %add3A_1966, %add3A_1978, %add3A_1979, %add3A_1991, %add3A_1992, %add3A_2004, %add3A_2005, %add3A_2017, %add3A_2018, %add3A_2030, %add3A_2031, %add3A_2043, %add3A_2044, %add3A_2056, %add3A_2057, %add3A_2069, %add3A_2070, %add3A_2082, %add3A_2083, %add3A_2095, %add3A_2096 : vector<16xf32>, vector<16xf32>, vector<16xf32>, vector<16xf32>, vector<16xf32>, vector<16xf32>, vector<16xf32>, vector<16xf32>, vector<16xf32>, vector<16xf32>, vector<16xf32>, vector<16xf32>, vector<16xf32>, vector<16xf32>, vector<16xf32>, vector<16xf32>, vector<16xf32>, vector<16xf32>, vector<16xf32>, vector<16xf32>, vector<16xf32>, vector<16xf32>, vector<16xf32>, vector<16xf32>, vector<16xf32>, vector<16xf32>, vector<16xf32>, vector<16xf32>, vector<16xf32>, vector<16xf32>, vector<16xf32>, vector<16xf32>
      }
      %scan3A_1193 = arith.constant 100 : i32
      %ge3A_1194 = arith.constant 2 : i32
      %ge3A_1195 = arith.cmpi sge, %add3A_1166, %ge3A_1194 : i32
      %convert_element_type3A_1196 = arith.extui %ge3A_1195 : i1 to i32
      %cond3A_1197 = arith.constant 0 : i32
      %cond3A_1198 = arith.cmpi ne, %convert_element_type3A_1196, %cond3A_1197 : i32
      scf.if %cond3A_1198 {
        %dma_wait3A_1648 = arith.constant 1 : i32
        %dma_wait3A_1649 = arith.constant 1 : i32
        %dma_wait3A_1650 = arith.constant 0 : i32
        %dma_wait3A_1651 = tpu.memref_slice %arg10[%dma_wait3A_1648, %dma_wait3A_1650] : memref<2x512xf32, #tpu.memory_space<vmem>> -> memref<1x512xf32, #tpu.memory_space<vmem>>
        %dma_wait3A_1652 = tpu.memref_squeeze %dma_wait3A_1651 : memref<1x512xf32, #tpu.memory_space<vmem>> -> memref<512xf32, #tpu.memory_space<vmem>>
        %dma_wait3A_1653 = arith.constant 0 : i32
        %dma_wait3A_1654 = tpu.memref_slice %arg5[%dma_wait3A_1653] : memref<524288xf32, #tpu.memory_space<hbm>> -> memref<512xf32, #tpu.memory_space<hbm>>
        %dma_wait3A_1655 = tpu.memref_slice %arg13[%dma_wait3A_1649] : memref<2x!tpu.dma_semaphore, #tpu.memory_space<semaphore_mem>> -> memref<1x!tpu.dma_semaphore, #tpu.memory_space<semaphore_mem>>
        %dma_wait3A_1656 = tpu.memref_squeeze %dma_wait3A_1655 : memref<1x!tpu.dma_semaphore, #tpu.memory_space<semaphore_mem>> -> memref<!tpu.dma_semaphore, #tpu.memory_space<semaphore_mem>>
        %dma_wait3A_1657 = arith.constant 0 : i32
        %dma_wait3A_1658 = tpu.memref_slice %arg10[%dma_wait3A_1648, %dma_wait3A_1657] : memref<2x512xf32, #tpu.memory_space<vmem>> -> memref<1x512xf32, #tpu.memory_space<vmem>>
        %dma_wait3A_1659 = tpu.memref_squeeze %dma_wait3A_1658 : memref<1x512xf32, #tpu.memory_space<vmem>> -> memref<512xf32, #tpu.memory_space<vmem>>
        %dma_wait3A_1660 = arith.constant 0 : i32
        %dma_wait3A_1661 = tpu.memref_slice %arg5[%dma_wait3A_1660] : memref<524288xf32, #tpu.memory_space<hbm>> -> memref<512xf32, #tpu.memory_space<hbm>>
        tpu.wait_dma2 semaphore(%dma_wait3A_1656 : memref<!tpu.dma_semaphore, #tpu.memory_space<semaphore_mem>>) src(%dma_wait3A_1661 : memref<512xf32, #tpu.memory_space<hbm>>) dst(%dma_wait3A_1659 : memref<512xf32, #tpu.memory_space<vmem>>)
      } else {
      }
      %mul3A_1199 = arith.constant 2 : i32
      %mul3A_1200 = vector.broadcast %mul3A_1199 : i32 to vector<16xi32>
      %mul3A_1201 = arith.muli %mul3A_1200, %iota3A : vector<16xi32>
      %add3A_1202 = arith.constant 0 : i32
      %add3A_1203 = vector.broadcast %add3A_1202 : i32 to vector<16xi32>
      %add3A_1204 = arith.addi %add3A_1203, %mul3A_1201 : vector<16xi32>
      %mul3A_1205 = vector.broadcast %scan3A_343 : f32 to vector<16xf32>
      %mul3A_1206 = arith.mulf %scan3A_1192#0, %mul3A_1205 : vector<16xf32>
      %scatter3A_1207 = arith.constant 1 : i32
      %scatter3A_1208 = arith.constant 0 : i32
      %scatter3A_1209 = tpu.memref_slice %arg10[%scatter3A_1207, %scatter3A_1208] : memref<2x512xf32, #tpu.memory_space<vmem>> -> memref<1x512xf32, #tpu.memory_space<vmem>>
      %scatter3A_1210 = tpu.memref_squeeze %scatter3A_1209 : memref<1x512xf32, #tpu.memory_space<vmem>> -> memref<512xf32, #tpu.memory_space<vmem>>
      tpu.vector_store_idx %scatter3A_1210[%add3A_1204], %mul3A_1206 : memref<512xf32, #tpu.memory_space<vmem>>[vector<16xi32>], vector<16xf32>,
      %mul3A_1211 = arith.constant 2 : i32
      %mul3A_1212 = vector.broadcast %mul3A_1211 : i32 to vector<16xi32>
      %mul3A_1213 = arith.muli %mul3A_1212, %iota3A : vector<16xi32>
      %add3A_1214 = arith.constant 0 : i32
      %add3A_1215 = vector.broadcast %add3A_1214 : i32 to vector<16xi32>
      %add3A_1216 = arith.addi %add3A_1215, %mul3A_1213 : vector<16xi32>
      %add3A_1217 = arith.constant 1 : i32
      %add3A_1218 = vector.broadcast %add3A_1217 : i32 to vector<16xi32>
      %add3A_1219 = arith.addi %add3A_1216, %add3A_1218 : vector<16xi32>
      %mul3A_1220 = vector.broadcast %scan3A_343 : f32 to vector<16xf32>
      %mul3A_1221 = arith.mulf %scan3A_1192#1, %mul3A_1220 : vector<16xf32>
      %scatter3A_1222 = arith.constant 1 : i32
      %scatter3A_1223 = arith.constant 0 : i32
      %scatter3A_1224 = tpu.memref_slice %arg10[%scatter3A_1222, %scatter3A_1223] : memref<2x512xf32, #tpu.memory_space<vmem>> -> memref<1x512xf32, #tpu.memory_space<vmem>>
      %scatter3A_1225 = tpu.memref_squeeze %scatter3A_1224 : memref<1x512xf32, #tpu.memory_space<vmem>> -> memref<512xf32, #tpu.memory_space<vmem>>
      tpu.vector_store_idx %scatter3A_1225[%add3A_1219], %mul3A_1221 : memref<512xf32, #tpu.memory_space<vmem>>[vector<16xi32>], vector<16xf32>,
      %mul3A_1226 = arith.constant 2 : i32
      %mul3A_1227 = vector.broadcast %mul3A_1226 : i32 to vector<16xi32>
      %mul3A_1228 = arith.muli %mul3A_1227, %iota3A : vector<16xi32>
      %add3A_1229 = arith.constant 32 : i32
      %add3A_1230 = vector.broadcast %add3A_1229 : i32 to vector<16xi32>
      %add3A_1231 = arith.addi %add3A_1230, %mul3A_1228 : vector<16xi32>
      %mul3A_1232 = vector.broadcast %scan3A_343 : f32 to vector<16xf32>
      %mul3A_1233 = arith.mulf %scan3A_1192#2, %mul3A_1232 : vector<16xf32>
      %scatter3A_1234 = arith.constant 1 : i32
      %scatter3A_1235 = arith.constant 0 : i32
      %scatter3A_1236 = tpu.memref_slice %arg10[%scatter3A_1234, %scatter3A_1235] : memref<2x512xf32, #tpu.memory_space<vmem>> -> memref<1x512xf32, #tpu.memory_space<vmem>>
      %scatter3A_1237 = tpu.memref_squeeze %scatter3A_1236 : memref<1x512xf32, #tpu.memory_space<vmem>> -> memref<512xf32, #tpu.memory_space<vmem>>
      tpu.vector_store_idx %scatter3A_1237[%add3A_1231], %mul3A_1233 : memref<512xf32, #tpu.memory_space<vmem>>[vector<16xi32>], vector<16xf32>,
      %mul3A_1238 = arith.constant 2 : i32
      %mul3A_1239 = vector.broadcast %mul3A_1238 : i32 to vector<16xi32>
      %mul3A_1240 = arith.muli %mul3A_1239, %iota3A : vector<16xi32>
      %add3A_1241 = arith.constant 32 : i32
      %add3A_1242 = vector.broadcast %add3A_1241 : i32 to vector<16xi32>
      %add3A_1243 = arith.addi %add3A_1242, %mul3A_1240 : vector<16xi32>
      %add3A_1244 = arith.constant 1 : i32
      %add3A_1245 = vector.broadcast %add3A_1244 : i32 to vector<16xi32>
      %add3A_1246 = arith.addi %add3A_1243, %add3A_1245 : vector<16xi32>
      %mul3A_1247 = vector.broadcast %scan3A_343 : f32 to vector<16xf32>
      %mul3A_1248 = arith.mulf %scan3A_1192#3, %mul3A_1247 : vector<16xf32>
      %scatter3A_1249 = arith.constant 1 : i32
      %scatter3A_1250 = arith.constant 0 : i32
      %scatter3A_1251 = tpu.memref_slice %arg10[%scatter3A_1249, %scatter3A_1250] : memref<2x512xf32, #tpu.memory_space<vmem>> -> memref<1x512xf32, #tpu.memory_space<vmem>>
      %scatter3A_1252 = tpu.memref_squeeze %scatter3A_1251 : memref<1x512xf32, #tpu.memory_space<vmem>> -> memref<512xf32, #tpu.memory_space<vmem>>
      tpu.vector_store_idx %scatter3A_1252[%add3A_1246], %mul3A_1248 : memref<512xf32, #tpu.memory_space<vmem>>[vector<16xi32>], vector<16xf32>,
      %mul3A_1253 = arith.constant 2 : i32
      %mul3A_1254 = vector.broadcast %mul3A_1253 : i32 to vector<16xi32>
      %mul3A_1255 = arith.muli %mul3A_1254, %iota3A : vector<16xi32>
      %add3A_1256 = arith.constant 64 : i32
      %add3A_1257 = vector.broadcast %add3A_1256 : i32 to vector<16xi32>
      %add3A_1258 = arith.addi %add3A_1257, %mul3A_1255 : vector<16xi32>
      %mul3A_1259 = vector.broadcast %scan3A_343 : f32 to vector<16xf32>
      %mul3A_1260 = arith.mulf %scan3A_1192#4, %mul3A_1259 : vector<16xf32>
      %scatter3A_1261 = arith.constant 1 : i32
      %scatter3A_1262 = arith.constant 0 : i32
      %scatter3A_1263 = tpu.memref_slice %arg10[%scatter3A_1261, %scatter3A_1262] : memref<2x512xf32, #tpu.memory_space<vmem>> -> memref<1x512xf32, #tpu.memory_space<vmem>>
      %scatter3A_1264 = tpu.memref_squeeze %scatter3A_1263 : memref<1x512xf32, #tpu.memory_space<vmem>> -> memref<512xf32, #tpu.memory_space<vmem>>
      tpu.vector_store_idx %scatter3A_1264[%add3A_1258], %mul3A_1260 : memref<512xf32, #tpu.memory_space<vmem>>[vector<16xi32>], vector<16xf32>,
      %mul3A_1265 = arith.constant 2 : i32
      %mul3A_1266 = vector.broadcast %mul3A_1265 : i32 to vector<16xi32>
      %mul3A_1267 = arith.muli %mul3A_1266, %iota3A : vector<16xi32>
      %add3A_1268 = arith.constant 64 : i32
      %add3A_1269 = vector.broadcast %add3A_1268 : i32 to vector<16xi32>
      %add3A_1270 = arith.addi %add3A_1269, %mul3A_1267 : vector<16xi32>
      %add3A_1271 = arith.constant 1 : i32
      %add3A_1272 = vector.broadcast %add3A_1271 : i32 to vector<16xi32>
      %add3A_1273 = arith.addi %add3A_1270, %add3A_1272 : vector<16xi32>
      %mul3A_1274 = vector.broadcast %scan3A_343 : f32 to vector<16xf32>
      %mul3A_1275 = arith.mulf %scan3A_1192#5, %mul3A_1274 : vector<16xf32>
      %scatter3A_1276 = arith.constant 1 : i32
      %scatter3A_1277 = arith.constant 0 : i32
      %scatter3A_1278 = tpu.memref_slice %arg10[%scatter3A_1276, %scatter3A_1277] : memref<2x512xf32, #tpu.memory_space<vmem>> -> memref<1x512xf32, #tpu.memory_space<vmem>>
      %scatter3A_1279 = tpu.memref_squeeze %scatter3A_1278 : memref<1x512xf32, #tpu.memory_space<vmem>> -> memref<512xf32, #tpu.memory_space<vmem>>
      tpu.vector_store_idx %scatter3A_1279[%add3A_1273], %mul3A_1275 : memref<512xf32, #tpu.memory_space<vmem>>[vector<16xi32>], vector<16xf32>,
      %mul3A_1280 = arith.constant 2 : i32
      %mul3A_1281 = vector.broadcast %mul3A_1280 : i32 to vector<16xi32>
      %mul3A_1282 = arith.muli %mul3A_1281, %iota3A : vector<16xi32>
      %add3A_1283 = arith.constant 96 : i32
      %add3A_1284 = vector.broadcast %add3A_1283 : i32 to vector<16xi32>
      %add3A_1285 = arith.addi %add3A_1284, %mul3A_1282 : vector<16xi32>
      %mul3A_1286 = vector.broadcast %scan3A_343 : f32 to vector<16xf32>
      %mul3A_1287 = arith.mulf %scan3A_1192#6, %mul3A_1286 : vector<16xf32>
      %scatter3A_1288 = arith.constant 1 : i32
      %scatter3A_1289 = arith.constant 0 : i32
      %scatter3A_1290 = tpu.memref_slice %arg10[%scatter3A_1288, %scatter3A_1289] : memref<2x512xf32, #tpu.memory_space<vmem>> -> memref<1x512xf32, #tpu.memory_space<vmem>>
      %scatter3A_1291 = tpu.memref_squeeze %scatter3A_1290 : memref<1x512xf32, #tpu.memory_space<vmem>> -> memref<512xf32, #tpu.memory_space<vmem>>
      tpu.vector_store_idx %scatter3A_1291[%add3A_1285], %mul3A_1287 : memref<512xf32, #tpu.memory_space<vmem>>[vector<16xi32>], vector<16xf32>,
      %mul3A_1292 = arith.constant 2 : i32
      %mul3A_1293 = vector.broadcast %mul3A_1292 : i32 to vector<16xi32>
      %mul3A_1294 = arith.muli %mul3A_1293, %iota3A : vector<16xi32>
      %add3A_1295 = arith.constant 96 : i32
      %add3A_1296 = vector.broadcast %add3A_1295 : i32 to vector<16xi32>
      %add3A_1297 = arith.addi %add3A_1296, %mul3A_1294 : vector<16xi32>
      %add3A_1298 = arith.constant 1 : i32
      %add3A_1299 = vector.broadcast %add3A_1298 : i32 to vector<16xi32>
      %add3A_1300 = arith.addi %add3A_1297, %add3A_1299 : vector<16xi32>
      %mul3A_1301 = vector.broadcast %scan3A_343 : f32 to vector<16xf32>
      %mul3A_1302 = arith.mulf %scan3A_1192#7, %mul3A_1301 : vector<16xf32>
      %scatter3A_1303 = arith.constant 1 : i32
      %scatter3A_1304 = arith.constant 0 : i32
      %scatter3A_1305 = tpu.memref_slice %arg10[%scatter3A_1303, %scatter3A_1304] : memref<2x512xf32, #tpu.memory_space<vmem>> -> memref<1x512xf32, #tpu.memory_space<vmem>>
      %scatter3A_1306 = tpu.memref_squeeze %scatter3A_1305 : memref<1x512xf32, #tpu.memory_space<vmem>> -> memref<512xf32, #tpu.memory_space<vmem>>
      tpu.vector_store_idx %scatter3A_1306[%add3A_1300], %mul3A_1302 : memref<512xf32, #tpu.memory_space<vmem>>[vector<16xi32>], vector<16xf32>,
      %mul3A_1307 = arith.constant 2 : i32
      %mul3A_1308 = vector.broadcast %mul3A_1307 : i32 to vector<16xi32>
      %mul3A_1309 = arith.muli %mul3A_1308, %iota3A : vector<16xi32>
      %add3A_1310 = arith.constant 128 : i32
      %add3A_1311 = vector.broadcast %add3A_1310 : i32 to vector<16xi32>
      %add3A_1312 = arith.addi %add3A_1311, %mul3A_1309 : vector<16xi32>
      %mul3A_1313 = vector.broadcast %scan3A_343 : f32 to vector<16xf32>
      %mul3A_1314 = arith.mulf %scan3A_1192#8, %mul3A_1313 : vector<16xf32>
      %scatter3A_1315 = arith.constant 1 : i32
      %scatter3A_1316 = arith.constant 0 : i32
      %scatter3A_1317 = tpu.memref_slice %arg10[%scatter3A_1315, %scatter3A_1316] : memref<2x512xf32, #tpu.memory_space<vmem>> -> memref<1x512xf32, #tpu.memory_space<vmem>>
      %scatter3A_1318 = tpu.memref_squeeze %scatter3A_1317 : memref<1x512xf32, #tpu.memory_space<vmem>> -> memref<512xf32, #tpu.memory_space<vmem>>
      tpu.vector_store_idx %scatter3A_1318[%add3A_1312], %mul3A_1314 : memref<512xf32, #tpu.memory_space<vmem>>[vector<16xi32>], vector<16xf32>,
      %mul3A_1319 = arith.constant 2 : i32
      %mul3A_1320 = vector.broadcast %mul3A_1319 : i32 to vector<16xi32>
      %mul3A_1321 = arith.muli %mul3A_1320, %iota3A : vector<16xi32>
      %add3A_1322 = arith.constant 128 : i32
      %add3A_1323 = vector.broadcast %add3A_1322 : i32 to vector<16xi32>
      %add3A_1324 = arith.addi %add3A_1323, %mul3A_1321 : vector<16xi32>
      %add3A_1325 = arith.constant 1 : i32
      %add3A_1326 = vector.broadcast %add3A_1325 : i32 to vector<16xi32>
      %add3A_1327 = arith.addi %add3A_1324, %add3A_1326 : vector<16xi32>
      %mul3A_1328 = vector.broadcast %scan3A_343 : f32 to vector<16xf32>
      %mul3A_1329 = arith.mulf %scan3A_1192#9, %mul3A_1328 : vector<16xf32>
      %scatter3A_1330 = arith.constant 1 : i32
      %scatter3A_1331 = arith.constant 0 : i32
      %scatter3A_1332 = tpu.memref_slice %arg10[%scatter3A_1330, %scatter3A_1331] : memref<2x512xf32, #tpu.memory_space<vmem>> -> memref<1x512xf32, #tpu.memory_space<vmem>>
      %scatter3A_1333 = tpu.memref_squeeze %scatter3A_1332 : memref<1x512xf32, #tpu.memory_space<vmem>> -> memref<512xf32, #tpu.memory_space<vmem>>
      tpu.vector_store_idx %scatter3A_1333[%add3A_1327], %mul3A_1329 : memref<512xf32, #tpu.memory_space<vmem>>[vector<16xi32>], vector<16xf32>,
      %mul3A_1334 = arith.constant 2 : i32
      %mul3A_1335 = vector.broadcast %mul3A_1334 : i32 to vector<16xi32>
      %mul3A_1336 = arith.muli %mul3A_1335, %iota3A : vector<16xi32>
      %add3A_1337 = arith.constant 160 : i32
      %add3A_1338 = vector.broadcast %add3A_1337 : i32 to vector<16xi32>
      %add3A_1339 = arith.addi %add3A_1338, %mul3A_1336 : vector<16xi32>
      %mul3A_1340 = vector.broadcast %scan3A_343 : f32 to vector<16xf32>
      %mul3A_1341 = arith.mulf %scan3A_1192#10, %mul3A_1340 : vector<16xf32>
      %scatter3A_1342 = arith.constant 1 : i32
      %scatter3A_1343 = arith.constant 0 : i32
      %scatter3A_1344 = tpu.memref_slice %arg10[%scatter3A_1342, %scatter3A_1343] : memref<2x512xf32, #tpu.memory_space<vmem>> -> memref<1x512xf32, #tpu.memory_space<vmem>>
      %scatter3A_1345 = tpu.memref_squeeze %scatter3A_1344 : memref<1x512xf32, #tpu.memory_space<vmem>> -> memref<512xf32, #tpu.memory_space<vmem>>
      tpu.vector_store_idx %scatter3A_1345[%add3A_1339], %mul3A_1341 : memref<512xf32, #tpu.memory_space<vmem>>[vector<16xi32>], vector<16xf32>,
      %mul3A_1346 = arith.constant 2 : i32
      %mul3A_1347 = vector.broadcast %mul3A_1346 : i32 to vector<16xi32>
      %mul3A_1348 = arith.muli %mul3A_1347, %iota3A : vector<16xi32>
      %add3A_1349 = arith.constant 160 : i32
      %add3A_1350 = vector.broadcast %add3A_1349 : i32 to vector<16xi32>
      %add3A_1351 = arith.addi %add3A_1350, %mul3A_1348 : vector<16xi32>
      %add3A_1352 = arith.constant 1 : i32
      %add3A_1353 = vector.broadcast %add3A_1352 : i32 to vector<16xi32>
      %add3A_1354 = arith.addi %add3A_1351, %add3A_1353 : vector<16xi32>
      %mul3A_1355 = vector.broadcast %scan3A_343 : f32 to vector<16xf32>
      %mul3A_1356 = arith.mulf %scan3A_1192#11, %mul3A_1355 : vector<16xf32>
      %scatter3A_1357 = arith.constant 1 : i32
      %scatter3A_1358 = arith.constant 0 : i32
      %scatter3A_1359 = tpu.memref_slice %arg10[%scatter3A_1357, %scatter3A_1358] : memref<2x512xf32, #tpu.memory_space<vmem>> -> memref<1x512xf32, #tpu.memory_space<vmem>>
      %scatter3A_1360 = tpu.memref_squeeze %scatter3A_1359 : memref<1x512xf32, #tpu.memory_space<vmem>> -> memref<512xf32, #tpu.memory_space<vmem>>
      tpu.vector_store_idx %scatter3A_1360[%add3A_1354], %mul3A_1356 : memref<512xf32, #tpu.memory_space<vmem>>[vector<16xi32>], vector<16xf32>,
      %mul3A_1361 = arith.constant 2 : i32
      %mul3A_1362 = vector.broadcast %mul3A_1361 : i32 to vector<16xi32>
      %mul3A_1363 = arith.muli %mul3A_1362, %iota3A : vector<16xi32>
      %add3A_1364 = arith.constant 192 : i32
      %add3A_1365 = vector.broadcast %add3A_1364 : i32 to vector<16xi32>
      %add3A_1366 = arith.addi %add3A_1365, %mul3A_1363 : vector<16xi32>
      %mul3A_1367 = vector.broadcast %scan3A_343 : f32 to vector<16xf32>
      %mul3A_1368 = arith.mulf %scan3A_1192#12, %mul3A_1367 : vector<16xf32>
      %scatter3A_1369 = arith.constant 1 : i32
      %scatter3A_1370 = arith.constant 0 : i32
      %scatter3A_1371 = tpu.memref_slice %arg10[%scatter3A_1369, %scatter3A_1370] : memref<2x512xf32, #tpu.memory_space<vmem>> -> memref<1x512xf32, #tpu.memory_space<vmem>>
      %scatter3A_1372 = tpu.memref_squeeze %scatter3A_1371 : memref<1x512xf32, #tpu.memory_space<vmem>> -> memref<512xf32, #tpu.memory_space<vmem>>
      tpu.vector_store_idx %scatter3A_1372[%add3A_1366], %mul3A_1368 : memref<512xf32, #tpu.memory_space<vmem>>[vector<16xi32>], vector<16xf32>,
      %mul3A_1373 = arith.constant 2 : i32
      %mul3A_1374 = vector.broadcast %mul3A_1373 : i32 to vector<16xi32>
      %mul3A_1375 = arith.muli %mul3A_1374, %iota3A : vector<16xi32>
      %add3A_1376 = arith.constant 192 : i32
      %add3A_1377 = vector.broadcast %add3A_1376 : i32 to vector<16xi32>
      %add3A_1378 = arith.addi %add3A_1377, %mul3A_1375 : vector<16xi32>
      %add3A_1379 = arith.constant 1 : i32
      %add3A_1380 = vector.broadcast %add3A_1379 : i32 to vector<16xi32>
      %add3A_1381 = arith.addi %add3A_1378, %add3A_1380 : vector<16xi32>
      %mul3A_1382 = vector.broadcast %scan3A_343 : f32 to vector<16xf32>
      %mul3A_1383 = arith.mulf %scan3A_1192#13, %mul3A_1382 : vector<16xf32>
      %scatter3A_1384 = arith.constant 1 : i32
      %scatter3A_1385 = arith.constant 0 : i32
      %scatter3A_1386 = tpu.memref_slice %arg10[%scatter3A_1384, %scatter3A_1385] : memref<2x512xf32, #tpu.memory_space<vmem>> -> memref<1x512xf32, #tpu.memory_space<vmem>>
      %scatter3A_1387 = tpu.memref_squeeze %scatter3A_1386 : memref<1x512xf32, #tpu.memory_space<vmem>> -> memref<512xf32, #tpu.memory_space<vmem>>
      tpu.vector_store_idx %scatter3A_1387[%add3A_1381], %mul3A_1383 : memref<512xf32, #tpu.memory_space<vmem>>[vector<16xi32>], vector<16xf32>,
      %mul3A_1388 = arith.constant 2 : i32
      %mul3A_1389 = vector.broadcast %mul3A_1388 : i32 to vector<16xi32>
      %mul3A_1390 = arith.muli %mul3A_1389, %iota3A : vector<16xi32>
      %add3A_1391 = arith.constant 224 : i32
      %add3A_1392 = vector.broadcast %add3A_1391 : i32 to vector<16xi32>
      %add3A_1393 = arith.addi %add3A_1392, %mul3A_1390 : vector<16xi32>
      %mul3A_1394 = vector.broadcast %scan3A_343 : f32 to vector<16xf32>
      %mul3A_1395 = arith.mulf %scan3A_1192#14, %mul3A_1394 : vector<16xf32>
      %scatter3A_1396 = arith.constant 1 : i32
      %scatter3A_1397 = arith.constant 0 : i32
      %scatter3A_1398 = tpu.memref_slice %arg10[%scatter3A_1396, %scatter3A_1397] : memref<2x512xf32, #tpu.memory_space<vmem>> -> memref<1x512xf32, #tpu.memory_space<vmem>>
      %scatter3A_1399 = tpu.memref_squeeze %scatter3A_1398 : memref<1x512xf32, #tpu.memory_space<vmem>> -> memref<512xf32, #tpu.memory_space<vmem>>
      tpu.vector_store_idx %scatter3A_1399[%add3A_1393], %mul3A_1395 : memref<512xf32, #tpu.memory_space<vmem>>[vector<16xi32>], vector<16xf32>,
      %mul3A_1400 = arith.constant 2 : i32
      %mul3A_1401 = vector.broadcast %mul3A_1400 : i32 to vector<16xi32>
      %mul3A_1402 = arith.muli %mul3A_1401, %iota3A : vector<16xi32>
      %add3A_1403 = arith.constant 224 : i32
      %add3A_1404 = vector.broadcast %add3A_1403 : i32 to vector<16xi32>
      %add3A_1405 = arith.addi %add3A_1404, %mul3A_1402 : vector<16xi32>
      %add3A_1406 = arith.constant 1 : i32
      %add3A_1407 = vector.broadcast %add3A_1406 : i32 to vector<16xi32>
      %add3A_1408 = arith.addi %add3A_1405, %add3A_1407 : vector<16xi32>
      %mul3A_1409 = vector.broadcast %scan3A_343 : f32 to vector<16xf32>
      %mul3A_1410 = arith.mulf %scan3A_1192#15, %mul3A_1409 : vector<16xf32>
      %scatter3A_1411 = arith.constant 1 : i32
      %scatter3A_1412 = arith.constant 0 : i32
      %scatter3A_1413 = tpu.memref_slice %arg10[%scatter3A_1411, %scatter3A_1412] : memref<2x512xf32, #tpu.memory_space<vmem>> -> memref<1x512xf32, #tpu.memory_space<vmem>>
      %scatter3A_1414 = tpu.memref_squeeze %scatter3A_1413 : memref<1x512xf32, #tpu.memory_space<vmem>> -> memref<512xf32, #tpu.memory_space<vmem>>
      tpu.vector_store_idx %scatter3A_1414[%add3A_1408], %mul3A_1410 : memref<512xf32, #tpu.memory_space<vmem>>[vector<16xi32>], vector<16xf32>,
      %mul3A_1415 = arith.constant 2 : i32
      %mul3A_1416 = vector.broadcast %mul3A_1415 : i32 to vector<16xi32>
      %mul3A_1417 = arith.muli %mul3A_1416, %iota3A : vector<16xi32>
      %add3A_1418 = arith.constant 256 : i32
      %add3A_1419 = vector.broadcast %add3A_1418 : i32 to vector<16xi32>
      %add3A_1420 = arith.addi %add3A_1419, %mul3A_1417 : vector<16xi32>
      %mul3A_1421 = vector.broadcast %scan3A_343 : f32 to vector<16xf32>
      %mul3A_1422 = arith.mulf %scan3A_1192#16, %mul3A_1421 : vector<16xf32>
      %scatter3A_1423 = arith.constant 1 : i32
      %scatter3A_1424 = arith.constant 0 : i32
      %scatter3A_1425 = tpu.memref_slice %arg10[%scatter3A_1423, %scatter3A_1424] : memref<2x512xf32, #tpu.memory_space<vmem>> -> memref<1x512xf32, #tpu.memory_space<vmem>>
      %scatter3A_1426 = tpu.memref_squeeze %scatter3A_1425 : memref<1x512xf32, #tpu.memory_space<vmem>> -> memref<512xf32, #tpu.memory_space<vmem>>
      tpu.vector_store_idx %scatter3A_1426[%add3A_1420], %mul3A_1422 : memref<512xf32, #tpu.memory_space<vmem>>[vector<16xi32>], vector<16xf32>,
      %mul3A_1427 = arith.constant 2 : i32
      %mul3A_1428 = vector.broadcast %mul3A_1427 : i32 to vector<16xi32>
      %mul3A_1429 = arith.muli %mul3A_1428, %iota3A : vector<16xi32>
      %add3A_1430 = arith.constant 256 : i32
      %add3A_1431 = vector.broadcast %add3A_1430 : i32 to vector<16xi32>
      %add3A_1432 = arith.addi %add3A_1431, %mul3A_1429 : vector<16xi32>
      %add3A_1433 = arith.constant 1 : i32
      %add3A_1434 = vector.broadcast %add3A_1433 : i32 to vector<16xi32>
      %add3A_1435 = arith.addi %add3A_1432, %add3A_1434 : vector<16xi32>
      %mul3A_1436 = vector.broadcast %scan3A_343 : f32 to vector<16xf32>
      %mul3A_1437 = arith.mulf %scan3A_1192#17, %mul3A_1436 : vector<16xf32>
      %scatter3A_1438 = arith.constant 1 : i32
      %scatter3A_1439 = arith.constant 0 : i32
      %scatter3A_1440 = tpu.memref_slice %arg10[%scatter3A_1438, %scatter3A_1439] : memref<2x512xf32, #tpu.memory_space<vmem>> -> memref<1x512xf32, #tpu.memory_space<vmem>>
      %scatter3A_1441 = tpu.memref_squeeze %scatter3A_1440 : memref<1x512xf32, #tpu.memory_space<vmem>> -> memref<512xf32, #tpu.memory_space<vmem>>
      tpu.vector_store_idx %scatter3A_1441[%add3A_1435], %mul3A_1437 : memref<512xf32, #tpu.memory_space<vmem>>[vector<16xi32>], vector<16xf32>,
      %mul3A_1442 = arith.constant 2 : i32
      %mul3A_1443 = vector.broadcast %mul3A_1442 : i32 to vector<16xi32>
      %mul3A_1444 = arith.muli %mul3A_1443, %iota3A : vector<16xi32>
      %add3A_1445 = arith.constant 288 : i32
      %add3A_1446 = vector.broadcast %add3A_1445 : i32 to vector<16xi32>
      %add3A_1447 = arith.addi %add3A_1446, %mul3A_1444 : vector<16xi32>
      %mul3A_1448 = vector.broadcast %scan3A_343 : f32 to vector<16xf32>
      %mul3A_1449 = arith.mulf %scan3A_1192#18, %mul3A_1448 : vector<16xf32>
      %scatter3A_1450 = arith.constant 1 : i32
      %scatter3A_1451 = arith.constant 0 : i32
      %scatter3A_1452 = tpu.memref_slice %arg10[%scatter3A_1450, %scatter3A_1451] : memref<2x512xf32, #tpu.memory_space<vmem>> -> memref<1x512xf32, #tpu.memory_space<vmem>>
      %scatter3A_1453 = tpu.memref_squeeze %scatter3A_1452 : memref<1x512xf32, #tpu.memory_space<vmem>> -> memref<512xf32, #tpu.memory_space<vmem>>
      tpu.vector_store_idx %scatter3A_1453[%add3A_1447], %mul3A_1449 : memref<512xf32, #tpu.memory_space<vmem>>[vector<16xi32>], vector<16xf32>,
      %mul3A_1454 = arith.constant 2 : i32
      %mul3A_1455 = vector.broadcast %mul3A_1454 : i32 to vector<16xi32>
      %mul3A_1456 = arith.muli %mul3A_1455, %iota3A : vector<16xi32>
      %add3A_1457 = arith.constant 288 : i32
      %add3A_1458 = vector.broadcast %add3A_1457 : i32 to vector<16xi32>
      %add3A_1459 = arith.addi %add3A_1458, %mul3A_1456 : vector<16xi32>
      %add3A_1460 = arith.constant 1 : i32
      %add3A_1461 = vector.broadcast %add3A_1460 : i32 to vector<16xi32>
      %add3A_1462 = arith.addi %add3A_1459, %add3A_1461 : vector<16xi32>
      %mul3A_1463 = vector.broadcast %scan3A_343 : f32 to vector<16xf32>
      %mul3A_1464 = arith.mulf %scan3A_1192#19, %mul3A_1463 : vector<16xf32>
      %scatter3A_1465 = arith.constant 1 : i32
      %scatter3A_1466 = arith.constant 0 : i32
      %scatter3A_1467 = tpu.memref_slice %arg10[%scatter3A_1465, %scatter3A_1466] : memref<2x512xf32, #tpu.memory_space<vmem>> -> memref<1x512xf32, #tpu.memory_space<vmem>>
      %scatter3A_1468 = tpu.memref_squeeze %scatter3A_1467 : memref<1x512xf32, #tpu.memory_space<vmem>> -> memref<512xf32, #tpu.memory_space<vmem>>
      tpu.vector_store_idx %scatter3A_1468[%add3A_1462], %mul3A_1464 : memref<512xf32, #tpu.memory_space<vmem>>[vector<16xi32>], vector<16xf32>,
      %mul3A_1469 = arith.constant 2 : i32
      %mul3A_1470 = vector.broadcast %mul3A_1469 : i32 to vector<16xi32>
      %mul3A_1471 = arith.muli %mul3A_1470, %iota3A : vector<16xi32>
      %add3A_1472 = arith.constant 320 : i32
      %add3A_1473 = vector.broadcast %add3A_1472 : i32 to vector<16xi32>
      %add3A_1474 = arith.addi %add3A_1473, %mul3A_1471 : vector<16xi32>
      %mul3A_1475 = vector.broadcast %scan3A_343 : f32 to vector<16xf32>
      %mul3A_1476 = arith.mulf %scan3A_1192#20, %mul3A_1475 : vector<16xf32>
      %scatter3A_1477 = arith.constant 1 : i32
      %scatter3A_1478 = arith.constant 0 : i32
      %scatter3A_1479 = tpu.memref_slice %arg10[%scatter3A_1477, %scatter3A_1478] : memref<2x512xf32, #tpu.memory_space<vmem>> -> memref<1x512xf32, #tpu.memory_space<vmem>>
      %scatter3A_1480 = tpu.memref_squeeze %scatter3A_1479 : memref<1x512xf32, #tpu.memory_space<vmem>> -> memref<512xf32, #tpu.memory_space<vmem>>
      tpu.vector_store_idx %scatter3A_1480[%add3A_1474], %mul3A_1476 : memref<512xf32, #tpu.memory_space<vmem>>[vector<16xi32>], vector<16xf32>,
      %mul3A_1481 = arith.constant 2 : i32
      %mul3A_1482 = vector.broadcast %mul3A_1481 : i32 to vector<16xi32>
      %mul3A_1483 = arith.muli %mul3A_1482, %iota3A : vector<16xi32>
      %add3A_1484 = arith.constant 320 : i32
      %add3A_1485 = vector.broadcast %add3A_1484 : i32 to vector<16xi32>
      %add3A_1486 = arith.addi %add3A_1485, %mul3A_1483 : vector<16xi32>
      %add3A_1487 = arith.constant 1 : i32
      %add3A_1488 = vector.broadcast %add3A_1487 : i32 to vector<16xi32>
      %add3A_1489 = arith.addi %add3A_1486, %add3A_1488 : vector<16xi32>
      %mul3A_1490 = vector.broadcast %scan3A_343 : f32 to vector<16xf32>
      %mul3A_1491 = arith.mulf %scan3A_1192#21, %mul3A_1490 : vector<16xf32>
      %scatter3A_1492 = arith.constant 1 : i32
      %scatter3A_1493 = arith.constant 0 : i32
      %scatter3A_1494 = tpu.memref_slice %arg10[%scatter3A_1492, %scatter3A_1493] : memref<2x512xf32, #tpu.memory_space<vmem>> -> memref<1x512xf32, #tpu.memory_space<vmem>>
      %scatter3A_1495 = tpu.memref_squeeze %scatter3A_1494 : memref<1x512xf32, #tpu.memory_space<vmem>> -> memref<512xf32, #tpu.memory_space<vmem>>
      tpu.vector_store_idx %scatter3A_1495[%add3A_1489], %mul3A_1491 : memref<512xf32, #tpu.memory_space<vmem>>[vector<16xi32>], vector<16xf32>,
      %mul3A_1496 = arith.constant 2 : i32
      %mul3A_1497 = vector.broadcast %mul3A_1496 : i32 to vector<16xi32>
      %mul3A_1498 = arith.muli %mul3A_1497, %iota3A : vector<16xi32>
      %add3A_1499 = arith.constant 352 : i32
      %add3A_1500 = vector.broadcast %add3A_1499 : i32 to vector<16xi32>
      %add3A_1501 = arith.addi %add3A_1500, %mul3A_1498 : vector<16xi32>
      %mul3A_1502 = vector.broadcast %scan3A_343 : f32 to vector<16xf32>
      %mul3A_1503 = arith.mulf %scan3A_1192#22, %mul3A_1502 : vector<16xf32>
      %scatter3A_1504 = arith.constant 1 : i32
      %scatter3A_1505 = arith.constant 0 : i32
      %scatter3A_1506 = tpu.memref_slice %arg10[%scatter3A_1504, %scatter3A_1505] : memref<2x512xf32, #tpu.memory_space<vmem>> -> memref<1x512xf32, #tpu.memory_space<vmem>>
      %scatter3A_1507 = tpu.memref_squeeze %scatter3A_1506 : memref<1x512xf32, #tpu.memory_space<vmem>> -> memref<512xf32, #tpu.memory_space<vmem>>
      tpu.vector_store_idx %scatter3A_1507[%add3A_1501], %mul3A_1503 : memref<512xf32, #tpu.memory_space<vmem>>[vector<16xi32>], vector<16xf32>,
      %mul3A_1508 = arith.constant 2 : i32
      %mul3A_1509 = vector.broadcast %mul3A_1508 : i32 to vector<16xi32>
      %mul3A_1510 = arith.muli %mul3A_1509, %iota3A : vector<16xi32>
      %add3A_1511 = arith.constant 352 : i32
      %add3A_1512 = vector.broadcast %add3A_1511 : i32 to vector<16xi32>
      %add3A_1513 = arith.addi %add3A_1512, %mul3A_1510 : vector<16xi32>
      %add3A_1514 = arith.constant 1 : i32
      %add3A_1515 = vector.broadcast %add3A_1514 : i32 to vector<16xi32>
      %add3A_1516 = arith.addi %add3A_1513, %add3A_1515 : vector<16xi32>
      %mul3A_1517 = vector.broadcast %scan3A_343 : f32 to vector<16xf32>
      %mul3A_1518 = arith.mulf %scan3A_1192#23, %mul3A_1517 : vector<16xf32>
      %scatter3A_1519 = arith.constant 1 : i32
      %scatter3A_1520 = arith.constant 0 : i32
      %scatter3A_1521 = tpu.memref_slice %arg10[%scatter3A_1519, %scatter3A_1520] : memref<2x512xf32, #tpu.memory_space<vmem>> -> memref<1x512xf32, #tpu.memory_space<vmem>>
      %scatter3A_1522 = tpu.memref_squeeze %scatter3A_1521 : memref<1x512xf32, #tpu.memory_space<vmem>> -> memref<512xf32, #tpu.memory_space<vmem>>
      tpu.vector_store_idx %scatter3A_1522[%add3A_1516], %mul3A_1518 : memref<512xf32, #tpu.memory_space<vmem>>[vector<16xi32>], vector<16xf32>,
      %mul3A_1523 = arith.constant 2 : i32
      %mul3A_1524 = vector.broadcast %mul3A_1523 : i32 to vector<16xi32>
      %mul3A_1525 = arith.muli %mul3A_1524, %iota3A : vector<16xi32>
      %add3A_1526 = arith.constant 384 : i32
      %add3A_1527 = vector.broadcast %add3A_1526 : i32 to vector<16xi32>
      %add3A_1528 = arith.addi %add3A_1527, %mul3A_1525 : vector<16xi32>
      %mul3A_1529 = vector.broadcast %scan3A_343 : f32 to vector<16xf32>
      %mul3A_1530 = arith.mulf %scan3A_1192#24, %mul3A_1529 : vector<16xf32>
      %scatter3A_1531 = arith.constant 1 : i32
      %scatter3A_1532 = arith.constant 0 : i32
      %scatter3A_1533 = tpu.memref_slice %arg10[%scatter3A_1531, %scatter3A_1532] : memref<2x512xf32, #tpu.memory_space<vmem>> -> memref<1x512xf32, #tpu.memory_space<vmem>>
      %scatter3A_1534 = tpu.memref_squeeze %scatter3A_1533 : memref<1x512xf32, #tpu.memory_space<vmem>> -> memref<512xf32, #tpu.memory_space<vmem>>
      tpu.vector_store_idx %scatter3A_1534[%add3A_1528], %mul3A_1530 : memref<512xf32, #tpu.memory_space<vmem>>[vector<16xi32>], vector<16xf32>,
      %mul3A_1535 = arith.constant 2 : i32
      %mul3A_1536 = vector.broadcast %mul3A_1535 : i32 to vector<16xi32>
      %mul3A_1537 = arith.muli %mul3A_1536, %iota3A : vector<16xi32>
      %add3A_1538 = arith.constant 384 : i32
      %add3A_1539 = vector.broadcast %add3A_1538 : i32 to vector<16xi32>
      %add3A_1540 = arith.addi %add3A_1539, %mul3A_1537 : vector<16xi32>
      %add3A_1541 = arith.constant 1 : i32
      %add3A_1542 = vector.broadcast %add3A_1541 : i32 to vector<16xi32>
      %add3A_1543 = arith.addi %add3A_1540, %add3A_1542 : vector<16xi32>
      %mul3A_1544 = vector.broadcast %scan3A_343 : f32 to vector<16xf32>
      %mul3A_1545 = arith.mulf %scan3A_1192#25, %mul3A_1544 : vector<16xf32>
      %scatter3A_1546 = arith.constant 1 : i32
      %scatter3A_1547 = arith.constant 0 : i32
      %scatter3A_1548 = tpu.memref_slice %arg10[%scatter3A_1546, %scatter3A_1547] : memref<2x512xf32, #tpu.memory_space<vmem>> -> memref<1x512xf32, #tpu.memory_space<vmem>>
      %scatter3A_1549 = tpu.memref_squeeze %scatter3A_1548 : memref<1x512xf32, #tpu.memory_space<vmem>> -> memref<512xf32, #tpu.memory_space<vmem>>
      tpu.vector_store_idx %scatter3A_1549[%add3A_1543], %mul3A_1545 : memref<512xf32, #tpu.memory_space<vmem>>[vector<16xi32>], vector<16xf32>,
      %mul3A_1550 = arith.constant 2 : i32
      %mul3A_1551 = vector.broadcast %mul3A_1550 : i32 to vector<16xi32>
      %mul3A_1552 = arith.muli %mul3A_1551, %iota3A : vector<16xi32>
      %add3A_1553 = arith.constant 416 : i32
      %add3A_1554 = vector.broadcast %add3A_1553 : i32 to vector<16xi32>
      %add3A_1555 = arith.addi %add3A_1554, %mul3A_1552 : vector<16xi32>
      %mul3A_1556 = vector.broadcast %scan3A_343 : f32 to vector<16xf32>
      %mul3A_1557 = arith.mulf %scan3A_1192#26, %mul3A_1556 : vector<16xf32>
      %scatter3A_1558 = arith.constant 1 : i32
      %scatter3A_1559 = arith.constant 0 : i32
      %scatter3A_1560 = tpu.memref_slice %arg10[%scatter3A_1558, %scatter3A_1559] : memref<2x512xf32, #tpu.memory_space<vmem>> -> memref<1x512xf32, #tpu.memory_space<vmem>>
      %scatter3A_1561 = tpu.memref_squeeze %scatter3A_1560 : memref<1x512xf32, #tpu.memory_space<vmem>> -> memref<512xf32, #tpu.memory_space<vmem>>
      tpu.vector_store_idx %scatter3A_1561[%add3A_1555], %mul3A_1557 : memref<512xf32, #tpu.memory_space<vmem>>[vector<16xi32>], vector<16xf32>,
      %mul3A_1562 = arith.constant 2 : i32
      %mul3A_1563 = vector.broadcast %mul3A_1562 : i32 to vector<16xi32>
      %mul3A_1564 = arith.muli %mul3A_1563, %iota3A : vector<16xi32>
      %add3A_1565 = arith.constant 416 : i32
      %add3A_1566 = vector.broadcast %add3A_1565 : i32 to vector<16xi32>
      %add3A_1567 = arith.addi %add3A_1566, %mul3A_1564 : vector<16xi32>
      %add3A_1568 = arith.constant 1 : i32
      %add3A_1569 = vector.broadcast %add3A_1568 : i32 to vector<16xi32>
      %add3A_1570 = arith.addi %add3A_1567, %add3A_1569 : vector<16xi32>
      %mul3A_1571 = vector.broadcast %scan3A_343 : f32 to vector<16xf32>
      %mul3A_1572 = arith.mulf %scan3A_1192#27, %mul3A_1571 : vector<16xf32>
      %scatter3A_1573 = arith.constant 1 : i32
      %scatter3A_1574 = arith.constant 0 : i32
      %scatter3A_1575 = tpu.memref_slice %arg10[%scatter3A_1573, %scatter3A_1574] : memref<2x512xf32, #tpu.memory_space<vmem>> -> memref<1x512xf32, #tpu.memory_space<vmem>>
      %scatter3A_1576 = tpu.memref_squeeze %scatter3A_1575 : memref<1x512xf32, #tpu.memory_space<vmem>> -> memref<512xf32, #tpu.memory_space<vmem>>
      tpu.vector_store_idx %scatter3A_1576[%add3A_1570], %mul3A_1572 : memref<512xf32, #tpu.memory_space<vmem>>[vector<16xi32>], vector<16xf32>,
      %mul3A_1577 = arith.constant 2 : i32
      %mul3A_1578 = vector.broadcast %mul3A_1577 : i32 to vector<16xi32>
      %mul3A_1579 = arith.muli %mul3A_1578, %iota3A : vector<16xi32>
      %add3A_1580 = arith.constant 448 : i32
      %add3A_1581 = vector.broadcast %add3A_1580 : i32 to vector<16xi32>
      %add3A_1582 = arith.addi %add3A_1581, %mul3A_1579 : vector<16xi32>
      %mul3A_1583 = vector.broadcast %scan3A_343 : f32 to vector<16xf32>
      %mul3A_1584 = arith.mulf %scan3A_1192#28, %mul3A_1583 : vector<16xf32>
      %scatter3A_1585 = arith.constant 1 : i32
      %scatter3A_1586 = arith.constant 0 : i32
      %scatter3A_1587 = tpu.memref_slice %arg10[%scatter3A_1585, %scatter3A_1586] : memref<2x512xf32, #tpu.memory_space<vmem>> -> memref<1x512xf32, #tpu.memory_space<vmem>>
      %scatter3A_1588 = tpu.memref_squeeze %scatter3A_1587 : memref<1x512xf32, #tpu.memory_space<vmem>> -> memref<512xf32, #tpu.memory_space<vmem>>
      tpu.vector_store_idx %scatter3A_1588[%add3A_1582], %mul3A_1584 : memref<512xf32, #tpu.memory_space<vmem>>[vector<16xi32>], vector<16xf32>,
      %mul3A_1589 = arith.constant 2 : i32
      %mul3A_1590 = vector.broadcast %mul3A_1589 : i32 to vector<16xi32>
      %mul3A_1591 = arith.muli %mul3A_1590, %iota3A : vector<16xi32>
      %add3A_1592 = arith.constant 448 : i32
      %add3A_1593 = vector.broadcast %add3A_1592 : i32 to vector<16xi32>
      %add3A_1594 = arith.addi %add3A_1593, %mul3A_1591 : vector<16xi32>
      %add3A_1595 = arith.constant 1 : i32
      %add3A_1596 = vector.broadcast %add3A_1595 : i32 to vector<16xi32>
      %add3A_1597 = arith.addi %add3A_1594, %add3A_1596 : vector<16xi32>
      %mul3A_1598 = vector.broadcast %scan3A_343 : f32 to vector<16xf32>
      %mul3A_1599 = arith.mulf %scan3A_1192#29, %mul3A_1598 : vector<16xf32>
      %scatter3A_1600 = arith.constant 1 : i32
      %scatter3A_1601 = arith.constant 0 : i32
      %scatter3A_1602 = tpu.memref_slice %arg10[%scatter3A_1600, %scatter3A_1601] : memref<2x512xf32, #tpu.memory_space<vmem>> -> memref<1x512xf32, #tpu.memory_space<vmem>>
      %scatter3A_1603 = tpu.memref_squeeze %scatter3A_1602 : memref<1x512xf32, #tpu.memory_space<vmem>> -> memref<512xf32, #tpu.memory_space<vmem>>
      tpu.vector_store_idx %scatter3A_1603[%add3A_1597], %mul3A_1599 : memref<512xf32, #tpu.memory_space<vmem>>[vector<16xi32>], vector<16xf32>,
      %mul3A_1604 = arith.constant 2 : i32
      %mul3A_1605 = vector.broadcast %mul3A_1604 : i32 to vector<16xi32>
      %mul3A_1606 = arith.muli %mul3A_1605, %iota3A : vector<16xi32>
      %add3A_1607 = arith.constant 480 : i32
      %add3A_1608 = vector.broadcast %add3A_1607 : i32 to vector<16xi32>
      %add3A_1609 = arith.addi %add3A_1608, %mul3A_1606 : vector<16xi32>
      %mul3A_1610 = vector.broadcast %scan3A_343 : f32 to vector<16xf32>
      %mul3A_1611 = arith.mulf %scan3A_1192#30, %mul3A_1610 : vector<16xf32>
      %scatter3A_1612 = arith.constant 1 : i32
      %scatter3A_1613 = arith.constant 0 : i32
      %scatter3A_1614 = tpu.memref_slice %arg10[%scatter3A_1612, %scatter3A_1613] : memref<2x512xf32, #tpu.memory_space<vmem>> -> memref<1x512xf32, #tpu.memory_space<vmem>>
      %scatter3A_1615 = tpu.memref_squeeze %scatter3A_1614 : memref<1x512xf32, #tpu.memory_space<vmem>> -> memref<512xf32, #tpu.memory_space<vmem>>
      tpu.vector_store_idx %scatter3A_1615[%add3A_1609], %mul3A_1611 : memref<512xf32, #tpu.memory_space<vmem>>[vector<16xi32>], vector<16xf32>,
      %mul3A_1616 = arith.constant 2 : i32
      %mul3A_1617 = vector.broadcast %mul3A_1616 : i32 to vector<16xi32>
      %mul3A_1618 = arith.muli %mul3A_1617, %iota3A : vector<16xi32>
      %add3A_1619 = arith.constant 480 : i32
      %add3A_1620 = vector.broadcast %add3A_1619 : i32 to vector<16xi32>
      %add3A_1621 = arith.addi %add3A_1620, %mul3A_1618 : vector<16xi32>
      %add3A_1622 = arith.constant 1 : i32
      %add3A_1623 = vector.broadcast %add3A_1622 : i32 to vector<16xi32>
      %add3A_1624 = arith.addi %add3A_1621, %add3A_1623 : vector<16xi32>
      %mul3A_1625 = vector.broadcast %scan3A_343 : f32 to vector<16xf32>
      %mul3A_1626 = arith.mulf %scan3A_1192#31, %mul3A_1625 : vector<16xf32>
      %scatter3A_1627 = arith.constant 1 : i32
      %scatter3A_1628 = arith.constant 0 : i32
      %scatter3A_1629 = tpu.memref_slice %arg10[%scatter3A_1627, %scatter3A_1628] : memref<2x512xf32, #tpu.memory_space<vmem>> -> memref<1x512xf32, #tpu.memory_space<vmem>>
      %scatter3A_1630 = tpu.memref_squeeze %scatter3A_1629 : memref<1x512xf32, #tpu.memory_space<vmem>> -> memref<512xf32, #tpu.memory_space<vmem>>
      tpu.vector_store_idx %scatter3A_1630[%add3A_1624], %mul3A_1626 : memref<512xf32, #tpu.memory_space<vmem>>[vector<16xi32>], vector<16xf32>,
      %mul3A_1631 = arith.constant 16 : i32
      %mul3A_1632 = arith.muli %add3A_1166, %mul3A_1631 : i32
      %add3A_1633 = arith.addi %mul3A_2, %mul3A_1632 : i32
      %mul3A_1634 = arith.constant 32 : i32
      %mul3A_1635 = arith.muli %add3A_1633, %mul3A_1634 : i32
      %dma_start3A_1636 = arith.constant 1 : i32
      %dma_start3A_1637 = arith.constant 1 : i32
      %dma_start3A_1638 = arith.constant 0 : i32
      %dma_start3A_1639 = tpu.memref_slice %arg10[%dma_start3A_1636, %dma_start3A_1638] : memref<2x512xf32, #tpu.memory_space<vmem>> -> memref<1x512xf32, #tpu.memory_space<vmem>>
      %dma_start3A_1640 = tpu.memref_squeeze %dma_start3A_1639 : memref<1x512xf32, #tpu.memory_space<vmem>> -> memref<512xf32, #tpu.memory_space<vmem>>
      %dma_start3A_1641 = tpu.memref_slice %arg5[%mul3A_1635] : memref<524288xf32, #tpu.memory_space<hbm>> -> memref<512xf32, #tpu.memory_space<hbm>>
      %dma_start3A_1642 = tpu.memref_slice %arg13[%dma_start3A_1637] : memref<2x!tpu.dma_semaphore, #tpu.memory_space<semaphore_mem>> -> memref<1x!tpu.dma_semaphore, #tpu.memory_space<semaphore_mem>>
      %dma_start3A_1643 = tpu.memref_squeeze %dma_start3A_1642 : memref<1x!tpu.dma_semaphore, #tpu.memory_space<semaphore_mem>> -> memref<!tpu.dma_semaphore, #tpu.memory_space<semaphore_mem>>
      %dma_start3A_1644 = tpu.memref_slice %arg5[%mul3A_1635] : memref<524288xf32, #tpu.memory_space<hbm>> -> memref<512xf32, #tpu.memory_space<hbm>>
      %dma_start3A_1645 = arith.constant 0 : i32
      %dma_start3A_1646 = tpu.memref_slice %arg10[%dma_start3A_1636, %dma_start3A_1645] : memref<2x512xf32, #tpu.memory_space<vmem>> -> memref<1x512xf32, #tpu.memory_space<vmem>>
      %dma_start3A_1647 = tpu.memref_squeeze %dma_start3A_1646 : memref<1x512xf32, #tpu.memory_space<vmem>> -> memref<512xf32, #tpu.memory_space<vmem>>
      tpu.enqueue_dma source(%dma_start3A_1647 : memref<512xf32, #tpu.memory_space<vmem>>) target(%dma_start3A_1644 : memref<512xf32, #tpu.memory_space<hbm>>) target_semaphore(%dma_start3A_1643 : memref<!tpu.dma_semaphore, #tpu.memory_space<semaphore_mem>>)
    }
    %scan3A_348 = arith.constant 16 : i32
    %dma_wait3A_349 = arith.constant 0 : i32
    %dma_wait3A_350 = arith.constant 0 : i32
    %dma_wait3A_351 = arith.constant 0 : i32
    %dma_wait3A_352 = tpu.memref_slice %arg10[%dma_wait3A_349, %dma_wait3A_351] : memref<2x512xf32, #tpu.memory_space<vmem>> -> memref<1x512xf32, #tpu.memory_space<vmem>>
    %dma_wait3A_353 = tpu.memref_squeeze %dma_wait3A_352 : memref<1x512xf32, #tpu.memory_space<vmem>> -> memref<512xf32, #tpu.memory_space<vmem>>
    %dma_wait3A_354 = arith.constant 0 : i32
    %dma_wait3A_355 = tpu.memref_slice %arg5[%dma_wait3A_354] : memref<524288xf32, #tpu.memory_space<hbm>> -> memref<512xf32, #tpu.memory_space<hbm>>
    %dma_wait3A_356 = tpu.memref_slice %arg13[%dma_wait3A_350] : memref<2x!tpu.dma_semaphore, #tpu.memory_space<semaphore_mem>> -> memref<1x!tpu.dma_semaphore, #tpu.memory_space<semaphore_mem>>
    %dma_wait3A_357 = tpu.memref_squeeze %dma_wait3A_356 : memref<1x!tpu.dma_semaphore, #tpu.memory_space<semaphore_mem>> -> memref<!tpu.dma_semaphore, #tpu.memory_space<semaphore_mem>>
    %dma_wait3A_358 = arith.constant 0 : i32
    %dma_wait3A_359 = tpu.memref_slice %arg10[%dma_wait3A_349, %dma_wait3A_358] : memref<2x512xf32, #tpu.memory_space<vmem>> -> memref<1x512xf32, #tpu.memory_space<vmem>>
    %dma_wait3A_360 = tpu.memref_squeeze %dma_wait3A_359 : memref<1x512xf32, #tpu.memory_space<vmem>> -> memref<512xf32, #tpu.memory_space<vmem>>
    %dma_wait3A_361 = arith.constant 0 : i32
    %dma_wait3A_362 = tpu.memref_slice %arg5[%dma_wait3A_361] : memref<524288xf32, #tpu.memory_space<hbm>> -> memref<512xf32, #tpu.memory_space<hbm>>
    tpu.wait_dma2 semaphore(%dma_wait3A_357 : memref<!tpu.dma_semaphore, #tpu.memory_space<semaphore_mem>>) src(%dma_wait3A_362 : memref<512xf32, #tpu.memory_space<hbm>>) dst(%dma_wait3A_360 : memref<512xf32, #tpu.memory_space<vmem>>)
    %dma_wait3A_363 = arith.constant 1 : i32
    %dma_wait3A_364 = arith.constant 1 : i32
    %dma_wait3A_365 = arith.constant 0 : i32
    %dma_wait3A_366 = tpu.memref_slice %arg10[%dma_wait3A_363, %dma_wait3A_365] : memref<2x512xf32, #tpu.memory_space<vmem>> -> memref<1x512xf32, #tpu.memory_space<vmem>>
    %dma_wait3A_367 = tpu.memref_squeeze %dma_wait3A_366 : memref<1x512xf32, #tpu.memory_space<vmem>> -> memref<512xf32, #tpu.memory_space<vmem>>
    %dma_wait3A_368 = arith.constant 0 : i32
    %dma_wait3A_369 = tpu.memref_slice %arg5[%dma_wait3A_368] : memref<524288xf32, #tpu.memory_space<hbm>> -> memref<512xf32, #tpu.memory_space<hbm>>
    %dma_wait3A_370 = tpu.memref_slice %arg13[%dma_wait3A_364] : memref<2x!tpu.dma_semaphore, #tpu.memory_space<semaphore_mem>> -> memref<1x!tpu.dma_semaphore, #tpu.memory_space<semaphore_mem>>
    %dma_wait3A_371 = tpu.memref_squeeze %dma_wait3A_370 : memref<1x!tpu.dma_semaphore, #tpu.memory_space<semaphore_mem>> -> memref<!tpu.dma_semaphore, #tpu.memory_space<semaphore_mem>>
    %dma_wait3A_372 = arith.constant 0 : i32
    %dma_wait3A_373 = tpu.memref_slice %arg10[%dma_wait3A_363, %dma_wait3A_372] : memref<2x512xf32, #tpu.memory_space<vmem>> -> memref<1x512xf32, #tpu.memory_space<vmem>>
    %dma_wait3A_374 = tpu.memref_squeeze %dma_wait3A_373 : memref<1x512xf32, #tpu.memory_space<vmem>> -> memref<512xf32, #tpu.memory_space<vmem>>
    %dma_wait3A_375 = arith.constant 0 : i32
    %dma_wait3A_376 = tpu.memref_slice %arg5[%dma_wait3A_375] : memref<524288xf32, #tpu.memory_space<hbm>> -> memref<512xf32, #tpu.memory_space<hbm>>
    tpu.wait_dma2 semaphore(%dma_wait3A_371 : memref<!tpu.dma_semaphore, #tpu.memory_space<semaphore_mem>>) src(%dma_wait3A_376 : memref<512xf32, #tpu.memory_space<hbm>>) dst(%dma_wait3A_374 : memref<512xf32, #tpu.memory_space<vmem>>)
    return
  }
}

</mosaic_0001>

<sc_bundles>
// kernel: kernel.3.cloned.1.call-start
scs
__scs_entry_jumppad:
0x0: {  	(pc) =	sbr.rel $0x88, $3  }
0x1: {  	(tag) =	ssettag $0x0;
	lr =	simm.s32 $0x1  }
0x2: {  	[smem:$0x3F9E] =	sst lr;
	_ =	strace $0xD0000000  }
0x3: {  	_ = 	snop  }
0x4: {  	_ = 	snop  }
0x5: {  	_ = 	snop  }
0x6: {  	_ = 	snop  }
0x7: {  	_ = 	snop  }
__scs_overlays_trampoline_lowered:
0x8: {  	[smem:$0x3FAD] =	sst s0  }
0x9: {  	[smem:$0x3FAE] =	sst s1  }
0xa: {  	[smem:$0x3FAF] =	sst s2  }
0xb: {  	[smem:$0x3FB0] =	sst s3  }
0xc: {  	[smem:$0x3FB1] =	sst s4  }
0xd: {  	[smem:$0x3FB2] =	sst s5  }
0xe: {  	[smem:$0x3FB3] =	sst s6  }
0xf: {  	[smem:$0x3FB4] =	sst s7  }
0x10: {  	[smem:$0x3FB5] =	sst s8  }
0x11: {  	[smem:$0x3FB6] =	sst s9;
	s0 =	simm.s32 @!p0 $0x0  }
0x12: {  	s1 =	sld [smem:$0x3F9C];
	s0 =	simm.s32 @p0 $0x1  }
0x13: {  	[smem:$0x3FB7] =	sst s0;
	s0 =	simm.s32 @!p1 $0x0  }
0x14: {  	s2 =	sld [smem:$0x3F9B];
	s0 =	simm.s32 @p1 $0x1  }
0x15: {  	[smem:$0x3FB8] =	sst s0;
	s0 =	simm.s32 @!p2 $0x0  }
0x16: {  	s3 =	sld [smem:$0x3FDB];
	s0 =	simm.s32 @p2 $0x1  }
0x17: {  	s4 =	simm.s32 $0x1BF5;
	[smem:$0x3FBA] =	sst s0  }
0x18: {  	s0 =	sld [smem:$0x3F9D];
	_ =	swait.ge [sflag:s4], $0x0  }
0x19: {  	s7 =	sld [smem:$0x3F9E]  }
0x1a: {  	s8 =	sadd.s32 $0xFFFFE003, lr  }
0x1b: {  	s9 =	sadd.s32 $0xFFFFFEF7, lr;
	s5 =	simm.s32 $0xFFFFFFFF;
	p2 =	slt.u32 s8, $0xFFFFF086  }
0x1c: {  	p1 =	slt.u32 s9, $0xF7A;
	s5 =	simm.s32 @!p2 $0x0  }
0x1d: {  	s5 =	simm.s32 @p1 $0x1;
	p0 =	seq.s32 s7, s2  }
0x1e: {  	s7 =	smul.u32 @!p0 $0xF7A, s2;
	p2 =	seq.s32 @!p0 s5, $0x0  }
0x1f: {  	s9 =	smul.u32 $0xF7A, s1;
	s8 =	simm.s32 @!p0 $0x1BF5;
	p2 =	por !p2, p0  }
0x20: {  	[sflag:s8] =	ssyncset.s32 @!p0 $0xFFFFF086;
	s6 =	sadd.s32 @!p0 s3, s7;
	s7 =	simm.s32 @!p0 $0x108  }
0x21: {  	s3 =	sadd.s32 s3, s9;
	s6 =	sadd.s32 @!p0 $0x88, s6;
	s7 =	simm.s32 @p2 $0x1082  }
0x22: {  	[simem:s7], [sflag:s8] =	dma.local @!p0 [hbm:s6], $0xF7A  }
0x23: {  	s9 =	sor.u32 $0xD0000000, s2;
	s6 =	simm.s32 $0x108;
	_ =	swait.ge @!p0 [sflag:s8], $0x0  }
0x24: {  	s3 =	sadd.s32 $0x88, s3;
	s6 =	simm.s32 @!p1 $0x1082;
	[sflag:s4] =	ssyncset.s32 $0xFFFFF086  }
0x25: {  	[simem:s6], [sflag:s4] =	dma.local [hbm:s3], $0xF7A  }
0x26: {  	[smem:$0x3F9E] =	sst s1;
	(tag) =	ssettag s2;
	_ =	strace s9  }
0x27: {  	s1 =	sld [smem:$0x3FAE]  }
0x28: {  	s2 =	sld [smem:$0x3FAF]  }
0x29: {  	s4 =	sld [smem:$0x3FB1]  }
0x2a: {  	p0 =	seq.s32 s5, $0x0;
	s5 =	sld [smem:$0x3FB2]  }
0x2b: {  	s6 =	sld [smem:$0x3FB3]  }
0x2c: {  	s7 =	sld [smem:$0x3FB4]  }
0x2d: {  	s3 =	simm.s32 $0x108;
	s8 =	sld [smem:$0x3FB5]  }
0x2e: {  	s3 =	simm.s32 @!p0 $0x1082;
	s9 =	sld [smem:$0x3FB6]  }
0x2f: {  	lr =	sadd.s32 s0, s3;
	s0 =	sld [smem:$0x3FAD]  }
0x30: {  	s3 =	sld [smem:$0x3FB0]  }
0x31: {  	[smem:$0x3FB9] =	sst s10  }
0x32: {  	s10 =	sld [smem:$0x3FB7];
	_ =	sdelay $0x3  }
0x33: {  	p0 =	seq.s32 s10, $0x1;
	s10 =	sld [smem:$0x3FB9];
	_ =	sdelay $0x3  }
0x34: {  	[smem:$0x3FB9] =	sst s10  }
0x35: {  	s10 =	sld [smem:$0x3FB8];
	_ =	sdelay $0x3  }
0x36: {  	p1 =	seq.s32 s10, $0x1;
	s10 =	sld [smem:$0x3FB9];
	_ =	sdelay $0x3  }
0x37: {  	[smem:$0x3FB9] =	sst s10  }
0x38: {  	s10 =	sld [smem:$0x3FBA]  }
0x39: {  	_ = 	snop;
	(pc) =	sbr.ind lr, $3  }
0x3a: {  	_ = 	snop  }
0x3b: {  	_ = 	snop  }
0x3c: {  	p2 =	seq.s32 s10, $0x1;
	s10 =	sld [smem:$0x3FB9]  }
0x3d: {  	_ =	shalt  }
0x3e: {  	_ =	shalt  }
0x3f: {  	_ =	shalt  }
0x40: {  	_ =	shalt  }
0x41: {  	_ =	shalt  }
0x42: {  	_ =	shalt  }
0x43: {  	_ =	shalt  }
0x44: {  	_ =	shalt  }
0x45: {  	_ =	shalt  }
0x46: {  	_ =	shalt  }
0x47: {  	_ =	shalt  }
0x48: {  	_ =	shalt  }
0x49: {  	_ =	shalt  }
0x4a: {  	_ =	shalt  }
0x4b: {  	_ =	shalt  }
0x4c: {  	_ =	shalt  }
0x4d: {  	_ =	shalt  }
0x4e: {  	_ =	shalt  }
0x4f: {  	_ =	shalt  }
0x50: {  	_ =	shalt  }
0x51: {  	_ =	shalt  }
0x52: {  	_ =	shalt  }
0x53: {  	_ =	shalt  }
0x54: {  	_ =	shalt  }
0x55: {  	_ =	shalt  }
0x56: {  	_ =	shalt  }
0x57: {  	_ =	shalt  }
0x58: {  	_ =	shalt  }
0x59: {  	_ =	shalt  }
0x5a: {  	_ =	shalt  }
0x5b: {  	_ =	shalt  }
0x5c: {  	_ =	shalt  }
0x5d: {  	_ =	shalt  }
0x5e: {  	_ =	shalt  }
0x5f: {  	_ =	shalt  }
0x60: {  	_ =	shalt  }
0x61: {  	_ =	shalt  }
0x62: {  	_ =	shalt  }
0x63: {  	_ =	shalt  }
0x64: {  	_ =	shalt  }
0x65: {  	_ =	shalt  }
0x66: {  	_ =	shalt  }
0x67: {  	_ =	shalt  }
0x68: {  	_ =	shalt  }
0x69: {  	_ =	shalt  }
0x6a: {  	_ =	shalt  }
0x6b: {  	_ =	shalt  }
0x6c: {  	_ =	shalt  }
0x6d: {  	_ =	shalt  }
0x6e: {  	_ =	shalt  }
0x6f: {  	_ =	shalt  }
0x70: {  	_ =	shalt  }
0x71: {  	_ =	shalt  }
0x72: {  	_ =	shalt  }
0x73: {  	_ =	shalt  }
0x74: {  	_ =	shalt  }
0x75: {  	_ =	shalt  }
0x76: {  	_ =	shalt  }
0x77: {  	_ =	shalt  }
0x78: {  	_ =	shalt  }
0x79: {  	_ =	shalt  }
0x7a: {  	_ =	shalt  }
0x7b: {  	_ =	shalt  }
0x7c: {  	_ =	shalt  }
0x7d: {  	_ =	shalt  }
0x7e: {  	_ =	shalt  }
0x7f: {  	_ =	shalt  }
0x80: {  	_ =	shalt  }
0x81: {  	_ =	shalt  }
0x82: {  	_ =	shalt  }
0x83: {  	_ =	shalt  }
0x84: {  	_ =	shalt  }
0x85: {  	_ =	shalt  }
0x86: {  	_ =	shalt  }
0x87: {  	_ =	shalt  }
.Lfunc_end0:
.L_simem_size_0:
called_computation_lowered:
.L_overlay_start_0:
0x88: {  	s2 =	sld [smem:$0x3FD9]  }
0x89: {  	s3 =	sld [smem:$0x3FFE];
	_ =	sdelay $0x1  }
0x8a: {  	s1 =	srdreg.scid  }
0x8b: {  	s0 =	sand.u32 $0x1, s1  }
0x8c: {  	s17 =	sshll.u32 s0, $0xA;
	s2 =	sadd.s32 s3, s2  }
0x8d: {  	s2 =	sadd.s32 s2, s17  }
0x8e: {  	[smem:$0x3FC5] =	sst s2  }
0x8f: {  	_ = 	snop  }
0x90: {  	s2 =	sld [smem:$0x3FD0];
	(tm) =	ssettm $0x1  }
0x91: {  	s18 =	sld [smem:$0x3FFB];
	_ =	sdelay $0x3  }
0x92: {  	_ =	strace s18  }
0x93: {  	s3 =	sld [smem:$0x3FFC];
	_ =	sdelay $0x3  }
0x94: {  	_ =	strace s3  }
0x95: {  	s3 =	sld [smem:$0x3FFD];
	_ =	sdelay $0x3  }
0x96: {  	_ =	strace s3  }
0x97: {  	_ =	strace $0x8FFFFFFF  }
0x98: {  	s19 =	sld [smem:$0x3FDB];
	_ =	sdelay $0x1  }
0x99: {  	s4 =	simm.s32 $_scs_section_size  }
0x9a: {  	s5 =	simm.s32 $_size__tile_overlayer_lowered;
	s6 =	simm.s32 $_tile_overlayer_lowered  }
0x9b: {  	s22 =	simm.s32 $0x1BFF;
	s21 =	sshll.u32 s6, $0x1;
	s3 =	sadd.s32 s4, s19  }
0x9c: {  	s7 =	simm.s32 $0x0;
	s20 =	sshll.u32 s5, $0x1;
	s5 =	sadd.s32 s21, s3  }
0x9d: {  	[timem:s7], [sflag:s22] =	dma.local [hbm:s5], s20  }
0x9e: {  	_ =	swait.ge [sflag:s22], s20  }
0x9f: {  	s4 =	ssub.s32 $0x0, s20;
	[sflag:s22] =	ssyncset.done $0x0  }
0xa0: {  	[sflag:s22] =	ssyncadd.s32 s4;
	_ =	sdelay $0x1  }
0xa1: {  	s23 =	simm.s32 $0x1B8B  }
0xa2: {  	_ =	swait.ge [sflag:s23], $0x1  }
0xa3: {  	[sflag:s23] =	ssyncset.done $0x0  }
0xa4: {  	s25 =	simm.s32 $0x1B8E;
	s24 =	sld [smem:$0x3FFE];
	[sflag:s23] =	ssyncadd.s32 $0xFFFFFFFF  }
0xa5: {  	s26 =	simm.s32 $execute0_lowered;
	[smem:$0x3FD2] =	sst s25  }
0xa6: {  	s5 =	sshll.u32 s26, $0x1;
	_ =	strace $0x80000046;
	[dreg:$0x1] =	wrdreg $0xFFFFFFFF  }
0xa7: {  	s28 =	simm.s32 $_size_execute0_lowered;
	s3 =	sadd.s32 s3, s5;
	[dreg:$0x0] =	wrdreg $0x0  }
0xa8: {  	s5 =	sshll.u32 s28, $0x1;
	[dreg:$0x2] =	wrdreg s3  }
0xa9: {  	[dreg:$0x3] =	wrdreg s5  }
0xaa: {  	[dreg:$0x4] =	wrdreg $0xC0  }
0xab: {  	_ =	task [dreg:s7], $0x5FFFF  }
0xac: {  	[dreg:$0x1] =	wrdreg $0xFFFFFFFF  }
0xad: {  	[dreg:$0x0] =	wrdreg $0x60  }
0xae: {  	[dreg:$0x2] =	wrdreg s24  }
0xaf: {  	[dreg:$0x3] =	wrdreg s2  }
0xb0: {  	[dreg:$0x4] =	wrdreg $0x9  }
0xb1: {  	_ =	task.clear_ibuf [dreg:s7], $0x5FFFF;
	_ =	strace $0x90000046  }
0xb2: {  	s29 =	simm.s32 $0x9;
	_ =	strace $0x80000048  }
0xb3: {  	_ =	swait.ge [sflag:s29], $0x1  }
0xb4: {  	[sflag:s29] =	ssyncadd.s32 $0xFFFFFFFF  }
0xb5: {  	_ =	strace $0x90000048  }
0xb6: {  	_ =	sfence  }
0xb7: {  	s30 =	sld [smem:$0x0];
	_ =	sdelay $0x2  }
0xb8: {  	s31 =	sshll.u32 s1, $0xD;
	s1 =	sshrl.u32 s1, $0x2  }
0xb9: {  	s3 =	sand.u32 $0x4000, s31;
	s1 =	sadd.s32 s1, s30  }
0xba: {  	s0 =	sor.u32 s3, s0;
	s1 =	sshll.u32 s1, $0x11  }
0xbb: {  	s0 =	sor.u32 s1, s0  }
0xbc: {  	s0 =	sadd.s32 $0x8F2B, s0  }
0xbd: {  	[sflag:s0] =	ssyncadd.remote.s32 $0x1  }
0xbe: {  	_ =	sfence.sel $0xFFFF  }
0xbf: {  	[dreg:$0x0] =	wrdreg $0xFFFFFFFF;
	(pc) =	sbr.abs _section_cstart, $3  }
0xc0: {  	[dreg:$0x1] =	wrdreg $0xFFFFFFFF  }
0xc1: {  	_ =	task.clear_ibuf [dreg:s7], $0x2FFFF;
	_ =	strace $0x9FFFFFFF  }
0xc2: {  	(tm) =	ssettm $0x7FFFFFFF  }
0xc3: {  	_ =	shalt  }
tec
execute0_lowered:
.L_overlay_start_1:
0x0: {  	(tag) =	ssettag $0x1  }
0x1: {  	s0 =	rddreg [dreg:$0x0]  }
0x2: {  	s1 =	rddreg [dreg:$0x1]  }
0x3: {  	s3 =	srdreg.scid;
	s5 =	stileid.u32;
	s2 =	simm.s32 $0x0  }
0x4: {  	s15 =	simm.s32 $0x1900;
	s16 =	simm.s32 $0x1F40;
	s17 =	simm.s32 $0x1  }
0x5: {  	s18 =	simm.s32 $0x2580;
	s28 =	simm.s32 $0xF440;
	s29 =	simm.s32 $0x3  }
0x6: {  	s30 =	simm.s32 $0xFA80;
	s31 =	simm.s32 $0x4;
	s4 =	sand.u32 $0x1, s3  }
0x7: {  	s19 =	sshll.u32 s5, $0x1;
	[smem:$0x7FF] =	sst s2;
	s3 =	sadd.s32 $0x800, s0  }
0x8: {  	s20 =	sadd.s32 $0x35C00, s0;
	s5 =	sadd.s32 $0x32800, s0;
	s6 =	sor.u32 s4, s19  }
0x9: {  	_ =	strace $0x80000047;
	s4 =	ssub.s32 $0x2, s4;
	[dreg:$0x3] =	wrdreg s20  }
0xa: {  	s19 =	simm.s32 $0x64;
	s20 =	simm.s32 $0x9680;
	s7 =	smul.u32 $0x1900, s6  }
0xb: {  	s8 =	smul.u32 $0xC800, s6;
	s21 =	sshrl.u32 s4, $0x1;
	s25 =	sshll.u32 s6, $0xB  }
0xc: {  	s23 =	sshll.u32 s6, $0x9;
	s0 =	ssub.s32 s4, s21;
	s10 =	sadd.s32 s1, s25  }
0xd: {  	s26 =	sor.u32 $0x40, s23;
	s1 =	simm.s32 $0x2;
	s21 =	simm.s32 $0xE180  }
0xe: {  	s25 =	simm.s32 $0xEE00;
	s9 =	sadd.s32 s3, s7;
	s22 =	sshrl.u32 s8, $0x3  }
0xf: {  	[dreg:$0x7] =	wrdreg s26;
	s0 =	smax.u32 s0, $0x1;
	s13 =	sadd.s32 $0x40, s10  }
0x10: {  	v0 =	vlaneseq.u32;
	s26 =	simm.s32 $0x3218;
	s8 =	simm.s32 $0x0;
	[dreg:$0x4] =	wrdreg s9  }
0x11: {  	v1 =	vmul.u32 $0x64, v0;
	s24 =	sadd.s32 $0xC8, s9;
	s4 =	sadd.s32 s3, s22;
	s9 =	sor.u32 $0x30, s23  }
0x12: {  	v3 =	vmul.u32 $0x68, v0;
	[dreg:$0x8] =	wrdreg s0;
	s22 =	simm.s32 $0x3148;
	s23 =	simm.s32 $0xE7C0  }
0x13: {  	[tilespmem:$0x1FFE0] =	vst v1;
	s0 =	simm.s32 $0xFC80;
	[dreg:$0x5] =	wrdreg s24;
	s4 =	sadd.s32 $0x190, s4  }
0x14: {  	v2 =	vimm.s32 $0x0;
	[tilespmem:$0x1FFF0] =	vst v3;
	s24 =	simm.s32 $0x31B0;
	[dreg:$0x6] =	wrdreg s4;
	s4 =	simm.s32 $0x2C00  }
.LBB2_1:
0x15: {  	[dreg:$0x9] =	wrdreg s8  }
0x16: {  	s6 =	rddreg [dreg:$0x3];
	s11 =	simm.s32 $0x7  }
0x17: {  	[tilespmem:s2], [sflag:$0x7] =	stream.linear.gather [hbm4b:s6+s2], $0x1900, $0x38;
	[tilespmem:$0xFE80] =	vst v63  }
0x18: {  	_ =	swait.ge [sflag:s11], $0x1900  }
0x19: {  	[sflag:s11] =	ssyncset.done $0x0  }
0x1a: {  	s12 =	rddreg [dreg:$0x4];
	[sflag:s11] =	ssyncadd.s32 $0xFFFFE700  }
0x1b: {  	[tilespmem:s15], [sflag:$0x1] =	stream.linear.gather [hbm4b:s12+s2], $0x640, $0x38;
	[tilespmem:$0xFE80] =	vst v63  }
0x1c: {  	s14 =	rddreg [dreg:$0x5]  }
0x1d: {  	[tilespmem:s16], [sflag:$0x2] =	stream.linear.gather [hbm4b:s14+s2], $0x640, $0x38;
	[tilespmem:$0xFE80] =	vst v63  }
0x1e: {  	_ =	swait.ge [sflag:s17], $0x640  }
0x1f: {  	[sflag:s17] =	ssyncset.done $0x0  }
0x20: {  	s7 =	simm.s32 $0xC0;
	s8 =	simm.s32 $0x0;
	[sflag:s17] =	ssyncadd.s32 $0xFFFFF9C0  }
.LBB2_2:
0x21: {  	s11 =	sadd.s32 $0xFFFFFF40, s7  }
0x22: {  	v0 =	vadd.s32 s8, v1;
	v4 =	vmov s11  }
0x23: {  	v4 =	vor.u32 $0x1F, v4;
	_ =	sdelay $0x3  }
0x24: {  	v0 =	vld.idx.msk [tilespmem:v0+s15+$0x0], $0xffff  }
0x25: {  	v4 =	vld.idx.msk [tilespmem:v4+s2+$0x0], $0xffff;
	_ =	sdelay $0x4  }
0x26: {  	vm0 =	vlt.f32 v4, v0  }
0x27: {  	v4 =	vsel vm0, $0x20, v2  }
0x28: {  	v5 =	vor.u32 s11, v4  }
0x29: {  	v5 =	vor.u32 $0xF, v5;
	_ =	sdelay $0x4  }
0x2a: {  	v5 =	vld.idx.msk [tilespmem:v5+s2+$0x0], $0xffff;
	_ =	sdelay $0x4  }
0x2b: {  	vm13 =	vlt.f32 v5, v0  }
0x2c: {  	v5 =	vsel vm13, $0x10, v2  }
0x2d: {  	v4 =	vor.u32 v4, v5  }
0x2e: {  	v5 =	vor.u32 s11, v4  }
0x2f: {  	v5 =	vor.u32 $0x7, v5;
	_ =	sdelay $0x4  }
0x30: {  	v5 =	vld.idx.msk [tilespmem:v5+s2+$0x0], $0xffff;
	_ =	sdelay $0x4  }
0x31: {  	vm14 =	vlt.f32 v5, v0  }
0x32: {  	v5 =	vsel vm14, $0x8, v2  }
0x33: {  	v4 =	vor.u32 v5, v4  }
0x34: {  	v5 =	vor.u32 s11, v4  }
0x35: {  	v6 =	vor.u32 $0x3, v5;
	_ =	sdelay $0x4  }
0x36: {  	v6 =	vld.idx.msk [tilespmem:v6+s2+$0x0], $0xffff;
	_ =	sdelay $0x4  }
0x37: {  	vm15 =	vlt.f32 v6, v0  }
0x38: {  	v6 =	vsel vm15, $0x4, v2  }
0x39: {  	v7 =	vor.u32 v6, v5  }
0x3a: {  	v7 =	vor.u32 $0x1, v7;
	_ =	sdelay $0x4  }
0x3b: {  	v7 =	vld.idx.msk [tilespmem:v7+s2+$0x0], $0xffff;
	_ =	sdelay $0x4  }
0x3c: {  	vm4 =	vlt.f32 v7, v0  }
0x3d: {  	v7 =	vsel vm4, $0x2, v2  }
0x3e: {  	v6 =	vor.u32 v6, v7  }
0x3f: {  	v5 =	vor.u32 v5, v6;
	_ =	sdelay $0x4  }
0x40: {  	v5 =	vld.idx.msk [tilespmem:v5+s2+$0x0], $0xffff;
	_ =	sdelay $0x4  }
0x41: {  	vm5 =	vlt.f32 v5, v0  }
0x42: {  	v5 =	vsel vm5, $0x1, v2  }
0x43: {  	v5 =	vor.u32 v5, v4  }
0x44: {  	v5 =	vor.u32 v6, v5  }
0x45: {  	v6 =	vand.u32 $0x7, v5  }
0x46: {  	v6 =	vor.u32 s11, v6  }
0x47: {  	v4 =	vor.u32 v4, v6;
	_ =	sdelay $0x4  }
0x48: {  	v4 =	vld.idx.msk [tilespmem:v4+s2+$0x0], $0xffff;
	_ =	sdelay $0x2  }
0x49: {  	v46 =	vmov s8;
	v47 =	vadd.s32 s8, v3  }
0x4a: {  	v7 =	vand.u32 $0xFF8, v47;
	v6 =	vand.u32 $0x4, v46  }
0x4b: {  	s12 =	sadd.s32 $0x1, s8;
	s6 =	sadd.s32 $0xFFFFFF80, s7;
	vm6 =	vlt.f32 v4, v0;
	v0 =	vor.u32 v6, v7  }
0x4c: {  	v48 =	vadd.s32 s12, v1;
	v49 =	vmov s6;
	v4 =	vsel vm6, $0x1, v2  }
0x4d: {  	v7 =	vor.u32 $0x1F, v49;
	v4 =	vadd.s32 s11, v4  }
0x4e: {  	v4 =	vadd.s32 v5, v4  }
0x4f: {  	v4 =	vadd.s32 $0x1, v4  }
0x50: {  	[tilespmem:v0+s18+$0x0] =	vst.idx.msk $0xffff, v4  }
0x51: {  	v0 =	vld.idx.msk [tilespmem:v48+s15+$0x0], $0xffff  }
0x52: {  	v4 =	vld.idx.msk [tilespmem:v7+s2+$0x0], $0xffff;
	_ =	sdelay $0x4  }
0x53: {  	vm7 =	vlt.f32 v4, v0  }
0x54: {  	v4 =	vsel vm7, $0x20, v2  }
0x55: {  	v5 =	vor.u32 s6, v4  }
0x56: {  	v5 =	vor.u32 $0xF, v5;
	_ =	sdelay $0x4  }
0x57: {  	v5 =	vld.idx.msk [tilespmem:v5+s2+$0x0], $0xffff;
	_ =	sdelay $0x4  }
0x58: {  	vm8 =	vlt.f32 v5, v0  }
0x59: {  	v5 =	vsel vm8, $0x10, v2  }
0x5a: {  	v4 =	vor.u32 v4, v5  }
0x5b: {  	v5 =	vor.u32 s6, v4  }
0x5c: {  	v5 =	vor.u32 $0x7, v5;
	_ =	sdelay $0x4  }
0x5d: {  	v5 =	vld.idx.msk [tilespmem:v5+s2+$0x0], $0xffff;
	_ =	sdelay $0x4  }
0x5e: {  	vm9 =	vlt.f32 v5, v0  }
0x5f: {  	v5 =	vsel vm9, $0x8, v2  }
0x60: {  	v4 =	vor.u32 v5, v4  }
0x61: {  	v5 =	vor.u32 s6, v4  }
0x62: {  	v50 =	vor.u32 $0x3, v5;
	_ =	sdelay $0x4  }
0x63: {  	v6 =	vld.idx.msk [tilespmem:v50+s2+$0x0], $0xffff;
	_ =	sdelay $0x4  }
0x64: {  	vm10 =	vlt.f32 v6, v0  }
0x65: {  	v6 =	vsel vm10, $0x4, v2  }
0x66: {  	v51 =	vor.u32 v6, v5  }
0x67: {  	v7 =	vor.u32 $0x1, v51;
	_ =	sdelay $0x4  }
0x68: {  	v7 =	vld.idx.msk [tilespmem:v7+s2+$0x0], $0xffff;
	_ =	sdelay $0x4  }
0x69: {  	vm11 =	vlt.f32 v7, v0  }
0x6a: {  	v7 =	vsel vm11, $0x2, v2  }
0x6b: {  	v6 =	vor.u32 v6, v7  }
0x6c: {  	v5 =	vor.u32 v5, v6;
	_ =	sdelay $0x4  }
0x6d: {  	v5 =	vld.idx.msk [tilespmem:v5+s2+$0x0], $0xffff;
	_ =	sdelay $0x4  }
0x6e: {  	vm12 =	vlt.f32 v5, v0  }
0x6f: {  	v5 =	vsel vm12, $0x1, v2  }
0x70: {  	v5 =	vor.u32 v5, v4  }
0x71: {  	v5 =	vor.u32 v6, v5  }
0x72: {  	v6 =	vand.u32 $0x7, v5  }
0x73: {  	v6 =	vor.u32 s6, v6  }
0x74: {  	v4 =	vor.u32 v4, v6;
	_ =	sdelay $0x4  }
0x75: {  	v4 =	vld.idx.msk [tilespmem:v4+s2+$0x0], $0xffff;
	_ =	sdelay $0x2  }
0x76: {  	v52 =	vmov s12;
	v53 =	vadd.s32 s12, v3  }
0x77: {  	v7 =	vand.u32 $0xFF8, v53;
	v6 =	vand.u32 $0x5, v52  }
0x78: {  	s14 =	sadd.s32 $0x2, s8;
	s12 =	sadd.s32 $0xFFFFFFC0, s7;
	vm13 =	vlt.f32 v4, v0;
	v0 =	vor.u32 v6, v7  }
0x79: {  	v54 =	vadd.s32 s14, v1;
	v55 =	vmov s12;
	v4 =	vsel vm13, $0x1, v2  }
0x7a: {  	v7 =	vor.u32 $0x1F, v55;
	v4 =	vadd.s32 s6, v4  }
0x7b: {  	v4 =	vadd.s32 v5, v4  }
0x7c: {  	v4 =	vadd.s32 $0x1, v4  }
0x7d: {  	[tilespmem:v0+s18+$0x0] =	vst.idx.msk $0xffff, v4  }
0x7e: {  	v0 =	vld.idx.msk [tilespmem:v54+s15+$0x0], $0xffff  }
0x7f: {  	v4 =	vld.idx.msk [tilespmem:v7+s2+$0x0], $0xffff;
	_ =	sdelay $0x4  }
0x80: {  	vm14 =	vlt.f32 v4, v0  }
0x81: {  	v4 =	vsel vm14, $0x20, v2  }
0x82: {  	v5 =	vor.u32 s12, v4  }
0x83: {  	v5 =	vor.u32 $0xF, v5;
	_ =	sdelay $0x4  }
0x84: {  	v5 =	vld.idx.msk [tilespmem:v5+s2+$0x0], $0xffff;
	_ =	sdelay $0x4  }
0x85: {  	vm15 =	vlt.f32 v5, v0  }
0x86: {  	v5 =	vsel vm15, $0x10, v2  }
0x87: {  	v4 =	vor.u32 v4, v5  }
0x88: {  	v5 =	vor.u32 s12, v4  }
0x89: {  	v5 =	vor.u32 $0x7, v5;
	_ =	sdelay $0x4  }
0x8a: {  	v5 =	vld.idx.msk [tilespmem:v5+s2+$0x0], $0xffff;
	_ =	sdelay $0x4  }
0x8b: {  	vm4 =	vlt.f32 v5, v0  }
0x8c: {  	v5 =	vsel vm4, $0x8, v2  }
0x8d: {  	v4 =	vor.u32 v5, v4  }
0x8e: {  	v5 =	vor.u32 s12, v4  }
0x8f: {  	v56 =	vor.u32 $0x3, v5;
	_ =	sdelay $0x4  }
0x90: {  	v6 =	vld.idx.msk [tilespmem:v56+s2+$0x0], $0xffff;
	_ =	sdelay $0x4  }
0x91: {  	vm5 =	vlt.f32 v6, v0  }
0x92: {  	v6 =	vsel vm5, $0x4, v2  }
0x93: {  	v57 =	vor.u32 v6, v5  }
0x94: {  	v7 =	vor.u32 $0x1, v57;
	_ =	sdelay $0x4  }
0x95: {  	v7 =	vld.idx.msk [tilespmem:v7+s2+$0x0], $0xffff;
	_ =	sdelay $0x4  }
0x96: {  	vm6 =	vlt.f32 v7, v0  }
0x97: {  	v7 =	vsel vm6, $0x2, v2  }
0x98: {  	v6 =	vor.u32 v6, v7  }
0x99: {  	v5 =	vor.u32 v5, v6;
	_ =	sdelay $0x4  }
0x9a: {  	v5 =	vld.idx.msk [tilespmem:v5+s2+$0x0], $0xffff;
	_ =	sdelay $0x4  }
0x9b: {  	vm7 =	vlt.f32 v5, v0  }
0x9c: {  	v5 =	vsel vm7, $0x1, v2  }
0x9d: {  	v5 =	vor.u32 v5, v4  }
0x9e: {  	v5 =	vor.u32 v6, v5  }
0x9f: {  	v6 =	vand.u32 $0x7, v5  }
0xa0: {  	v6 =	vor.u32 s12, v6  }
0xa1: {  	v4 =	vor.u32 v4, v6;
	_ =	sdelay $0x4  }
0xa2: {  	v4 =	vld.idx.msk [tilespmem:v4+s2+$0x0], $0xffff;
	_ =	sdelay $0x2  }
0xa3: {  	v58 =	vmov s14;
	v59 =	vadd.s32 s14, v3  }
0xa4: {  	v7 =	vand.u32 $0xFF8, v59;
	v6 =	vand.u32 $0x6, v58  }
0xa5: {  	s14 =	sadd.s32 $0x3, s8;
	vm8 =	vlt.f32 v4, v0;
	v0 =	vor.u32 v6, v7  }
0xa6: {  	v61 =	vmov s7;
	v60 =	vadd.s32 s14, v1;
	v4 =	vsel vm8, $0x1, v2  }
0xa7: {  	v7 =	vor.u32 $0x1F, v61;
	v4 =	vadd.s32 s12, v4  }
0xa8: {  	v4 =	vadd.s32 v5, v4  }
0xa9: {  	v4 =	vadd.s32 $0x1, v4  }
0xaa: {  	[tilespmem:v0+s18+$0x0] =	vst.idx.msk $0xffff, v4  }
0xab: {  	v0 =	vld.idx.msk [tilespmem:v60+s15+$0x0], $0xffff  }
0xac: {  	v4 =	vld.idx.msk [tilespmem:v7+s2+$0x0], $0xffff;
	_ =	sdelay $0x4  }
0xad: {  	vm9 =	vlt.f32 v4, v0  }
0xae: {  	v4 =	vsel vm9, $0x20, v2  }
0xaf: {  	v5 =	vor.u32 s7, v4  }
0xb0: {  	v5 =	vor.u32 $0xF, v5;
	_ =	sdelay $0x4  }
0xb1: {  	v5 =	vld.idx.msk [tilespmem:v5+s2+$0x0], $0xffff;
	_ =	sdelay $0x4  }
0xb2: {  	vm10 =	vlt.f32 v5, v0  }
0xb3: {  	v5 =	vsel vm10, $0x10, v2  }
0xb4: {  	v4 =	vor.u32 v4, v5  }
0xb5: {  	v5 =	vor.u32 s7, v4  }
0xb6: {  	v5 =	vor.u32 $0x7, v5;
	_ =	sdelay $0x4  }
0xb7: {  	v5 =	vld.idx.msk [tilespmem:v5+s2+$0x0], $0xffff;
	_ =	sdelay $0x4  }
0xb8: {  	vm11 =	vlt.f32 v5, v0  }
0xb9: {  	v5 =	vsel vm11, $0x8, v2  }
0xba: {  	v4 =	vor.u32 v5, v4  }
0xbb: {  	v5 =	vor.u32 s7, v4  }
0xbc: {  	v62 =	vor.u32 $0x3, v5;
	_ =	sdelay $0x4  }
0xbd: {  	v6 =	vld.idx.msk [tilespmem:v62+s2+$0x0], $0xffff;
	_ =	sdelay $0x4  }
0xbe: {  	vm12 =	vlt.f32 v6, v0  }
0xbf: {  	v6 =	vsel vm12, $0x4, v2  }
0xc0: {  	v63 =	vor.u32 v6, v5  }
0xc1: {  	v7 =	vor.u32 $0x1, v63;
	_ =	sdelay $0x4  }
0xc2: {  	v7 =	vld.idx.msk [tilespmem:v7+s2+$0x0], $0xffff;
	_ =	sdelay $0x4  }
0xc3: {  	vm13 =	vlt.f32 v7, v0  }
0xc4: {  	v7 =	vsel vm13, $0x2, v2  }
0xc5: {  	v6 =	vor.u32 v6, v7  }
0xc6: {  	v5 =	vor.u32 v5, v6;
	_ =	sdelay $0x4  }
0xc7: {  	v5 =	vld.idx.msk [tilespmem:v5+s2+$0x0], $0xffff;
	_ =	sdelay $0x4  }
0xc8: {  	vm14 =	vlt.f32 v5, v0  }
0xc9: {  	v5 =	vsel vm14, $0x1, v2  }
0xca: {  	v5 =	vor.u32 v5, v4  }
0xcb: {  	v5 =	vor.u32 v6, v5  }
0xcc: {  	v6 =	vand.u32 $0x7, v5  }
0xcd: {  	v6 =	vor.u32 s7, v6  }
0xce: {  	v4 =	vor.u32 v4, v6;
	_ =	sdelay $0x4  }
0xcf: {  	v4 =	vld.idx.msk [tilespmem:v4+s2+$0x0], $0xffff;
	_ =	sdelay $0x4  }
0xd0: {  	p0 =	slt.u32 s8, $0x60;
	vm15 =	vlt.f32 v4, v0;
	v0 =	vadd.s32 s14, v3  }
.Ltmp0:
0xd1: {  	v4 =	vsel vm15, $0x1, v2;
	(pc) =	sbr.rel @p0 .LBB2_2-.Ltmp0, $4  }
0xd2: {  	v4 =	vadd.s32 s7, v4  }
0xd3: {  	v4 =	vadd.s32 v5, v4  }
0xd4: {  	v4 =	vadd.s32 $0x1, v4  }
0xd5: {  	s8 =	sadd.s32 $0x4, s8;
	s7 =	sadd.s32 $0x100, s7;
	[tilespmem:v0+s18+$0x0] =	vst.idx.msk $0xffff, v4  }
0xd6: {  	s11 =	simm.s32 $0x0;
	s6 =	rddreg [dreg:$0x6]  }
0xd7: {  	[tilespmem:s15], [sflag:$0x1] =	stream.linear.gather [hbm4b:s6+s11], $0x640, $0x38;
	[tilespmem:$0xFE80] =	vst v63  }
0xd8: {  	s12 =	simm.s32 $0x3280  }
0xd9: {  	[tilespmem:s12], [sflag:$0x3] =	stream.indirect.gather [hbm4b:s5+s19], $0x10, s18, s19, $0xb8;
	[tilespmem:$0xFE80] =	vst v63  }
0xda: {  	s14 =	simm.s32 $0x25E8;
	s7 =	simm.s32 $0x38C0  }
0xdb: {  	[tilespmem:s7], [sflag:$0x3] =	stream.indirect.gather [hbm4b:s5+s19], $0x10, s14, s19, $0xb8;
	[tilespmem:$0xFE80] =	vst v63  }
0xdc: {  	s8 =	simm.s32 $0x3F00;
	s7 =	simm.s32 $0x2650  }
0xdd: {  	[tilespmem:s8], [sflag:$0x3] =	stream.indirect.gather [hbm4b:s5+s19], $0x10, s7, s19, $0xb8;
	[tilespmem:$0xFE80] =	vst v63  }
0xde: {  	s12 =	simm.s32 $0x26B8;
	s14 =	simm.s32 $0x4540  }
0xdf: {  	[tilespmem:s14], [sflag:$0x3] =	stream.indirect.gather [hbm4b:s5+s19], $0x10, s12, s19, $0xb8;
	[tilespmem:$0xFE80] =	vst v63  }
0xe0: {  	s7 =	simm.s32 $0x2720;
	s8 =	simm.s32 $0x4B80  }
0xe1: {  	[tilespmem:s8], [sflag:$0x3] =	stream.indirect.gather [hbm4b:s5+s19], $0x10, s7, s19, $0xb8;
	[tilespmem:$0xFE80] =	vst v63  }
0xe2: {  	s12 =	simm.s32 $0x2788;
	s14 =	simm.s32 $0x51C0  }
0xe3: {  	[tilespmem:s14], [sflag:$0x3] =	stream.indirect.gather [hbm4b:s5+s19], $0x10, s12, s19, $0xb8;
	[tilespmem:$0xFE80] =	vst v63  }
0xe4: {  	s7 =	simm.s32 $0x27F0;
	s8 =	simm.s32 $0x5800  }
0xe5: {  	[tilespmem:s8], [sflag:$0x3] =	stream.indirect.gather [hbm4b:s5+s19], $0x10, s7, s19, $0xb8;
	[tilespmem:$0xFE80] =	vst v63  }
0xe6: {  	s12 =	simm.s32 $0x2858;
	s14 =	simm.s32 $0x5E40  }
0xe7: {  	[tilespmem:s14], [sflag:$0x3] =	stream.indirect.gather [hbm4b:s5+s19], $0x10, s12, s19, $0xb8;
	[tilespmem:$0xFE80] =	vst v63  }
0xe8: {  	s7 =	simm.s32 $0x28C0;
	s8 =	simm.s32 $0x6480  }
0xe9: {  	[tilespmem:s8], [sflag:$0x3] =	stream.indirect.gather [hbm4b:s5+s19], $0x10, s7, s19, $0xb8;
	[tilespmem:$0xFE80] =	vst v63  }
0xea: {  	s12 =	simm.s32 $0x2928;
	s14 =	simm.s32 $0x6AC0  }
0xeb: {  	[tilespmem:s14], [sflag:$0x3] =	stream.indirect.gather [hbm4b:s5+s19], $0x10, s12, s19, $0xb8;
	[tilespmem:$0xFE80] =	vst v63  }
0xec: {  	s7 =	simm.s32 $0x2990;
	s8 =	simm.s32 $0x7100  }
0xed: {  	[tilespmem:s8], [sflag:$0x3] =	stream.indirect.gather [hbm4b:s5+s19], $0x10, s7, s19, $0xb8;
	[tilespmem:$0xFE80] =	vst v63  }
0xee: {  	s12 =	simm.s32 $0x29F8;
	s14 =	simm.s32 $0x7740  }
0xef: {  	[tilespmem:s14], [sflag:$0x3] =	stream.indirect.gather [hbm4b:s5+s19], $0x10, s12, s19, $0xb8;
	[tilespmem:$0xFE80] =	vst v63  }
0xf0: {  	s7 =	simm.s32 $0x2A60;
	s8 =	simm.s32 $0x7D80  }
0xf1: {  	[tilespmem:s8], [sflag:$0x3] =	stream.indirect.gather [hbm4b:s5+s19], $0x10, s7, s19, $0xb8;
	[tilespmem:$0xFE80] =	vst v63  }
0xf2: {  	s12 =	simm.s32 $0x2AC8;
	s14 =	simm.s32 $0x83C0  }
0xf3: {  	[tilespmem:s14], [sflag:$0x3] =	stream.indirect.gather [hbm4b:s5+s19], $0x10, s12, s19, $0xb8;
	[tilespmem:$0xFE80] =	vst v63  }
0xf4: {  	s7 =	simm.s32 $0x2B30;
	s8 =	simm.s32 $0x8A00  }
0xf5: {  	[tilespmem:s8], [sflag:$0x3] =	stream.indirect.gather [hbm4b:s5+s19], $0x10, s7, s19, $0xb8;
	[tilespmem:$0xFE80] =	vst v63  }
0xf6: {  	s12 =	simm.s32 $0x2B98;
	s14 =	simm.s32 $0x9040  }
0xf7: {  	[tilespmem:s14], [sflag:$0x3] =	stream.indirect.gather [hbm4b:s5+s19], $0x10, s12, s19, $0xb8;
	[tilespmem:$0xFE80] =	vst v63  }
.LBB2_4:
0xf8: {  	_ =	swait.ge [sflag:s1], $0x640  }
0xf9: {  	[sflag:s1] =	ssyncset.done $0x0  }
0xfa: {  	s7 =	simm.s32 $0xC0;
	s8 =	simm.s32 $0x0;
	[sflag:s1] =	ssyncadd.s32 $0xFFFFF9C0  }
.LBB2_5:
0xfb: {  	s6 =	sadd.s32 $0xFFFFFF40, s7  }
0xfc: {  	v0 =	vadd.s32 s8, v1;
	v4 =	vmov s6  }
0xfd: {  	v4 =	vor.u32 $0x1F, v4;
	_ =	sdelay $0x3  }
0xfe: {  	v0 =	vld.idx.msk [tilespmem:v0+s16+$0x0], $0xffff  }
0xff: {  	v4 =	vld.idx.msk [tilespmem:v4+s2+$0x0], $0xffff;
	_ =	sdelay $0x4  }
0x100: {  	vm0 =	vlt.f32 v4, v0  }
0x101: {  	v4 =	vsel vm0, $0x20, v2  }
0x102: {  	v5 =	vor.u32 s6, v4  }
0x103: {  	v5 =	vor.u32 $0xF, v5;
	_ =	sdelay $0x4  }
0x104: {  	v5 =	vld.idx.msk [tilespmem:v5+s2+$0x0], $0xffff;
	_ =	sdelay $0x4  }
0x105: {  	vm13 =	vlt.f32 v5, v0  }
0x106: {  	v5 =	vsel vm13, $0x10, v2  }
0x107: {  	v4 =	vor.u32 v4, v5  }
0x108: {  	v5 =	vor.u32 s6, v4  }
0x109: {  	v5 =	vor.u32 $0x7, v5;
	_ =	sdelay $0x4  }
0x10a: {  	v5 =	vld.idx.msk [tilespmem:v5+s2+$0x0], $0xffff;
	_ =	sdelay $0x4  }
0x10b: {  	vm14 =	vlt.f32 v5, v0  }
0x10c: {  	v5 =	vsel vm14, $0x8, v2  }
0x10d: {  	v4 =	vor.u32 v5, v4  }
0x10e: {  	v5 =	vor.u32 s6, v4  }
0x10f: {  	v6 =	vor.u32 $0x3, v5;
	_ =	sdelay $0x4  }
0x110: {  	v6 =	vld.idx.msk [tilespmem:v6+s2+$0x0], $0xffff;
	_ =	sdelay $0x4  }
0x111: {  	vm15 =	vlt.f32 v6, v0  }
0x112: {  	v6 =	vsel vm15, $0x4, v2  }
0x113: {  	v7 =	vor.u32 v6, v5  }
0x114: {  	v7 =	vor.u32 $0x1, v7;
	_ =	sdelay $0x4  }
0x115: {  	v7 =	vld.idx.msk [tilespmem:v7+s2+$0x0], $0xffff;
	_ =	sdelay $0x4  }
0x116: {  	vm4 =	vlt.f32 v7, v0  }
0x117: {  	v7 =	vsel vm4, $0x2, v2  }
0x118: {  	v6 =	vor.u32 v6, v7  }
0x119: {  	v5 =	vor.u32 v5, v6;
	_ =	sdelay $0x4  }
0x11a: {  	v5 =	vld.idx.msk [tilespmem:v5+s2+$0x0], $0xffff;
	_ =	sdelay $0x4  }
0x11b: {  	vm5 =	vlt.f32 v5, v0  }
0x11c: {  	v5 =	vsel vm5, $0x1, v2  }
0x11d: {  	v5 =	vor.u32 v5, v4  }
0x11e: {  	v5 =	vor.u32 v6, v5  }
0x11f: {  	v6 =	vand.u32 $0x7, v5  }
0x120: {  	v6 =	vor.u32 s6, v6  }
0x121: {  	v4 =	vor.u32 v4, v6;
	_ =	sdelay $0x4  }
0x122: {  	v4 =	vld.idx.msk [tilespmem:v4+s2+$0x0], $0xffff;
	_ =	sdelay $0x2  }
0x123: {  	v46 =	vmov s8;
	v47 =	vadd.s32 s8, v3  }
0x124: {  	v7 =	vand.u32 $0xFF8, v47;
	v6 =	vand.u32 $0x4, v46  }
0x125: {  	s12 =	sadd.s32 $0x1, s8;
	s14 =	sadd.s32 $0xFFFFFF80, s7;
	vm6 =	vlt.f32 v4, v0;
	v0 =	vor.u32 v6, v7  }
0x126: {  	v48 =	vadd.s32 s12, v1;
	v49 =	vmov s14;
	v4 =	vsel vm6, $0x1, v2  }
0x127: {  	v7 =	vor.u32 $0x1F, v49;
	v4 =	vadd.s32 s6, v4  }
0x128: {  	v4 =	vadd.s32 v5, v4  }
0x129: {  	v4 =	vadd.s32 $0x1, v4  }
0x12a: {  	[tilespmem:v0+s4+$0x0] =	vst.idx.msk $0xffff, v4  }
0x12b: {  	v0 =	vld.idx.msk [tilespmem:v48+s16+$0x0], $0xffff  }
0x12c: {  	v4 =	vld.idx.msk [tilespmem:v7+s2+$0x0], $0xffff;
	_ =	sdelay $0x4  }
0x12d: {  	vm7 =	vlt.f32 v4, v0  }
0x12e: {  	v4 =	vsel vm7, $0x20, v2  }
0x12f: {  	v5 =	vor.u32 s14, v4  }
0x130: {  	v5 =	vor.u32 $0xF, v5;
	_ =	sdelay $0x4  }
0x131: {  	v5 =	vld.idx.msk [tilespmem:v5+s2+$0x0], $0xffff;
	_ =	sdelay $0x4  }
0x132: {  	vm8 =	vlt.f32 v5, v0  }
0x133: {  	v5 =	vsel vm8, $0x10, v2  }
0x134: {  	v4 =	vor.u32 v4, v5  }
0x135: {  	v5 =	vor.u32 s14, v4  }
0x136: {  	v5 =	vor.u32 $0x7, v5;
	_ =	sdelay $0x4  }
0x137: {  	v5 =	vld.idx.msk [tilespmem:v5+s2+$0x0], $0xffff;
	_ =	sdelay $0x4  }
0x138: {  	vm9 =	vlt.f32 v5, v0  }
0x139: {  	v5 =	vsel vm9, $0x8, v2  }
0x13a: {  	v4 =	vor.u32 v5, v4  }
0x13b: {  	v5 =	vor.u32 s14, v4  }
0x13c: {  	v50 =	vor.u32 $0x3, v5;
	_ =	sdelay $0x4  }
0x13d: {  	v6 =	vld.idx.msk [tilespmem:v50+s2+$0x0], $0xffff;
	_ =	sdelay $0x4  }
0x13e: {  	vm10 =	vlt.f32 v6, v0  }
0x13f: {  	v6 =	vsel vm10, $0x4, v2  }
0x140: {  	v51 =	vor.u32 v6, v5  }
0x141: {  	v7 =	vor.u32 $0x1, v51;
	_ =	sdelay $0x4  }
0x142: {  	v7 =	vld.idx.msk [tilespmem:v7+s2+$0x0], $0xffff;
	_ =	sdelay $0x4  }
0x143: {  	vm11 =	vlt.f32 v7, v0  }
0x144: {  	v7 =	vsel vm11, $0x2, v2  }
0x145: {  	v6 =	vor.u32 v6, v7  }
0x146: {  	v5 =	vor.u32 v5, v6;
	_ =	sdelay $0x4  }
0x147: {  	v5 =	vld.idx.msk [tilespmem:v5+s2+$0x0], $0xffff;
	_ =	sdelay $0x4  }
0x148: {  	vm12 =	vlt.f32 v5, v0  }
0x149: {  	v5 =	vsel vm12, $0x1, v2  }
0x14a: {  	v5 =	vor.u32 v5, v4  }
0x14b: {  	v5 =	vor.u32 v6, v5  }
0x14c: {  	v6 =	vand.u32 $0x7, v5  }
0x14d: {  	v6 =	vor.u32 s14, v6  }
0x14e: {  	v4 =	vor.u32 v4, v6;
	_ =	sdelay $0x4  }
0x14f: {  	v4 =	vld.idx.msk [tilespmem:v4+s2+$0x0], $0xffff;
	_ =	sdelay $0x2  }
0x150: {  	v52 =	vmov s12;
	v53 =	vadd.s32 s12, v3  }
0x151: {  	v7 =	vand.u32 $0xFF8, v53;
	v6 =	vand.u32 $0x5, v52  }
0x152: {  	s12 =	sadd.s32 $0xFFFFFFC0, s7;
	s6 =	sadd.s32 $0x2, s8;
	vm13 =	vlt.f32 v4, v0;
	v0 =	vor.u32 v6, v7  }
0x153: {  	v55 =	vmov s12;
	v54 =	vadd.s32 s6, v1;
	v4 =	vsel vm13, $0x1, v2  }
0x154: {  	v7 =	vor.u32 $0x1F, v55;
	v4 =	vadd.s32 s14, v4  }
0x155: {  	v4 =	vadd.s32 v5, v4  }
0x156: {  	v4 =	vadd.s32 $0x1, v4  }
0x157: {  	[tilespmem:v0+s4+$0x0] =	vst.idx.msk $0xffff, v4  }
0x158: {  	v0 =	vld.idx.msk [tilespmem:v54+s16+$0x0], $0xffff  }
0x159: {  	v4 =	vld.idx.msk [tilespmem:v7+s2+$0x0], $0xffff;
	_ =	sdelay $0x4  }
0x15a: {  	vm14 =	vlt.f32 v4, v0  }
0x15b: {  	v4 =	vsel vm14, $0x20, v2  }
0x15c: {  	v5 =	vor.u32 s12, v4  }
0x15d: {  	v5 =	vor.u32 $0xF, v5;
	_ =	sdelay $0x4  }
0x15e: {  	v5 =	vld.idx.msk [tilespmem:v5+s2+$0x0], $0xffff;
	_ =	sdelay $0x4  }
0x15f: {  	vm15 =	vlt.f32 v5, v0  }
0x160: {  	v5 =	vsel vm15, $0x10, v2  }
0x161: {  	v4 =	vor.u32 v4, v5  }
0x162: {  	v5 =	vor.u32 s12, v4  }
0x163: {  	v5 =	vor.u32 $0x7, v5;
	_ =	sdelay $0x4  }
0x164: {  	v5 =	vld.idx.msk [tilespmem:v5+s2+$0x0], $0xffff;
	_ =	sdelay $0x4  }
0x165: {  	vm4 =	vlt.f32 v5, v0  }
0x166: {  	v5 =	vsel vm4, $0x8, v2  }
0x167: {  	v4 =	vor.u32 v5, v4  }
0x168: {  	v5 =	vor.u32 s12, v4  }
0x169: {  	v56 =	vor.u32 $0x3, v5;
	_ =	sdelay $0x4  }
0x16a: {  	v6 =	vld.idx.msk [tilespmem:v56+s2+$0x0], $0xffff;
	_ =	sdelay $0x4  }
0x16b: {  	vm5 =	vlt.f32 v6, v0  }
0x16c: {  	v6 =	vsel vm5, $0x4, v2  }
0x16d: {  	v57 =	vor.u32 v6, v5  }
0x16e: {  	v7 =	vor.u32 $0x1, v57;
	_ =	sdelay $0x4  }
0x16f: {  	v7 =	vld.idx.msk [tilespmem:v7+s2+$0x0], $0xffff;
	_ =	sdelay $0x4  }
0x170: {  	vm6 =	vlt.f32 v7, v0  }
0x171: {  	v7 =	vsel vm6, $0x2, v2  }
0x172: {  	v6 =	vor.u32 v6, v7  }
0x173: {  	v5 =	vor.u32 v5, v6;
	_ =	sdelay $0x4  }
0x174: {  	v5 =	vld.idx.msk [tilespmem:v5+s2+$0x0], $0xffff;
	_ =	sdelay $0x4  }
0x175: {  	vm7 =	vlt.f32 v5, v0  }
0x176: {  	v5 =	vsel vm7, $0x1, v2  }
0x177: {  	v5 =	vor.u32 v5, v4  }
0x178: {  	v5 =	vor.u32 v6, v5  }
0x179: {  	v6 =	vand.u32 $0x7, v5  }
0x17a: {  	v6 =	vor.u32 s12, v6  }
0x17b: {  	v4 =	vor.u32 v4, v6;
	_ =	sdelay $0x4  }
0x17c: {  	v4 =	vld.idx.msk [tilespmem:v4+s2+$0x0], $0xffff;
	_ =	sdelay $0x2  }
0x17d: {  	v58 =	vmov s6;
	v59 =	vadd.s32 s6, v3  }
0x17e: {  	v7 =	vand.u32 $0xFF8, v59;
	v6 =	vand.u32 $0x6, v58  }
0x17f: {  	s14 =	sadd.s32 $0x3, s8;
	vm8 =	vlt.f32 v4, v0;
	v0 =	vor.u32 v6, v7  }
0x180: {  	v61 =	vmov s7;
	v60 =	vadd.s32 s14, v1;
	v4 =	vsel vm8, $0x1, v2  }
0x181: {  	v7 =	vor.u32 $0x1F, v61;
	v4 =	vadd.s32 s12, v4  }
0x182: {  	v4 =	vadd.s32 v5, v4  }
0x183: {  	v4 =	vadd.s32 $0x1, v4  }
0x184: {  	[tilespmem:v0+s4+$0x0] =	vst.idx.msk $0xffff, v4  }
0x185: {  	v0 =	vld.idx.msk [tilespmem:v60+s16+$0x0], $0xffff  }
0x186: {  	v4 =	vld.idx.msk [tilespmem:v7+s2+$0x0], $0xffff;
	_ =	sdelay $0x4  }
0x187: {  	vm9 =	vlt.f32 v4, v0  }
0x188: {  	v4 =	vsel vm9, $0x20, v2  }
0x189: {  	v5 =	vor.u32 s7, v4  }
0x18a: {  	v5 =	vor.u32 $0xF, v5;
	_ =	sdelay $0x4  }
0x18b: {  	v5 =	vld.idx.msk [tilespmem:v5+s2+$0x0], $0xffff;
	_ =	sdelay $0x4  }
0x18c: {  	vm10 =	vlt.f32 v5, v0  }
0x18d: {  	v5 =	vsel vm10, $0x10, v2  }
0x18e: {  	v4 =	vor.u32 v4, v5  }
0x18f: {  	v5 =	vor.u32 s7, v4  }
0x190: {  	v5 =	vor.u32 $0x7, v5;
	_ =	sdelay $0x4  }
0x191: {  	v5 =	vld.idx.msk [tilespmem:v5+s2+$0x0], $0xffff;
	_ =	sdelay $0x4  }
0x192: {  	vm11 =	vlt.f32 v5, v0  }
0x193: {  	v5 =	vsel vm11, $0x8, v2  }
0x194: {  	v4 =	vor.u32 v5, v4  }
0x195: {  	v5 =	vor.u32 s7, v4  }
0x196: {  	v62 =	vor.u32 $0x3, v5;
	_ =	sdelay $0x4  }
0x197: {  	v6 =	vld.idx.msk [tilespmem:v62+s2+$0x0], $0xffff;
	_ =	sdelay $0x4  }
0x198: {  	vm12 =	vlt.f32 v6, v0  }
0x199: {  	v6 =	vsel vm12, $0x4, v2  }
0x19a: {  	v63 =	vor.u32 v6, v5  }
0x19b: {  	v7 =	vor.u32 $0x1, v63;
	_ =	sdelay $0x4  }
0x19c: {  	v7 =	vld.idx.msk [tilespmem:v7+s2+$0x0], $0xffff;
	_ =	sdelay $0x4  }
0x19d: {  	vm13 =	vlt.f32 v7, v0  }
0x19e: {  	v7 =	vsel vm13, $0x2, v2  }
0x19f: {  	v6 =	vor.u32 v6, v7  }
0x1a0: {  	v5 =	vor.u32 v5, v6;
	_ =	sdelay $0x4  }
0x1a1: {  	v5 =	vld.idx.msk [tilespmem:v5+s2+$0x0], $0xffff;
	_ =	sdelay $0x4  }
0x1a2: {  	vm14 =	vlt.f32 v5, v0  }
0x1a3: {  	v5 =	vsel vm14, $0x1, v2  }
0x1a4: {  	v5 =	vor.u32 v5, v4  }
0x1a5: {  	v5 =	vor.u32 v6, v5  }
0x1a6: {  	v6 =	vand.u32 $0x7, v5  }
0x1a7: {  	v6 =	vor.u32 s7, v6  }
0x1a8: {  	v4 =	vor.u32 v4, v6;
	_ =	sdelay $0x4  }
0x1a9: {  	v4 =	vld.idx.msk [tilespmem:v4+s2+$0x0], $0xffff;
	_ =	sdelay $0x4  }
0x1aa: {  	p0 =	slt.u32 s8, $0x60;
	vm15 =	vlt.f32 v4, v0;
	v0 =	vadd.s32 s14, v3  }
.Ltmp1:
0x1ab: {  	v4 =	vsel vm15, $0x1, v2;
	(pc) =	sbr.rel @p0 .LBB2_5-.Ltmp1, $4  }
0x1ac: {  	v4 =	vadd.s32 s7, v4  }
0x1ad: {  	v4 =	vadd.s32 v5, v4  }
0x1ae: {  	v4 =	vadd.s32 $0x1, v4  }
0x1af: {  	s8 =	sadd.s32 $0x4, s8;
	s7 =	sadd.s32 $0x100, s7;
	[tilespmem:v0+s4+$0x0] =	vst.idx.msk $0xffff, v4  }
0x1b0: {  	p1 =	seq.s32 s11, $0xF  }
0x1b1: {  	s6 =	sshll.u32 @!p1 s11, $0x5  }
0x1b2: {  	s6 =	sadd.s32 @!p1 s6, s9  }
0x1b3: {  	s6 =	smul.u32 @!p1 $0x64, s6;
	_ =	sdelay $0x1  }
0x1b4: {  	s6 =	sshrl.u32 @!p1 s6, $0x3  }
0x1b5: {  	s7 =	simm.s32 @!p1 $0x0;
	s8 =	simm.s32 @!p1 $0x1F40;
	s6 =	sadd.s32 @!p1 s3, s6  }
0x1b6: {  	[tilespmem:s8], [sflag:$0x2] =	stream.linear.gather @!p1 [hbm4b:s6+s7], $0x640, $0x38;
	[tilespmem:$0xFE80] =	vst v63  }
0x1b7: {  	_ = 	snop  }
0x1b8: {  	[tilespmem:s20], [sflag:$0x4] =	stream.indirect.gather [hbm4b:s5+s19], $0x10, s4, s19, $0xb8;
	[tilespmem:$0xFE80] =	vst v63  }
0x1b9: {  	s7 =	simm.s32 $0x2C68;
	s8 =	simm.s32 $0x9CC0  }
0x1ba: {  	[tilespmem:s8], [sflag:$0x4] =	stream.indirect.gather [hbm4b:s5+s19], $0x10, s7, s19, $0xb8;
	[tilespmem:$0xFE80] =	vst v63  }
0x1bb: {  	s12 =	simm.s32 $0x2CD0;
	s14 =	simm.s32 $0xA300  }
0x1bc: {  	[tilespmem:s14], [sflag:$0x4] =	stream.indirect.gather [hbm4b:s5+s19], $0x10, s12, s19, $0xb8;
	[tilespmem:$0xFE80] =	vst v63  }
0x1bd: {  	s7 =	simm.s32 $0x2D38;
	s8 =	simm.s32 $0xA940  }
0x1be: {  	[tilespmem:s8], [sflag:$0x4] =	stream.indirect.gather [hbm4b:s5+s19], $0x10, s7, s19, $0xb8;
	[tilespmem:$0xFE80] =	vst v63  }
0x1bf: {  	s12 =	simm.s32 $0x2DA0;
	s14 =	simm.s32 $0xAF80  }
0x1c0: {  	[tilespmem:s14], [sflag:$0x4] =	stream.indirect.gather [hbm4b:s5+s19], $0x10, s12, s19, $0xb8;
	[tilespmem:$0xFE80] =	vst v63  }
0x1c1: {  	s7 =	simm.s32 $0x2E08;
	s8 =	simm.s32 $0xB5C0  }
0x1c2: {  	[tilespmem:s8], [sflag:$0x4] =	stream.indirect.gather [hbm4b:s5+s19], $0x10, s7, s19, $0xb8;
	[tilespmem:$0xFE80] =	vst v63  }
0x1c3: {  	s12 =	simm.s32 $0x2E70;
	s14 =	simm.s32 $0xBC00  }
0x1c4: {  	[tilespmem:s14], [sflag:$0x4] =	stream.indirect.gather [hbm4b:s5+s19], $0x10, s12, s19, $0xb8;
	[tilespmem:$0xFE80] =	vst v63  }
0x1c5: {  	s7 =	simm.s32 $0x2ED8;
	s8 =	simm.s32 $0xC240  }
0x1c6: {  	[tilespmem:s8], [sflag:$0x4] =	stream.indirect.gather [hbm4b:s5+s19], $0x10, s7, s19, $0xb8;
	[tilespmem:$0xFE80] =	vst v63  }
0x1c7: {  	s12 =	simm.s32 $0x2F40;
	s14 =	simm.s32 $0xC880  }
0x1c8: {  	[tilespmem:s14], [sflag:$0x4] =	stream.indirect.gather [hbm4b:s5+s19], $0x10, s12, s19, $0xb8;
	[tilespmem:$0xFE80] =	vst v63  }
0x1c9: {  	s7 =	simm.s32 $0x2FA8;
	s8 =	simm.s32 $0xCEC0  }
0x1ca: {  	[tilespmem:s8], [sflag:$0x4] =	stream.indirect.gather [hbm4b:s5+s19], $0x10, s7, s19, $0xb8;
	[tilespmem:$0xFE80] =	vst v63  }
0x1cb: {  	s12 =	simm.s32 $0x3010;
	s14 =	simm.s32 $0xD500  }
0x1cc: {  	[tilespmem:s14], [sflag:$0x4] =	stream.indirect.gather [hbm4b:s5+s19], $0x10, s12, s19, $0xb8;
	[tilespmem:$0xFE80] =	vst v63  }
0x1cd: {  	s7 =	simm.s32 $0x3078;
	s8 =	simm.s32 $0xDB40  }
0x1ce: {  	[tilespmem:s8], [sflag:$0x4] =	stream.indirect.gather [hbm4b:s5+s19], $0x10, s7, s19, $0xb8;
	[tilespmem:$0xFE80] =	vst v63  }
0x1cf: {  	s12 =	simm.s32 $0x30E0  }
0x1d0: {  	[tilespmem:s21], [sflag:$0x4] =	stream.indirect.gather [hbm4b:s5+s19], $0x10, s12, s19, $0xb8;
	[tilespmem:$0xFE80] =	vst v63  }
0x1d1: {  	_ = 	snop  }
0x1d2: {  	[tilespmem:s23], [sflag:$0x4] =	stream.indirect.gather [hbm4b:s5+s19], $0x10, s22, s19, $0xb8;
	[tilespmem:$0xFE80] =	vst v63  }
0x1d3: {  	_ = 	snop  }
0x1d4: {  	[tilespmem:s25], [sflag:$0x4] =	stream.indirect.gather [hbm4b:s5+s19], $0x10, s24, s19, $0xb8;
	[tilespmem:$0xFE80] =	vst v63  }
0x1d5: {  	_ = 	snop  }
0x1d6: {  	[tilespmem:s28], [sflag:$0x4] =	stream.indirect.gather [hbm4b:s5+s19], $0x10, s26, s19, $0xb8;
	[tilespmem:$0xFE80] =	vst v63  }
0x1d7: {  	_ =	swait.ge [sflag:s29], $0x6400  }
0x1d8: {  	[sflag:s29] =	ssyncset.done $0x0  }
0x1d9: {  	s14 =	simm.s32 $0x3280;
	[sflag:s29] =	ssyncadd.s32 $0xFFFF9C00  }
0x1da: {  	v0 =	vld [tilespmem:s14+$0x0]  }
0x1db: {  	v6 =	vld [tilespmem:s14+$0x5DD0]  }
0x1dc: {  	v13 =	vld [tilespmem:s14+$0x3840]  }
0x1dd: {  	v10 =	vld [tilespmem:s14+$0x3E90]  }
0x1de: {  	v8 =	vld [tilespmem:s14+$0x5DC0]  }
0x1df: {  	v11 =	vld [tilespmem:s14+$0x2590]  }
0x1e0: {  	v15 =	vld [tilespmem:s14+$0x5790]  }
0x1e1: {  	v18 =	vld [tilespmem:s14+$0x10]  }
0x1e2: {  	v19 =	vld [tilespmem:s14+$0x1900]  }
0x1e3: {  	v23 =	vld [tilespmem:s14+$0x2BC0]  }
0x1e4: {  	v27 =	vld [tilespmem:s14+$0xC80]  }
0x1e5: {  	v30 =	vld [tilespmem:s14+$0x3200]  }
0x1e6: {  	v2 =	vimm.f32 $0.0e+00;
	v38 =	vld [tilespmem:s14+$0x640];
	v7 =	vunpack.i.u.bf16.f32 v0  }
0x1e7: {  	v43 =	vld [tilespmem:s14+$0x5150];
	v0 =	vunpack.i.l.bf16.f32 v0;
	v17 =	vunpack.i.u.bf16.f32 v8;
	v8 =	vunpack.i.l.bf16.f32 v8  }
0x1e8: {  	v49 =	vld [tilespmem:s14+$0x650];
	v22 =	vunpack.i.l.bf16.f32 v6;
	v28 =	vunpack.i.u.bf16.f32 v15;
	v39 =	vunpack.i.l.bf16.f32 v18  }
0x1e9: {  	v34 =	vunpack.i.u.bf16.f32 v11;
	v18 =	vunpack.i.u.bf16.f32 v18;
	v60 =	vunpack.i.l.bf16.f32 v10  }
0x1ea: {  	v9 =	vld [tilespmem:s14+$0x1910];
	v26 =	vunpack.i.u.bf16.f32 v10;
	v10 =	vunpack.i.l.bf16.f32 v19;
	v40 =	vunpack.i.u.bf16.f32 v27  }
0x1eb: {  	v14 =	vld [tilespmem:s14+$0x44C0];
	v31 =	vunpack.i.u.bf16.f32 v30;
	v32 =	vunpack.i.u.bf16.f32 v13;
	v45 =	vunpack.i.l.bf16.f32 v23  }
0x1ec: {  	v48 =	vunpack.i.l.bf16.f32 v38;
	v38 =	vunpack.i.u.bf16.f32 v38;
	v54 =	vunpack.i.l.bf16.f32 v43  }
0x1ed: {  	v52 =	vunpack.i.u.bf16.f32 v43;
	v13 =	vunpack.i.l.bf16.f32 v13;
	v57 =	vunpack.i.l.bf16.f32 v49  }
0x1ee: {  	v50 =	vunpack.i.u.bf16.f32 v49;
	v0 =	vadd.f32 v0, v2;
	v16 =	vadd.f32 v7, v2  }
0x1ef: {  	v35 =	vld [tilespmem:s14+$0x5780];
	v7 =	vunpack.i.u.bf16.f32 v9;
	v21 =	vadd.f32 v8, v2;
	v8 =	vunpack.i.u.bf16.f32 v6  }
0x1f0: {  	v12 =	vld [tilespmem:s14+$0x44D0];
	v6 =	vunpack.i.u.bf16.f32 v14;
	v24 =	vadd.f32 v17, v2;
	v41 =	vadd.f32 v32, v2  }
0x1f1: {  	v4 =	vld [tilespmem:s14+$0x3210];
	v14 =	vunpack.i.l.bf16.f32 v14;
	v56 =	vadd.f32 v48, v2;
	v43 =	vadd.f32 v38, v2  }
0x1f2: {  	v20 =	vld [tilespmem:s14+$0x4B10];
	v14 =	vadd.f32 v14, v2;
	v33 =	vadd.f32 v6, v2;
	v6 =	vunpack.i.l.bf16.f32 v11  }
0x1f3: {  	v11 =	vunpack.i.u.bf16.f32 v19;
	v19 =	vunpack.i.l.bf16.f32 v30;
	v58 =	vadd.f32 v8, v24;
	v24 =	vld [tilespmem:s14+$0x4B00]  }
0x1f4: {  	v30 =	vadd.f32 v31, v2;
	v31 =	vunpack.i.u.bf16.f32 v35;
	v8 =	vadd.f32 v18, v16;
	v16 =	vld [tilespmem:s14+$0x2580]  }
0x1f5: {  	v35 =	vunpack.i.l.bf16.f32 v35;
	v18 =	vunpack.i.l.bf16.f32 v12;
	v37 =	vadd.f32 v22, v21;
	v22 =	vld [tilespmem:s14+$0x5140]  }
0x1f6: {  	v12 =	vunpack.i.u.bf16.f32 v12;
	v21 =	vunpack.i.l.bf16.f32 v4;
	v31 =	vadd.f32 v31, v2  }
0x1f7: {  	v35 =	vadd.f32 v35, v2;
	v55 =	vadd.f32 v39, v0;
	v39 =	vimm.f32 $0.0e+00  }
0x1f8: {  	v17 =	vld [tilespmem:s14+$0x2BD0];
	v59 =	vadd.f32 v18, v14;
	v14 =	vunpack.i.u.bf16.f32 v23;
	v18 =	vunpack.i.l.bf16.f32 v20  }
0x1f9: {  	v44 =	vld [tilespmem:s14+$0x3850];
	v14 =	vadd.f32 v14, v2;
	v38 =	vadd.f32 v28, v31;
	v63 =	vunpack.i.u.bf16.f32 v24  }
0x1fa: {  	v51 =	vld [tilespmem:s14+$0x1F40];
	v47 =	vunpack.i.l.bf16.f32 v16;
	v24 =	vunpack.i.l.bf16.f32 v24;
	v23 =	vunpack.i.u.bf16.f32 v22  }
0x1fb: {  	v46 =	vunpack.i.l.bf16.f32 v22;
	v16 =	vunpack.i.u.bf16.f32 v16;
	v22 =	vadd.f32 v63, v2  }
0x1fc: {  	v20 =	vunpack.i.u.bf16.f32 v20;
	v24 =	vadd.f32 v24, v2;
	v16 =	vadd.f32 v16, v2  }
0x1fd: {  	v42 =	vunpack.i.u.bf16.f32 v17;
	v49 =	vadd.f32 v47, v2;
	v1 =	vadd.f32 v20, v22  }
0x1fe: {  	v20 =	vunpack.i.u.bf16.f32 v44;
	v22 =	vadd.f32 v42, v14;
	v42 =	vunpack.i.u.bf16.f32 v4  }
0x1ff: {  	v53 =	vld [tilespmem:s14+$0x12C0];
	v4 =	vadd.f32 v13, v2;
	v31 =	vadd.f32 v18, v24;
	v14 =	vunpack.i.u.bf16.f32 v51  }
0x200: {  	v18 =	vadd.f32 v23, v2;
	v24 =	vunpack.i.l.bf16.f32 v27;
	v28 =	vadd.f32 v20, v41  }
0x201: {  	v13 =	vld [tilespmem:s14+$0x12D0];
	v20 =	vunpack.i.l.bf16.f32 v44;
	v48 =	vadd.f32 v14, v2;
	v14 =	vadd.f32 v24, v2  }
0x202: {  	v23 =	vld [tilespmem:s14+$0xC90];
	v41 =	vadd.f32 v12, v33;
	v12 =	vimm.f32 $0.0e+00;
	v27 =	vadd.f32 v20, v4  }
0x203: {  	v33 =	vimm.f32 $0.0e+00;
	v20 =	vadd.f32 v34, v16;
	v34 =	vadd.f32 v52, v18  }
0x204: {  	v4 =	vunpack.i.u.bf16.f32 v53;
	v52 =	vadd.f32 v40, v2;
	v18 =	vadd.f32 v57, v56  }
0x205: {  	v16 =	vunpack.i.l.bf16.f32 v53;
	v44 =	vadd.f32 v4, v2;
	v4 =	vadd.f32 v46, v2  }
0x206: {  	v16 =	vadd.f32 v16, v2;
	v46 =	vunpack.i.l.bf16.f32 v15;
	v15 =	vimm.f32 $0.0e+00  }
0x207: {  	v53 =	vunpack.i.u.bf16.f32 v13;
	v0 =	vunpack.i.l.bf16.f32 v23;
	v13 =	vunpack.i.l.bf16.f32 v13  }
0x208: {  	v40 =	vld [tilespmem:s14+$0x3E80];
	v61 =	vadd.f32 v54, v4;
	v54 =	vunpack.i.u.bf16.f32 v23;
	v23 =	vimm.f32 $0.0e+00  }
0x209: {  	s7 =	simm.s32 $0x0;
	s8 =	simm.s32 $0x32A0;
	[tilespmem:$0x1FFD0] =	vst v1;
	v13 =	vadd.f32 v13, v16;
	v0 =	vadd.f32 v0, v14;
	v14 =	vld [tilespmem:s14+$0x1F50];
	v16 =	vimm.f32 $0.0e+00  }
.LBB2_7:
0x20a: {  	v35 =	vadd.f32 v46, v35  }
0x20b: {  	v30 =	vadd.f32 v42, v30;
	v42 =	vadd.f32 v50, v43  }
0x20c: {  	v56 =	vld [tilespmem:s8+$0x0];
	v9 =	vunpack.i.l.bf16.f32 v9;
	v1 =	vadd.f32 v6, v49;
	v6 =	vadd.f32 v10, v16  }
0x20d: {  	v50 =	vld [tilespmem:s8+$0x4B00];
	v44 =	vadd.f32 v53, v44;
	v16 =	vunpack.i.l.bf16.f32 v51;
	v52 =	vadd.f32 v54, v52  }
0x20e: {  	v25 =	vld [tilespmem:$0x1FFD0];
	v12 =	vadd.f32 v16, v12;
	v16 =	vadd.f32 v9, v6  }
0x20f: {  	v10 =	vunpack.i.l.bf16.f32 v17;
	v17 =	vld [tilespmem:s8+$0x1910];
	v5 =	vadd.f32 v11, v2;
	v11 =	vadd.f32 v45, v15  }
0x210: {  	v49 =	vld [tilespmem:s8+$0x5790];
	v4 =	vunpack.i.u.bf16.f32 v40;
	v62 =	vunpack.i.l.bf16.f32 v40;
	v6 =	vunpack.i.u.bf16.f32 v14  }
0x211: {  	v51 =	vld [tilespmem:s8+$0x4B10];
	v14 =	vunpack.i.l.bf16.f32 v14;
	v24 =	vadd.f32 v4, v23;
	v48 =	vadd.f32 v6, v48  }
0x212: {  	v3 =	vld [tilespmem:s8+$0x640];
	[tilespmem:$0x1FFB0] =	vst v1;
	v12 =	vadd.f32 v14, v12;
	v2 =	vunpack.i.u.bf16.f32 v50;
	v1 =	vadd.f32 v7, v5  }
0x213: {  	v6 =	vld [tilespmem:s8+$0x5DC0];
	v50 =	vunpack.i.l.bf16.f32 v50;
	v15 =	vadd.f32 v10, v11;
	v7 =	vadd.f32 v19, v39  }
0x214: {  	v10 =	vld [tilespmem:s8+$0x5DD0];
	v11 =	vunpack.i.u.bf16.f32 v56;
	v19 =	vunpack.i.l.bf16.f32 v56;
	v31 =	vadd.f32 v50, v31  }
0x215: {  	v9 =	vmovc v17;
	v17 =	vld [tilespmem:s8+$0x44C0];
	v57 =	vunpack.i.u.bf16.f32 v49;
	v2 =	vadd.f32 v2, v25;
	v46 =	vadd.f32 v19, v55  }
0x216: {  	v56 =	vld [tilespmem:s8+$0xC80];
	v50 =	vunpack.i.u.bf16.f32 v51;
	v8 =	vadd.f32 v11, v8;
	v11 =	vadd.f32 v62, v33  }
0x217: {  	v25 =	vld [tilespmem:s8+$0x650];
	v62 =	vunpack.i.l.bf16.f32 v51;
	v51 =	vunpack.i.l.bf16.f32 v3;
	[tilespmem:$0x1FFA0] =	vst v1;
	v1 =	vadd.f32 v26, v24  }
0x218: {  	v19 =	vld [tilespmem:s8+$0x2590];
	v3 =	vunpack.i.u.bf16.f32 v3;
	v39 =	vadd.f32 v21, v7;
	v2 =	vadd.f32 v50, v2  }
0x219: {  	v55 =	vld [tilespmem:s8+$0x2BC0];
	v24 =	vunpack.i.u.bf16.f32 v9;
	v18 =	vadd.f32 v51, v18;
	v31 =	vadd.f32 v62, v31  }
0x21a: {  	v26 =	vld [tilespmem:s8+$0x3E90];
	[tilespmem:$0x1FF90] =	vst v1;
	v1 =	vadd.f32 v60, v11;
	v21 =	vunpack.i.u.bf16.f32 v6;
	v6 =	vunpack.i.l.bf16.f32 v6  }
0x21b: {  	v45 =	vld [tilespmem:s8+$0x44D0];
	v37 =	vadd.f32 v6, v37;
	v32 =	vunpack.i.u.bf16.f32 v10;
	v33 =	vunpack.i.l.bf16.f32 v10  }
0x21c: {  	v63 =	vld [tilespmem:s8+$0x1900];
	v6 =	vunpack.i.u.bf16.f32 v17;
	v10 =	vunpack.i.l.bf16.f32 v17;
	v21 =	vadd.f32 v21, v58  }
0x21d: {  	v11 =	vld [tilespmem:s8+$0x10];
	v54 =	vunpack.i.u.bf16.f32 v56;
	v50 =	vunpack.i.u.bf16.f32 v25;
	v29 =	vadd.f32 v10, v59  }
0x21e: {  	v41 =	vadd.f32 v6, v41;
	v5 =	vunpack.i.u.bf16.f32 v19;
	v6 =	vunpack.i.l.bf16.f32 v19;
	v19 =	vld [tilespmem:s8+$0x3200]  }
0x21f: {  	v53 =	vld [tilespmem:s8+$0x3840];
	v36 =	vunpack.i.u.bf16.f32 v55;
	v52 =	vadd.f32 v54, v52;
	v7 =	vunpack.i.l.bf16.f32 v26  }
0x220: {  	v43 =	vld [tilespmem:s8+$0x2580];
	v58 =	vadd.f32 v32, v21;
	v23 =	vunpack.i.u.bf16.f32 v26;
	v21 =	vunpack.i.l.bf16.f32 v45  }
0x221: {  	v33 =	vadd.f32 v33, v37;
	v26 =	vunpack.i.u.bf16.f32 v45;
	v59 =	vadd.f32 v21, v29  }
0x222: {  	[tilespmem:$0x1FFC0] =	vst v1;
	v1 =	vld [tilespmem:s8+$0x5780];
	v4 =	vunpack.i.l.bf16.f32 v11;
	v10 =	vunpack.i.u.bf16.f32 v11;
	v11 =	vunpack.i.u.bf16.f32 v63  }
0x223: {  	v29 =	vld [tilespmem:s8+$0x5150];
	v8 =	vadd.f32 v10, v8;
	v10 =	vunpack.i.l.bf16.f32 v63;
	v63 =	vunpack.i.u.bf16.f32 v19  }
0x224: {  	v22 =	vadd.f32 v36, v22;
	v37 =	vunpack.i.u.bf16.f32 v53;
	v30 =	vadd.f32 v63, v30;
	v63 =	vld [tilespmem:s8+$0x3850]  }
0x225: {  	v60 =	vld [tilespmem:s8+$0x5140];
	v36 =	vunpack.i.l.bf16.f32 v43;
	v45 =	vunpack.i.l.bf16.f32 v55;
	v32 =	vunpack.i.u.bf16.f32 v43  }
0x226: {  	v47 =	vld [tilespmem:s8+$0x3210];
	v53 =	vunpack.i.l.bf16.f32 v53;
	v28 =	vadd.f32 v37, v28;
	v20 =	vadd.f32 v32, v20  }
0x227: {  	v17 =	vld [tilespmem:s8+$0x2BD0];
	v27 =	vadd.f32 v53, v27;
	v43 =	vunpack.i.u.bf16.f32 v1;
	v1 =	vunpack.i.l.bf16.f32 v1  }
0x228: {  	[tilespmem:$0x1FFD0] =	vst v2;
	v35 =	vadd.f32 v1, v35;
	v2 =	vunpack.i.l.bf16.f32 v29;
	v1 =	vunpack.i.u.bf16.f32 v29;
	v29 =	vld [tilespmem:s8+$0x12C0]  }
0x229: {  	v38 =	vadd.f32 v43, v38;
	v43 =	vadd.f32 v3, v42;
	v3 =	vunpack.i.u.bf16.f32 v63  }
0x22a: {  	v55 =	vunpack.i.u.bf16.f32 v60;
	v28 =	vadd.f32 v3, v28;
	v3 =	vunpack.i.l.bf16.f32 v25;
	v25 =	vld [tilespmem:s8+$0x12D0]  }
0x22b: {  	v51 =	vld [tilespmem:s8+$0x1F40];
	v21 =	vunpack.i.l.bf16.f32 v47;
	v41 =	vadd.f32 v26, v41;
	v34 =	vadd.f32 v55, v34  }
0x22c: {  	v60 =	vunpack.i.l.bf16.f32 v60;
	v37 =	vunpack.i.u.bf16.f32 v17;
	v20 =	vadd.f32 v5, v20  }
0x22d: {  	v55 =	vadd.f32 v4, v46;
	v34 =	vadd.f32 v1, v34;
	v1 =	vunpack.i.l.bf16.f32 v29  }
0x22e: {  	v46 =	vunpack.i.l.bf16.f32 v49;
	v22 =	vadd.f32 v37, v22;
	v37 =	vld [tilespmem:s8+$0xC90];
	v1 =	vadd.f32 v1, v13  }
0x22f: {  	s7 =	sadd.s32 $0x2, s7;
	v19 =	vunpack.i.l.bf16.f32 v19;
	v42 =	vunpack.i.u.bf16.f32 v47;
	v13 =	vunpack.i.l.bf16.f32 v25  }
0x230: {  	p0 =	slt.u32 s7, $0x62;
	v38 =	vadd.f32 v57, v38;
	v57 =	vunpack.i.u.bf16.f32 v51;
	v13 =	vadd.f32 v13, v1;
	v1 =	vld [tilespmem:$0x1FFB0]  }
.Ltmp2:
0x231: {  	v40 =	vld [tilespmem:s8+$0x3E80];
	v48 =	vadd.f32 v57, v48;
	v62 =	vunpack.i.l.bf16.f32 v63;
	v63 =	vunpack.i.l.bf16.f32 v56;
	(pc) =	sbr.rel @p0 .LBB2_7-.Ltmp2, $4  }
0x232: {  	v14 =	vld [tilespmem:s8+$0x1F50];
	v27 =	vadd.f32 v62, v27;
	v56 =	vunpack.i.u.bf16.f32 v29;
	v29 =	vadd.f32 v60, v61  }
0x233: {  	v26 =	vmovc v23;
	v23 =	vld [tilespmem:$0x1FF90];
	v57 =	vunpack.i.l.bf16.f32 v37;
	v0 =	vadd.f32 v63, v0;
	v44 =	vadd.f32 v56, v44  }
0x234: {  	v54 =	vunpack.i.u.bf16.f32 v37;
	v37 =	vmovc v33;
	v33 =	vld [tilespmem:$0x1FFC0];
	v18 =	vadd.f32 v3, v18;
	v61 =	vadd.f32 v2, v29  }
0x235: {  	v60 =	vmovc v7;
	v7 =	vmovc v24;
	s8 =	sadd.s32 $0x20, s8;
	v2 =	vld [tilespmem:$0x1FFA0];
	v0 =	vadd.f32 v57, v0;
	v53 =	vunpack.i.u.bf16.f32 v25;
	v49 =	vadd.f32 v36, v1  }
0x236: {  	v1 =	vlaneseq.u32;
	p0 =	seq.s32 s11, $0x0  }
0x237: {  	v4 =	vmul.u32 $0x2, v1;
	s6 =	simm.s32 @!p0 $0x5  }
0x238: {  	_ =	swait.ge @!p0 [sflag:s6], $0x200  }
0x239: {  	v25 =	vor.u32 $0x1, v4;
	[tilespmem:$0x1FF30] =	vst v4  }
0x23a: {  	v29 =	vor.u32 $0x20, v4;
	[tilespmem:$0x1FD90] =	vst v25  }
0x23b: {  	v32 =	vor.u32 $0x21, v4;
	[tilespmem:$0x1FDA0] =	vst v29  }
0x23c: {  	v56 =	vor.u32 $0x41, v4;
	[tilespmem:$0x1FDB0] =	vst v32  }
0x23d: {  	v63 =	vor.u32 $0x60, v4;
	[tilespmem:$0x1FDD0] =	vst v56  }
0x23e: {  	v24 =	vor.u32 $0x61, v4;
	[tilespmem:$0x1FDE0] =	vst v63  }
0x23f: {  	v47 =	vadd.f32 v53, v44;
	v53 =	vadd.f32 v50, v43;
	v43 =	vor.u32 $0x81, v4;
	[tilespmem:$0x1FDF0] =	vst v24  }
0x240: {  	v57 =	vadd.f32 v54, v52;
	v50 =	vor.u32 $0xA1, v4;
	[tilespmem:$0x1FE10] =	vst v43  }
0x241: {  	v5 =	vadd.f32 v6, v49;
	v49 =	vunpack.i.l.bf16.f32 v51;
	v52 =	vor.u32 $0xC0, v4;
	[tilespmem:$0x1FE30] =	vst v50  }
0x242: {  	v62 =	vmul.f32 $9.999999770e-03, v53;
	v53 =	vunpack.i.l.bf16.f32 v17;
	v17 =	vor.u32 $0x101, v4;
	[tilespmem:$0x1FE40] =	vst v52  }
0x243: {  	v36 =	vadd.f32 v11, v2;
	v11 =	vadd.f32 v49, v12;
	v12 =	vor.u32 $0xE1, v4;
	[tilespmem:$0x1FE90] =	vst v17  }
0x244: {  	v51 =	vmul.f32 $9.999999770e-03, v55;
	[sflag:s6] =	ssyncset.done @!p0 $0x0;
	v2 =	vadd.f32 v45, v15;
	v15 =	vor.u32 $0x100, v4;
	[tilespmem:$0x1FE70] =	vst v12  }
0x245: {  	v8 =	vmul.f32 $9.999999770e-03, v8;
	v45 =	vadd.f32 v10, v16;
	[sflag:s6] =	ssyncadd.s32 @!p0 $0xFFFFFE00;
	[tilespmem:$0x1FE80] =	vst v15  }
0x246: {  	v9 =	vunpack.i.l.bf16.f32 v9;
	v1 =	vadd.f32 v7, v36;
	v36 =	vor.u32 $0x40, v4;
	[tilespmem:v4+s30+$0x0] =	vst.idx.msk $0xffff, v51  }
0x247: {  	v6 =	vadd.f32 v9, v45;
	v45 =	vmul.f32 $9.999999770e-03, v47;
	v47 =	vor.u32 $0xA0, v4;
	[tilespmem:$0x1FDC0] =	vst v36  }
0x248: {  	v55 =	vmul.f32 $9.999999770e-03, v18;
	[tilespmem:$0x1FE20] =	vst v47  }
0x249: {  	[tilespmem:v25+s30+$0x0] =	vst.idx.msk $0xffff, v8  }
0x24a: {  	v25 =	vmul.f32 $9.999999770e-03, v57;
	v57 =	vor.u32 $0xE0, v4;
	[tilespmem:v29+s30+$0x0] =	vst.idx.msk $0xffff, v55  }
0x24b: {  	[tilespmem:$0x1FE60] =	vst v57  }
0x24c: {  	v29 =	vor.u32 $0x80, v4;
	[tilespmem:v32+s30+$0x0] =	vst.idx.msk $0xffff, v62  }
0x24d: {  	v0 =	vmul.f32 $9.999999770e-03, v0;
	v55 =	vor.u32 $0xC1, v4;
	[tilespmem:$0x1FE00] =	vst v29  }
0x24e: {  	v44 =	vunpack.i.l.bf16.f32 v14;
	[tilespmem:$0x1FE50] =	vst v55  }
0x24f: {  	v32 =	vunpack.i.u.bf16.f32 v14;
	v14 =	vmul.f32 $9.999999770e-03, v20;
	v20 =	vor.u32 $0x120, v4;
	[tilespmem:v36+s30+$0x0] =	vst.idx.msk $0xffff, v0  }
0x250: {  	v62 =	vadd.f32 v19, v39;
	v19 =	vmul.f32 $9.999999770e-03, v22;
	v22 =	vor.u32 $0x121, v4;
	[tilespmem:$0x1FEA0] =	vst v20  }
0x251: {  	[tilespmem:$0x1FEB0] =	vst v22  }
0x252: {  	v3 =	vunpack.i.u.bf16.f32 v40;
	v51 =	vadd.f32 v32, v48;
	v32 =	vor.u32 $0x141, v4;
	[tilespmem:v56+s30+$0x0] =	vst.idx.msk $0xffff, v25  }
0x253: {  	v36 =	vmul.f32 $9.999999770e-03, v13;
	v13 =	vunpack.i.l.bf16.f32 v40;
	v40 =	vor.u32 $0x161, v4;
	[tilespmem:$0x1FED0] =	vst v32  }
0x254: {  	v48 =	vor.u32 $0x1A0, v4;
	[tilespmem:$0x1FEF0] =	vst v40  }
0x255: {  	[tilespmem:$0x1FF20] =	vst v48  }
0x256: {  	v25 =	vor.u32 $0x140, v4;
	[tilespmem:v63+s30+$0x0] =	vst.idx.msk $0xffff, v36  }
0x257: {  	[tilespmem:$0x1FEC0] =	vst v25  }
0x258: {  	v49 =	vmul.f32 $9.999999770e-03, v6;
	v36 =	vor.u32 $0x160, v4;
	[tilespmem:v24+s30+$0x0] =	vst.idx.msk $0xffff, v45  }
0x259: {  	v9 =	vadd.f32 v44, v11;
	v1 =	vmul.f32 $9.999999770e-03, v1;
	[tilespmem:$0x1FEE0] =	vst v36  }
0x25a: {  	v63 =	vmul.f32 $9.999999770e-03, v5;
	v5 =	vadd.f32 v13, v33;
	v45 =	vor.u32 $0x181, v4;
	[tilespmem:v29+s30+$0x0] =	vst.idx.msk $0xffff, v49  }
0x25b: {  	[tilespmem:$0x1FF10] =	vst v45  }
0x25c: {  	v54 =	vmul.f32 $9.999999770e-03, v9;
	v29 =	vadd.f32 v60, v5;
	v60 =	vor.u32 $0x1E1, v4;
	[tilespmem:v43+s30+$0x0] =	vst.idx.msk $0xffff, v1  }
0x25d: {  	[tilespmem:$0x1FF80] =	vst v60  }
0x25e: {  	v56 =	vmul.f32 $9.999999770e-03, v51;
	v43 =	vor.u32 $0x180, v4;
	[tilespmem:v47+s30+$0x0] =	vst.idx.msk $0xffff, v54  }
0x25f: {  	[tilespmem:$0x1FF00] =	vst v43  }
0x260: {  	[tilespmem:v50+s30+$0x0] =	vst.idx.msk $0xffff, v56  }
0x261: {  	v2 =	vadd.f32 v53, v2;
	v50 =	vor.u32 $0x1A1, v4;
	[tilespmem:v52+s30+$0x0] =	vst.idx.msk $0xffff, v63  }
0x262: {  	[tilespmem:$0x1FF40] =	vst v50  }
0x263: {  	v16 =	vmul.f32 $9.999999770e-03, v2;
	v52 =	vor.u32 $0x1C0, v4;
	[tilespmem:v55+s30+$0x0] =	vst.idx.msk $0xffff, v14  }
0x264: {  	[tilespmem:$0x1FF50] =	vst v52  }
0x265: {  	v6 =	vadd.f32 v21, v62;
	v55 =	vor.u32 $0x1C1, v4;
	[tilespmem:v57+s30+$0x0] =	vst.idx.msk $0xffff, v16  }
0x266: {  	v18 =	vadd.f32 v42, v30;
	[tilespmem:$0x1FF60] =	vst v55  }
0x267: {  	v21 =	vmul.f32 $9.999999770e-03, v6;
	v57 =	vor.u32 $0x1E0, v4;
	[tilespmem:v12+s30+$0x0] =	vst.idx.msk $0xffff, v19  }
0x268: {  	v3 =	vadd.f32 v3, v23;
	v24 =	vmul.f32 $9.999999770e-03, v18;
	[tilespmem:$0x1FF70] =	vst v57  }
0x269: {  	v30 =	vmul.f32 $9.999999770e-03, v27;
	[tilespmem:v15+s30+$0x0] =	vst.idx.msk $0xffff, v21  }
0x26a: {  	v3 =	vadd.f32 v26, v3;
	v33 =	vmul.f32 $9.999999770e-03, v28;
	[tilespmem:v17+s30+$0x0] =	vst.idx.msk $0xffff, v24  }
0x26b: {  	v51 =	vld [tilespmem:$0x1FFD0];
	v39 =	vmul.f32 $9.999999770e-03, v29;
	[tilespmem:v20+s30+$0x0] =	vst.idx.msk $0xffff, v30  }
0x26c: {  	v42 =	vmul.f32 $9.999999770e-03, v3;
	[tilespmem:v22+s30+$0x0] =	vst.idx.msk $0xffff, v33  }
0x26d: {  	v44 =	vmul.f32 $9.999999770e-03, v59;
	[tilespmem:v25+s30+$0x0] =	vst.idx.msk $0xffff, v39  }
0x26e: {  	v47 =	vmul.f32 $9.999999770e-03, v41;
	[tilespmem:v32+s30+$0x0] =	vst.idx.msk $0xffff, v42  }
0x26f: {  	v49 =	vmul.f32 $9.999999770e-03, v31;
	[tilespmem:v36+s30+$0x0] =	vst.idx.msk $0xffff, v44  }
0x270: {  	v1 =	vmul.f32 $9.999999770e-03, v51;
	[tilespmem:v40+s30+$0x0] =	vst.idx.msk $0xffff, v47  }
0x271: {  	v53 =	vadd.f32 v46, v35;
	v54 =	vmul.f32 $9.999999770e-03, v61;
	[tilespmem:v43+s30+$0x0] =	vst.idx.msk $0xffff, v49  }
0x272: {  	v56 =	vmul.f32 $9.999999770e-03, v34;
	[tilespmem:v45+s30+$0x0] =	vst.idx.msk $0xffff, v1  }
0x273: {  	v59 =	vmul.f32 $9.999999770e-03, v53;
	[tilespmem:v48+s30+$0x0] =	vst.idx.msk $0xffff, v54  }
0x274: {  	v61 =	vmul.f32 $9.999999770e-03, v38;
	[tilespmem:v50+s30+$0x0] =	vst.idx.msk $0xffff, v56  }
.Ltmp3:
0x275: {  	v62 =	vmul.f32 $9.999999770e-03, v37;
	[tilespmem:v52+s30+$0x0] =	vst.idx.msk $0xffff, v59;
	(pc) =	sbr.rel @p1 .LBB2_12-.Ltmp3, $4  }
0x276: {  	v63 =	vmul.f32 $9.999999770e-03, v58;
	[tilespmem:v55+s30+$0x0] =	vst.idx.msk $0xffff, v61  }
0x277: {  	s7 =	sshll.u32 s11, $0x7;
	[tilespmem:v57+s30+$0x0] =	vst.idx.msk $0xffff, v62  }
0x278: {  	s14 =	sadd.s32 s7, s10;
	[tilespmem:v60+s30+$0x0] =	vst.idx.msk $0xffff, v63  }
0x279: {  	[hbm4b:s14+s2] =	stream.linear.scatter [tilespmem:s30], [sflag:$0x5], $0x200, $0x38;
	[tilespmem:$0xFE80] =	vst v63  }
0x27a: {  	_ =	swait.ge [sflag:s17], $0x640  }
0x27b: {  	v4 =	vld [tilespmem:$0x1FFE0];
	_ =	sdelay $0x1  }
0x27c: {  	[sflag:s17] =	ssyncset.done $0x0  }
0x27d: {  	s8 =	simm.s32 $0x0;
	s12 =	simm.s32 $0xC0;
	v6 =	vimm.s32 $0x0;
	v7 =	vld [tilespmem:$0x1FFF0];
	[sflag:s17] =	ssyncadd.s32 $0xFFFFF9C0  }
.LBB2_10:
0x27e: {  	s6 =	sadd.s32 $0xFFFFFF40, s12  }
0x27f: {  	v0 =	vadd.s32 s8, v4;
	v1 =	vmov s6  }
0x280: {  	v1 =	vor.u32 $0x1F, v1;
	_ =	sdelay $0x3  }
0x281: {  	v0 =	vld.idx.msk [tilespmem:v0+s15+$0x0], $0xffff  }
0x282: {  	v1 =	vld.idx.msk [tilespmem:v1+s2+$0x0], $0xffff;
	_ =	sdelay $0x4  }
0x283: {  	vm0 =	vlt.f32 v1, v0  }
0x284: {  	v1 =	vsel vm0, $0x20, v6  }
0x285: {  	v2 =	vor.u32 s6, v1  }
0x286: {  	v2 =	vor.u32 $0xF, v2;
	_ =	sdelay $0x4  }
0x287: {  	v2 =	vld.idx.msk [tilespmem:v2+s2+$0x0], $0xffff;
	_ =	sdelay $0x4  }
0x288: {  	vm13 =	vlt.f32 v2, v0  }
0x289: {  	v2 =	vsel vm13, $0x10, v6  }
0x28a: {  	v1 =	vor.u32 v1, v2  }
0x28b: {  	v2 =	vor.u32 s6, v1  }
0x28c: {  	v2 =	vor.u32 $0x7, v2;
	_ =	sdelay $0x4  }
0x28d: {  	v2 =	vld.idx.msk [tilespmem:v2+s2+$0x0], $0xffff;
	_ =	sdelay $0x4  }
0x28e: {  	vm14 =	vlt.f32 v2, v0  }
0x28f: {  	v2 =	vsel vm14, $0x8, v6  }
0x290: {  	v1 =	vor.u32 v2, v1  }
0x291: {  	v2 =	vor.u32 s6, v1  }
0x292: {  	v3 =	vor.u32 $0x3, v2;
	_ =	sdelay $0x4  }
0x293: {  	v3 =	vld.idx.msk [tilespmem:v3+s2+$0x0], $0xffff;
	_ =	sdelay $0x4  }
0x294: {  	vm15 =	vlt.f32 v3, v0  }
0x295: {  	v3 =	vsel vm15, $0x4, v6  }
0x296: {  	v5 =	vor.u32 v3, v2  }
0x297: {  	v5 =	vor.u32 $0x1, v5;
	_ =	sdelay $0x4  }
0x298: {  	v5 =	vld.idx.msk [tilespmem:v5+s2+$0x0], $0xffff;
	_ =	sdelay $0x4  }
0x299: {  	vm4 =	vlt.f32 v5, v0  }
0x29a: {  	v5 =	vsel vm4, $0x2, v6  }
0x29b: {  	v3 =	vor.u32 v3, v5  }
0x29c: {  	v2 =	vor.u32 v2, v3;
	_ =	sdelay $0x4  }
0x29d: {  	v2 =	vld.idx.msk [tilespmem:v2+s2+$0x0], $0xffff;
	_ =	sdelay $0x4  }
0x29e: {  	vm5 =	vlt.f32 v2, v0  }
0x29f: {  	v2 =	vsel vm5, $0x1, v6  }
0x2a0: {  	v2 =	vor.u32 v2, v1  }
0x2a1: {  	v2 =	vor.u32 v3, v2  }
0x2a2: {  	v3 =	vand.u32 $0x7, v2  }
0x2a3: {  	v3 =	vor.u32 s6, v3  }
0x2a4: {  	v1 =	vor.u32 v1, v3;
	_ =	sdelay $0x4  }
0x2a5: {  	v1 =	vld.idx.msk [tilespmem:v1+s2+$0x0], $0xffff;
	_ =	sdelay $0x2  }
0x2a6: {  	v5 =	vadd.s32 s8, v7;
	v3 =	vmov s8  }
0x2a7: {  	v5 =	vand.u32 $0xFF8, v5;
	v3 =	vand.u32 $0x4, v3  }
0x2a8: {  	s14 =	sadd.s32 $0x1, s8;
	s20 =	sadd.s32 $0xFFFFFF80, s12;
	v57 =	vor.u32 v3, v5;
	vm6 =	vlt.f32 v1, v0  }
0x2a9: {  	v3 =	vadd.s32 s14, v4;
	v5 =	vmov s20;
	v1 =	vsel vm6, $0x1, v6  }
0x2aa: {  	v5 =	vor.u32 $0x1F, v5;
	v1 =	vadd.s32 s6, v1  }
0x2ab: {  	v1 =	vadd.s32 v2, v1  }
0x2ac: {  	v1 =	vadd.s32 $0x1, v1  }
0x2ad: {  	[tilespmem:v57+s18+$0x0] =	vst.idx.msk $0xffff, v1  }
0x2ae: {  	v0 =	vld.idx.msk [tilespmem:v3+s15+$0x0], $0xffff  }
0x2af: {  	v1 =	vld.idx.msk [tilespmem:v5+s2+$0x0], $0xffff;
	_ =	sdelay $0x4  }
0x2b0: {  	vm7 =	vlt.f32 v1, v0  }
0x2b1: {  	v1 =	vsel vm7, $0x20, v6  }
0x2b2: {  	v58 =	vor.u32 s20, v1  }
0x2b3: {  	v2 =	vor.u32 $0xF, v58;
	_ =	sdelay $0x4  }
0x2b4: {  	v2 =	vld.idx.msk [tilespmem:v2+s2+$0x0], $0xffff;
	_ =	sdelay $0x4  }
0x2b5: {  	vm8 =	vlt.f32 v2, v0  }
0x2b6: {  	v2 =	vsel vm8, $0x10, v6  }
0x2b7: {  	v1 =	vor.u32 v1, v2  }
0x2b8: {  	v2 =	vor.u32 s20, v1  }
0x2b9: {  	v2 =	vor.u32 $0x7, v2;
	_ =	sdelay $0x4  }
0x2ba: {  	v2 =	vld.idx.msk [tilespmem:v2+s2+$0x0], $0xffff;
	_ =	sdelay $0x4  }
0x2bb: {  	vm9 =	vlt.f32 v2, v0  }
0x2bc: {  	v2 =	vsel vm9, $0x8, v6  }
0x2bd: {  	v1 =	vor.u32 v2, v1  }
0x2be: {  	v2 =	vor.u32 s20, v1  }
0x2bf: {  	v3 =	vor.u32 $0x3, v2;
	_ =	sdelay $0x4  }
0x2c0: {  	v3 =	vld.idx.msk [tilespmem:v3+s2+$0x0], $0xffff;
	_ =	sdelay $0x4  }
0x2c1: {  	vm10 =	vlt.f32 v3, v0  }
0x2c2: {  	v3 =	vsel vm10, $0x4, v6  }
0x2c3: {  	v5 =	vor.u32 v3, v2  }
0x2c4: {  	v5 =	vor.u32 $0x1, v5;
	_ =	sdelay $0x4  }
0x2c5: {  	v5 =	vld.idx.msk [tilespmem:v5+s2+$0x0], $0xffff;
	_ =	sdelay $0x4  }
0x2c6: {  	vm11 =	vlt.f32 v5, v0  }
0x2c7: {  	v5 =	vsel vm11, $0x2, v6  }
0x2c8: {  	v3 =	vor.u32 v3, v5  }
0x2c9: {  	v2 =	vor.u32 v2, v3;
	_ =	sdelay $0x4  }
0x2ca: {  	v2 =	vld.idx.msk [tilespmem:v2+s2+$0x0], $0xffff;
	_ =	sdelay $0x4  }
0x2cb: {  	vm12 =	vlt.f32 v2, v0  }
0x2cc: {  	v2 =	vsel vm12, $0x1, v6  }
0x2cd: {  	v2 =	vor.u32 v2, v1  }
0x2ce: {  	v2 =	vor.u32 v3, v2  }
0x2cf: {  	v3 =	vand.u32 $0x7, v2  }
0x2d0: {  	v3 =	vor.u32 s20, v3  }
0x2d1: {  	v1 =	vor.u32 v1, v3;
	_ =	sdelay $0x4  }
0x2d2: {  	v1 =	vld.idx.msk [tilespmem:v1+s2+$0x0], $0xffff;
	_ =	sdelay $0x2  }
0x2d3: {  	v5 =	vadd.s32 s14, v7;
	v3 =	vmov s14  }
0x2d4: {  	v5 =	vand.u32 $0xFF8, v5;
	v3 =	vand.u32 $0x5, v3  }
0x2d5: {  	s6 =	sadd.s32 $0x2, s8;
	s14 =	sadd.s32 $0xFFFFFFC0, s12;
	v59 =	vor.u32 v3, v5;
	vm13 =	vlt.f32 v1, v0  }
0x2d6: {  	v3 =	vadd.s32 s6, v4;
	v5 =	vmov s14;
	v1 =	vsel vm13, $0x1, v6  }
0x2d7: {  	v5 =	vor.u32 $0x1F, v5;
	v1 =	vadd.s32 s20, v1  }
0x2d8: {  	v1 =	vadd.s32 v2, v1  }
0x2d9: {  	v1 =	vadd.s32 $0x1, v1  }
0x2da: {  	[tilespmem:v59+s18+$0x0] =	vst.idx.msk $0xffff, v1  }
0x2db: {  	v0 =	vld.idx.msk [tilespmem:v3+s15+$0x0], $0xffff  }
0x2dc: {  	v1 =	vld.idx.msk [tilespmem:v5+s2+$0x0], $0xffff;
	_ =	sdelay $0x4  }
0x2dd: {  	vm14 =	vlt.f32 v1, v0  }
0x2de: {  	v1 =	vsel vm14, $0x20, v6  }
0x2df: {  	v60 =	vor.u32 s14, v1  }
0x2e0: {  	v2 =	vor.u32 $0xF, v60;
	_ =	sdelay $0x4  }
0x2e1: {  	v2 =	vld.idx.msk [tilespmem:v2+s2+$0x0], $0xffff;
	_ =	sdelay $0x4  }
0x2e2: {  	vm15 =	vlt.f32 v2, v0  }
0x2e3: {  	v2 =	vsel vm15, $0x10, v6  }
0x2e4: {  	v1 =	vor.u32 v1, v2  }
0x2e5: {  	v2 =	vor.u32 s14, v1  }
0x2e6: {  	v2 =	vor.u32 $0x7, v2;
	_ =	sdelay $0x4  }
0x2e7: {  	v2 =	vld.idx.msk [tilespmem:v2+s2+$0x0], $0xffff;
	_ =	sdelay $0x4  }
0x2e8: {  	vm4 =	vlt.f32 v2, v0  }
0x2e9: {  	v2 =	vsel vm4, $0x8, v6  }
0x2ea: {  	v1 =	vor.u32 v2, v1  }
0x2eb: {  	v2 =	vor.u32 s14, v1  }
0x2ec: {  	v3 =	vor.u32 $0x3, v2;
	_ =	sdelay $0x4  }
0x2ed: {  	v3 =	vld.idx.msk [tilespmem:v3+s2+$0x0], $0xffff;
	_ =	sdelay $0x4  }
0x2ee: {  	vm5 =	vlt.f32 v3, v0  }
0x2ef: {  	v3 =	vsel vm5, $0x4, v6  }
0x2f0: {  	v5 =	vor.u32 v3, v2  }
0x2f1: {  	v5 =	vor.u32 $0x1, v5;
	_ =	sdelay $0x4  }
0x2f2: {  	v5 =	vld.idx.msk [tilespmem:v5+s2+$0x0], $0xffff;
	_ =	sdelay $0x4  }
0x2f3: {  	vm6 =	vlt.f32 v5, v0  }
0x2f4: {  	v5 =	vsel vm6, $0x2, v6  }
0x2f5: {  	v3 =	vor.u32 v3, v5  }
0x2f6: {  	v2 =	vor.u32 v2, v3;
	_ =	sdelay $0x4  }
0x2f7: {  	v2 =	vld.idx.msk [tilespmem:v2+s2+$0x0], $0xffff;
	_ =	sdelay $0x4  }
0x2f8: {  	vm7 =	vlt.f32 v2, v0  }
0x2f9: {  	v2 =	vsel vm7, $0x1, v6  }
0x2fa: {  	v2 =	vor.u32 v2, v1  }
0x2fb: {  	v2 =	vor.u32 v3, v2  }
0x2fc: {  	v3 =	vand.u32 $0x7, v2  }
0x2fd: {  	v3 =	vor.u32 s14, v3  }
0x2fe: {  	v1 =	vor.u32 v1, v3;
	_ =	sdelay $0x4  }
0x2ff: {  	v1 =	vld.idx.msk [tilespmem:v1+s2+$0x0], $0xffff;
	_ =	sdelay $0x2  }
0x300: {  	v5 =	vadd.s32 s6, v7;
	v3 =	vmov s6  }
0x301: {  	v5 =	vand.u32 $0xFF8, v5;
	v3 =	vand.u32 $0x6, v3  }
0x302: {  	s20 =	sadd.s32 $0x3, s8;
	v61 =	vor.u32 v3, v5;
	vm8 =	vlt.f32 v1, v0  }
0x303: {  	v3 =	vadd.s32 s20, v4;
	v5 =	vmov s12;
	v1 =	vsel vm8, $0x1, v6  }
0x304: {  	v5 =	vor.u32 $0x1F, v5;
	v1 =	vadd.s32 s14, v1  }
0x305: {  	v1 =	vadd.s32 v2, v1  }
0x306: {  	v1 =	vadd.s32 $0x1, v1  }
0x307: {  	[tilespmem:v61+s18+$0x0] =	vst.idx.msk $0xffff, v1  }
0x308: {  	v0 =	vld.idx.msk [tilespmem:v3+s15+$0x0], $0xffff  }
0x309: {  	v1 =	vld.idx.msk [tilespmem:v5+s2+$0x0], $0xffff;
	_ =	sdelay $0x4  }
0x30a: {  	vm9 =	vlt.f32 v1, v0  }
0x30b: {  	v1 =	vsel vm9, $0x20, v6  }
0x30c: {  	v62 =	vor.u32 s12, v1  }
0x30d: {  	v2 =	vor.u32 $0xF, v62;
	_ =	sdelay $0x4  }
0x30e: {  	v2 =	vld.idx.msk [tilespmem:v2+s2+$0x0], $0xffff;
	_ =	sdelay $0x4  }
0x30f: {  	vm10 =	vlt.f32 v2, v0  }
0x310: {  	v2 =	vsel vm10, $0x10, v6  }
0x311: {  	v1 =	vor.u32 v1, v2  }
0x312: {  	v2 =	vor.u32 s12, v1  }
0x313: {  	v2 =	vor.u32 $0x7, v2;
	_ =	sdelay $0x4  }
0x314: {  	v2 =	vld.idx.msk [tilespmem:v2+s2+$0x0], $0xffff;
	_ =	sdelay $0x4  }
0x315: {  	vm11 =	vlt.f32 v2, v0  }
0x316: {  	v2 =	vsel vm11, $0x8, v6  }
0x317: {  	v1 =	vor.u32 v2, v1  }
0x318: {  	v2 =	vor.u32 s12, v1  }
0x319: {  	v3 =	vor.u32 $0x3, v2;
	_ =	sdelay $0x4  }
0x31a: {  	v3 =	vld.idx.msk [tilespmem:v3+s2+$0x0], $0xffff;
	_ =	sdelay $0x4  }
0x31b: {  	vm12 =	vlt.f32 v3, v0  }
0x31c: {  	v3 =	vsel vm12, $0x4, v6  }
0x31d: {  	v5 =	vor.u32 v3, v2  }
0x31e: {  	v5 =	vor.u32 $0x1, v5;
	_ =	sdelay $0x4  }
0x31f: {  	v5 =	vld.idx.msk [tilespmem:v5+s2+$0x0], $0xffff;
	_ =	sdelay $0x4  }
0x320: {  	vm13 =	vlt.f32 v5, v0  }
0x321: {  	v5 =	vsel vm13, $0x2, v6  }
0x322: {  	v3 =	vor.u32 v3, v5  }
0x323: {  	v2 =	vor.u32 v2, v3;
	_ =	sdelay $0x4  }
0x324: {  	v2 =	vld.idx.msk [tilespmem:v2+s2+$0x0], $0xffff;
	_ =	sdelay $0x4  }
0x325: {  	vm14 =	vlt.f32 v2, v0  }
0x326: {  	v2 =	vsel vm14, $0x1, v6  }
0x327: {  	v2 =	vor.u32 v2, v1  }
0x328: {  	v2 =	vor.u32 v3, v2  }
0x329: {  	v3 =	vand.u32 $0x7, v2  }
0x32a: {  	v3 =	vor.u32 s12, v3  }
0x32b: {  	v1 =	vor.u32 v1, v3;
	_ =	sdelay $0x4  }
0x32c: {  	v1 =	vld.idx.msk [tilespmem:v1+s2+$0x0], $0xffff;
	_ =	sdelay $0x4  }
0x32d: {  	p1 =	slt.u32 s8, $0x60;
	v63 =	vadd.s32 s20, v7;
	vm15 =	vlt.f32 v1, v0  }
.Ltmp4:
0x32e: {  	v1 =	vsel vm15, $0x1, v6;
	(pc) =	sbr.rel @p1 .LBB2_10-.Ltmp4, $4  }
0x32f: {  	v1 =	vadd.s32 s12, v1  }
0x330: {  	v1 =	vadd.s32 v2, v1  }
0x331: {  	v1 =	vadd.s32 $0x1, v1  }
0x332: {  	s8 =	sadd.s32 $0x4, s8;
	s12 =	sadd.s32 $0x100, s12;
	[tilespmem:v63+s18+$0x0] =	vst.idx.msk $0xffff, v1  }
0x333: {  	p1 =	sgt.u32 s11, $0xD  }
0x334: {  	s8 =	rddreg [dreg:$0x7];
	s6 =	sshll.u32 @!p1 s11, $0x5  }
0x335: {  	s6 =	sadd.s32 @!p1 s6, s8  }
0x336: {  	s6 =	smul.u32 @!p1 $0x64, s6;
	_ =	sdelay $0x1  }
0x337: {  	s6 =	sshrl.u32 @!p1 s6, $0x3  }
0x338: {  	s12 =	simm.s32 @!p1 $0x1900;
	s8 =	simm.s32 @!p1 $0x0;
	s6 =	sadd.s32 @!p1 s3, s6  }
0x339: {  	[tilespmem:s12], [sflag:$0x1] =	stream.linear.gather @!p1 [hbm4b:s6+s8], $0x640, $0x38;
	[tilespmem:$0xFE80] =	vst v63  }
0x33a: {  	s12 =	simm.s32 $0x3280  }
0x33b: {  	[tilespmem:s12], [sflag:$0x3] =	stream.indirect.gather [hbm4b:s5+s19], $0x10, s18, s19, $0xb8;
	[tilespmem:$0xFE80] =	vst v63  }
0x33c: {  	s14 =	simm.s32 $0x25E8;
	s20 =	simm.s32 $0x38C0  }
0x33d: {  	[tilespmem:s20], [sflag:$0x3] =	stream.indirect.gather [hbm4b:s5+s19], $0x10, s14, s19, $0xb8;
	[tilespmem:$0xFE80] =	vst v63  }
0x33e: {  	s8 =	simm.s32 $0x2650;
	s12 =	simm.s32 $0x3F00  }
0x33f: {  	[tilespmem:s12], [sflag:$0x3] =	stream.indirect.gather [hbm4b:s5+s19], $0x10, s8, s19, $0xb8;
	[tilespmem:$0xFE80] =	vst v63  }
0x340: {  	s14 =	simm.s32 $0x26B8;
	s20 =	simm.s32 $0x4540  }
0x341: {  	[tilespmem:s20], [sflag:$0x3] =	stream.indirect.gather [hbm4b:s5+s19], $0x10, s14, s19, $0xb8;
	[tilespmem:$0xFE80] =	vst v63  }
0x342: {  	s8 =	simm.s32 $0x2720;
	s12 =	simm.s32 $0x4B80  }
0x343: {  	[tilespmem:s12], [sflag:$0x3] =	stream.indirect.gather [hbm4b:s5+s19], $0x10, s8, s19, $0xb8;
	[tilespmem:$0xFE80] =	vst v63  }
0x344: {  	s14 =	simm.s32 $0x2788;
	s20 =	simm.s32 $0x51C0  }
0x345: {  	[tilespmem:s20], [sflag:$0x3] =	stream.indirect.gather [hbm4b:s5+s19], $0x10, s14, s19, $0xb8;
	[tilespmem:$0xFE80] =	vst v63  }
0x346: {  	s8 =	simm.s32 $0x27F0;
	s12 =	simm.s32 $0x5800  }
0x347: {  	[tilespmem:s12], [sflag:$0x3] =	stream.indirect.gather [hbm4b:s5+s19], $0x10, s8, s19, $0xb8;
	[tilespmem:$0xFE80] =	vst v63  }
0x348: {  	s14 =	simm.s32 $0x2858;
	s20 =	simm.s32 $0x5E40  }
0x349: {  	[tilespmem:s20], [sflag:$0x3] =	stream.indirect.gather [hbm4b:s5+s19], $0x10, s14, s19, $0xb8;
	[tilespmem:$0xFE80] =	vst v63  }
0x34a: {  	s8 =	simm.s32 $0x28C0;
	s12 =	simm.s32 $0x6480  }
0x34b: {  	[tilespmem:s12], [sflag:$0x3] =	stream.indirect.gather [hbm4b:s5+s19], $0x10, s8, s19, $0xb8;
	[tilespmem:$0xFE80] =	vst v63  }
0x34c: {  	s14 =	simm.s32 $0x2928;
	s20 =	simm.s32 $0x6AC0  }
0x34d: {  	[tilespmem:s20], [sflag:$0x3] =	stream.indirect.gather [hbm4b:s5+s19], $0x10, s14, s19, $0xb8;
	[tilespmem:$0xFE80] =	vst v63  }
0x34e: {  	s8 =	simm.s32 $0x2990;
	s12 =	simm.s32 $0x7100  }
0x34f: {  	[tilespmem:s12], [sflag:$0x3] =	stream.indirect.gather [hbm4b:s5+s19], $0x10, s8, s19, $0xb8;
	[tilespmem:$0xFE80] =	vst v63  }
0x350: {  	s14 =	simm.s32 $0x29F8;
	s20 =	simm.s32 $0x7740  }
0x351: {  	[tilespmem:s20], [sflag:$0x3] =	stream.indirect.gather [hbm4b:s5+s19], $0x10, s14, s19, $0xb8;
	[tilespmem:$0xFE80] =	vst v63  }
0x352: {  	s8 =	simm.s32 $0x2A60;
	s12 =	simm.s32 $0x7D80  }
0x353: {  	[tilespmem:s12], [sflag:$0x3] =	stream.indirect.gather [hbm4b:s5+s19], $0x10, s8, s19, $0xb8;
	[tilespmem:$0xFE80] =	vst v63  }
0x354: {  	s14 =	simm.s32 $0x2AC8;
	s20 =	simm.s32 $0x83C0  }
0x355: {  	[tilespmem:s20], [sflag:$0x3] =	stream.indirect.gather [hbm4b:s5+s19], $0x10, s14, s19, $0xb8;
	[tilespmem:$0xFE80] =	vst v63  }
0x356: {  	s8 =	simm.s32 $0x2B30;
	s12 =	simm.s32 $0x8A00  }
0x357: {  	[tilespmem:s12], [sflag:$0x3] =	stream.indirect.gather [hbm4b:s5+s19], $0x10, s8, s19, $0xb8;
	[tilespmem:$0xFE80] =	vst v63  }
0x358: {  	s14 =	simm.s32 $0x2B98;
	s20 =	simm.s32 $0x9040  }
0x359: {  	[tilespmem:s20], [sflag:$0x3] =	stream.indirect.gather [hbm4b:s5+s19], $0x10, s14, s19, $0xb8;
	[tilespmem:$0xFE80] =	vst v63  }
0x35a: {  	s20 =	simm.s32 $0x9680  }
.LBB2_12:
0x35b: {  	_ =	swait.ge [sflag:s31], $0x6400  }
0x35c: {  	[sflag:s31] =	ssyncset.done $0x0  }
0x35d: {  	s12 =	simm.s32 $0xF450;
	[sflag:s31] =	ssyncadd.s32 $0xFFFF9C00  }
0x35e: {  	v0 =	vld [tilespmem:s12+$0xFFFFA230]  }
0x35f: {  	v1 =	vld [tilespmem:s12+$0xFFFFD440]  }
0x360: {  	v2 =	vld [tilespmem:s12+$0xFFFFE700]  }
0x361: {  	v54 =	vld [tilespmem:s12+$0xFFFFBB40]  }
0x362: {  	v3 =	vld [tilespmem:s12+$0x0]  }
0x363: {  	v7 =	vld [tilespmem:s12+$0xFFFFE0C0]  }
0x364: {  	v5 =	vld [tilespmem:s12+$0xFFFFFFF0]  }
0x365: {  	v8 =	vld [tilespmem:s12+$0xFFFFC7C0]  }
0x366: {  	v9 =	vld [tilespmem:s12+$0xFFFFE6F0]  }
0x367: {  	v11 =	vld [tilespmem:s12+$0xFFFFF9C0]  }
0x368: {  	v51 =	vld [tilespmem:s12+$0xFFFFCE00]  }
0x369: {  	v33 =	vimm.f32 $0.0e+00;
	v21 =	vld [tilespmem:s12+$0xFFFFF9B0];
	v10 =	vunpack.i.u.bf16.f32 v0  }
0x36a: {  	v28 =	vld [tilespmem:s12+$0xFFFFF380];
	v0 =	vunpack.i.l.bf16.f32 v0;
	v34 =	vunpack.i.u.bf16.f32 v54;
	v12 =	vunpack.i.u.bf16.f32 v5  }
0x36b: {  	v6 =	vld [tilespmem:s12+$0xFFFFDA70];
	v5 =	vunpack.i.l.bf16.f32 v5;
	v18 =	vunpack.i.u.bf16.f32 v9;
	v9 =	vunpack.i.l.bf16.f32 v9  }
0x36c: {  	v15 =	vld [tilespmem:s12+$0xFFFFBB30];
	v22 =	vunpack.i.u.bf16.f32 v11;
	v25 =	vunpack.i.u.bf16.f32 v8;
	v55 =	vunpack.i.l.bf16.f32 v8  }
0x36d: {  	v19 =	vld [tilespmem:s12+$0xFFFFAEB0];
	v32 =	vunpack.i.l.bf16.f32 v7;
	v49 =	vunpack.i.u.bf16.f32 v7;
	v41 =	vunpack.i.l.bf16.f32 v1  }
0x36e: {  	v8 =	vld [tilespmem:s12+$0xFFFFD430];
	v26 =	vunpack.i.u.bf16.f32 v51;
	v42 =	vunpack.i.l.bf16.f32 v21;
	v13 =	vadd.f32 v0, v33  }
0x36f: {  	v57 =	vunpack.i.l.bf16.f32 v28;
	v0 =	vadd.f32 v10, v33;
	v10 =	vld [tilespmem:s12+$0xFFFFA240];
	v16 =	vadd.f32 v5, v33  }
0x370: {  	v14 =	vld [tilespmem:s12+$0xFFFFED40];
	v5 =	vunpack.i.u.bf16.f32 v3;
	v3 =	vunpack.i.l.bf16.f32 v3;
	v12 =	vadd.f32 v12, v33  }
0x371: {  	v7 =	vld [tilespmem:s12+$0xFFFFC7B0];
	v9 =	vadd.f32 v9, v33;
	v20 =	vadd.f32 v18, v33;
	v18 =	vunpack.i.u.bf16.f32 v6  }
0x372: {  	v17 =	vld [tilespmem:s12+$0xFFFFCDF0];
	v6 =	vunpack.i.l.bf16.f32 v6;
	v29 =	vadd.f32 v5, v12;
	v5 =	vunpack.i.u.bf16.f32 v15  }
0x373: {  	v12 =	vld [tilespmem:s12+$0xFFFFED30];
	v30 =	vadd.f32 v3, v16;
	v3 =	vunpack.i.u.bf16.f32 v19;
	v16 =	vunpack.i.u.bf16.f32 v8  }
0x374: {  	v23 =	vld [tilespmem:s12+$0xFFFFA870];
	v61 =	vunpack.i.l.bf16.f32 v8;
	v27 =	vunpack.i.l.bf16.f32 v10;
	v10 =	vunpack.i.u.bf16.f32 v10  }
0x375: {  	v8 =	vadd.f32 v18, v33;
	v4 =	vadd.f32 v10, v0;
	v0 =	vunpack.i.l.bf16.f32 v15;
	v15 =	vld [tilespmem:s12+$0xFFFFF370]  }
0x376: {  	v56 =	vunpack.i.l.bf16.f32 v7;
	v59 =	vadd.f32 v16, v33;
	v10 =	vunpack.i.l.bf16.f32 v2  }
0x377: {  	v50 =	vld [tilespmem:s12+$0xFFFFA880];
	v31 =	vadd.f32 v10, v9;
	v9 =	vunpack.i.u.bf16.f32 v17;
	v10 =	vunpack.i.l.bf16.f32 v14  }
0x378: {  	v18 =	vunpack.i.u.bf16.f32 v12;
	v24 =	vunpack.i.l.bf16.f32 v12;
	v12 =	vunpack.i.l.bf16.f32 v17  }
0x379: {  	v45 =	vld [tilespmem:s12+$0xFFFFDA80];
	v14 =	vunpack.i.u.bf16.f32 v14;
	v17 =	vadd.f32 v24, v33;
	v24 =	vunpack.i.l.bf16.f32 v23  }
0x37a: {  	v9 =	vadd.f32 v9, v33;
	v60 =	vadd.f32 v24, v33;
	v16 =	vunpack.i.u.bf16.f32 v15  }
0x37b: {  	v47 =	vunpack.i.l.bf16.f32 v15;
	v15 =	vunpack.i.u.bf16.f32 v7;
	v7 =	vadd.f32 v18, v33  }
0x37c: {  	v24 =	vunpack.i.u.bf16.f32 v50;
	v58 =	vadd.f32 v26, v9;
	v18 =	vunpack.i.u.bf16.f32 v21  }
0x37d: {  	v48 =	vadd.f32 v18, v33;
	v18 =	vunpack.i.u.bf16.f32 v23;
	v43 =	vadd.f32 v14, v7  }
0x37e: {  	v23 =	vunpack.i.u.bf16.f32 v45;
	v7 =	vadd.f32 v42, v33;
	v18 =	vadd.f32 v18, v33  }
0x37f: {  	v14 =	vunpack.i.u.bf16.f32 v28;
	v28 =	vadd.f32 v15, v33;
	v52 =	vadd.f32 v23, v8  }
0x380: {  	v63 =	vld [tilespmem:s12+$0xFFFFAEC0];
	v8 =	vunpack.i.l.bf16.f32 v50;
	v15 =	vunpack.i.u.bf16.f32 v1;
	v1 =	vadd.f32 v6, v33  }
0x381: {  	v21 =	vld [tilespmem:s12+$0xFFFFC170];
	v50 =	vadd.f32 v10, v17;
	v10 =	vadd.f32 v16, v33;
	v16 =	vunpack.i.l.bf16.f32 v45  }
0x382: {  	v2 =	vunpack.i.u.bf16.f32 v2;
	v6 =	vld [tilespmem:s12+$0xFFFFB500];
	v39 =	vadd.f32 v22, v48;
	v53 =	vadd.f32 v16, v1  }
0x383: {  	v17 =	vunpack.i.l.bf16.f32 v19;
	v22 =	vld [tilespmem:s12+$0xFFFFB4F0];
	v42 =	vadd.f32 v25, v28;
	v48 =	vadd.f32 v14, v10  }
0x384: {  	v45 =	vimm.f32 $0.0e+00;
	v25 =	vadd.f32 v3, v33;
	v28 =	vadd.f32 v27, v13  }
0x385: {  	v14 =	vadd.f32 v2, v20;
	v16 =	vadd.f32 v8, v60;
	v20 =	vunpack.i.l.bf16.f32 v11  }
0x386: {  	v13 =	vadd.f32 v56, v33;
	v27 =	vunpack.i.u.bf16.f32 v63;
	v9 =	vunpack.i.u.bf16.f32 v21  }
0x387: {  	v11 =	vimm.f32 $0.0e+00;
	v23 =	vadd.f32 v9, v33;
	v9 =	vadd.f32 v17, v33  }
0x388: {  	v26 =	vunpack.i.u.bf16.f32 v6;
	v6 =	vunpack.i.l.bf16.f32 v6;
	v1 =	vunpack.i.u.bf16.f32 v22  }
0x389: {  	v10 =	vunpack.i.l.bf16.f32 v22;
	v22 =	vimm.f32 $0.0e+00;
	v17 =	vadd.f32 v1, v33  }
0x38a: {  	v1 =	vadd.f32 v47, v33;
	v3 =	vadd.f32 v10, v33;
	v10 =	vunpack.i.l.bf16.f32 v63  }
0x38b: {  	v60 =	vld [tilespmem:s12+$0xFFFFC180];
	v63 =	vimm.f32 $0.0e+00;
	v9 =	vadd.f32 v10, v9;
	v10 =	vimm.f32 $0.0e+00  }
0x38c: {  	s8 =	simm.s32 $0x0;
	v8 =	vld [tilespmem:s12+$0xFFFFE0B0];
	s12 =	simm.s32 $0xF470;
	v37 =	vadd.f32 v57, v1;
	v62 =	vadd.f32 v6, v3;
	v6 =	vimm.f32 $0.0e+00  }
.LBB2_13:
0x38d: {  	v3 =	vadd.f32 v12, v63;
	v0 =	vadd.f32 v0, v11  }
0x38e: {  	v1 =	vld [tilespmem:s12+$0xFFFFA230];
	v11 =	vadd.f32 v26, v17;
	v7 =	vadd.f32 v20, v7  }
0x38f: {  	v15 =	vadd.f32 v15, v59;
	v18 =	vadd.f32 v24, v18  }
0x390: {  	v26 =	vld [tilespmem:s12+$0xFFFFDA70];
	v25 =	vadd.f32 v27, v25;
	v12 =	vadd.f32 v55, v13;
	[tilespmem:$0x1FD30] =	vst v11;
	v11 =	vunpack.i.l.bf16.f32 v51  }
0x391: {  	v46 =	vld [tilespmem:s12+$0xFFFFE0C0];
	v63 =	vadd.f32 v11, v3;
	v3 =	vadd.f32 v61, v6;
	v6 =	vunpack.i.l.bf16.f32 v54  }
0x392: {  	[tilespmem:$0x1FD70] =	vst v12;
	v12 =	vld [tilespmem:s12+$0xFFFFE700];
	v2 =	vadd.f32 v5, v33;
	v5 =	vunpack.i.u.bf16.f32 v8;
	v8 =	vunpack.i.l.bf16.f32 v8  }
0x393: {  	v11 =	vadd.f32 v6, v0;
	v5 =	vadd.f32 v5, v22;
	v22 =	vld [tilespmem:s12+$0xFFFFBB40];
	v38 =	vunpack.i.u.bf16.f32 v1  }
0x394: {  	v1 =	vunpack.i.l.bf16.f32 v1;
	v6 =	vadd.f32 v41, v3;
	v3 =	vld [tilespmem:s12+$0xFFFFE6F0];
	v2 =	vadd.f32 v34, v2  }
0x395: {  	v0 =	vunpack.i.u.bf16.f32 v60;
	v8 =	vadd.f32 v8, v45;
	v1 =	vadd.f32 v1, v28;
	v28 =	vld [tilespmem:s12+$0xFFFFFFF0]  }
0x396: {  	v21 =	vunpack.i.l.bf16.f32 v21;
	v59 =	vld [tilespmem:s12+$0xFFFFCDF0];
	v23 =	vadd.f32 v0, v23;
	v5 =	vadd.f32 v49, v5;
	[tilespmem:$0x1FD50] =	vst v2  }
0x397: {  	v0 =	vadd.f32 v38, v4;
	v17 =	vadd.f32 v32, v8;
	v32 =	vunpack.i.l.bf16.f32 v46;
	v2 =	vld [tilespmem:s12+$0x0];
	[tilespmem:$0x1FD40] =	vst v1  }
0x398: {  	v49 =	vunpack.i.u.bf16.f32 v46;
	v1 =	vld [tilespmem:s12+$0xFFFFC7C0];
	v33 =	vunpack.i.u.bf16.f32 v12;
	[tilespmem:$0x1FD60] =	vst v5;
	v5 =	vadd.f32 v21, v10  }
0x399: {  	v21 =	vld [tilespmem:s12+$0xFFFFED40];
	v10 =	vunpack.i.l.bf16.f32 v60;
	v54 =	vmovc v22;
	v40 =	vunpack.i.u.bf16.f32 v3;
	v3 =	vunpack.i.l.bf16.f32 v3  }
0x39a: {  	v22 =	vld [tilespmem:s12+$0xFFFFF9C0];
	v10 =	vadd.f32 v10, v5;
	v4 =	vunpack.i.u.bf16.f32 v54;
	v24 =	vunpack.i.u.bf16.f32 v28  }
0x39b: {  	v5 =	vld [tilespmem:s12+$0xFFFFA240];
	v27 =	vunpack.i.l.bf16.f32 v28;
	v3 =	vadd.f32 v3, v31;
	v24 =	vadd.f32 v24, v29  }
0x39c: {  	v28 =	vld [tilespmem:s12+$0xFFFFBB30];
	v27 =	vadd.f32 v27, v30;
	v61 =	vunpack.i.u.bf16.f32 v2;
	v2 =	vunpack.i.l.bf16.f32 v2  }
0x39d: {  	v47 =	vunpack.i.u.bf16.f32 v1;
	v55 =	vunpack.i.l.bf16.f32 v1;
	v1 =	vld [tilespmem:s12+$0xFFFFD430];
	v44 =	vadd.f32 v61, v24  }
0x39e: {  	v24 =	vld [tilespmem:s12+$0xFFFFED30];
	v61 =	vunpack.i.l.bf16.f32 v12;
	v45 =	vadd.f32 v2, v27;
	v34 =	vunpack.i.l.bf16.f32 v21  }
0x39f: {  	v35 =	vld [tilespmem:s12+$0xFFFFF9B0];
	v12 =	vunpack.i.u.bf16.f32 v26;
	v30 =	vunpack.i.u.bf16.f32 v22;
	v31 =	vadd.f32 v61, v3  }
0x3a0: {  	[tilespmem:$0x1FD80] =	vst v4;
	v4 =	vld [tilespmem:s12+$0xFFFFA870];
	v3 =	vunpack.i.u.bf16.f32 v59;
	v13 =	vunpack.i.l.bf16.f32 v5;
	v57 =	vunpack.i.u.bf16.f32 v5  }
0x3a1: {  	v5 =	vunpack.i.u.bf16.f32 v28;
	v57 =	vadd.f32 v57, v0;
	v0 =	vunpack.i.l.bf16.f32 v28;
	v28 =	vld [tilespmem:s12+$0xFFFFC7B0]  }
0x3a2: {  	v3 =	vadd.f32 v3, v58;
	v58 =	vunpack.i.u.bf16.f32 v1;
	v61 =	vunpack.i.l.bf16.f32 v1  }
0x3a3: {  	v56 =	vmovc v42;
	v42 =	vmovc v39;
	v39 =	vld [tilespmem:s12+$0xFFFFF380];
	v1 =	vadd.f32 v12, v52;
	v12 =	vunpack.i.l.bf16.f32 v59;
	v46 =	vunpack.i.u.bf16.f32 v24  }
0x3a4: {  	v24 =	vunpack.i.l.bf16.f32 v24;
	v59 =	vadd.f32 v58, v15;
	v15 =	vunpack.i.u.bf16.f32 v21  }
0x3a5: {  	v51 =	vld [tilespmem:s12+$0xFFFFCE00];
	v58 =	vunpack.i.l.bf16.f32 v4;
	v4 =	vunpack.i.u.bf16.f32 v4;
	v50 =	vadd.f32 v24, v50  }
0x3a6: {  	v41 =	vld [tilespmem:s12+$0xFFFFDA80];
	v36 =	vunpack.i.l.bf16.f32 v28;
	v24 =	vunpack.i.u.bf16.f32 v28;
	v28 =	vunpack.i.u.bf16.f32 v35  }
0x3a7: {  	v19 =	vld [tilespmem:s12+$0xFFFFD440];
	v21 =	vadd.f32 v46, v43;
	v35 =	vunpack.i.l.bf16.f32 v35;
	v28 =	vadd.f32 v28, v42  }
0x3a8: {  	v43 =	vunpack.i.l.bf16.f32 v39;
	v16 =	vadd.f32 v58, v16;
	v42 =	vld [tilespmem:s12+$0xFFFFA880];
	v7 =	vadd.f32 v35, v7  }
0x3a9: {  	v29 =	vld [tilespmem:s12+$0xFFFFAEB0];
	v35 =	vunpack.i.u.bf16.f32 v39;
	v39 =	vadd.f32 v30, v28;
	v30 =	vadd.f32 v24, v56  }
0x3aa: {  	v20 =	vmovc v37;
	v37 =	vunpack.i.u.bf16.f32 v51;
	v18 =	vadd.f32 v4, v18;
	v46 =	vadd.f32 v15, v21;
	v21 =	vld [tilespmem:s12+$0xFFFFC170]  }
0x3ab: {  	v4 =	vunpack.i.u.bf16.f32 v41;
	v58 =	vadd.f32 v37, v3;
	v24 =	vunpack.i.l.bf16.f32 v26  }
0x3ac: {  	v52 =	vadd.f32 v4, v1;
	v28 =	vld [tilespmem:s12+$0xFFFFB4F0];
	v3 =	vadd.f32 v24, v53  }
0x3ad: {  	v1 =	vunpack.i.l.bf16.f32 v42;
	v24 =	vunpack.i.u.bf16.f32 v42;
	v42 =	vadd.f32 v47, v30;
	v30 =	vmovc v45;
	v45 =	vmovc v17;
	v17 =	vld [tilespmem:$0x1FD30]  }
0x3ae: {  	v38 =	vunpack.i.l.bf16.f32 v19;
	v14 =	vadd.f32 v40, v14;
	v27 =	vld [tilespmem:s12+$0xFFFFF370]  }
0x3af: {  	v2 =	vunpack.i.u.bf16.f32 v29;
	v15 =	vunpack.i.u.bf16.f32 v19;
	v19 =	vunpack.i.u.bf16.f32 v21  }
0x3b0: {  	v25 =	vadd.f32 v2, v25;
	v53 =	vunpack.i.l.bf16.f32 v41;
	v23 =	vadd.f32 v19, v23  }
0x3b1: {  	v4 =	vld [tilespmem:s12+$0xFFFFB500];
	v53 =	vadd.f32 v53, v3;
	v3 =	vunpack.i.u.bf16.f32 v28;
	v19 =	vunpack.i.l.bf16.f32 v28  }
0x3b2: {  	v17 =	vadd.f32 v3, v17;
	v3 =	vadd.f32 v19, v62;
	v19 =	vld [tilespmem:$0x1FD40]  }
0x3b3: {  	s8 =	sadd.s32 $0x2, s8;
	v40 =	vunpack.i.u.bf16.f32 v27;
	v27 =	vunpack.i.l.bf16.f32 v27;
	v50 =	vadd.f32 v34, v50;
	v34 =	vld [tilespmem:s12+$0xFFFFAEC0]  }
0x3b4: {  	p1 =	slt.u32 s8, $0x62;
	v2 =	vadd.f32 v27, v20;
	v16 =	vadd.f32 v1, v16;
	v1 =	vld [tilespmem:$0x1FD70]  }
.Ltmp5:
0x3b5: {  	v8 =	vld [tilespmem:s12+$0xFFFFE0B0];
	v14 =	vadd.f32 v33, v14;
	v26 =	vadd.f32 v40, v48;
	v56 =	vunpack.i.l.bf16.f32 v29;
	(pc) =	sbr.rel @p1 .LBB2_13-.Ltmp5, $4  }
0x3b6: {  	v60 =	vld [tilespmem:s12+$0xFFFFC180];
	v20 =	vunpack.i.l.bf16.f32 v22;
	v37 =	vadd.f32 v43, v2;
	v9 =	vadd.f32 v56, v9  }
0x3b7: {  	v33 =	vld [tilespmem:$0x1FD50];
	v48 =	vadd.f32 v35, v26;
	v28 =	vadd.f32 v13, v19;
	v13 =	vunpack.i.l.bf16.f32 v4  }
0x3b8: {  	v22 =	vld [tilespmem:$0x1FD60];
	v43 =	vmovc v46;
	v29 =	vmovc v44;
	v26 =	vunpack.i.u.bf16.f32 v4;
	v19 =	vunpack.i.l.bf16.f32 v34;
	v62 =	vadd.f32 v13, v3  }
0x3b9: {  	s12 =	sadd.s32 $0x20, s12;
	v41 =	vmovc v38;
	v27 =	vunpack.i.u.bf16.f32 v34;
	v4 =	vmovc v57;
	v34 =	vld [tilespmem:$0x1FD80];
	v13 =	vadd.f32 v36, v1;
	v9 =	vadd.f32 v19, v9  }
0x3ba: {  	s6 =	simm.s32 @!p0 $0x6  }
0x3bb: {  	_ =	swait.ge @!p0 [sflag:s6], $0x200  }
0x3bc: {  	v3 =	vmul.f32 $9.999999770e-03, v4;
	v4 =	vld [tilespmem:$0x1FF30];
	_ =	sdelay $0x5  }
0x3bd: {  	v1 =	vmul.f32 $9.999999770e-03, v28;
	[sflag:s6] =	ssyncset.done @!p0 $0x0  }
0x3be: {  	[sflag:s6] =	ssyncadd.s32 @!p0 $0xFFFFFE00  }
0x3bf: {  	[tilespmem:v4+s0+$0x0] =	vst.idx.msk $0xffff, v1;
	v4 =	vld [tilespmem:$0x1FD90];
	_ =	sdelay $0x7  }
0x3c0: {  	[tilespmem:v4+s0+$0x0] =	vst.idx.msk $0xffff, v3;
	v3 =	vadd.f32 v5, v33;
	v5 =	vld [tilespmem:$0x1FDA0]  }
0x3c1: {  	v47 =	vld [tilespmem:$0x1FDB0]  }
0x3c2: {  	v56 =	vld [tilespmem:$0x1FDC0];
	_ =	sdelay $0x2  }
0x3c3: {  	v2 =	vadd.f32 v24, v18  }
0x3c4: {  	v1 =	vmul.f32 $9.999999770e-03, v16  }
0x3c5: {  	v2 =	vmul.f32 $9.999999770e-03, v2  }
0x3c6: {  	[tilespmem:v5+s0+$0x0] =	vst.idx.msk $0xffff, v1;
	v5 =	vmul.f32 $9.999999770e-03, v9  }
0x3c7: {  	v57 =	vld [tilespmem:$0x1FDD0];
	[tilespmem:v47+s0+$0x0] =	vst.idx.msk $0xffff, v2  }
0x3c8: {  	[tilespmem:v56+s0+$0x0] =	vst.idx.msk $0xffff, v5;
	v5 =	vmul.f32 $9.999999770e-03, v62;
	v62 =	vld [tilespmem:$0x1FDE0];
	_ =	sdelay $0x2  }
0x3c9: {  	v4 =	vadd.f32 v27, v25;
	_ =	sdelay $0x1  }
0x3ca: {  	v4 =	vmul.f32 $9.999999770e-03, v4;
	_ =	sdelay $0x1  }
0x3cb: {  	[tilespmem:v57+s0+$0x0] =	vst.idx.msk $0xffff, v4  }
0x3cc: {  	[tilespmem:v62+s0+$0x0] =	vst.idx.msk $0xffff, v5;
	v5 =	vld [tilespmem:$0x1FDF0];
	_ =	sdelay $0x3  }
0x3cd: {  	v1 =	vadd.f32 v26, v17;
	v2 =	vunpack.i.l.bf16.f32 v21  }
0x3ce: {  	v2 =	vadd.f32 v2, v10  }
0x3cf: {  	v1 =	vmul.f32 $9.999999770e-03, v1;
	v4 =	vunpack.i.l.bf16.f32 v60  }
0x3d0: {  	v2 =	vadd.f32 v4, v2;
	v4 =	vunpack.i.u.bf16.f32 v60  }
0x3d1: {  	[tilespmem:v5+s0+$0x0] =	vst.idx.msk $0xffff, v1;
	v1 =	vadd.f32 v4, v23;
	v4 =	vld [tilespmem:$0x1FE00]  }
0x3d2: {  	v5 =	vld [tilespmem:$0x1FE10]  }
0x3d3: {  	v0 =	vadd.f32 v0, v11  }
0x3d4: {  	v54 =	vunpack.i.l.bf16.f32 v54  }
0x3d5: {  	v0 =	vadd.f32 v54, v0  }
0x3d6: {  	v3 =	vadd.f32 v34, v3  }
0x3d7: {  	v0 =	vmul.f32 $9.999999770e-03, v0  }
0x3d8: {  	v3 =	vmul.f32 $9.999999770e-03, v3  }
0x3d9: {  	[tilespmem:v4+s0+$0x0] =	vst.idx.msk $0xffff, v0;
	v0 =	vadd.f32 v12, v63;
	v4 =	vadd.f32 v55, v13  }
0x3da: {  	[tilespmem:v5+s0+$0x0] =	vst.idx.msk $0xffff, v3;
	v3 =	vunpack.i.l.bf16.f32 v51;
	v5 =	vld [tilespmem:$0x1FE20]  }
0x3db: {  	v0 =	vadd.f32 v3, v0;
	v3 =	vmul.f32 $9.999999770e-03, v4;
	v4 =	vld [tilespmem:$0x1FE30];
	_ =	sdelay $0x4  }
0x3dc: {  	v2 =	vmul.f32 $9.999999770e-03, v2  }
0x3dd: {  	v1 =	vmul.f32 $9.999999770e-03, v1  }
0x3de: {  	[tilespmem:v5+s0+$0x0] =	vst.idx.msk $0xffff, v2  }
0x3df: {  	[tilespmem:v4+s0+$0x0] =	vst.idx.msk $0xffff, v1;
	v4 =	vld [tilespmem:$0x1FE40];
	_ =	sdelay $0x7  }
0x3e0: {  	[tilespmem:v4+s0+$0x0] =	vst.idx.msk $0xffff, v3;
	v3 =	vld [tilespmem:$0x1FE50]  }
0x3e1: {  	v5 =	vld [tilespmem:$0x1FE60];
	_ =	sdelay $0x4  }
0x3e2: {  	v1 =	vmul.f32 $9.999999770e-03, v42  }
0x3e3: {  	v0 =	vmul.f32 $9.999999770e-03, v0  }
0x3e4: {  	[tilespmem:v3+s0+$0x0] =	vst.idx.msk $0xffff, v1  }
0x3e5: {  	[tilespmem:v5+s0+$0x0] =	vst.idx.msk $0xffff, v0;
	v5 =	vld [tilespmem:$0x1FE70];
	_ =	sdelay $0x5  }
0x3e6: {  	v4 =	vmul.f32 $9.999999770e-03, v58;
	_ =	sdelay $0x1  }
0x3e7: {  	[tilespmem:v5+s0+$0x0] =	vst.idx.msk $0xffff, v4;
	v4 =	vld [tilespmem:$0x1FE80];
	_ =	sdelay $0x1  }
0x3e8: {  	v2 =	vadd.f32 v61, v6;
	_ =	sdelay $0x1  }
0x3e9: {  	v2 =	vadd.f32 v41, v2;
	_ =	sdelay $0x1  }
0x3ea: {  	v2 =	vmul.f32 $9.999999770e-03, v2;
	_ =	sdelay $0x1  }
0x3eb: {  	[tilespmem:v4+s0+$0x0] =	vst.idx.msk $0xffff, v2;
	v4 =	vld [tilespmem:$0x1FE90];
	_ =	sdelay $0x3  }
0x3ec: {  	v1 =	vadd.f32 v15, v59;
	_ =	sdelay $0x1  }
0x3ed: {  	v1 =	vmul.f32 $9.999999770e-03, v1;
	_ =	sdelay $0x1  }
0x3ee: {  	[tilespmem:v4+s0+$0x0] =	vst.idx.msk $0xffff, v1;
	v4 =	vld [tilespmem:$0x1FEA0];
	_ =	sdelay $0x5  }
0x3ef: {  	v2 =	vmul.f32 $9.999999770e-03, v53;
	_ =	sdelay $0x1  }
0x3f0: {  	[tilespmem:v4+s0+$0x0] =	vst.idx.msk $0xffff, v2;
	v2 =	vld [tilespmem:$0x1FEB0];
	_ =	sdelay $0x1  }
0x3f1: {  	v3 =	vunpack.i.l.bf16.f32 v8  }
0x3f2: {  	v0 =	vadd.f32 v3, v45;
	v3 =	vunpack.i.u.bf16.f32 v8  }
0x3f3: {  	v3 =	vadd.f32 v3, v22;
	_ =	sdelay $0x1  }
0x3f4: {  	v1 =	vadd.f32 v49, v3;
	v3 =	vmul.f32 $9.999999770e-03, v52;
	_ =	sdelay $0x1  }
0x3f5: {  	[tilespmem:v2+s0+$0x0] =	vst.idx.msk $0xffff, v3;
	v2 =	vld [tilespmem:$0x1FEC0];
	_ =	sdelay $0x3  }
0x3f6: {  	v0 =	vadd.f32 v32, v0;
	_ =	sdelay $0x1  }
0x3f7: {  	v0 =	vmul.f32 $9.999999770e-03, v0;
	_ =	sdelay $0x1  }
0x3f8: {  	[tilespmem:v2+s0+$0x0] =	vst.idx.msk $0xffff, v0;
	v2 =	vld [tilespmem:$0x1FED0];
	_ =	sdelay $0x5  }
0x3f9: {  	v1 =	vmul.f32 $9.999999770e-03, v1;
	_ =	sdelay $0x1  }
0x3fa: {  	[tilespmem:v2+s0+$0x0] =	vst.idx.msk $0xffff, v1;
	v2 =	vld [tilespmem:$0x1FEE0];
	_ =	sdelay $0x5  }
0x3fb: {  	v0 =	vmul.f32 $9.999999770e-03, v31;
	_ =	sdelay $0x1  }
0x3fc: {  	[tilespmem:v2+s0+$0x0] =	vst.idx.msk $0xffff, v0;
	v2 =	vld [tilespmem:$0x1FEF0];
	_ =	sdelay $0x5  }
0x3fd: {  	v1 =	vmul.f32 $9.999999770e-03, v14;
	_ =	sdelay $0x1  }
0x3fe: {  	[tilespmem:v2+s0+$0x0] =	vst.idx.msk $0xffff, v1;
	v2 =	vld [tilespmem:$0x1FF00]  }
0x3ff: {  	v3 =	vld [tilespmem:$0x1FF10];
	_ =	sdelay $0x4  }
0x400: {  	v0 =	vmul.f32 $9.999999770e-03, v50  }
0x401: {  	v1 =	vmul.f32 $9.999999770e-03, v43  }
0x402: {  	[tilespmem:v2+s0+$0x0] =	vst.idx.msk $0xffff, v0  }
0x403: {  	[tilespmem:v3+s0+$0x0] =	vst.idx.msk $0xffff, v1;
	v3 =	vld [tilespmem:$0x1FF20];
	_ =	sdelay $0x5  }
0x404: {  	v2 =	vmul.f32 $9.999999770e-03, v37;
	_ =	sdelay $0x1  }
0x405: {  	[tilespmem:v3+s0+$0x0] =	vst.idx.msk $0xffff, v2;
	v2 =	vld [tilespmem:$0x1FF40];
	_ =	sdelay $0x5  }
0x406: {  	v1 =	vmul.f32 $9.999999770e-03, v48;
	_ =	sdelay $0x1  }
0x407: {  	[tilespmem:v2+s0+$0x0] =	vst.idx.msk $0xffff, v1;
	v2 =	vld [tilespmem:$0x1FF50];
	_ =	sdelay $0x3  }
0x408: {  	v0 =	vadd.f32 v20, v7;
	_ =	sdelay $0x1  }
0x409: {  	v0 =	vmul.f32 $9.999999770e-03, v0;
	_ =	sdelay $0x1  }
0x40a: {  	[tilespmem:v2+s0+$0x0] =	vst.idx.msk $0xffff, v0;
	v2 =	vld [tilespmem:$0x1FF60];
	_ =	sdelay $0x5  }
0x40b: {  	v1 =	vmul.f32 $9.999999770e-03, v39;
	_ =	sdelay $0x1  }
0x40c: {  	[tilespmem:v2+s0+$0x0] =	vst.idx.msk $0xffff, v1;
	v2 =	vld [tilespmem:$0x1FF70];
	_ =	sdelay $0x5  }
0x40d: {  	v0 =	vmul.f32 $9.999999770e-03, v30;
	_ =	sdelay $0x1  }
0x40e: {  	[tilespmem:v2+s0+$0x0] =	vst.idx.msk $0xffff, v0;
	v0 =	vld [tilespmem:$0x1FF80];
	_ =	sdelay $0x4  }
0x40f: {  	s11 =	sadd.s32 $0x1, s11  }
0x410: {  	p0 =	sne.s32 s11, $0x10;
	v1 =	vmul.f32 $9.999999770e-03, v29  }
.Ltmp6:
0x411: {  	_ = 	snop;
	(pc) =	sbr.rel @p0 .LBB2_4-.Ltmp6, $3  }
0x412: {  	[tilespmem:v0+s0+$0x0] =	vst.idx.msk $0xffff, v1;
	v1 =	vld [tilespmem:$0x1FFE0];
	_ =	sdelay $0x1  }
0x413: {  	s14 =	sadd.s32 s13, s7  }
0x414: {  	v3 =	vld [tilespmem:$0x1FFF0];
	v2 =	vimm.s32 $0x0;
	[hbm4b:s14+s2] =	stream.linear.scatter [tilespmem:s0], [sflag:$0x6], $0x200, $0x38  }
0x415: {  	s6 =	simm.s32 $0x5  }
0x416: {  	_ =	swait.ge [sflag:s6], $0x200  }
0x417: {  	[sflag:s6] =	ssyncset.done $0x0  }
0x418: {  	s7 =	simm.s32 $0x6;
	[sflag:s6] =	ssyncadd.s32 $0xFFFFFE00  }
0x419: {  	_ =	swait.ge [sflag:s7], $0x200  }
0x41a: {  	s8 =	rddreg [dreg:$0x9]  }
0x41b: {  	s14 =	rddreg [dreg:$0x8];
	s8 =	sadd.s32 $0x1, s8  }
0x41c: {  	p0 =	sne.s32 s8, s14  }
.Ltmp7:
0x41d: {  	_ = 	snop;
	(pc) =	sbr.rel @p0 .LBB2_1-.Ltmp7, $3  }
0x41e: {  	_ =	sdelay $0x1  }
0x41f: {  	[sflag:s7] =	ssyncset.done $0x0  }
0x420: {  	[sflag:s7] =	ssyncadd.s32 $0xFFFFFE00  }
0x421: {  	_ =	sfence.sel $0x180000  }
0x422: {  	[bflag:$0x0] =	sbarrier.arrive $0xFFFF  }
0x423: {  	_ =	strace $0x90000047  }
0x424: {  	s0 =	stileid.u32;
	[bflag:$0x2] =	sbarrier.arrive $0xFFFF  }
0x425: {  	p0 =	sne.s32 s0, $0x0;
	s0 =	rddreg [dreg:$0x2]  }
0x426: {  	s0 =	sadd.s32 @!p0 $0x100000, s0  }
0x427: {  	[sflag:s0] =	ssyncadd.tile.s32 @!p0 $0x1;
	_ =	shalt  }
.Lfunc_end2:
_tile_overlayer_lowered:
.L_overlay_start_2:
0x428: {  	(tag) =	ssettag $0x2  }
0x429: {  	s0 =	rddreg [dreg:$0x0];
	s2 =	stileid.u32  }
0x42a: {  	s1 =	rddreg [dreg:$0x1];
	p0 =	sne.s32 s2, $0x0  }
0x42b: {  	s3 =	rddreg [dreg:$0x2];
	[bflag:$0x3] =	sbarrier.arrive $0xFFFF;
	s2 =	simm.s32 @!p0 $0x1C07  }
0x42c: {  	[timem:s3], [sflag:s2] =	dma.local @!p0 [hbm:s0], s1  }
0x42d: {  	s0 =	simm.s32 @!p0 $0x7  }
0x42e: {  	_ =	swait.ge @!p0 [sflag:s0], s1  }
0x42f: {  	s1 =	ssub.s32 @!p0 $0x0, s1;
	[sflag:s0] =	ssyncset.done @!p0 $0x0  }
0x430: {  	[sflag:s0] =	ssyncadd.s32 @!p0 s1  }
0x431: {  	[bflag:$0x3] =	sbarrier.arrive $0xFFFF  }
0x432: {  	_ =	shalt  }

</sc_bundles>
